<compile_context>
chip_gen: v7x
topology: tpu7x:2x2x1
jax: 0.10.2.dev20260603
libtpu: 0.0.44.dev20260713+nightly
codegen_flags: <defaults>
</compile_context>

<pallas_src>
import functools

import jax
import jax.numpy as jnp
from jax import lax
from jax.experimental import pallas as pl
from jax.experimental.pallas import tpu as pltpu
from jax.experimental.pallas import tpu_sc as plsc

F32 = jnp.float32
I32 = jnp.int32


def _sc_agg_body(chunks, h2_hbm, src2d_hbm, dst2d_hbm, zeros_hbm,
                 z2_hbm, idx_s, idx_d, r0, r1, g0, g1, zsp):
    c = lax.axis_index("c")
    s = lax.axis_index("s")
    wid = s * 2 + c
    rows = (r0, r1)
    semg = (g0, g1)
    half = chunks // 2

    nrows = zsp.shape[0] // 16
    pltpu.sync_copy(zeros_hbm.at[pl.ds(s * nrows, nrows)],
                    zsp.at[pl.ds(s * nrows, nrows)])
    plsc.subcore_barrier()

    for h in range(2):
        pltpu.sync_copy(
            src2d_hbm.at[pl.ds(wid * chunks + h * half, half)], idx_s)
        pltpu.sync_copy(
            dst2d_hbm.at[pl.ds(wid * chunks + h * half, half)], idx_d)
        pltpu.async_copy(h2_hbm.at[idx_s.at[0]], rows[0], semg[0])

        def body(g, carry):
            for b in range(2):
                ch = g * 2 + b
                pltpu.make_async_copy(h2_hbm.at[idx_s.at[ch]], rows[b],
                                      semg[b]).wait()

                @pl.when(ch < half - 1)
                def _():
                    pltpu.async_copy(h2_hbm.at[idx_s.at[ch + 1]],
                                     rows[1 - b], semg[1 - b])

                pltpu.sync_copy(rows[b], zsp.at[idx_d.at[ch]], add=True)
            return carry

        lax.fori_loop(0, half // 2, body, 0)

    plsc.subcore_barrier()
    pltpu.sync_copy(zsp.at[pl.ds(s * nrows, nrows)],
                    z2_hbm.at[c].at[pl.ds(s * nrows, nrows)])


def _sc_aggregate(h2, src2d, dst2d, zeros_z):
    npad, d = h2.shape
    nchunks = src2d.shape[0] // 32
    assert nchunks % 4 == 0
    mesh = plsc.VectorSubcoreMesh(core_axis_name="c", subcore_axis_name="s")
    return pl.kernel(
        functools.partial(_sc_agg_body, nchunks),
        out_type=jax.ShapeDtypeStruct((2, npad, d), F32),
        mesh=mesh,
        scratch_types=[
            pltpu.VMEM((nchunks // 2, 128), I32),
            pltpu.VMEM((nchunks // 2, 128), I32),
        ] + [pltpu.VMEM((128, d), F32)] * 2
          + [pltpu.SemaphoreType.DMA] * 2
          + [pltpu.VMEM_SHARED((npad, d), F32)],
    )(h2, src2d, dst2d, zeros_z)


def _sc_passa_body(et, src_hbm, dst_hbm, w_hbm, f3_hbm, zeros_hbm,
                   out_hbm, src_c, dst_c, w_c,
                   f0_v, f1_v, f2_v, df0, df1, df2, gm0, gm1, gm2):
    c = lax.axis_index("c")
    s = lax.axis_index("s")
    wid = s * 2 + c
    base = wid * et
    f_vs = (f0_v, f1_v, f2_v)
    df_vs = (df0, df1, df2)
    gm_vs = (gm0, gm1, gm2)
    npad = f0_v.shape[0]
    for t in range(3):
        pltpu.sync_copy(f3_hbm.at[pl.ds(t * npad, npad)], f_vs[t])
        pltpu.sync_copy(zeros_hbm, df_vs[t])
        pltpu.sync_copy(zeros_hbm, gm_vs[t])

    def outer(o, carry):
        off = base + o * 1024
        pltpu.sync_copy(src_hbm.at[pl.ds(off, 1024)], src_c)
        pltpu.sync_copy(dst_hbm.at[pl.ds(off, 1024)], dst_c)
        pltpu.sync_copy(w_hbm.at[pl.ds(off, 1024)], w_c)

        def inner(k, carry2):
            s16 = src_c[pl.ds(k * 16, 16)]
            d16 = dst_c[pl.ds(k * 16, 16)]
            w16 = w_c[pl.ds(k * 16, 16)]
            for t in range(3):
                fs = plsc.load_gather(f_vs[t], [s16])
                fd = plsc.load_gather(f_vs[t], [d16]) - fs
                wfd = w16 * fd
                plsc.addupdate_scatter(df_vs[t], [s16], wfd)
                plsc.addupdate_scatter(gm_vs[t], [s16], wfd * fd)
            return carry2

        return lax.fori_loop(0, 64, inner, carry)

    lax.fori_loop(0, et // 1024, outer, 0)
    for t in range(3):
        pltpu.sync_copy(df_vs[t], out_hbm.at[pl.ds((wid * 6 + t) * npad, npad)])
        pltpu.sync_copy(gm_vs[t],
                        out_hbm.at[pl.ds((wid * 6 + 3 + t) * npad, npad)])


def _sc_pass_a(srcp, dstp, wp, f3, zeros_n):
    npad = f3.shape[0] // 3
    et = srcp.shape[0] // 32
    mesh = plsc.VectorSubcoreMesh(core_axis_name="c", subcore_axis_name="s")
    return pl.kernel(
        functools.partial(_sc_passa_body, et),
        out_type=jax.ShapeDtypeStruct((32 * 6 * npad,), F32),
        mesh=mesh,
        compiler_params=pltpu.CompilerParams(needs_layout_passes=False),
        scratch_types=[
            pltpu.VMEM((1024,), I32),
            pltpu.VMEM((1024,), I32),
            pltpu.VMEM((1024,), F32),
        ] + [pltpu.VMEM((npad,), F32)] * 9,
    )(srcp, dstp, wp, f3, zeros_n)


def _sc_passb_body(et, src_hbm, dst_hbm, w_hbm, f_hbm, df_hbm, gm_hbm,
                   zeros_hbm, out_hbm,
                   src_c, dst_c, w_c, f_v, df_v, gm_v, dg_v, gf_v):
    c = lax.axis_index("c")
    s = lax.axis_index("s")
    wid = s * 2 + c
    base = wid * et
    pltpu.sync_copy(f_hbm, f_v)
    pltpu.sync_copy(df_hbm, df_v)
    pltpu.sync_copy(gm_hbm, gm_v)
    pltpu.sync_copy(zeros_hbm, dg_v)
    pltpu.sync_copy(zeros_hbm, gf_v)

    def outer(o, carry):
        off = base + o * 1024
        pltpu.sync_copy(src_hbm.at[pl.ds(off, 1024)], src_c)
        pltpu.sync_copy(dst_hbm.at[pl.ds(off, 1024)], dst_c)
        pltpu.sync_copy(w_hbm.at[pl.ds(off, 1024)], w_c)

        def inner(k, carry2):
            s16 = src_c[pl.ds(k * 16, 16)]
            d16 = dst_c[pl.ds(k * 16, 16)]
            w16 = w_c[pl.ds(k * 16, 16)]
            fd = plsc.load_gather(f_v, [d16]) - plsc.load_gather(f_v, [s16])
            gd = plsc.load_gather(gm_v, [d16]) - plsc.load_gather(gm_v, [s16])
            dfd = plsc.load_gather(df_v, [d16]) - plsc.load_gather(df_v, [s16])
            plsc.addupdate_scatter(dg_v, [s16], w16 * gd)
            plsc.addupdate_scatter(gf_v, [s16], w16 * fd * dfd)
            return carry2

        return lax.fori_loop(0, 64, inner, carry)

    lax.fori_loop(0, et // 1024, outer, 0)
    npad = dg_v.shape[0]
    pltpu.sync_copy(dg_v, out_hbm.at[pl.ds((wid * 2 + 0) * npad, npad)])
    pltpu.sync_copy(gf_v, out_hbm.at[pl.ds((wid * 2 + 1) * npad, npad)])


def _sc_pass_b(srcp, dstp, wp, f, df, gm, zeros_n):
    npad = f.shape[0]
    et = srcp.shape[0] // 32
    mesh = plsc.VectorSubcoreMesh(core_axis_name="c", subcore_axis_name="s")
    return pl.kernel(
        functools.partial(_sc_passb_body, et),
        out_type=jax.ShapeDtypeStruct((32 * 2 * npad,), F32),
        mesh=mesh,
        compiler_params=pltpu.CompilerParams(needs_layout_passes=False),
        scratch_types=[
            pltpu.VMEM((1024,), I32),
            pltpu.VMEM((1024,), I32),
            pltpu.VMEM((1024,), F32),
        ] + [pltpu.VMEM((npad,), F32)] * 5,
    )(srcp, dstp, wp, f, df, gm, zeros_n)


def _sc_deg_body(et, n_real, src_hbm, dst_hbm, r1_hbm, r2_hbm, zeros_hbm,
                 cnt_hbm, dstm1_hbm, dstm2_hbm,
                 src_c, dst_c, m1_c, m2_c, r1_v, r2_v, dg0, dg1, dg2):
    c = lax.axis_index("c")
    s = lax.axis_index("s")
    wid = s * 2 + c
    base = wid * et
    pltpu.sync_copy(r1_hbm, r1_v)
    pltpu.sync_copy(r2_hbm, r2_v)
    pltpu.sync_copy(zeros_hbm, dg0)
    pltpu.sync_copy(zeros_hbm, dg1)
    pltpu.sync_copy(zeros_hbm, dg2)
    ones16 = jnp.ones((16,), F32)
    lane16 = lax.broadcasted_iota(I32, (16,), 0)

    def outer(o, carry):
        off = base + o * 1024
        pltpu.sync_copy(src_hbm.at[pl.ds(off, 1024)], src_c)
        pltpu.sync_copy(dst_hbm.at[pl.ds(off, 1024)], dst_c)

        def inner(k, carry2):
            s16 = src_c[pl.ds(k * 16, 16)]
            d16 = dst_c[pl.ds(k * 16, 16)]
            r1s = plsc.load_gather(r1_v, [s16])
            r1d = plsc.load_gather(r1_v, [d16])
            r2s = plsc.load_gather(r2_v, [s16])
            r2d = plsc.load_gather(r2_v, [d16])
            keep1 = (r1s == 0.0) & (r1d == 0.0)
            keep2 = (r2s == 0.0) & (r2d == 0.0)
            plsc.addupdate_scatter(dg0, [d16], ones16)
            plsc.addupdate_scatter(dg1, [d16], jnp.where(keep1, 1.0, 0.0))
            plsc.addupdate_scatter(dg2, [d16], jnp.where(keep2, 1.0, 0.0))
            trash16 = n_real + ((off + k * 16 + lane16) & 127)
            m1_c[pl.ds(k * 16, 16)] = jnp.where(keep1, d16, trash16)
            m2_c[pl.ds(k * 16, 16)] = jnp.where(keep2, d16, trash16)
            return carry2

        lax.fori_loop(0, 64, inner, carry)
        pltpu.sync_copy(m1_c, dstm1_hbm.at[pl.ds(off, 1024)])
        pltpu.sync_copy(m2_c, dstm2_hbm.at[pl.ds(off, 1024)])
        return carry

    lax.fori_loop(0, et // 1024, outer, 0)
    npad = dg0.shape[0]
    pltpu.sync_copy(dg0, cnt_hbm.at[pl.ds((wid * 3 + 0) * npad, npad)])
    pltpu.sync_copy(dg1, cnt_hbm.at[pl.ds((wid * 3 + 1) * npad, npad)])
    pltpu.sync_copy(dg2, cnt_hbm.at[pl.ds((wid * 3 + 2) * npad, npad)])


def _sc_deg_mask(srcp, dst0, r1, r2, zeros_n, n_real):
    ep = srcp.shape[0]
    et = ep // 32
    npad = r1.shape[0]
    mesh = plsc.VectorSubcoreMesh(core_axis_name="c", subcore_axis_name="s")
    return pl.kernel(
        functools.partial(_sc_deg_body, et, n_real),
        compiler_params=pltpu.CompilerParams(needs_layout_passes=False),
        out_type=[
            jax.ShapeDtypeStruct((32 * 3 * npad,), F32),
            jax.ShapeDtypeStruct((ep,), I32),
            jax.ShapeDtypeStruct((ep,), I32),
        ],
        mesh=mesh,
        scratch_types=[
            pltpu.VMEM((1024,), I32),
            pltpu.VMEM((1024,), I32),
            pltpu.VMEM((1024,), I32),
            pltpu.VMEM((1024,), I32),
            pltpu.VMEM((npad,), F32),
            pltpu.VMEM((npad,), F32),
            pltpu.VMEM((npad,), F32),
            pltpu.VMEM((npad,), F32),
            pltpu.VMEM((npad,), F32),
        ],
    )(srcp, dst0, r1, r2, zeros_n)


def _sumtiles_body(x_ref, o_ref):
    o_ref[...] = jnp.sum(x_ref[...], axis=0, keepdims=True)


def _sum_tiles(x, cb=2048):
    t, m = x.shape
    return pl.pallas_call(
        _sumtiles_body,
        grid=(m // cb,),
        in_specs=[pl.BlockSpec((t, cb), lambda i: (0, i))],
        out_specs=pl.BlockSpec((1, cb), lambda i: (0, i)),
        out_shape=jax.ShapeDtypeStruct((1, m), F32),
    )(x)


def _node_mlp_body(x_ref, w1_ref, b1_ref, w2_ref, b2_ref, o_ref):
    h = jnp.maximum(
        jnp.dot(x_ref[...], w1_ref[...], preferred_element_type=F32) + b1_ref[...],
        0.0)
    o_ref[...] = jax.nn.sigmoid(
        jnp.dot(h, w2_ref[...], preferred_element_type=F32) + b2_ref[...])


def _node_mlps(x_pad, w1cat, b1cat, w2bd, b2cat, nb=1024):
    npad = x_pad.shape[0]
    d = x_pad.shape[1]
    k = w1cat.shape[1]
    grid = (npad // nb,)
    return pl.pallas_call(
        _node_mlp_body,
        grid=grid,
        in_specs=[
            pl.BlockSpec((nb, d), lambda i: (i, 0)),
            pl.BlockSpec((d, k), lambda i: (0, 0)),
            pl.BlockSpec((1, k), lambda i: (0, 0)),
            pl.BlockSpec((k, 4), lambda i: (0, 0)),
            pl.BlockSpec((1, 4), lambda i: (0, 0)),
        ],
        out_specs=pl.BlockSpec((nb, 4), lambda i: (i, 0)),
        out_shape=jax.ShapeDtypeStruct((npad, 4), F32),
    )(x_pad, w1cat, b1cat, w2bd, b2cat)


def _colsum_body(w_ref, o_ref):
    part = jnp.sum(w_ref[...], axis=0, keepdims=True)

    @pl.when(pl.program_id(0) == 0)
    def _():
        o_ref[...] = part

    @pl.when(pl.program_id(0) != 0)
    def _():
        o_ref[...] = o_ref[...] + part


def _colsum(w1, eb=3200):
    e, c = w1.shape
    return pl.pallas_call(
        _colsum_body,
        grid=(e // eb,),
        in_specs=[pl.BlockSpec((eb, c), lambda i: (i, 0))],
        out_specs=pl.BlockSpec((1, c), lambda i: (0, 0)),
        out_shape=jax.ShapeDtypeStruct((1, c), F32),
    )(w1)


def _wmlp_body(cs_ref, b1_ref, w2_ref, b2_ref, w3_ref, b3_ref, o_ref, h2_ref):
    @pl.when(pl.program_id(0) == 0)
    def _():
        h1 = jnp.maximum(cs_ref[...] + b1_ref[...], 0.0)
        h2_ref[...] = jnp.maximum(
            jnp.dot(h1, w2_ref[...], preferred_element_type=F32) + b2_ref[...], 0.0)

    o_ref[...] = jax.nn.sigmoid(
        jnp.dot(h2_ref[...], w3_ref[...], preferred_element_type=F32) + b3_ref[...])


def _edge_weights(cs, wb1, wW2, wb2, wW3, wb3, cb=3200):
    e = wW3.shape[1]
    return pl.pallas_call(
        _wmlp_body,
        grid=(e // cb,),
        in_specs=[
            pl.BlockSpec((1, 64), lambda i: (0, 0)),
            pl.BlockSpec((1, 64), lambda i: (0, 0)),
            pl.BlockSpec((64, 64), lambda i: (0, 0)),
            pl.BlockSpec((1, 64), lambda i: (0, 0)),
            pl.BlockSpec((64, cb), lambda i: (0, i)),
            pl.BlockSpec((1, cb), lambda i: (0, i)),
        ],
        out_specs=pl.BlockSpec((1, cb), lambda i: (0, i)),
        out_shape=jax.ShapeDtypeStruct((1, e), F32),
        scratch_shapes=[pltpu.VMEM((1, 64), F32)],
    )(cs, wb1, wW2, wb2, wW3, wb3)


def _nsq_body(n_real, rb, cb, krow_ref, pack_ref, loss_ref, rank_ref):
    i = pl.program_id(0)
    j = pl.program_id(1)
    krow = krow_ref[...]
    pack = pack_ref[...]
    kcol = pack[0:1, :]
    row_gid = jax.lax.broadcasted_iota(jnp.int32, (rb, 1), 0) + i * rb
    col_gid = jax.lax.broadcasted_iota(jnp.int32, (1, cb), 1) + j * cb
    rowvalid = (row_gid < n_real).astype(F32)

    acc = jnp.maximum(krow * pack[1:2, :] - pack[4:5, :], 0.0)
    acc = acc + jnp.maximum(krow * pack[2:3, :] - pack[5:6, :], 0.0)
    acc = acc + jnp.maximum(krow * pack[3:4, :] - pack[6:7, :], 0.0)
    loss_tile = jnp.sum(jnp.sum(acc, axis=1, keepdims=True) * rowvalid)

    gt = (kcol > krow).astype(F32)
    eqlow = jnp.where((kcol == krow) & (col_gid < row_gid), 1.0, 0.0)
    rblk = jnp.sum(gt + eqlow, axis=1, keepdims=True)

    @pl.when((i == 0) & (j == 0))
    def _():
        loss_ref[...] = jnp.zeros((1, 1), F32)

    @pl.when(j == 0)
    def _():
        loss_ref[...] += jnp.full((1, 1), -3.0) * jnp.sum(krow * rowvalid)
        rank_ref[...] = rblk

    @pl.when(j != 0)
    def _():
        rank_ref[...] = rank_ref[...] + rblk

    loss_ref[...] += loss_tile.reshape(1, 1)


def _nsq_pass(krows, cols_pack, n_real, rb=256, cb=1024):
    npad = krows.shape[0]
    grid = (npad // rb, npad // cb)
    return pl.pallas_call(
        functools.partial(_nsq_body, n_real, rb, cb),
        grid=grid,
        in_specs=[
            pl.BlockSpec((rb, 1), lambda i, j: (i, 0)),
            pl.BlockSpec((8, cb), lambda i, j: (0, j)),
        ],
        out_specs=[
            pl.BlockSpec((1, 1), lambda i, j: (0, 0)),
            pl.BlockSpec((rb, 1), lambda i, j: (i, 0)),
        ],
        out_shape=[
            jax.ShapeDtypeStruct((1, 1), F32),
            jax.ShapeDtypeStruct((npad, 1), F32),
        ],
    )(krows, cols_pack)


def _mm_scale_body(hx_ref, w_ref, cnt_ref, o_ref):
    dis = lax.rsqrt(cnt_ref[...] + 1.0)
    o_ref[...] = dis * jnp.dot(
        hx_ref[...], w_ref[...], preferred_element_type=F32)


def _mm_scale(hx, w, cnt, nb=1024):
    npad, d = hx.shape
    o = w.shape[1]
    return pl.pallas_call(
        _mm_scale_body,
        grid=(npad // nb,),
        in_specs=[
            pl.BlockSpec((nb, d), lambda i: (i, 0)),
            pl.BlockSpec((d, o), lambda i: (0, 0)),
            pl.BlockSpec((nb, 1), lambda i: (i, 0)),
        ],
        out_specs=pl.BlockSpec((nb, o), lambda i: (i, 0)),
        out_shape=jax.ShapeDtypeStruct((npad, o), F32),
    )(hx, w, cnt)


def _epi_body(final, za_ref, zb_ref, h2_ref, cnt_ref, b_ref, o_ref):
    dis = lax.rsqrt(cnt_ref[...] + 1.0)
    t = dis * (za_ref[0] + zb_ref[0] + h2_ref[...]) + b_ref[...]
    if final:
        s = jax.nn.sigmoid(t)
        o_ref[...] = jnp.sum(s, axis=1, keepdims=True) * (1.0 / s.shape[1])
    else:
        o_ref[...] = jnp.maximum(t, 0.0)


def _epilogue(z2, h2, cnt, b, final, nb=1024):
    _, npad, d = z2.shape
    oc = 1 if final else d
    return pl.pallas_call(
        functools.partial(_epi_body, final),
        grid=(npad // nb,),
        in_specs=[
            pl.BlockSpec((1, nb, d), lambda i: (0, i, 0)),
            pl.BlockSpec((1, nb, d), lambda i: (1, i, 0)),
            pl.BlockSpec((nb, d), lambda i: (i, 0)),
            pl.BlockSpec((nb, 1), lambda i: (i, 0)),
            pl.BlockSpec((1, d), lambda i: (0, 0)),
        ],
        out_specs=pl.BlockSpec((nb, oc), lambda i: (i, 0)),
        out_shape=jax.ShapeDtypeStruct((npad, oc), F32),
    )(z2, z2, h2, cnt, b)


def kernel(x, edge_index, p, cW1, cb1, cW2, cb2, fW1, fb1, fW2, fb2,
           wW1, wb1, wW2, wb2, wW3, wb3, gW0, gb0, gW1, gb1, gW2, gb2):
    n, d = x.shape
    e = edge_index.shape[1]
    npad = ((n + 1023) // 1024) * 1024
    src, dst = edge_index[0], edge_index[1]

    x_pad = jnp.pad(x, ((0, npad - n), (0, 0)))
    w1cat = jnp.concatenate([cW1, fW1[0], fW1[1], fW1[2]], axis=1)
    b1cat = jnp.concatenate([cb1, fb1[0], fb1[1], fb1[2]])[None, :]
    w2bd = jnp.zeros((80, 4), F32)
    w2bd = w2bd.at[0:20, 0].set(cW2[:, 0])
    w2bd = w2bd.at[20:40, 1].set(fW2[0][:, 0])
    w2bd = w2bd.at[40:60, 2].set(fW2[1][:, 0])
    w2bd = w2bd.at[60:80, 3].set(fW2[2][:, 0])
    b2cat = jnp.concatenate([cb2, fb2[0], fb2[1], fb2[2]])[None, :]
    nodeo = _node_mlps(x_pad, w1cat, b1cat, w2bd, b2cat)
    kappa = nodeo[:n, 0]
    fs = [nodeo[:n, 1 + t] for t in range(3)]

    cs = _colsum(wW1)
    w = _edge_weights(cs, wb1[None, :], wW2, wb2[None, :], wW3, wb3[None, :])[0]

    ep = 32 * 80 * 128
    epad = ep - e
    eids_pad = jnp.arange(epad, dtype=jnp.int32)
    trash_pad = n + (eids_pad & 127)
    srcp = jnp.concatenate([src, jnp.zeros((epad,), jnp.int32)])
    dst0 = jnp.concatenate([dst, trash_pad])
    wp = jnp.concatenate([w, jnp.zeros((epad,), F32)])
    src2d = srcp.reshape(ep // 128, 128)
    zeros_z = jnp.zeros((npad, d), F32)
    zeros_n = jnp.zeros((npad,), F32)

    f3 = jnp.pad(jnp.stack(fs), ((0, 0), (0, npad - n)))
    outA = _sc_pass_a(srcp, dst0, wp, f3.reshape(3 * npad), zeros_n)
    sumA = _sum_tiles(outA.reshape(32, 6 * npad)).reshape(6, npad)
    df3 = sumA[0:3]
    gm3 = 0.5 * sumA[3:6]
    g2s = []
    for t in range(3):
        outB = _sc_pass_b(srcp, dst0, wp, f3[t], df3[t], gm3[t], zeros_n)
        sumB = _sum_tiles(outB.reshape(32, 2 * npad)).reshape(2, npad)
        g2s.append(0.5 * (sumB[0] - sumB[1]))

    krows = jnp.pad(kappa[:, None], ((0, npad - n), (0, 0)))
    kcols = jnp.pad(kappa[None, :], ((0, 0), (0, npad - n)),
                    constant_values=-1.0)
    rows = [kcols, gm3[0][None, :], gm3[1][None, :], gm3[2][None, :]]
    rows += [g2[None, :] for g2 in g2s]
    rows += [jnp.zeros((1, npad), F32)]
    cols_pack = jnp.concatenate(rows, axis=0)
    loss, rank = _nsq_pass(krows, cols_pack, n)
    curv_loss = loss[0, 0]
    rankf = rank[:, 0]

    pf = jnp.asarray(p, F32)
    num1 = jnp.floor(pf * 1 * n / 100.0)
    num2 = jnp.floor(pf * 2 * n / 100.0)
    r1 = (rankf < num1).astype(F32)
    r2 = (rankf < num2).astype(F32)
    cnt_o, dstm1, dstm2 = _sc_deg_mask(srcp, dst0, r1, r2, zeros_n, n)
    cnt3 = _sum_tiles(cnt_o.reshape(32, 3 * npad)).reshape(3, npad)
    cnts = [cnt3[0][:, None], cnt3[1][:, None], cnt3[2][:, None]]
    dst2ds = [dst0.reshape(ep // 128, 128), dstm1.reshape(ep // 128, 128),
              dstm2.reshape(ep // 128, 128)]

    hx = x_pad
    Ws = [(gW0, gb0), (gW1, gb1), (gW2, gb2)]
    out = None
    for i in range(3):
        h2 = _mm_scale(hx, Ws[i][0], cnts[i])
        z2 = _sc_aggregate(h2, src2d, dst2ds[i], zeros_z)
        res = _epilogue(z2, h2, cnts[i], Ws[i][1][None, :], final=(i == 2))
        if i < 2:
            hx = res
        else:
            out = res[:n]

    return (out, curv_loss)

# --- scband reference (transcript-rebuilt; emitter-appended) ---
"""Pipeline reference for scband-dc-gcn-14637248545197 (READ-ONLY COPY).

The authoritative reference and input builder live on the scoring server;
editing this copy changes nothing except your own understanding.
"""

import jax, jax.numpy as jnp
import numpy as np

N = 10000
E = 320000
D = 128
H = 128
O = 128


def setup_inputs(seed: int = 0) -> dict:
    key = jax.random.key(seed)
    ks = jax.random.split(key, 16)
    inp = {}
    inp["x"] = jax.random.normal(ks[0], (N, D), dtype=jnp.float32)
    inp["edge_index"] = jax.random.randint(ks[1], (2, E), 0, N, dtype=jnp.int32)
    inp["p"] = 10
    sc = 0.05
    inp["cW1"] = jax.random.normal(ks[2], (D, 20), dtype=jnp.float32) * sc
    inp["cb1"] = jnp.zeros((20,), jnp.float32)
    inp["cW2"] = jax.random.normal(ks[3], (20, 1), dtype=jnp.float32) * sc
    inp["cb2"] = jnp.zeros((1,), jnp.float32)
    inp["fW1"] = jax.random.normal(ks[4], (3, D, 20), dtype=jnp.float32) * sc
    inp["fb1"] = jnp.zeros((3, 20), jnp.float32)
    inp["fW2"] = jax.random.normal(ks[5], (3, 20, 1), dtype=jnp.float32) * sc
    inp["fb2"] = jnp.zeros((3, 1), jnp.float32)
    inp["wW1"] = jax.random.normal(ks[6], (E, 64), dtype=jnp.float32) * 0.002
    inp["wb1"] = jnp.zeros((64,), jnp.float32)
    inp["wW2"] = jax.random.normal(ks[7], (64, 64), dtype=jnp.float32) * 0.125
    inp["wb2"] = jnp.zeros((64,), jnp.float32)
    inp["wW3"] = jax.random.normal(ks[8], (64, E), dtype=jnp.float32) * 0.125
    inp["wb3"] = jnp.zeros((E,), jnp.float32)
    inp["gW0"] = jax.random.normal(ks[9], (D, H), dtype=jnp.float32) * 0.08
    inp["gb0"] = jnp.zeros((H,), jnp.float32)
    inp["gW1"] = jax.random.normal(ks[10], (H, H), dtype=jnp.float32) * 0.08
    inp["gb1"] = jnp.zeros((H,), jnp.float32)
    inp["gW2"] = jax.random.normal(ks[11], (H, O), dtype=jnp.float32) * 0.08
    inp["gb2"] = jnp.zeros((O,), jnp.float32)
    return inp


def _curv_mlp(x, W1, b1, W2, b2):
    h = jnp.maximum(x @ W1 + b1, 0.0)
    return jax.nn.sigmoid(h @ W2 + b2)


def _gamma(f, src, dst, w):
    d = f[dst] - f[src]
    return 0.5 * jnp.zeros_like(f).at[src].add(w * d * d)


def _gamma2(f, src, dst, w):
    fd = f[dst] - f[src]
    delta_f = jnp.zeros_like(f).at[src].add(w * fd)
    gamma_f = 0.5 * jnp.zeros_like(f).at[src].add(w * fd * fd)
    gd = gamma_f[dst] - gamma_f[src]
    delta_gamma = jnp.zeros_like(f).at[src].add(w * gd)
    dfd = delta_f[dst] - delta_f[src]
    gfd = 0.5 * jnp.zeros_like(f).at[src].add(w * fd * dfd)
    return 0.5 * delta_gamma - gfd


def _gcn(x, ei, em, W, b):
    n = x.shape[0]
    loop = jnp.arange(n, dtype=ei.dtype)
    src = jnp.concatenate([ei[0], loop])
    dst = jnp.concatenate([ei[1], loop])
    m = jnp.concatenate([em.astype(x.dtype), jnp.ones((n,), x.dtype)])
    deg = jnp.zeros((n,), x.dtype).at[dst].add(m)
    dis = jnp.where(deg > 0, 1.0 / jnp.sqrt(jnp.maximum(deg, 1e-12)), 0.0)
    norm = dis[src] * dis[dst] * m
    h = x @ W
    out = jnp.zeros((n, W.shape[1]), x.dtype).at[dst].add(norm[:, None] * h[src])
    return out + b


def _remove_topk(em, ei, kappa, k):
    n = kappa.shape[0]
    num = jnp.floor(jnp.asarray(k, kappa.dtype) * n / 100.0)
    order = jnp.argsort(-kappa[:, 0], stable=True)
    pos = jnp.zeros((n,), kappa.dtype).at[order].set(jnp.arange(n, dtype=kappa.dtype))
    vm = jnp.where(pos < num, jnp.zeros((), kappa.dtype), jnp.ones((), kappa.dtype))
    rem = (vm[ei[0]] == 0) | (vm[ei[1]] == 0)
    return em & (~rem)


def reference(x, edge_index, p, cW1, cb1, cW2, cb2, fW1, fb1, fW2, fb2, wW1, wb1, wW2, wb2, wW3, wb3, gW0, gb0, gW1, gb1, gW2, gb2):
    src, dst = edge_index[0], edge_index[1]
    kappa = _curv_mlp(x, cW1, cb1, cW2, cb2)
    ones_e = jnp.ones((1, wW1.shape[0]), x.dtype)
    h = jnp.maximum(ones_e @ wW1 + wb1, 0.0)
    h = jnp.maximum(h @ wW2 + wb2, 0.0)
    w = jax.nn.sigmoid(h @ wW3 + wb3)[0]
    curv_loss = jnp.asarray(0.0, jnp.float32)
    for i in range(fW1.shape[0]):
        f = _curv_mlp(x, fW1[i], fb1[i], fW2[i], fb2[i])[:, 0]
        g = _gamma(f, src, dst, w)
        g2 = _gamma2(f, src, dst, w)
        diff = kappa * g - g2
        curv_loss = curv_loss + jnp.maximum(diff, 0.0).sum() - kappa.sum()
    em = jnp.ones((edge_index.shape[1],), jnp.bool_)
    gWs = [(gW0, gb0), (gW1, gb1)]
    hx = x
    for i in range(2):
        em = _remove_topk(em, edge_index, kappa, p * i)
        hx = jnp.maximum(_gcn(hx, edge_index, em, gWs[i][0], gWs[i][1]), 0.0)
    em = _remove_topk(em, edge_index, kappa, p * 2)
    hx = _gcn(hx, edge_index, em, gW2, gb2)
    out = jax.nn.sigmoid(hx).mean(axis=1, keepdims=True)
    return (out, curv_loss)

if __name__ == "__main__":
    import jax
    _d = setup_inputs()
    print(jax.jit(kernel)(*tuple(_d.values())))

</pallas_src>

<mosaic_0001>
#map = affine_map<(d0, d1) -> (0)>
module attributes {stable_mosaic.version = 14 : i64} {
  func.func @_sc_passb_body(%arg0: i32, %arg1: i32, %arg2: memref<327680xi32, #tpu.memory_space<hbm>>, %arg3: memref<327680xi32, #tpu.memory_space<hbm>>, %arg4: memref<327680xf32, #tpu.memory_space<hbm>>, %arg5: memref<10240xf32, #tpu.memory_space<hbm>>, %arg6: memref<10240xf32, #tpu.memory_space<hbm>>, %arg7: memref<10240xf32, #tpu.memory_space<hbm>>, %arg8: memref<10240xf32, #tpu.memory_space<hbm>>, %arg9: memref<655360xf32, #tpu.memory_space<hbm>>, %arg10: memref<1024xi32, #tpu.memory_space<vmem>>, %arg11: memref<1024xi32, #tpu.memory_space<vmem>>, %arg12: memref<1024xf32, #tpu.memory_space<vmem>>, %arg13: memref<10240xf32, #tpu.memory_space<vmem>>, %arg14: memref<10240xf32, #tpu.memory_space<vmem>>, %arg15: memref<10240xf32, #tpu.memory_space<vmem>>, %arg16: memref<10240xf32, #tpu.memory_space<vmem>>, %arg17: memref<10240xf32, #tpu.memory_space<vmem>>) attributes {dimension_semantics = [#tpu.dimension_semantics<core_parallel>, #tpu.dimension_semantics<subcore_parallel>], iteration_bounds = array<i64: 2, 16>, scalar_prefetch = 0 : i64, scratch_operands = 8 : i64, tpu.core_type = #tpu.core_type<sc_vector_subcore>, window_params = [{transform_indices = #map}, {transform_indices = #map}, {transform_indices = #map}, {transform_indices = #map}, {transform_indices = #map}, {transform_indices = #map}, {transform_indices = #map}, {transform_indices = #map}]} {
    %mul3A = arith.constant 2 : i32
    %mul3A_0 = arith.muli %arg1, %mul3A : i32
    %add3A = arith.addi %mul3A_0, %arg0 : i32
    %mul3A_1 = arith.constant 10240 : i32
    %mul3A_2 = arith.muli %add3A, %mul3A_1 : i32
    "tpu.region"() ({
      %run_scoped3A = tpu.sem_alloc : memref<!tpu.dma_semaphore, #tpu.memory_space<semaphore_mem>>
      tpu.enqueue_dma source(%arg5 : memref<10240xf32, #tpu.memory_space<hbm>>) target(%arg13 : memref<10240xf32, #tpu.memory_space<vmem>>) target_semaphore(%run_scoped3A : memref<!tpu.dma_semaphore, #tpu.memory_space<semaphore_mem>>)
      tpu.wait_dma2 semaphore(%run_scoped3A : memref<!tpu.dma_semaphore, #tpu.memory_space<semaphore_mem>>) src(%arg5 : memref<10240xf32, #tpu.memory_space<hbm>>) dst(%arg13 : memref<10240xf32, #tpu.memory_space<vmem>>)
      tpu.yield
    }) : () -> ()
    "tpu.region"() ({
      %run_scoped3A = tpu.sem_alloc : memref<!tpu.dma_semaphore, #tpu.memory_space<semaphore_mem>>
      tpu.enqueue_dma source(%arg6 : memref<10240xf32, #tpu.memory_space<hbm>>) target(%arg14 : memref<10240xf32, #tpu.memory_space<vmem>>) target_semaphore(%run_scoped3A : memref<!tpu.dma_semaphore, #tpu.memory_space<semaphore_mem>>)
      tpu.wait_dma2 semaphore(%run_scoped3A : memref<!tpu.dma_semaphore, #tpu.memory_space<semaphore_mem>>) src(%arg6 : memref<10240xf32, #tpu.memory_space<hbm>>) dst(%arg14 : memref<10240xf32, #tpu.memory_space<vmem>>)
      tpu.yield
    }) : () -> ()
    "tpu.region"() ({
      %run_scoped3A = tpu.sem_alloc : memref<!tpu.dma_semaphore, #tpu.memory_space<semaphore_mem>>
      tpu.enqueue_dma source(%arg7 : memref<10240xf32, #tpu.memory_space<hbm>>) target(%arg15 : memref<10240xf32, #tpu.memory_space<vmem>>) target_semaphore(%run_scoped3A : memref<!tpu.dma_semaphore, #tpu.memory_space<semaphore_mem>>)
      tpu.wait_dma2 semaphore(%run_scoped3A : memref<!tpu.dma_semaphore, #tpu.memory_space<semaphore_mem>>) src(%arg7 : memref<10240xf32, #tpu.memory_space<hbm>>) dst(%arg15 : memref<10240xf32, #tpu.memory_space<vmem>>)
      tpu.yield
    }) : () -> ()
    "tpu.region"() ({
      %run_scoped3A = tpu.sem_alloc : memref<!tpu.dma_semaphore, #tpu.memory_space<semaphore_mem>>
      tpu.enqueue_dma source(%arg8 : memref<10240xf32, #tpu.memory_space<hbm>>) target(%arg16 : memref<10240xf32, #tpu.memory_space<vmem>>) target_semaphore(%run_scoped3A : memref<!tpu.dma_semaphore, #tpu.memory_space<semaphore_mem>>)
      tpu.wait_dma2 semaphore(%run_scoped3A : memref<!tpu.dma_semaphore, #tpu.memory_space<semaphore_mem>>) src(%arg8 : memref<10240xf32, #tpu.memory_space<hbm>>) dst(%arg16 : memref<10240xf32, #tpu.memory_space<vmem>>)
      tpu.yield
    }) : () -> ()
    "tpu.region"() ({
      %run_scoped3A = tpu.sem_alloc : memref<!tpu.dma_semaphore, #tpu.memory_space<semaphore_mem>>
      tpu.enqueue_dma source(%arg8 : memref<10240xf32, #tpu.memory_space<hbm>>) target(%arg17 : memref<10240xf32, #tpu.memory_space<vmem>>) target_semaphore(%run_scoped3A : memref<!tpu.dma_semaphore, #tpu.memory_space<semaphore_mem>>)
      tpu.wait_dma2 semaphore(%run_scoped3A : memref<!tpu.dma_semaphore, #tpu.memory_space<semaphore_mem>>) src(%arg8 : memref<10240xf32, #tpu.memory_space<hbm>>) dst(%arg17 : memref<10240xf32, #tpu.memory_space<vmem>>)
      tpu.yield
    }) : () -> ()
    %scan3A = arith.constant 0 : i32
    %scan3A_3 = arith.constant 0 : i32
    %scan3A_4 = arith.constant 10 : i32
    %scan3A_5 = arith.addi %scan3A_3, %scan3A_4 : i32
    %scan3A_6 = arith.constant 1 : i32
    scf.for %scan3A_20 = %scan3A_3 to %scan3A_5 step %scan3A_6  : i32 {
      %mul3A_21 = arith.constant 1024 : i32
      %mul3A_22 = arith.muli %scan3A_20, %mul3A_21 : i32
      %add3A_23 = arith.addi %mul3A_2, %mul3A_22 : i32
      "tpu.region"() ({
        %run_scoped3A = tpu.sem_alloc : memref<!tpu.dma_semaphore, #tpu.memory_space<semaphore_mem>>
        %dma_start3A = tpu.memref_slice %arg2[%add3A_23] : memref<327680xi32, #tpu.memory_space<hbm>> -> memref<1024xi32, #tpu.memory_space<hbm>>
        %dma_start3A_29 = tpu.memref_slice %arg2[%add3A_23] : memref<327680xi32, #tpu.memory_space<hbm>> -> memref<1024xi32, #tpu.memory_space<hbm>>
        tpu.enqueue_dma source(%dma_start3A_29 : memref<1024xi32, #tpu.memory_space<hbm>>) target(%arg10 : memref<1024xi32, #tpu.memory_space<vmem>>) target_semaphore(%run_scoped3A : memref<!tpu.dma_semaphore, #tpu.memory_space<semaphore_mem>>)
        %dma_wait3A = tpu.memref_slice %arg2[%add3A_23] : memref<327680xi32, #tpu.memory_space<hbm>> -> memref<1024xi32, #tpu.memory_space<hbm>>
        %dma_wait3A_30 = tpu.memref_slice %arg2[%add3A_23] : memref<327680xi32, #tpu.memory_space<hbm>> -> memref<1024xi32, #tpu.memory_space<hbm>>
        tpu.wait_dma2 semaphore(%run_scoped3A : memref<!tpu.dma_semaphore, #tpu.memory_space<semaphore_mem>>) src(%dma_wait3A_30 : memref<1024xi32, #tpu.memory_space<hbm>>) dst(%arg10 : memref<1024xi32, #tpu.memory_space<vmem>>)
        tpu.yield
      }) : () -> ()
      "tpu.region"() ({
        %run_scoped3A = tpu.sem_alloc : memref<!tpu.dma_semaphore, #tpu.memory_space<semaphore_mem>>
        %dma_start3A = tpu.memref_slice %arg3[%add3A_23] : memref<327680xi32, #tpu.memory_space<hbm>> -> memref<1024xi32, #tpu.memory_space<hbm>>
        %dma_start3A_29 = tpu.memref_slice %arg3[%add3A_23] : memref<327680xi32, #tpu.memory_space<hbm>> -> memref<1024xi32, #tpu.memory_space<hbm>>
        tpu.enqueue_dma source(%dma_start3A_29 : memref<1024xi32, #tpu.memory_space<hbm>>) target(%arg11 : memref<1024xi32, #tpu.memory_space<vmem>>) target_semaphore(%run_scoped3A : memref<!tpu.dma_semaphore, #tpu.memory_space<semaphore_mem>>)
        %dma_wait3A = tpu.memref_slice %arg3[%add3A_23] : memref<327680xi32, #tpu.memory_space<hbm>> -> memref<1024xi32, #tpu.memory_space<hbm>>
        %dma_wait3A_30 = tpu.memref_slice %arg3[%add3A_23] : memref<327680xi32, #tpu.memory_space<hbm>> -> memref<1024xi32, #tpu.memory_space<hbm>>
        tpu.wait_dma2 semaphore(%run_scoped3A : memref<!tpu.dma_semaphore, #tpu.memory_space<semaphore_mem>>) src(%dma_wait3A_30 : memref<1024xi32, #tpu.memory_space<hbm>>) dst(%arg11 : memref<1024xi32, #tpu.memory_space<vmem>>)
        tpu.yield
      }) : () -> ()
      "tpu.region"() ({
        %run_scoped3A = tpu.sem_alloc : memref<!tpu.dma_semaphore, #tpu.memory_space<semaphore_mem>>
        %dma_start3A = tpu.memref_slice %arg4[%add3A_23] : memref<327680xf32, #tpu.memory_space<hbm>> -> memref<1024xf32, #tpu.memory_space<hbm>>
        %dma_start3A_29 = tpu.memref_slice %arg4[%add3A_23] : memref<327680xf32, #tpu.memory_space<hbm>> -> memref<1024xf32, #tpu.memory_space<hbm>>
        tpu.enqueue_dma source(%dma_start3A_29 : memref<1024xf32, #tpu.memory_space<hbm>>) target(%arg12 : memref<1024xf32, #tpu.memory_space<vmem>>) target_semaphore(%run_scoped3A : memref<!tpu.dma_semaphore, #tpu.memory_space<semaphore_mem>>)
        %dma_wait3A = tpu.memref_slice %arg4[%add3A_23] : memref<327680xf32, #tpu.memory_space<hbm>> -> memref<1024xf32, #tpu.memory_space<hbm>>
        %dma_wait3A_30 = tpu.memref_slice %arg4[%add3A_23] : memref<327680xf32, #tpu.memory_space<hbm>> -> memref<1024xf32, #tpu.memory_space<hbm>>
        tpu.wait_dma2 semaphore(%run_scoped3A : memref<!tpu.dma_semaphore, #tpu.memory_space<semaphore_mem>>) src(%dma_wait3A_30 : memref<1024xf32, #tpu.memory_space<hbm>>) dst(%arg12 : memref<1024xf32, #tpu.memory_space<vmem>>)
        tpu.yield
      }) : () -> ()
      %scan3A_24 = arith.constant 0 : i32
      %scan3A_25 = arith.constant 64 : i32
      %scan3A_26 = arith.addi %scan3A_24, %scan3A_25 : i32
      %scan3A_27 = arith.constant 1 : i32
      scf.for %scan3A_29 = %scan3A_24 to %scan3A_26 step %scan3A_27  : i32 {
        %mul3A_30 = arith.constant 16 : i32
        %mul3A_31 = arith.muli %scan3A_29, %mul3A_30 : i32
        %get3A = arith.index_cast %mul3A_31 : i32 to index
        %get3A_32 = tpu.vector_load %arg10[%get3A] {strides = array<i32>} : memref<1024xi32, #tpu.memory_space<vmem>>, vector<16xi32>,
        %mul3A_33 = arith.constant 16 : i32
        %mul3A_34 = arith.muli %scan3A_29, %mul3A_33 : i32
        %get3A_35 = arith.index_cast %mul3A_34 : i32 to index
        %get3A_36 = tpu.vector_load %arg11[%get3A_35] {strides = array<i32>} : memref<1024xi32, #tpu.memory_space<vmem>>, vector<16xi32>,
        %mul3A_37 = arith.constant 16 : i32
        %mul3A_38 = arith.muli %scan3A_29, %mul3A_37 : i32
        %get3A_39 = arith.index_cast %mul3A_38 : i32 to index
        %get3A_40 = tpu.vector_load %arg12[%get3A_39] {strides = array<i32>} : memref<1024xf32, #tpu.memory_space<vmem>>, vector<16xf32>,
        %gather3A = tpu.vector_load_idx %arg13[%get3A_36] : memref<10240xf32, #tpu.memory_space<vmem>>[vector<16xi32>], vector<16xf32>,
        %gather3A_41 = tpu.vector_load_idx %arg13[%get3A_32] : memref<10240xf32, #tpu.memory_space<vmem>>[vector<16xi32>], vector<16xf32>,
        %sub3A = arith.subf %gather3A, %gather3A_41 : vector<16xf32>
        %gather3A_42 = tpu.vector_load_idx %arg15[%get3A_36] : memref<10240xf32, #tpu.memory_space<vmem>>[vector<16xi32>], vector<16xf32>,
        %gather3A_43 = tpu.vector_load_idx %arg15[%get3A_32] : memref<10240xf32, #tpu.memory_space<vmem>>[vector<16xi32>], vector<16xf32>,
        %sub3A_44 = arith.subf %gather3A_42, %gather3A_43 : vector<16xf32>
        %gather3A_45 = tpu.vector_load_idx %arg14[%get3A_36] : memref<10240xf32, #tpu.memory_space<vmem>>[vector<16xi32>], vector<16xf32>,
        %gather3A_46 = tpu.vector_load_idx %arg14[%get3A_32] : memref<10240xf32, #tpu.memory_space<vmem>>[vector<16xi32>], vector<16xf32>,
        %sub3A_47 = arith.subf %gather3A_45, %gather3A_46 : vector<16xf32>
        %mul3A_48 = arith.mulf %get3A_40, %sub3A_44 : vector<16xf32>
        tpu.vector_store_idx %arg16[%get3A_32], %mul3A_48 {add = true} : memref<10240xf32, #tpu.memory_space<vmem>>[vector<16xi32>], vector<16xf32>,
        %mul3A_49 = arith.mulf %get3A_40, %sub3A : vector<16xf32>
        %mul3A_50 = arith.mulf %mul3A_49, %sub3A_47 : vector<16xf32>
        tpu.vector_store_idx %arg17[%get3A_32], %mul3A_50 {add = true} : memref<10240xf32, #tpu.memory_space<vmem>>[vector<16xi32>], vector<16xf32>,
      }
      %scan3A_28 = arith.constant 64 : i32
    }
    %scan3A_7 = arith.constant 10 : i32
    %mul3A_8 = arith.constant 2 : i32
    %mul3A_9 = arith.muli %add3A, %mul3A_8 : i32
    %add3A_10 = arith.constant 0 : i32
    %add3A_11 = arith.addi %mul3A_9, %add3A_10 : i32
    %mul3A_12 = arith.constant 10240 : i32
    %mul3A_13 = arith.muli %add3A_11, %mul3A_12 : i32
    "tpu.region"() ({
      %run_scoped3A = tpu.sem_alloc : memref<!tpu.dma_semaphore, #tpu.memory_space<semaphore_mem>>
      %dma_start3A = tpu.memref_slice %arg9[%mul3A_13] : memref<655360xf32, #tpu.memory_space<hbm>> -> memref<10240xf32, #tpu.memory_space<hbm>>
      %dma_start3A_20 = tpu.memref_slice %arg9[%mul3A_13] : memref<655360xf32, #tpu.memory_space<hbm>> -> memref<10240xf32, #tpu.memory_space<hbm>>
      tpu.enqueue_dma source(%arg16 : memref<10240xf32, #tpu.memory_space<vmem>>) target(%dma_start3A_20 : memref<10240xf32, #tpu.memory_space<hbm>>) target_semaphore(%run_scoped3A : memref<!tpu.dma_semaphore, #tpu.memory_space<semaphore_mem>>)
      %dma_wait3A = tpu.memref_slice %arg9[%mul3A_13] : memref<655360xf32, #tpu.memory_space<hbm>> -> memref<10240xf32, #tpu.memory_space<hbm>>
      %dma_wait3A_21 = tpu.memref_slice %arg9[%mul3A_13] : memref<655360xf32, #tpu.memory_space<hbm>> -> memref<10240xf32, #tpu.memory_space<hbm>>
      tpu.wait_dma2 semaphore(%run_scoped3A : memref<!tpu.dma_semaphore, #tpu.memory_space<semaphore_mem>>) src(%arg16 : memref<10240xf32, #tpu.memory_space<vmem>>) dst(%dma_wait3A_21 : memref<10240xf32, #tpu.memory_space<hbm>>)
      tpu.yield
    }) : () -> ()
    %mul3A_14 = arith.constant 2 : i32
    %mul3A_15 = arith.muli %add3A, %mul3A_14 : i32
    %add3A_16 = arith.constant 1 : i32
    %add3A_17 = arith.addi %mul3A_15, %add3A_16 : i32
    %mul3A_18 = arith.constant 10240 : i32
    %mul3A_19 = arith.muli %add3A_17, %mul3A_18 : i32
    "tpu.region"() ({
      %run_scoped3A = tpu.sem_alloc : memref<!tpu.dma_semaphore, #tpu.memory_space<semaphore_mem>>
      %dma_start3A = tpu.memref_slice %arg9[%mul3A_19] : memref<655360xf32, #tpu.memory_space<hbm>> -> memref<10240xf32, #tpu.memory_space<hbm>>
      %dma_start3A_20 = tpu.memref_slice %arg9[%mul3A_19] : memref<655360xf32, #tpu.memory_space<hbm>> -> memref<10240xf32, #tpu.memory_space<hbm>>
      tpu.enqueue_dma source(%arg17 : memref<10240xf32, #tpu.memory_space<vmem>>) target(%dma_start3A_20 : memref<10240xf32, #tpu.memory_space<hbm>>) target_semaphore(%run_scoped3A : memref<!tpu.dma_semaphore, #tpu.memory_space<semaphore_mem>>)
      %dma_wait3A = tpu.memref_slice %arg9[%mul3A_19] : memref<655360xf32, #tpu.memory_space<hbm>> -> memref<10240xf32, #tpu.memory_space<hbm>>
      %dma_wait3A_21 = tpu.memref_slice %arg9[%mul3A_19] : memref<655360xf32, #tpu.memory_space<hbm>> -> memref<10240xf32, #tpu.memory_space<hbm>>
      tpu.wait_dma2 semaphore(%run_scoped3A : memref<!tpu.dma_semaphore, #tpu.memory_space<semaphore_mem>>) src(%arg17 : memref<10240xf32, #tpu.memory_space<vmem>>) dst(%dma_wait3A_21 : memref<10240xf32, #tpu.memory_space<hbm>>)
      tpu.yield
    }) : () -> ()
    return
  }
}

#map = affine_map<(d0, d1) -> (0)>
module attributes {stable_mosaic.version = 14 : i64} {
  func.func @_sc_passb_body(%arg0: i32, %arg1: i32, %arg2: memref<327680xi32, #tpu.memory_space<hbm>>, %arg3: memref<327680xi32, #tpu.memory_space<hbm>>, %arg4: memref<327680xf32, #tpu.memory_space<hbm>>, %arg5: memref<10240xf32, #tpu.memory_space<hbm>>, %arg6: memref<10240xf32, #tpu.memory_space<hbm>>, %arg7: memref<10240xf32, #tpu.memory_space<hbm>>, %arg8: memref<10240xf32, #tpu.memory_space<hbm>>, %arg9: memref<655360xf32, #tpu.memory_space<hbm>>, %arg10: memref<1024xi32, #tpu.memory_space<vmem>>, %arg11: memref<1024xi32, #tpu.memory_space<vmem>>, %arg12: memref<1024xf32, #tpu.memory_space<vmem>>, %arg13: memref<10240xf32, #tpu.memory_space<vmem>>, %arg14: memref<10240xf32, #tpu.memory_space<vmem>>, %arg15: memref<10240xf32, #tpu.memory_space<vmem>>, %arg16: memref<10240xf32, #tpu.memory_space<vmem>>, %arg17: memref<10240xf32, #tpu.memory_space<vmem>>) attributes {dimension_semantics = [#tpu.dimension_semantics<core_parallel>, #tpu.dimension_semantics<subcore_parallel>], iteration_bounds = array<i64: 2, 16>, scalar_prefetch = 0 : i64, scratch_operands = 8 : i64, tpu.core_type = #tpu.core_type<sc_vector_subcore>, window_params = [{transform_indices = #map}, {transform_indices = #map}, {transform_indices = #map}, {transform_indices = #map}, {transform_indices = #map}, {transform_indices = #map}, {transform_indices = #map}, {transform_indices = #map}]} {
    %mul3A = arith.constant 2 : i32
    %mul3A_0 = arith.muli %arg1, %mul3A : i32
    %add3A = arith.addi %mul3A_0, %arg0 : i32
    %mul3A_1 = arith.constant 10240 : i32
    %mul3A_2 = arith.muli %add3A, %mul3A_1 : i32
    "tpu.region"() ({
      %run_scoped3A = tpu.sem_alloc : memref<!tpu.dma_semaphore, #tpu.memory_space<semaphore_mem>>
      tpu.enqueue_dma source(%arg5 : memref<10240xf32, #tpu.memory_space<hbm>>) target(%arg13 : memref<10240xf32, #tpu.memory_space<vmem>>) target_semaphore(%run_scoped3A : memref<!tpu.dma_semaphore, #tpu.memory_space<semaphore_mem>>)
      tpu.wait_dma2 semaphore(%run_scoped3A : memref<!tpu.dma_semaphore, #tpu.memory_space<semaphore_mem>>) src(%arg5 : memref<10240xf32, #tpu.memory_space<hbm>>) dst(%arg13 : memref<10240xf32, #tpu.memory_space<vmem>>)
      tpu.yield
    }) : () -> ()
    "tpu.region"() ({
      %run_scoped3A = tpu.sem_alloc : memref<!tpu.dma_semaphore, #tpu.memory_space<semaphore_mem>>
      tpu.enqueue_dma source(%arg6 : memref<10240xf32, #tpu.memory_space<hbm>>) target(%arg14 : memref<10240xf32, #tpu.memory_space<vmem>>) target_semaphore(%run_scoped3A : memref<!tpu.dma_semaphore, #tpu.memory_space<semaphore_mem>>)
      tpu.wait_dma2 semaphore(%run_scoped3A : memref<!tpu.dma_semaphore, #tpu.memory_space<semaphore_mem>>) src(%arg6 : memref<10240xf32, #tpu.memory_space<hbm>>) dst(%arg14 : memref<10240xf32, #tpu.memory_space<vmem>>)
      tpu.yield
    }) : () -> ()
    "tpu.region"() ({
      %run_scoped3A = tpu.sem_alloc : memref<!tpu.dma_semaphore, #tpu.memory_space<semaphore_mem>>
      tpu.enqueue_dma source(%arg7 : memref<10240xf32, #tpu.memory_space<hbm>>) target(%arg15 : memref<10240xf32, #tpu.memory_space<vmem>>) target_semaphore(%run_scoped3A : memref<!tpu.dma_semaphore, #tpu.memory_space<semaphore_mem>>)
      tpu.wait_dma2 semaphore(%run_scoped3A : memref<!tpu.dma_semaphore, #tpu.memory_space<semaphore_mem>>) src(%arg7 : memref<10240xf32, #tpu.memory_space<hbm>>) dst(%arg15 : memref<10240xf32, #tpu.memory_space<vmem>>)
      tpu.yield
    }) : () -> ()
    "tpu.region"() ({
      %run_scoped3A = tpu.sem_alloc : memref<!tpu.dma_semaphore, #tpu.memory_space<semaphore_mem>>
      tpu.enqueue_dma source(%arg8 : memref<10240xf32, #tpu.memory_space<hbm>>) target(%arg16 : memref<10240xf32, #tpu.memory_space<vmem>>) target_semaphore(%run_scoped3A : memref<!tpu.dma_semaphore, #tpu.memory_space<semaphore_mem>>)
      tpu.wait_dma2 semaphore(%run_scoped3A : memref<!tpu.dma_semaphore, #tpu.memory_space<semaphore_mem>>) src(%arg8 : memref<10240xf32, #tpu.memory_space<hbm>>) dst(%arg16 : memref<10240xf32, #tpu.memory_space<vmem>>)
      tpu.yield
    }) : () -> ()
    "tpu.region"() ({
      %run_scoped3A = tpu.sem_alloc : memref<!tpu.dma_semaphore, #tpu.memory_space<semaphore_mem>>
      tpu.enqueue_dma source(%arg8 : memref<10240xf32, #tpu.memory_space<hbm>>) target(%arg17 : memref<10240xf32, #tpu.memory_space<vmem>>) target_semaphore(%run_scoped3A : memref<!tpu.dma_semaphore, #tpu.memory_space<semaphore_mem>>)
      tpu.wait_dma2 semaphore(%run_scoped3A : memref<!tpu.dma_semaphore, #tpu.memory_space<semaphore_mem>>) src(%arg8 : memref<10240xf32, #tpu.memory_space<hbm>>) dst(%arg17 : memref<10240xf32, #tpu.memory_space<vmem>>)
      tpu.yield
    }) : () -> ()
    %scan3A = arith.constant 0 : i32
    %scan3A_3 = arith.constant 0 : i32
    %scan3A_4 = arith.constant 10 : i32
    %scan3A_5 = arith.addi %scan3A_3, %scan3A_4 : i32
    %scan3A_6 = arith.constant 1 : i32
    scf.for %scan3A_20 = %scan3A_3 to %scan3A_5 step %scan3A_6  : i32 {
      %mul3A_21 = arith.constant 1024 : i32
      %mul3A_22 = arith.muli %scan3A_20, %mul3A_21 : i32
      %add3A_23 = arith.addi %mul3A_2, %mul3A_22 : i32
      "tpu.region"() ({
        %run_scoped3A = tpu.sem_alloc : memref<!tpu.dma_semaphore, #tpu.memory_space<semaphore_mem>>
        %dma_start3A = tpu.memref_slice %arg2[%add3A_23] : memref<327680xi32, #tpu.memory_space<hbm>> -> memref<1024xi32, #tpu.memory_space<hbm>>
        %dma_start3A_29 = tpu.memref_slice %arg2[%add3A_23] : memref<327680xi32, #tpu.memory_space<hbm>> -> memref<1024xi32, #tpu.memory_space<hbm>>
        tpu.enqueue_dma source(%dma_start3A_29 : memref<1024xi32, #tpu.memory_space<hbm>>) target(%arg10 : memref<1024xi32, #tpu.memory_space<vmem>>) target_semaphore(%run_scoped3A : memref<!tpu.dma_semaphore, #tpu.memory_space<semaphore_mem>>)
        %dma_wait3A = tpu.memref_slice %arg2[%add3A_23] : memref<327680xi32, #tpu.memory_space<hbm>> -> memref<1024xi32, #tpu.memory_space<hbm>>
        %dma_wait3A_30 = tpu.memref_slice %arg2[%add3A_23] : memref<327680xi32, #tpu.memory_space<hbm>> -> memref<1024xi32, #tpu.memory_space<hbm>>
        tpu.wait_dma2 semaphore(%run_scoped3A : memref<!tpu.dma_semaphore, #tpu.memory_space<semaphore_mem>>) src(%dma_wait3A_30 : memref<1024xi32, #tpu.memory_space<hbm>>) dst(%arg10 : memref<1024xi32, #tpu.memory_space<vmem>>)
        tpu.yield
      }) : () -> ()
      "tpu.region"() ({
        %run_scoped3A = tpu.sem_alloc : memref<!tpu.dma_semaphore, #tpu.memory_space<semaphore_mem>>
        %dma_start3A = tpu.memref_slice %arg3[%add3A_23] : memref<327680xi32, #tpu.memory_space<hbm>> -> memref<1024xi32, #tpu.memory_space<hbm>>
        %dma_start3A_29 = tpu.memref_slice %arg3[%add3A_23] : memref<327680xi32, #tpu.memory_space<hbm>> -> memref<1024xi32, #tpu.memory_space<hbm>>
        tpu.enqueue_dma source(%dma_start3A_29 : memref<1024xi32, #tpu.memory_space<hbm>>) target(%arg11 : memref<1024xi32, #tpu.memory_space<vmem>>) target_semaphore(%run_scoped3A : memref<!tpu.dma_semaphore, #tpu.memory_space<semaphore_mem>>)
        %dma_wait3A = tpu.memref_slice %arg3[%add3A_23] : memref<327680xi32, #tpu.memory_space<hbm>> -> memref<1024xi32, #tpu.memory_space<hbm>>
        %dma_wait3A_30 = tpu.memref_slice %arg3[%add3A_23] : memref<327680xi32, #tpu.memory_space<hbm>> -> memref<1024xi32, #tpu.memory_space<hbm>>
        tpu.wait_dma2 semaphore(%run_scoped3A : memref<!tpu.dma_semaphore, #tpu.memory_space<semaphore_mem>>) src(%dma_wait3A_30 : memref<1024xi32, #tpu.memory_space<hbm>>) dst(%arg11 : memref<1024xi32, #tpu.memory_space<vmem>>)
        tpu.yield
      }) : () -> ()
      "tpu.region"() ({
        %run_scoped3A = tpu.sem_alloc : memref<!tpu.dma_semaphore, #tpu.memory_space<semaphore_mem>>
        %dma_start3A = tpu.memref_slice %arg4[%add3A_23] : memref<327680xf32, #tpu.memory_space<hbm>> -> memref<1024xf32, #tpu.memory_space<hbm>>
        %dma_start3A_29 = tpu.memref_slice %arg4[%add3A_23] : memref<327680xf32, #tpu.memory_space<hbm>> -> memref<1024xf32, #tpu.memory_space<hbm>>
        tpu.enqueue_dma source(%dma_start3A_29 : memref<1024xf32, #tpu.memory_space<hbm>>) target(%arg12 : memref<1024xf32, #tpu.memory_space<vmem>>) target_semaphore(%run_scoped3A : memref<!tpu.dma_semaphore, #tpu.memory_space<semaphore_mem>>)
        %dma_wait3A = tpu.memref_slice %arg4[%add3A_23] : memref<327680xf32, #tpu.memory_space<hbm>> -> memref<1024xf32, #tpu.memory_space<hbm>>
        %dma_wait3A_30 = tpu.memref_slice %arg4[%add3A_23] : memref<327680xf32, #tpu.memory_space<hbm>> -> memref<1024xf32, #tpu.memory_space<hbm>>
        tpu.wait_dma2 semaphore(%run_scoped3A : memref<!tpu.dma_semaphore, #tpu.memory_space<semaphore_mem>>) src(%dma_wait3A_30 : memref<1024xf32, #tpu.memory_space<hbm>>) dst(%arg12 : memref<1024xf32, #tpu.memory_space<vmem>>)
        tpu.yield
      }) : () -> ()
      %scan3A_24 = arith.constant 0 : i32
      %scan3A_25 = arith.constant 64 : i32
      %scan3A_26 = arith.addi %scan3A_24, %scan3A_25 : i32
      %scan3A_27 = arith.constant 1 : i32
      scf.for %scan3A_29 = %scan3A_24 to %scan3A_26 step %scan3A_27  : i32 {
        %mul3A_30 = arith.constant 16 : i32
        %mul3A_31 = arith.muli %scan3A_29, %mul3A_30 : i32
        %get3A = arith.index_cast %mul3A_31 : i32 to index
        %get3A_32 = tpu.vector_load %arg10[%get3A] {strides = array<i32>} : memref<1024xi32, #tpu.memory_space<vmem>>, vector<16xi32>,
        %mul3A_33 = arith.constant 16 : i32
        %mul3A_34 = arith.muli %scan3A_29, %mul3A_33 : i32
        %get3A_35 = arith.index_cast %mul3A_34 : i32 to index
        %get3A_36 = tpu.vector_load %arg11[%get3A_35] {strides = array<i32>} : memref<1024xi32, #tpu.memory_space<vmem>>, vector<16xi32>,
        %mul3A_37 = arith.constant 16 : i32
        %mul3A_38 = arith.muli %scan3A_29, %mul3A_37 : i32
        %get3A_39 = arith.index_cast %mul3A_38 : i32 to index
        %get3A_40 = tpu.vector_load %arg12[%get3A_39] {strides = array<i32>} : memref<1024xf32, #tpu.memory_space<vmem>>, vector<16xf32>,
        %gather3A = tpu.vector_load_idx %arg13[%get3A_36] : memref<10240xf32, #tpu.memory_space<vmem>>[vector<16xi32>], vector<16xf32>,
        %gather3A_41 = tpu.vector_load_idx %arg13[%get3A_32] : memref<10240xf32, #tpu.memory_space<vmem>>[vector<16xi32>], vector<16xf32>,
        %sub3A = arith.subf %gather3A, %gather3A_41 : vector<16xf32>
        %gather3A_42 = tpu.vector_load_idx %arg15[%get3A_36] : memref<10240xf32, #tpu.memory_space<vmem>>[vector<16xi32>], vector<16xf32>,
        %gather3A_43 = tpu.vector_load_idx %arg15[%get3A_32] : memref<10240xf32, #tpu.memory_space<vmem>>[vector<16xi32>], vector<16xf32>,
        %sub3A_44 = arith.subf %gather3A_42, %gather3A_43 : vector<16xf32>
        %gather3A_45 = tpu.vector_load_idx %arg14[%get3A_36] : memref<10240xf32, #tpu.memory_space<vmem>>[vector<16xi32>], vector<16xf32>,
        %gather3A_46 = tpu.vector_load_idx %arg14[%get3A_32] : memref<10240xf32, #tpu.memory_space<vmem>>[vector<16xi32>], vector<16xf32>,
        %sub3A_47 = arith.subf %gather3A_45, %gather3A_46 : vector<16xf32>
        %mul3A_48 = arith.mulf %get3A_40, %sub3A_44 : vector<16xf32>
        tpu.vector_store_idx %arg16[%get3A_32], %mul3A_48 {add = true} : memref<10240xf32, #tpu.memory_space<vmem>>[vector<16xi32>], vector<16xf32>,
        %mul3A_49 = arith.mulf %get3A_40, %sub3A : vector<16xf32>
        %mul3A_50 = arith.mulf %mul3A_49, %sub3A_47 : vector<16xf32>
        tpu.vector_store_idx %arg17[%get3A_32], %mul3A_50 {add = true} : memref<10240xf32, #tpu.memory_space<vmem>>[vector<16xi32>], vector<16xf32>,
      }
      %scan3A_28 = arith.constant 64 : i32
    }
    %scan3A_7 = arith.constant 10 : i32
    %mul3A_8 = arith.constant 2 : i32
    %mul3A_9 = arith.muli %add3A, %mul3A_8 : i32
    %add3A_10 = arith.constant 0 : i32
    %add3A_11 = arith.addi %mul3A_9, %add3A_10 : i32
    %mul3A_12 = arith.constant 10240 : i32
    %mul3A_13 = arith.muli %add3A_11, %mul3A_12 : i32
    "tpu.region"() ({
      %run_scoped3A = tpu.sem_alloc : memref<!tpu.dma_semaphore, #tpu.memory_space<semaphore_mem>>
      %dma_start3A = tpu.memref_slice %arg9[%mul3A_13] : memref<655360xf32, #tpu.memory_space<hbm>> -> memref<10240xf32, #tpu.memory_space<hbm>>
      %dma_start3A_20 = tpu.memref_slice %arg9[%mul3A_13] : memref<655360xf32, #tpu.memory_space<hbm>> -> memref<10240xf32, #tpu.memory_space<hbm>>
      tpu.enqueue_dma source(%arg16 : memref<10240xf32, #tpu.memory_space<vmem>>) target(%dma_start3A_20 : memref<10240xf32, #tpu.memory_space<hbm>>) target_semaphore(%run_scoped3A : memref<!tpu.dma_semaphore, #tpu.memory_space<semaphore_mem>>)
      %dma_wait3A = tpu.memref_slice %arg9[%mul3A_13] : memref<655360xf32, #tpu.memory_space<hbm>> -> memref<10240xf32, #tpu.memory_space<hbm>>
      %dma_wait3A_21 = tpu.memref_slice %arg9[%mul3A_13] : memref<655360xf32, #tpu.memory_space<hbm>> -> memref<10240xf32, #tpu.memory_space<hbm>>
      tpu.wait_dma2 semaphore(%run_scoped3A : memref<!tpu.dma_semaphore, #tpu.memory_space<semaphore_mem>>) src(%arg16 : memref<10240xf32, #tpu.memory_space<vmem>>) dst(%dma_wait3A_21 : memref<10240xf32, #tpu.memory_space<hbm>>)
      tpu.yield
    }) : () -> ()
    %mul3A_14 = arith.constant 2 : i32
    %mul3A_15 = arith.muli %add3A, %mul3A_14 : i32
    %add3A_16 = arith.constant 1 : i32
    %add3A_17 = arith.addi %mul3A_15, %add3A_16 : i32
    %mul3A_18 = arith.constant 10240 : i32
    %mul3A_19 = arith.muli %add3A_17, %mul3A_18 : i32
    "tpu.region"() ({
      %run_scoped3A = tpu.sem_alloc : memref<!tpu.dma_semaphore, #tpu.memory_space<semaphore_mem>>
      %dma_start3A = tpu.memref_slice %arg9[%mul3A_19] : memref<655360xf32, #tpu.memory_space<hbm>> -> memref<10240xf32, #tpu.memory_space<hbm>>
      %dma_start3A_20 = tpu.memref_slice %arg9[%mul3A_19] : memref<655360xf32, #tpu.memory_space<hbm>> -> memref<10240xf32, #tpu.memory_space<hbm>>
      tpu.enqueue_dma source(%arg17 : memref<10240xf32, #tpu.memory_space<vmem>>) target(%dma_start3A_20 : memref<10240xf32, #tpu.memory_space<hbm>>) target_semaphore(%run_scoped3A : memref<!tpu.dma_semaphore, #tpu.memory_space<semaphore_mem>>)
      %dma_wait3A = tpu.memref_slice %arg9[%mul3A_19] : memref<655360xf32, #tpu.memory_space<hbm>> -> memref<10240xf32, #tpu.memory_space<hbm>>
      %dma_wait3A_21 = tpu.memref_slice %arg9[%mul3A_19] : memref<655360xf32, #tpu.memory_space<hbm>> -> memref<10240xf32, #tpu.memory_space<hbm>>
      tpu.wait_dma2 semaphore(%run_scoped3A : memref<!tpu.dma_semaphore, #tpu.memory_space<semaphore_mem>>) src(%arg17 : memref<10240xf32, #tpu.memory_space<vmem>>) dst(%dma_wait3A_21 : memref<10240xf32, #tpu.memory_space<hbm>>)
      tpu.yield
    }) : () -> ()
    return
  }
}

#map = affine_map<(d0, d1) -> (0)>
module attributes {stable_mosaic.version = 14 : i64} {
  func.func @_sc_passa_body(%arg0: i32, %arg1: i32, %arg2: memref<327680xi32, #tpu.memory_space<hbm>>, %arg3: memref<327680xi32, #tpu.memory_space<hbm>>, %arg4: memref<327680xf32, #tpu.memory_space<hbm>>, %arg5: memref<30720xf32, #tpu.memory_space<hbm>>, %arg6: memref<10240xf32, #tpu.memory_space<hbm>>, %arg7: memref<1966080xf32, #tpu.memory_space<hbm>>, %arg8: memref<1024xi32, #tpu.memory_space<vmem>>, %arg9: memref<1024xi32, #tpu.memory_space<vmem>>, %arg10: memref<1024xf32, #tpu.memory_space<vmem>>, %arg11: memref<10240xf32, #tpu.memory_space<vmem>>, %arg12: memref<10240xf32, #tpu.memory_space<vmem>>, %arg13: memref<10240xf32, #tpu.memory_space<vmem>>, %arg14: memref<10240xf32, #tpu.memory_space<vmem>>, %arg15: memref<10240xf32, #tpu.memory_space<vmem>>, %arg16: memref<10240xf32, #tpu.memory_space<vmem>>, %arg17: memref<10240xf32, #tpu.memory_space<vmem>>, %arg18: memref<10240xf32, #tpu.memory_space<vmem>>, %arg19: memref<10240xf32, #tpu.memory_space<vmem>>) attributes {dimension_semantics = [#tpu.dimension_semantics<core_parallel>, #tpu.dimension_semantics<subcore_parallel>], iteration_bounds = array<i64: 2, 16>, scalar_prefetch = 0 : i64, scratch_operands = 12 : i64, tpu.core_type = #tpu.core_type<sc_vector_subcore>, window_params = [{transform_indices = #map}, {transform_indices = #map}, {transform_indices = #map}, {transform_indices = #map}, {transform_indices = #map}, {transform_indices = #map}]} {
    %mul3A = arith.constant 2 : i32
    %mul3A_0 = arith.muli %arg1, %mul3A : i32
    %add3A = arith.addi %mul3A_0, %arg0 : i32
    %mul3A_1 = arith.constant 10240 : i32
    %mul3A_2 = arith.muli %add3A, %mul3A_1 : i32
    "tpu.region"() ({
      %run_scoped3A = tpu.sem_alloc : memref<!tpu.dma_semaphore, #tpu.memory_space<semaphore_mem>>
      %dma_start3A = arith.constant 0 : i32
      %dma_start3A_50 = tpu.memref_slice %arg5[%dma_start3A] : memref<30720xf32, #tpu.memory_space<hbm>> -> memref<10240xf32, #tpu.memory_space<hbm>>
      %dma_start3A_51 = arith.constant 0 : i32
      %dma_start3A_52 = tpu.memref_slice %arg5[%dma_start3A_51] : memref<30720xf32, #tpu.memory_space<hbm>> -> memref<10240xf32, #tpu.memory_space<hbm>>
      tpu.enqueue_dma source(%dma_start3A_52 : memref<10240xf32, #tpu.memory_space<hbm>>) target(%arg11 : memref<10240xf32, #tpu.memory_space<vmem>>) target_semaphore(%run_scoped3A : memref<!tpu.dma_semaphore, #tpu.memory_space<semaphore_mem>>)
      %dma_wait3A = arith.constant 0 : i32
      %dma_wait3A_53 = tpu.memref_slice %arg5[%dma_wait3A] : memref<30720xf32, #tpu.memory_space<hbm>> -> memref<10240xf32, #tpu.memory_space<hbm>>
      %dma_wait3A_54 = arith.constant 0 : i32
      %dma_wait3A_55 = tpu.memref_slice %arg5[%dma_wait3A_54] : memref<30720xf32, #tpu.memory_space<hbm>> -> memref<10240xf32, #tpu.memory_space<hbm>>
      tpu.wait_dma2 semaphore(%run_scoped3A : memref<!tpu.dma_semaphore, #tpu.memory_space<semaphore_mem>>) src(%dma_wait3A_55 : memref<10240xf32, #tpu.memory_space<hbm>>) dst(%arg11 : memref<10240xf32, #tpu.memory_space<vmem>>)
      tpu.yield
    }) : () -> ()
    "tpu.region"() ({
      %run_scoped3A = tpu.sem_alloc : memref<!tpu.dma_semaphore, #tpu.memory_space<semaphore_mem>>
      tpu.enqueue_dma source(%arg6 : memref<10240xf32, #tpu.memory_space<hbm>>) target(%arg14 : memref<10240xf32, #tpu.memory_space<vmem>>) target_semaphore(%run_scoped3A : memref<!tpu.dma_semaphore, #tpu.memory_space<semaphore_mem>>)
      tpu.wait_dma2 semaphore(%run_scoped3A : memref<!tpu.dma_semaphore, #tpu.memory_space<semaphore_mem>>) src(%arg6 : memref<10240xf32, #tpu.memory_space<hbm>>) dst(%arg14 : memref<10240xf32, #tpu.memory_space<vmem>>)
      tpu.yield
    }) : () -> ()
    "tpu.region"() ({
      %run_scoped3A = tpu.sem_alloc : memref<!tpu.dma_semaphore, #tpu.memory_space<semaphore_mem>>
      tpu.enqueue_dma source(%arg6 : memref<10240xf32, #tpu.memory_space<hbm>>) target(%arg17 : memref<10240xf32, #tpu.memory_space<vmem>>) target_semaphore(%run_scoped3A : memref<!tpu.dma_semaphore, #tpu.memory_space<semaphore_mem>>)
      tpu.wait_dma2 semaphore(%run_scoped3A : memref<!tpu.dma_semaphore, #tpu.memory_space<semaphore_mem>>) src(%arg6 : memref<10240xf32, #tpu.memory_space<hbm>>) dst(%arg17 : memref<10240xf32, #tpu.memory_space<vmem>>)
      tpu.yield
    }) : () -> ()
    "tpu.region"() ({
      %run_scoped3A = tpu.sem_alloc : memref<!tpu.dma_semaphore, #tpu.memory_space<semaphore_mem>>
      %dma_start3A = arith.constant 10240 : i32
      %dma_start3A_50 = tpu.memref_slice %arg5[%dma_start3A] : memref<30720xf32, #tpu.memory_space<hbm>> -> memref<10240xf32, #tpu.memory_space<hbm>>
      %dma_start3A_51 = arith.constant 10240 : i32
      %dma_start3A_52 = tpu.memref_slice %arg5[%dma_start3A_51] : memref<30720xf32, #tpu.memory_space<hbm>> -> memref<10240xf32, #tpu.memory_space<hbm>>
      tpu.enqueue_dma source(%dma_start3A_52 : memref<10240xf32, #tpu.memory_space<hbm>>) target(%arg12 : memref<10240xf32, #tpu.memory_space<vmem>>) target_semaphore(%run_scoped3A : memref<!tpu.dma_semaphore, #tpu.memory_space<semaphore_mem>>)
      %dma_wait3A = arith.constant 10240 : i32
      %dma_wait3A_53 = tpu.memref_slice %arg5[%dma_wait3A] : memref<30720xf32, #tpu.memory_space<hbm>> -> memref<10240xf32, #tpu.memory_space<hbm>>
      %dma_wait3A_54 = arith.constant 10240 : i32
      %dma_wait3A_55 = tpu.memref_slice %arg5[%dma_wait3A_54] : memref<30720xf32, #tpu.memory_space<hbm>> -> memref<10240xf32, #tpu.memory_space<hbm>>
      tpu.wait_dma2 semaphore(%run_scoped3A : memref<!tpu.dma_semaphore, #tpu.memory_space<semaphore_mem>>) src(%dma_wait3A_55 : memref<10240xf32, #tpu.memory_space<hbm>>) dst(%arg12 : memref<10240xf32, #tpu.memory_space<vmem>>)
      tpu.yield
    }) : () -> ()
    "tpu.region"() ({
      %run_scoped3A = tpu.sem_alloc : memref<!tpu.dma_semaphore, #tpu.memory_space<semaphore_mem>>
      tpu.enqueue_dma source(%arg6 : memref<10240xf32, #tpu.memory_space<hbm>>) target(%arg15 : memref<10240xf32, #tpu.memory_space<vmem>>) target_semaphore(%run_scoped3A : memref<!tpu.dma_semaphore, #tpu.memory_space<semaphore_mem>>)
      tpu.wait_dma2 semaphore(%run_scoped3A : memref<!tpu.dma_semaphore, #tpu.memory_space<semaphore_mem>>) src(%arg6 : memref<10240xf32, #tpu.memory_space<hbm>>) dst(%arg15 : memref<10240xf32, #tpu.memory_space<vmem>>)
      tpu.yield
    }) : () -> ()
    "tpu.region"() ({
      %run_scoped3A = tpu.sem_alloc : memref<!tpu.dma_semaphore, #tpu.memory_space<semaphore_mem>>
      tpu.enqueue_dma source(%arg6 : memref<10240xf32, #tpu.memory_space<hbm>>) target(%arg18 : memref<10240xf32, #tpu.memory_space<vmem>>) target_semaphore(%run_scoped3A : memref<!tpu.dma_semaphore, #tpu.memory_space<semaphore_mem>>)
      tpu.wait_dma2 semaphore(%run_scoped3A : memref<!tpu.dma_semaphore, #tpu.memory_space<semaphore_mem>>) src(%arg6 : memref<10240xf32, #tpu.memory_space<hbm>>) dst(%arg18 : memref<10240xf32, #tpu.memory_space<vmem>>)
      tpu.yield
    }) : () -> ()
    "tpu.region"() ({
      %run_scoped3A = tpu.sem_alloc : memref<!tpu.dma_semaphore, #tpu.memory_space<semaphore_mem>>
      %dma_start3A = arith.constant 20480 : i32
      %dma_start3A_50 = tpu.memref_slice %arg5[%dma_start3A] : memref<30720xf32, #tpu.memory_space<hbm>> -> memref<10240xf32, #tpu.memory_space<hbm>>
      %dma_start3A_51 = arith.constant 20480 : i32
      %dma_start3A_52 = tpu.memref_slice %arg5[%dma_start3A_51] : memref<30720xf32, #tpu.memory_space<hbm>> -> memref<10240xf32, #tpu.memory_space<hbm>>
      tpu.enqueue_dma source(%dma_start3A_52 : memref<10240xf32, #tpu.memory_space<hbm>>) target(%arg13 : memref<10240xf32, #tpu.memory_space<vmem>>) target_semaphore(%run_scoped3A : memref<!tpu.dma_semaphore, #tpu.memory_space<semaphore_mem>>)
      %dma_wait3A = arith.constant 20480 : i32
      %dma_wait3A_53 = tpu.memref_slice %arg5[%dma_wait3A] : memref<30720xf32, #tpu.memory_space<hbm>> -> memref<10240xf32, #tpu.memory_space<hbm>>
      %dma_wait3A_54 = arith.constant 20480 : i32
      %dma_wait3A_55 = tpu.memref_slice %arg5[%dma_wait3A_54] : memref<30720xf32, #tpu.memory_space<hbm>> -> memref<10240xf32, #tpu.memory_space<hbm>>
      tpu.wait_dma2 semaphore(%run_scoped3A : memref<!tpu.dma_semaphore, #tpu.memory_space<semaphore_mem>>) src(%dma_wait3A_55 : memref<10240xf32, #tpu.memory_space<hbm>>) dst(%arg13 : memref<10240xf32, #tpu.memory_space<vmem>>)
      tpu.yield
    }) : () -> ()
    "tpu.region"() ({
      %run_scoped3A = tpu.sem_alloc : memref<!tpu.dma_semaphore, #tpu.memory_space<semaphore_mem>>
      tpu.enqueue_dma source(%arg6 : memref<10240xf32, #tpu.memory_space<hbm>>) target(%arg16 : memref<10240xf32, #tpu.memory_space<vmem>>) target_semaphore(%run_scoped3A : memref<!tpu.dma_semaphore, #tpu.memory_space<semaphore_mem>>)
      tpu.wait_dma2 semaphore(%run_scoped3A : memref<!tpu.dma_semaphore, #tpu.memory_space<semaphore_mem>>) src(%arg6 : memref<10240xf32, #tpu.memory_space<hbm>>) dst(%arg16 : memref<10240xf32, #tpu.memory_space<vmem>>)
      tpu.yield
    }) : () -> ()
    "tpu.region"() ({
      %run_scoped3A = tpu.sem_alloc : memref<!tpu.dma_semaphore, #tpu.memory_space<semaphore_mem>>
      tpu.enqueue_dma source(%arg6 : memref<10240xf32, #tpu.memory_space<hbm>>) target(%arg19 : memref<10240xf32, #tpu.memory_space<vmem>>) target_semaphore(%run_scoped3A : memref<!tpu.dma_semaphore, #tpu.memory_space<semaphore_mem>>)
      tpu.wait_dma2 semaphore(%run_scoped3A : memref<!tpu.dma_semaphore, #tpu.memory_space<semaphore_mem>>) src(%arg6 : memref<10240xf32, #tpu.memory_space<hbm>>) dst(%arg19 : memref<10240xf32, #tpu.memory_space<vmem>>)
      tpu.yield
    }) : () -> ()
    %scan3A = arith.constant 0 : i32
    %scan3A_3 = arith.constant 0 : i32
    %scan3A_4 = arith.constant 10 : i32
    %scan3A_5 = arith.addi %scan3A_3, %scan3A_4 : i32
    %scan3A_6 = arith.constant 1 : i32
    scf.for %scan3A_50 = %scan3A_3 to %scan3A_5 step %scan3A_6  : i32 {
      %mul3A_51 = arith.constant 1024 : i32
      %mul3A_52 = arith.muli %scan3A_50, %mul3A_51 : i32
      %add3A_53 = arith.addi %mul3A_2, %mul3A_52 : i32
      "tpu.region"() ({
        %run_scoped3A = tpu.sem_alloc : memref<!tpu.dma_semaphore, #tpu.memory_space<semaphore_mem>>
        %dma_start3A = tpu.memref_slice %arg2[%add3A_53] : memref<327680xi32, #tpu.memory_space<hbm>> -> memref<1024xi32, #tpu.memory_space<hbm>>
        %dma_start3A_59 = tpu.memref_slice %arg2[%add3A_53] : memref<327680xi32, #tpu.memory_space<hbm>> -> memref<1024xi32, #tpu.memory_space<hbm>>
        tpu.enqueue_dma source(%dma_start3A_59 : memref<1024xi32, #tpu.memory_space<hbm>>) target(%arg8 : memref<1024xi32, #tpu.memory_space<vmem>>) target_semaphore(%run_scoped3A : memref<!tpu.dma_semaphore, #tpu.memory_space<semaphore_mem>>)
        %dma_wait3A = tpu.memref_slice %arg2[%add3A_53] : memref<327680xi32, #tpu.memory_space<hbm>> -> memref<1024xi32, #tpu.memory_space<hbm>>
        %dma_wait3A_60 = tpu.memref_slice %arg2[%add3A_53] : memref<327680xi32, #tpu.memory_space<hbm>> -> memref<1024xi32, #tpu.memory_space<hbm>>
        tpu.wait_dma2 semaphore(%run_scoped3A : memref<!tpu.dma_semaphore, #tpu.memory_space<semaphore_mem>>) src(%dma_wait3A_60 : memref<1024xi32, #tpu.memory_space<hbm>>) dst(%arg8 : memref<1024xi32, #tpu.memory_space<vmem>>)
        tpu.yield
      }) : () -> ()
      "tpu.region"() ({
        %run_scoped3A = tpu.sem_alloc : memref<!tpu.dma_semaphore, #tpu.memory_space<semaphore_mem>>
        %dma_start3A = tpu.memref_slice %arg3[%add3A_53] : memref<327680xi32, #tpu.memory_space<hbm>> -> memref<1024xi32, #tpu.memory_space<hbm>>
        %dma_start3A_59 = tpu.memref_slice %arg3[%add3A_53] : memref<327680xi32, #tpu.memory_space<hbm>> -> memref<1024xi32, #tpu.memory_space<hbm>>
        tpu.enqueue_dma source(%dma_start3A_59 : memref<1024xi32, #tpu.memory_space<hbm>>) target(%arg9 : memref<1024xi32, #tpu.memory_space<vmem>>) target_semaphore(%run_scoped3A : memref<!tpu.dma_semaphore, #tpu.memory_space<semaphore_mem>>)
        %dma_wait3A = tpu.memref_slice %arg3[%add3A_53] : memref<327680xi32, #tpu.memory_space<hbm>> -> memref<1024xi32, #tpu.memory_space<hbm>>
        %dma_wait3A_60 = tpu.memref_slice %arg3[%add3A_53] : memref<327680xi32, #tpu.memory_space<hbm>> -> memref<1024xi32, #tpu.memory_space<hbm>>
        tpu.wait_dma2 semaphore(%run_scoped3A : memref<!tpu.dma_semaphore, #tpu.memory_space<semaphore_mem>>) src(%dma_wait3A_60 : memref<1024xi32, #tpu.memory_space<hbm>>) dst(%arg9 : memref<1024xi32, #tpu.memory_space<vmem>>)
        tpu.yield
      }) : () -> ()
      "tpu.region"() ({
        %run_scoped3A = tpu.sem_alloc : memref<!tpu.dma_semaphore, #tpu.memory_space<semaphore_mem>>
        %dma_start3A = tpu.memref_slice %arg4[%add3A_53] : memref<327680xf32, #tpu.memory_space<hbm>> -> memref<1024xf32, #tpu.memory_space<hbm>>
        %dma_start3A_59 = tpu.memref_slice %arg4[%add3A_53] : memref<327680xf32, #tpu.memory_space<hbm>> -> memref<1024xf32, #tpu.memory_space<hbm>>
        tpu.enqueue_dma source(%dma_start3A_59 : memref<1024xf32, #tpu.memory_space<hbm>>) target(%arg10 : memref<1024xf32, #tpu.memory_space<vmem>>) target_semaphore(%run_scoped3A : memref<!tpu.dma_semaphore, #tpu.memory_space<semaphore_mem>>)
        %dma_wait3A = tpu.memref_slice %arg4[%add3A_53] : memref<327680xf32, #tpu.memory_space<hbm>> -> memref<1024xf32, #tpu.memory_space<hbm>>
        %dma_wait3A_60 = tpu.memref_slice %arg4[%add3A_53] : memref<327680xf32, #tpu.memory_space<hbm>> -> memref<1024xf32, #tpu.memory_space<hbm>>
        tpu.wait_dma2 semaphore(%run_scoped3A : memref<!tpu.dma_semaphore, #tpu.memory_space<semaphore_mem>>) src(%dma_wait3A_60 : memref<1024xf32, #tpu.memory_space<hbm>>) dst(%arg10 : memref<1024xf32, #tpu.memory_space<vmem>>)
        tpu.yield
      }) : () -> ()
      %scan3A_54 = arith.constant 0 : i32
      %scan3A_55 = arith.constant 64 : i32
      %scan3A_56 = arith.addi %scan3A_54, %scan3A_55 : i32
      %scan3A_57 = arith.constant 1 : i32
      scf.for %scan3A_59 = %scan3A_54 to %scan3A_56 step %scan3A_57  : i32 {
        %mul3A_60 = arith.constant 16 : i32
        %mul3A_61 = arith.muli %scan3A_59, %mul3A_60 : i32
        %get3A = arith.index_cast %mul3A_61 : i32 to index
        %get3A_62 = tpu.vector_load %arg8[%get3A] {strides = array<i32>} : memref<1024xi32, #tpu.memory_space<vmem>>, vector<16xi32>,
        %mul3A_63 = arith.constant 16 : i32
        %mul3A_64 = arith.muli %scan3A_59, %mul3A_63 : i32
        %get3A_65 = arith.index_cast %mul3A_64 : i32 to index
        %get3A_66 = tpu.vector_load %arg9[%get3A_65] {strides = array<i32>} : memref<1024xi32, #tpu.memory_space<vmem>>, vector<16xi32>,
        %mul3A_67 = arith.constant 16 : i32
        %mul3A_68 = arith.muli %scan3A_59, %mul3A_67 : i32
        %get3A_69 = arith.index_cast %mul3A_68 : i32 to index
        %get3A_70 = tpu.vector_load %arg10[%get3A_69] {strides = array<i32>} : memref<1024xf32, #tpu.memory_space<vmem>>, vector<16xf32>,
        %gather3A = tpu.vector_load_idx %arg11[%get3A_62] : memref<10240xf32, #tpu.memory_space<vmem>>[vector<16xi32>], vector<16xf32>,
        %gather3A_71 = tpu.vector_load_idx %arg11[%get3A_66] : memref<10240xf32, #tpu.memory_space<vmem>>[vector<16xi32>], vector<16xf32>,
        %sub3A = arith.subf %gather3A_71, %gather3A : vector<16xf32>
        %mul3A_72 = arith.mulf %get3A_70, %sub3A : vector<16xf32>
        tpu.vector_store_idx %arg14[%get3A_62], %mul3A_72 {add = true} : memref<10240xf32, #tpu.memory_space<vmem>>[vector<16xi32>], vector<16xf32>,
        %mul3A_73 = arith.mulf %mul3A_72, %sub3A : vector<16xf32>
        tpu.vector_store_idx %arg17[%get3A_62], %mul3A_73 {add = true} : memref<10240xf32, #tpu.memory_space<vmem>>[vector<16xi32>], vector<16xf32>,
        %gather3A_74 = tpu.vector_load_idx %arg12[%get3A_62] : memref<10240xf32, #tpu.memory_space<vmem>>[vector<16xi32>], vector<16xf32>,
        %gather3A_75 = tpu.vector_load_idx %arg12[%get3A_66] : memref<10240xf32, #tpu.memory_space<vmem>>[vector<16xi32>], vector<16xf32>,
        %sub3A_76 = arith.subf %gather3A_75, %gather3A_74 : vector<16xf32>
        %mul3A_77 = arith.mulf %get3A_70, %sub3A_76 : vector<16xf32>
        tpu.vector_store_idx %arg15[%get3A_62], %mul3A_77 {add = true} : memref<10240xf32, #tpu.memory_space<vmem>>[vector<16xi32>], vector<16xf32>,
        %mul3A_78 = arith.mulf %mul3A_77, %sub3A_76 : vector<16xf32>
        tpu.vector_store_idx %arg18[%get3A_62], %mul3A_78 {add = true} : memref<10240xf32, #tpu.memory_space<vmem>>[vector<16xi32>], vector<16xf32>,
        %gather3A_79 = tpu.vector_load_idx %arg13[%get3A_62] : memref<10240xf32, #tpu.memory_space<vmem>>[vector<16xi32>], vector<16xf32>,
        %gather3A_80 = tpu.vector_load_idx %arg13[%get3A_66] : memref<10240xf32, #tpu.memory_space<vmem>>[vector<16xi32>], vector<16xf32>,
        %sub3A_81 = arith.subf %gather3A_80, %gather3A_79 : vector<16xf32>
        %mul3A_82 = arith.mulf %get3A_70, %sub3A_81 : vector<16xf32>
        tpu.vector_store_idx %arg16[%get3A_62], %mul3A_82 {add = true} : memref<10240xf32, #tpu.memory_space<vmem>>[vector<16xi32>], vector<16xf32>,
        %mul3A_83 = arith.mulf %mul3A_82, %sub3A_81 : vector<16xf32>
        tpu.vector_store_idx %arg19[%get3A_62], %mul3A_83 {add = true} : memref<10240xf32, #tpu.memory_space<vmem>>[vector<16xi32>], vector<16xf32>,
      }
      %scan3A_58 = arith.constant 64 : i32
    }
    %scan3A_7 = arith.constant 10 : i32
    %mul3A_8 = arith.constant 6 : i32
    %mul3A_9 = arith.muli %add3A, %mul3A_8 : i32
    %add3A_10 = arith.constant 0 : i32
    %add3A_11 = arith.addi %mul3A_9, %add3A_10 : i32
    %mul3A_12 = arith.constant 10240 : i32
    %mul3A_13 = arith.muli %add3A_11, %mul3A_12 : i32
    "tpu.region"() ({
      %run_scoped3A = tpu.sem_alloc : memref<!tpu.dma_semaphore, #tpu.memory_space<semaphore_mem>>
      %dma_start3A = tpu.memref_slice %arg7[%mul3A_13] : memref<1966080xf32, #tpu.memory_space<hbm>> -> memref<10240xf32, #tpu.memory_space<hbm>>
      %dma_start3A_50 = tpu.memref_slice %arg7[%mul3A_13] : memref<1966080xf32, #tpu.memory_space<hbm>> -> memref<10240xf32, #tpu.memory_space<hbm>>
      tpu.enqueue_dma source(%arg14 : memref<10240xf32, #tpu.memory_space<vmem>>) target(%dma_start3A_50 : memref<10240xf32, #tpu.memory_space<hbm>>) target_semaphore(%run_scoped3A : memref<!tpu.dma_semaphore, #tpu.memory_space<semaphore_mem>>)
      %dma_wait3A = tpu.memref_slice %arg7[%mul3A_13] : memref<1966080xf32, #tpu.memory_space<hbm>> -> memref<10240xf32, #tpu.memory_space<hbm>>
      %dma_wait3A_51 = tpu.memref_slice %arg7[%mul3A_13] : memref<1966080xf32, #tpu.memory_space<hbm>> -> memref<10240xf32, #tpu.memory_space<hbm>>
      tpu.wait_dma2 semaphore(%run_scoped3A : memref<!tpu.dma_semaphore, #tpu.memory_space<semaphore_mem>>) src(%arg14 : memref<10240xf32, #tpu.memory_space<vmem>>) dst(%dma_wait3A_51 : memref<10240xf32, #tpu.memory_space<hbm>>)
      tpu.yield
    }) : () -> ()
    %mul3A_14 = arith.constant 6 : i32
    %mul3A_15 = arith.muli %add3A, %mul3A_14 : i32
    %add3A_16 = arith.constant 3 : i32
    %add3A_17 = arith.addi %mul3A_15, %add3A_16 : i32
    %add3A_18 = arith.constant 0 : i32
    %add3A_19 = arith.addi %add3A_17, %add3A_18 : i32
    %mul3A_20 = arith.constant 10240 : i32
    %mul3A_21 = arith.muli %add3A_19, %mul3A_20 : i32
    "tpu.region"() ({
      %run_scoped3A = tpu.sem_alloc : memref<!tpu.dma_semaphore, #tpu.memory_space<semaphore_mem>>
      %dma_start3A = tpu.memref_slice %arg7[%mul3A_21] : memref<1966080xf32, #tpu.memory_space<hbm>> -> memref<10240xf32, #tpu.memory_space<hbm>>
      %dma_start3A_50 = tpu.memref_slice %arg7[%mul3A_21] : memref<1966080xf32, #tpu.memory_space<hbm>> -> memref<10240xf32, #tpu.memory_space<hbm>>
      tpu.enqueue_dma source(%arg17 : memref<10240xf32, #tpu.memory_space<vmem>>) target(%dma_start3A_50 : memref<10240xf32, #tpu.memory_space<hbm>>) target_semaphore(%run_scoped3A : memref<!tpu.dma_semaphore, #tpu.memory_space<semaphore_mem>>)
      %dma_wait3A = tpu.memref_slice %arg7[%mul3A_21] : memref<1966080xf32, #tpu.memory_space<hbm>> -> memref<10240xf32, #tpu.memory_space<hbm>>
      %dma_wait3A_51 = tpu.memref_slice %arg7[%mul3A_21] : memref<1966080xf32, #tpu.memory_space<hbm>> -> memref<10240xf32, #tpu.memory_space<hbm>>
      tpu.wait_dma2 semaphore(%run_scoped3A : memref<!tpu.dma_semaphore, #tpu.memory_space<semaphore_mem>>) src(%arg17 : memref<10240xf32, #tpu.memory_space<vmem>>) dst(%dma_wait3A_51 : memref<10240xf32, #tpu.memory_space<hbm>>)
      tpu.yield
    }) : () -> ()
    %mul3A_22 = arith.constant 6 : i32
    %mul3A_23 = arith.muli %add3A, %mul3A_22 : i32
    %add3A_24 = arith.constant 1 : i32
    %add3A_25 = arith.addi %mul3A_23, %add3A_24 : i32
    %mul3A_26 = arith.constant 10240 : i32
    %mul3A_27 = arith.muli %add3A_25, %mul3A_26 : i32
    "tpu.region"() ({
      %run_scoped3A = tpu.sem_alloc : memref<!tpu.dma_semaphore, #tpu.memory_space<semaphore_mem>>
      %dma_start3A = tpu.memref_slice %arg7[%mul3A_27] : memref<1966080xf32, #tpu.memory_space<hbm>> -> memref<10240xf32, #tpu.memory_space<hbm>>
      %dma_start3A_50 = tpu.memref_slice %arg7[%mul3A_27] : memref<1966080xf32, #tpu.memory_space<hbm>> -> memref<10240xf32, #tpu.memory_space<hbm>>
      tpu.enqueue_dma source(%arg15 : memref<10240xf32, #tpu.memory_space<vmem>>) target(%dma_start3A_50 : memref<10240xf32, #tpu.memory_space<hbm>>) target_semaphore(%run_scoped3A : memref<!tpu.dma_semaphore, #tpu.memory_space<semaphore_mem>>)
      %dma_wait3A = tpu.memref_slice %arg7[%mul3A_27] : memref<1966080xf32, #tpu.memory_space<hbm>> -> memref<10240xf32, #tpu.memory_space<hbm>>
      %dma_wait3A_51 = tpu.memref_slice %arg7[%mul3A_27] : memref<1966080xf32, #tpu.memory_space<hbm>> -> memref<10240xf32, #tpu.memory_space<hbm>>
      tpu.wait_dma2 semaphore(%run_scoped3A : memref<!tpu.dma_semaphore, #tpu.memory_space<semaphore_mem>>) src(%arg15 : memref<10240xf32, #tpu.memory_space<vmem>>) dst(%dma_wait3A_51 : memref<10240xf32, #tpu.memory_space<hbm>>)
      tpu.yield
    }) : () -> ()
    %mul3A_28 = arith.constant 6 : i32
    %mul3A_29 = arith.muli %add3A, %mul3A_28 : i32
    %add3A_30 = arith.constant 3 : i32
    %add3A_31 = arith.addi %mul3A_29, %add3A_30 : i32
    %add3A_32 = arith.constant 1 : i32
    %add3A_33 = arith.addi %add3A_31, %add3A_32 : i32
    %mul3A_34 = arith.constant 10240 : i32
    %mul3A_35 = arith.muli %add3A_33, %mul3A_34 : i32
    "tpu.region"() ({
      %run_scoped3A = tpu.sem_alloc : memref<!tpu.dma_semaphore, #tpu.memory_space<semaphore_mem>>
      %dma_start3A = tpu.memref_slice %arg7[%mul3A_35] : memref<1966080xf32, #tpu.memory_space<hbm>> -> memref<10240xf32, #tpu.memory_space<hbm>>
      %dma_start3A_50 = tpu.memref_slice %arg7[%mul3A_35] : memref<1966080xf32, #tpu.memory_space<hbm>> -> memref<10240xf32, #tpu.memory_space<hbm>>
      tpu.enqueue_dma source(%arg18 : memref<10240xf32, #tpu.memory_space<vmem>>) target(%dma_start3A_50 : memref<10240xf32, #tpu.memory_space<hbm>>) target_semaphore(%run_scoped3A : memref<!tpu.dma_semaphore, #tpu.memory_space<semaphore_mem>>)
      %dma_wait3A = tpu.memref_slice %arg7[%mul3A_35] : memref<1966080xf32, #tpu.memory_space<hbm>> -> memref<10240xf32, #tpu.memory_space<hbm>>
      %dma_wait3A_51 = tpu.memref_slice %arg7[%mul3A_35] : memref<1966080xf32, #tpu.memory_space<hbm>> -> memref<10240xf32, #tpu.memory_space<hbm>>
      tpu.wait_dma2 semaphore(%run_scoped3A : memref<!tpu.dma_semaphore, #tpu.memory_space<semaphore_mem>>) src(%arg18 : memref<10240xf32, #tpu.memory_space<vmem>>) dst(%dma_wait3A_51 : memref<10240xf32, #tpu.memory_space<hbm>>)
      tpu.yield
    }) : () -> ()
    %mul3A_36 = arith.constant 6 : i32
    %mul3A_37 = arith.muli %add3A, %mul3A_36 : i32
    %add3A_38 = arith.constant 2 : i32
    %add3A_39 = arith.addi %mul3A_37, %add3A_38 : i32
    %mul3A_40 = arith.constant 10240 : i32
    %mul3A_41 = arith.muli %add3A_39, %mul3A_40 : i32
    "tpu.region"() ({
      %run_scoped3A = tpu.sem_alloc : memref<!tpu.dma_semaphore, #tpu.memory_space<semaphore_mem>>
      %dma_start3A = tpu.memref_slice %arg7[%mul3A_41] : memref<1966080xf32, #tpu.memory_space<hbm>> -> memref<10240xf32, #tpu.memory_space<hbm>>
      %dma_start3A_50 = tpu.memref_slice %arg7[%mul3A_41] : memref<1966080xf32, #tpu.memory_space<hbm>> -> memref<10240xf32, #tpu.memory_space<hbm>>
      tpu.enqueue_dma source(%arg16 : memref<10240xf32, #tpu.memory_space<vmem>>) target(%dma_start3A_50 : memref<10240xf32, #tpu.memory_space<hbm>>) target_semaphore(%run_scoped3A : memref<!tpu.dma_semaphore, #tpu.memory_space<semaphore_mem>>)
      %dma_wait3A = tpu.memref_slice %arg7[%mul3A_41] : memref<1966080xf32, #tpu.memory_space<hbm>> -> memref<10240xf32, #tpu.memory_space<hbm>>
      %dma_wait3A_51 = tpu.memref_slice %arg7[%mul3A_41] : memref<1966080xf32, #tpu.memory_space<hbm>> -> memref<10240xf32, #tpu.memory_space<hbm>>
      tpu.wait_dma2 semaphore(%run_scoped3A : memref<!tpu.dma_semaphore, #tpu.memory_space<semaphore_mem>>) src(%arg16 : memref<10240xf32, #tpu.memory_space<vmem>>) dst(%dma_wait3A_51 : memref<10240xf32, #tpu.memory_space<hbm>>)
      tpu.yield
    }) : () -> ()
    %mul3A_42 = arith.constant 6 : i32
    %mul3A_43 = arith.muli %add3A, %mul3A_42 : i32
    %add3A_44 = arith.constant 3 : i32
    %add3A_45 = arith.addi %mul3A_43, %add3A_44 : i32
    %add3A_46 = arith.constant 2 : i32
    %add3A_47 = arith.addi %add3A_45, %add3A_46 : i32
    %mul3A_48 = arith.constant 10240 : i32
    %mul3A_49 = arith.muli %add3A_47, %mul3A_48 : i32
    "tpu.region"() ({
      %run_scoped3A = tpu.sem_alloc : memref<!tpu.dma_semaphore, #tpu.memory_space<semaphore_mem>>
      %dma_start3A = tpu.memref_slice %arg7[%mul3A_49] : memref<1966080xf32, #tpu.memory_space<hbm>> -> memref<10240xf32, #tpu.memory_space<hbm>>
      %dma_start3A_50 = tpu.memref_slice %arg7[%mul3A_49] : memref<1966080xf32, #tpu.memory_space<hbm>> -> memref<10240xf32, #tpu.memory_space<hbm>>
      tpu.enqueue_dma source(%arg19 : memref<10240xf32, #tpu.memory_space<vmem>>) target(%dma_start3A_50 : memref<10240xf32, #tpu.memory_space<hbm>>) target_semaphore(%run_scoped3A : memref<!tpu.dma_semaphore, #tpu.memory_space<semaphore_mem>>)
      %dma_wait3A = tpu.memref_slice %arg7[%mul3A_49] : memref<1966080xf32, #tpu.memory_space<hbm>> -> memref<10240xf32, #tpu.memory_space<hbm>>
      %dma_wait3A_51 = tpu.memref_slice %arg7[%mul3A_49] : memref<1966080xf32, #tpu.memory_space<hbm>> -> memref<10240xf32, #tpu.memory_space<hbm>>
      tpu.wait_dma2 semaphore(%run_scoped3A : memref<!tpu.dma_semaphore, #tpu.memory_space<semaphore_mem>>) src(%arg19 : memref<10240xf32, #tpu.memory_space<vmem>>) dst(%dma_wait3A_51 : memref<10240xf32, #tpu.memory_space<hbm>>)
      tpu.yield
    }) : () -> ()
    return
  }
}

#map = affine_map<(d0, d1) -> (0)>
module attributes {stable_mosaic.version = 14 : i64} {
  func.func @_sc_passb_body(%arg0: i32, %arg1: i32, %arg2: memref<327680xi32, #tpu.memory_space<hbm>>, %arg3: memref<327680xi32, #tpu.memory_space<hbm>>, %arg4: memref<327680xf32, #tpu.memory_space<hbm>>, %arg5: memref<10240xf32, #tpu.memory_space<hbm>>, %arg6: memref<10240xf32, #tpu.memory_space<hbm>>, %arg7: memref<10240xf32, #tpu.memory_space<hbm>>, %arg8: memref<10240xf32, #tpu.memory_space<hbm>>, %arg9: memref<655360xf32, #tpu.memory_space<hbm>>, %arg10: memref<1024xi32, #tpu.memory_space<vmem>>, %arg11: memref<1024xi32, #tpu.memory_space<vmem>>, %arg12: memref<1024xf32, #tpu.memory_space<vmem>>, %arg13: memref<10240xf32, #tpu.memory_space<vmem>>, %arg14: memref<10240xf32, #tpu.memory_space<vmem>>, %arg15: memref<10240xf32, #tpu.memory_space<vmem>>, %arg16: memref<10240xf32, #tpu.memory_space<vmem>>, %arg17: memref<10240xf32, #tpu.memory_space<vmem>>) attributes {dimension_semantics = [#tpu.dimension_semantics<core_parallel>, #tpu.dimension_semantics<subcore_parallel>], iteration_bounds = array<i64: 2, 16>, scalar_prefetch = 0 : i64, scratch_operands = 8 : i64, tpu.core_type = #tpu.core_type<sc_vector_subcore>, window_params = [{transform_indices = #map}, {transform_indices = #map}, {transform_indices = #map}, {transform_indices = #map}, {transform_indices = #map}, {transform_indices = #map}, {transform_indices = #map}, {transform_indices = #map}]} {
    %mul3A = arith.constant 2 : i32
    %mul3A_0 = arith.muli %arg1, %mul3A : i32
    %add3A = arith.addi %mul3A_0, %arg0 : i32
    %mul3A_1 = arith.constant 10240 : i32
    %mul3A_2 = arith.muli %add3A, %mul3A_1 : i32
    "tpu.region"() ({
      %run_scoped3A = tpu.sem_alloc : memref<!tpu.dma_semaphore, #tpu.memory_space<semaphore_mem>>
      tpu.enqueue_dma source(%arg5 : memref<10240xf32, #tpu.memory_space<hbm>>) target(%arg13 : memref<10240xf32, #tpu.memory_space<vmem>>) target_semaphore(%run_scoped3A : memref<!tpu.dma_semaphore, #tpu.memory_space<semaphore_mem>>)
      tpu.wait_dma2 semaphore(%run_scoped3A : memref<!tpu.dma_semaphore, #tpu.memory_space<semaphore_mem>>) src(%arg5 : memref<10240xf32, #tpu.memory_space<hbm>>) dst(%arg13 : memref<10240xf32, #tpu.memory_space<vmem>>)
      tpu.yield
    }) : () -> ()
    "tpu.region"() ({
      %run_scoped3A = tpu.sem_alloc : memref<!tpu.dma_semaphore, #tpu.memory_space<semaphore_mem>>
      tpu.enqueue_dma source(%arg6 : memref<10240xf32, #tpu.memory_space<hbm>>) target(%arg14 : memref<10240xf32, #tpu.memory_space<vmem>>) target_semaphore(%run_scoped3A : memref<!tpu.dma_semaphore, #tpu.memory_space<semaphore_mem>>)
      tpu.wait_dma2 semaphore(%run_scoped3A : memref<!tpu.dma_semaphore, #tpu.memory_space<semaphore_mem>>) src(%arg6 : memref<10240xf32, #tpu.memory_space<hbm>>) dst(%arg14 : memref<10240xf32, #tpu.memory_space<vmem>>)
      tpu.yield
    }) : () -> ()
    "tpu.region"() ({
      %run_scoped3A = tpu.sem_alloc : memref<!tpu.dma_semaphore, #tpu.memory_space<semaphore_mem>>
      tpu.enqueue_dma source(%arg7 : memref<10240xf32, #tpu.memory_space<hbm>>) target(%arg15 : memref<10240xf32, #tpu.memory_space<vmem>>) target_semaphore(%run_scoped3A : memref<!tpu.dma_semaphore, #tpu.memory_space<semaphore_mem>>)
      tpu.wait_dma2 semaphore(%run_scoped3A : memref<!tpu.dma_semaphore, #tpu.memory_space<semaphore_mem>>) src(%arg7 : memref<10240xf32, #tpu.memory_space<hbm>>) dst(%arg15 : memref<10240xf32, #tpu.memory_space<vmem>>)
      tpu.yield
    }) : () -> ()
    "tpu.region"() ({
      %run_scoped3A = tpu.sem_alloc : memref<!tpu.dma_semaphore, #tpu.memory_space<semaphore_mem>>
      tpu.enqueue_dma source(%arg8 : memref<10240xf32, #tpu.memory_space<hbm>>) target(%arg16 : memref<10240xf32, #tpu.memory_space<vmem>>) target_semaphore(%run_scoped3A : memref<!tpu.dma_semaphore, #tpu.memory_space<semaphore_mem>>)
      tpu.wait_dma2 semaphore(%run_scoped3A : memref<!tpu.dma_semaphore, #tpu.memory_space<semaphore_mem>>) src(%arg8 : memref<10240xf32, #tpu.memory_space<hbm>>) dst(%arg16 : memref<10240xf32, #tpu.memory_space<vmem>>)
      tpu.yield
    }) : () -> ()
    "tpu.region"() ({
      %run_scoped3A = tpu.sem_alloc : memref<!tpu.dma_semaphore, #tpu.memory_space<semaphore_mem>>
      tpu.enqueue_dma source(%arg8 : memref<10240xf32, #tpu.memory_space<hbm>>) target(%arg17 : memref<10240xf32, #tpu.memory_space<vmem>>) target_semaphore(%run_scoped3A : memref<!tpu.dma_semaphore, #tpu.memory_space<semaphore_mem>>)
      tpu.wait_dma2 semaphore(%run_scoped3A : memref<!tpu.dma_semaphore, #tpu.memory_space<semaphore_mem>>) src(%arg8 : memref<10240xf32, #tpu.memory_space<hbm>>) dst(%arg17 : memref<10240xf32, #tpu.memory_space<vmem>>)
      tpu.yield
    }) : () -> ()
    %scan3A = arith.constant 0 : i32
    %scan3A_3 = arith.constant 0 : i32
    %scan3A_4 = arith.constant 10 : i32
    %scan3A_5 = arith.addi %scan3A_3, %scan3A_4 : i32
    %scan3A_6 = arith.constant 1 : i32
    scf.for %scan3A_20 = %scan3A_3 to %scan3A_5 step %scan3A_6  : i32 {
      %mul3A_21 = arith.constant 1024 : i32
      %mul3A_22 = arith.muli %scan3A_20, %mul3A_21 : i32
      %add3A_23 = arith.addi %mul3A_2, %mul3A_22 : i32
      "tpu.region"() ({
        %run_scoped3A = tpu.sem_alloc : memref<!tpu.dma_semaphore, #tpu.memory_space<semaphore_mem>>
        %dma_start3A = tpu.memref_slice %arg2[%add3A_23] : memref<327680xi32, #tpu.memory_space<hbm>> -> memref<1024xi32, #tpu.memory_space<hbm>>
        %dma_start3A_29 = tpu.memref_slice %arg2[%add3A_23] : memref<327680xi32, #tpu.memory_space<hbm>> -> memref<1024xi32, #tpu.memory_space<hbm>>
        tpu.enqueue_dma source(%dma_start3A_29 : memref<1024xi32, #tpu.memory_space<hbm>>) target(%arg10 : memref<1024xi32, #tpu.memory_space<vmem>>) target_semaphore(%run_scoped3A : memref<!tpu.dma_semaphore, #tpu.memory_space<semaphore_mem>>)
        %dma_wait3A = tpu.memref_slice %arg2[%add3A_23] : memref<327680xi32, #tpu.memory_space<hbm>> -> memref<1024xi32, #tpu.memory_space<hbm>>
        %dma_wait3A_30 = tpu.memref_slice %arg2[%add3A_23] : memref<327680xi32, #tpu.memory_space<hbm>> -> memref<1024xi32, #tpu.memory_space<hbm>>
        tpu.wait_dma2 semaphore(%run_scoped3A : memref<!tpu.dma_semaphore, #tpu.memory_space<semaphore_mem>>) src(%dma_wait3A_30 : memref<1024xi32, #tpu.memory_space<hbm>>) dst(%arg10 : memref<1024xi32, #tpu.memory_space<vmem>>)
        tpu.yield
      }) : () -> ()
      "tpu.region"() ({
        %run_scoped3A = tpu.sem_alloc : memref<!tpu.dma_semaphore, #tpu.memory_space<semaphore_mem>>
        %dma_start3A = tpu.memref_slice %arg3[%add3A_23] : memref<327680xi32, #tpu.memory_space<hbm>> -> memref<1024xi32, #tpu.memory_space<hbm>>
        %dma_start3A_29 = tpu.memref_slice %arg3[%add3A_23] : memref<327680xi32, #tpu.memory_space<hbm>> -> memref<1024xi32, #tpu.memory_space<hbm>>
        tpu.enqueue_dma source(%dma_start3A_29 : memref<1024xi32, #tpu.memory_space<hbm>>) target(%arg11 : memref<1024xi32, #tpu.memory_space<vmem>>) target_semaphore(%run_scoped3A : memref<!tpu.dma_semaphore, #tpu.memory_space<semaphore_mem>>)
        %dma_wait3A = tpu.memref_slice %arg3[%add3A_23] : memref<327680xi32, #tpu.memory_space<hbm>> -> memref<1024xi32, #tpu.memory_space<hbm>>
        %dma_wait3A_30 = tpu.memref_slice %arg3[%add3A_23] : memref<327680xi32, #tpu.memory_space<hbm>> -> memref<1024xi32, #tpu.memory_space<hbm>>
        tpu.wait_dma2 semaphore(%run_scoped3A : memref<!tpu.dma_semaphore, #tpu.memory_space<semaphore_mem>>) src(%dma_wait3A_30 : memref<1024xi32, #tpu.memory_space<hbm>>) dst(%arg11 : memref<1024xi32, #tpu.memory_space<vmem>>)
        tpu.yield
      }) : () -> ()
      "tpu.region"() ({
        %run_scoped3A = tpu.sem_alloc : memref<!tpu.dma_semaphore, #tpu.memory_space<semaphore_mem>>
        %dma_start3A = tpu.memref_slice %arg4[%add3A_23] : memref<327680xf32, #tpu.memory_space<hbm>> -> memref<1024xf32, #tpu.memory_space<hbm>>
        %dma_start3A_29 = tpu.memref_slice %arg4[%add3A_23] : memref<327680xf32, #tpu.memory_space<hbm>> -> memref<1024xf32, #tpu.memory_space<hbm>>
        tpu.enqueue_dma source(%dma_start3A_29 : memref<1024xf32, #tpu.memory_space<hbm>>) target(%arg12 : memref<1024xf32, #tpu.memory_space<vmem>>) target_semaphore(%run_scoped3A : memref<!tpu.dma_semaphore, #tpu.memory_space<semaphore_mem>>)
        %dma_wait3A = tpu.memref_slice %arg4[%add3A_23] : memref<327680xf32, #tpu.memory_space<hbm>> -> memref<1024xf32, #tpu.memory_space<hbm>>
        %dma_wait3A_30 = tpu.memref_slice %arg4[%add3A_23] : memref<327680xf32, #tpu.memory_space<hbm>> -> memref<1024xf32, #tpu.memory_space<hbm>>
        tpu.wait_dma2 semaphore(%run_scoped3A : memref<!tpu.dma_semaphore, #tpu.memory_space<semaphore_mem>>) src(%dma_wait3A_30 : memref<1024xf32, #tpu.memory_space<hbm>>) dst(%arg12 : memref<1024xf32, #tpu.memory_space<vmem>>)
        tpu.yield
      }) : () -> ()
      %scan3A_24 = arith.constant 0 : i32
      %scan3A_25 = arith.constant 64 : i32
      %scan3A_26 = arith.addi %scan3A_24, %scan3A_25 : i32
      %scan3A_27 = arith.constant 1 : i32
      scf.for %scan3A_29 = %scan3A_24 to %scan3A_26 step %scan3A_27  : i32 {
        %mul3A_30 = arith.constant 16 : i32
        %mul3A_31 = arith.muli %scan3A_29, %mul3A_30 : i32
        %get3A = arith.index_cast %mul3A_31 : i32 to index
        %get3A_32 = tpu.vector_load %arg10[%get3A] {strides = array<i32>} : memref<1024xi32, #tpu.memory_space<vmem>>, vector<16xi32>,
        %mul3A_33 = arith.constant 16 : i32
        %mul3A_34 = arith.muli %scan3A_29, %mul3A_33 : i32
        %get3A_35 = arith.index_cast %mul3A_34 : i32 to index
        %get3A_36 = tpu.vector_load %arg11[%get3A_35] {strides = array<i32>} : memref<1024xi32, #tpu.memory_space<vmem>>, vector<16xi32>,
        %mul3A_37 = arith.constant 16 : i32
        %mul3A_38 = arith.muli %scan3A_29, %mul3A_37 : i32
        %get3A_39 = arith.index_cast %mul3A_38 : i32 to index
        %get3A_40 = tpu.vector_load %arg12[%get3A_39] {strides = array<i32>} : memref<1024xf32, #tpu.memory_space<vmem>>, vector<16xf32>,
        %gather3A = tpu.vector_load_idx %arg13[%get3A_36] : memref<10240xf32, #tpu.memory_space<vmem>>[vector<16xi32>], vector<16xf32>,
        %gather3A_41 = tpu.vector_load_idx %arg13[%get3A_32] : memref<10240xf32, #tpu.memory_space<vmem>>[vector<16xi32>], vector<16xf32>,
        %sub3A = arith.subf %gather3A, %gather3A_41 : vector<16xf32>
        %gather3A_42 = tpu.vector_load_idx %arg15[%get3A_36] : memref<10240xf32, #tpu.memory_space<vmem>>[vector<16xi32>], vector<16xf32>,
        %gather3A_43 = tpu.vector_load_idx %arg15[%get3A_32] : memref<10240xf32, #tpu.memory_space<vmem>>[vector<16xi32>], vector<16xf32>,
        %sub3A_44 = arith.subf %gather3A_42, %gather3A_43 : vector<16xf32>
        %gather3A_45 = tpu.vector_load_idx %arg14[%get3A_36] : memref<10240xf32, #tpu.memory_space<vmem>>[vector<16xi32>], vector<16xf32>,
        %gather3A_46 = tpu.vector_load_idx %arg14[%get3A_32] : memref<10240xf32, #tpu.memory_space<vmem>>[vector<16xi32>], vector<16xf32>,
        %sub3A_47 = arith.subf %gather3A_45, %gather3A_46 : vector<16xf32>
        %mul3A_48 = arith.mulf %get3A_40, %sub3A_44 : vector<16xf32>
        tpu.vector_store_idx %arg16[%get3A_32], %mul3A_48 {add = true} : memref<10240xf32, #tpu.memory_space<vmem>>[vector<16xi32>], vector<16xf32>,
        %mul3A_49 = arith.mulf %get3A_40, %sub3A : vector<16xf32>
        %mul3A_50 = arith.mulf %mul3A_49, %sub3A_47 : vector<16xf32>
        tpu.vector_store_idx %arg17[%get3A_32], %mul3A_50 {add = true} : memref<10240xf32, #tpu.memory_space<vmem>>[vector<16xi32>], vector<16xf32>,
      }
      %scan3A_28 = arith.constant 64 : i32
    }
    %scan3A_7 = arith.constant 10 : i32
    %mul3A_8 = arith.constant 2 : i32
    %mul3A_9 = arith.muli %add3A, %mul3A_8 : i32
    %add3A_10 = arith.constant 0 : i32
    %add3A_11 = arith.addi %mul3A_9, %add3A_10 : i32
    %mul3A_12 = arith.constant 10240 : i32
    %mul3A_13 = arith.muli %add3A_11, %mul3A_12 : i32
    "tpu.region"() ({
      %run_scoped3A = tpu.sem_alloc : memref<!tpu.dma_semaphore, #tpu.memory_space<semaphore_mem>>
      %dma_start3A = tpu.memref_slice %arg9[%mul3A_13] : memref<655360xf32, #tpu.memory_space<hbm>> -> memref<10240xf32, #tpu.memory_space<hbm>>
      %dma_start3A_20 = tpu.memref_slice %arg9[%mul3A_13] : memref<655360xf32, #tpu.memory_space<hbm>> -> memref<10240xf32, #tpu.memory_space<hbm>>
      tpu.enqueue_dma source(%arg16 : memref<10240xf32, #tpu.memory_space<vmem>>) target(%dma_start3A_20 : memref<10240xf32, #tpu.memory_space<hbm>>) target_semaphore(%run_scoped3A : memref<!tpu.dma_semaphore, #tpu.memory_space<semaphore_mem>>)
      %dma_wait3A = tpu.memref_slice %arg9[%mul3A_13] : memref<655360xf32, #tpu.memory_space<hbm>> -> memref<10240xf32, #tpu.memory_space<hbm>>
      %dma_wait3A_21 = tpu.memref_slice %arg9[%mul3A_13] : memref<655360xf32, #tpu.memory_space<hbm>> -> memref<10240xf32, #tpu.memory_space<hbm>>
      tpu.wait_dma2 semaphore(%run_scoped3A : memref<!tpu.dma_semaphore, #tpu.memory_space<semaphore_mem>>) src(%arg16 : memref<10240xf32, #tpu.memory_space<vmem>>) dst(%dma_wait3A_21 : memref<10240xf32, #tpu.memory_space<hbm>>)
      tpu.yield
    }) : () -> ()
    %mul3A_14 = arith.constant 2 : i32
    %mul3A_15 = arith.muli %add3A, %mul3A_14 : i32
    %add3A_16 = arith.constant 1 : i32
    %add3A_17 = arith.addi %mul3A_15, %add3A_16 : i32
    %mul3A_18 = arith.constant 10240 : i32
    %mul3A_19 = arith.muli %add3A_17, %mul3A_18 : i32
    "tpu.region"() ({
      %run_scoped3A = tpu.sem_alloc : memref<!tpu.dma_semaphore, #tpu.memory_space<semaphore_mem>>
      %dma_start3A = tpu.memref_slice %arg9[%mul3A_19] : memref<655360xf32, #tpu.memory_space<hbm>> -> memref<10240xf32, #tpu.memory_space<hbm>>
      %dma_start3A_20 = tpu.memref_slice %arg9[%mul3A_19] : memref<655360xf32, #tpu.memory_space<hbm>> -> memref<10240xf32, #tpu.memory_space<hbm>>
      tpu.enqueue_dma source(%arg17 : memref<10240xf32, #tpu.memory_space<vmem>>) target(%dma_start3A_20 : memref<10240xf32, #tpu.memory_space<hbm>>) target_semaphore(%run_scoped3A : memref<!tpu.dma_semaphore, #tpu.memory_space<semaphore_mem>>)
      %dma_wait3A = tpu.memref_slice %arg9[%mul3A_19] : memref<655360xf32, #tpu.memory_space<hbm>> -> memref<10240xf32, #tpu.memory_space<hbm>>
      %dma_wait3A_21 = tpu.memref_slice %arg9[%mul3A_19] : memref<655360xf32, #tpu.memory_space<hbm>> -> memref<10240xf32, #tpu.memory_space<hbm>>
      tpu.wait_dma2 semaphore(%run_scoped3A : memref<!tpu.dma_semaphore, #tpu.memory_space<semaphore_mem>>) src(%arg17 : memref<10240xf32, #tpu.memory_space<vmem>>) dst(%dma_wait3A_21 : memref<10240xf32, #tpu.memory_space<hbm>>)
      tpu.yield
    }) : () -> ()
    return
  }
}

#map = affine_map<(d0, d1) -> (0)>
module attributes {stable_mosaic.version = 14 : i64} {
  func.func @_sc_deg_body(%arg0: i32, %arg1: i32, %arg2: memref<327680xi32, #tpu.memory_space<hbm>>, %arg3: memref<327680xi32, #tpu.memory_space<hbm>>, %arg4: memref<10240xf32, #tpu.memory_space<hbm>>, %arg5: memref<10240xf32, #tpu.memory_space<hbm>>, %arg6: memref<10240xf32, #tpu.memory_space<hbm>>, %arg7: memref<983040xf32, #tpu.memory_space<hbm>>, %arg8: memref<327680xi32, #tpu.memory_space<hbm>>, %arg9: memref<327680xi32, #tpu.memory_space<hbm>>, %arg10: memref<1024xi32, #tpu.memory_space<vmem>>, %arg11: memref<1024xi32, #tpu.memory_space<vmem>>, %arg12: memref<1024xi32, #tpu.memory_space<vmem>>, %arg13: memref<1024xi32, #tpu.memory_space<vmem>>, %arg14: memref<10240xf32, #tpu.memory_space<vmem>>, %arg15: memref<10240xf32, #tpu.memory_space<vmem>>, %arg16: memref<10240xf32, #tpu.memory_space<vmem>>, %arg17: memref<10240xf32, #tpu.memory_space<vmem>>, %arg18: memref<10240xf32, #tpu.memory_space<vmem>>) attributes {dimension_semantics = [#tpu.dimension_semantics<core_parallel>, #tpu.dimension_semantics<subcore_parallel>], iteration_bounds = array<i64: 2, 16>, scalar_prefetch = 0 : i64, scratch_operands = 9 : i64, tpu.core_type = #tpu.core_type<sc_vector_subcore>, window_params = [{transform_indices = #map}, {transform_indices = #map}, {transform_indices = #map}, {transform_indices = #map}, {transform_indices = #map}, {transform_indices = #map}, {transform_indices = #map}, {transform_indices = #map}]} {
    %mul3A = arith.constant 2 : i32
    %mul3A_0 = arith.muli %arg1, %mul3A : i32
    %add3A = arith.addi %mul3A_0, %arg0 : i32
    %mul3A_1 = arith.constant 10240 : i32
    %mul3A_2 = arith.muli %add3A, %mul3A_1 : i32
    "tpu.region"() ({
      %run_scoped3A = tpu.sem_alloc : memref<!tpu.dma_semaphore, #tpu.memory_space<semaphore_mem>>
      tpu.enqueue_dma source(%arg4 : memref<10240xf32, #tpu.memory_space<hbm>>) target(%arg14 : memref<10240xf32, #tpu.memory_space<vmem>>) target_semaphore(%run_scoped3A : memref<!tpu.dma_semaphore, #tpu.memory_space<semaphore_mem>>)
      tpu.wait_dma2 semaphore(%run_scoped3A : memref<!tpu.dma_semaphore, #tpu.memory_space<semaphore_mem>>) src(%arg4 : memref<10240xf32, #tpu.memory_space<hbm>>) dst(%arg14 : memref<10240xf32, #tpu.memory_space<vmem>>)
      tpu.yield
    }) : () -> ()
    "tpu.region"() ({
      %run_scoped3A = tpu.sem_alloc : memref<!tpu.dma_semaphore, #tpu.memory_space<semaphore_mem>>
      tpu.enqueue_dma source(%arg5 : memref<10240xf32, #tpu.memory_space<hbm>>) target(%arg15 : memref<10240xf32, #tpu.memory_space<vmem>>) target_semaphore(%run_scoped3A : memref<!tpu.dma_semaphore, #tpu.memory_space<semaphore_mem>>)
      tpu.wait_dma2 semaphore(%run_scoped3A : memref<!tpu.dma_semaphore, #tpu.memory_space<semaphore_mem>>) src(%arg5 : memref<10240xf32, #tpu.memory_space<hbm>>) dst(%arg15 : memref<10240xf32, #tpu.memory_space<vmem>>)
      tpu.yield
    }) : () -> ()
    "tpu.region"() ({
      %run_scoped3A = tpu.sem_alloc : memref<!tpu.dma_semaphore, #tpu.memory_space<semaphore_mem>>
      tpu.enqueue_dma source(%arg6 : memref<10240xf32, #tpu.memory_space<hbm>>) target(%arg16 : memref<10240xf32, #tpu.memory_space<vmem>>) target_semaphore(%run_scoped3A : memref<!tpu.dma_semaphore, #tpu.memory_space<semaphore_mem>>)
      tpu.wait_dma2 semaphore(%run_scoped3A : memref<!tpu.dma_semaphore, #tpu.memory_space<semaphore_mem>>) src(%arg6 : memref<10240xf32, #tpu.memory_space<hbm>>) dst(%arg16 : memref<10240xf32, #tpu.memory_space<vmem>>)
      tpu.yield
    }) : () -> ()
    "tpu.region"() ({
      %run_scoped3A = tpu.sem_alloc : memref<!tpu.dma_semaphore, #tpu.memory_space<semaphore_mem>>
      tpu.enqueue_dma source(%arg6 : memref<10240xf32, #tpu.memory_space<hbm>>) target(%arg17 : memref<10240xf32, #tpu.memory_space<vmem>>) target_semaphore(%run_scoped3A : memref<!tpu.dma_semaphore, #tpu.memory_space<semaphore_mem>>)
      tpu.wait_dma2 semaphore(%run_scoped3A : memref<!tpu.dma_semaphore, #tpu.memory_space<semaphore_mem>>) src(%arg6 : memref<10240xf32, #tpu.memory_space<hbm>>) dst(%arg17 : memref<10240xf32, #tpu.memory_space<vmem>>)
      tpu.yield
    }) : () -> ()
    "tpu.region"() ({
      %run_scoped3A = tpu.sem_alloc : memref<!tpu.dma_semaphore, #tpu.memory_space<semaphore_mem>>
      tpu.enqueue_dma source(%arg6 : memref<10240xf32, #tpu.memory_space<hbm>>) target(%arg18 : memref<10240xf32, #tpu.memory_space<vmem>>) target_semaphore(%run_scoped3A : memref<!tpu.dma_semaphore, #tpu.memory_space<semaphore_mem>>)
      tpu.wait_dma2 semaphore(%run_scoped3A : memref<!tpu.dma_semaphore, #tpu.memory_space<semaphore_mem>>) src(%arg6 : memref<10240xf32, #tpu.memory_space<hbm>>) dst(%arg18 : memref<10240xf32, #tpu.memory_space<vmem>>)
      tpu.yield
    }) : () -> ()
    %broadcast_in_dim3A = arith.constant 1.000000e+00 : f32
    %broadcast_in_dim3A_3 = vector.broadcast %broadcast_in_dim3A : f32 to vector<16xf32>
    %iota3A = tpu.iota {dimensions = array<i32: 0>} : vector<16xi32>
    %scan3A = arith.constant 0 : i32
    %scan3A_4 = arith.constant 0 : i32
    %scan3A_5 = arith.constant 10 : i32
    %scan3A_6 = arith.addi %scan3A_4, %scan3A_5 : i32
    %scan3A_7 = arith.constant 1 : i32
    scf.for %scan3A_27 = %scan3A_4 to %scan3A_6 step %scan3A_7  : i32 {
      %mul3A_28 = arith.constant 1024 : i32
      %mul3A_29 = arith.muli %scan3A_27, %mul3A_28 : i32
      %add3A_30 = arith.addi %mul3A_2, %mul3A_29 : i32
      "tpu.region"() ({
        %run_scoped3A = tpu.sem_alloc : memref<!tpu.dma_semaphore, #tpu.memory_space<semaphore_mem>>
        %dma_start3A = tpu.memref_slice %arg2[%add3A_30] : memref<327680xi32, #tpu.memory_space<hbm>> -> memref<1024xi32, #tpu.memory_space<hbm>>
        %dma_start3A_36 = tpu.memref_slice %arg2[%add3A_30] : memref<327680xi32, #tpu.memory_space<hbm>> -> memref<1024xi32, #tpu.memory_space<hbm>>
        tpu.enqueue_dma source(%dma_start3A_36 : memref<1024xi32, #tpu.memory_space<hbm>>) target(%arg10 : memref<1024xi32, #tpu.memory_space<vmem>>) target_semaphore(%run_scoped3A : memref<!tpu.dma_semaphore, #tpu.memory_space<semaphore_mem>>)
        %dma_wait3A = tpu.memref_slice %arg2[%add3A_30] : memref<327680xi32, #tpu.memory_space<hbm>> -> memref<1024xi32, #tpu.memory_space<hbm>>
        %dma_wait3A_37 = tpu.memref_slice %arg2[%add3A_30] : memref<327680xi32, #tpu.memory_space<hbm>> -> memref<1024xi32, #tpu.memory_space<hbm>>
        tpu.wait_dma2 semaphore(%run_scoped3A : memref<!tpu.dma_semaphore, #tpu.memory_space<semaphore_mem>>) src(%dma_wait3A_37 : memref<1024xi32, #tpu.memory_space<hbm>>) dst(%arg10 : memref<1024xi32, #tpu.memory_space<vmem>>)
        tpu.yield
      }) : () -> ()
      "tpu.region"() ({
        %run_scoped3A = tpu.sem_alloc : memref<!tpu.dma_semaphore, #tpu.memory_space<semaphore_mem>>
        %dma_start3A = tpu.memref_slice %arg3[%add3A_30] : memref<327680xi32, #tpu.memory_space<hbm>> -> memref<1024xi32, #tpu.memory_space<hbm>>
        %dma_start3A_36 = tpu.memref_slice %arg3[%add3A_30] : memref<327680xi32, #tpu.memory_space<hbm>> -> memref<1024xi32, #tpu.memory_space<hbm>>
        tpu.enqueue_dma source(%dma_start3A_36 : memref<1024xi32, #tpu.memory_space<hbm>>) target(%arg11 : memref<1024xi32, #tpu.memory_space<vmem>>) target_semaphore(%run_scoped3A : memref<!tpu.dma_semaphore, #tpu.memory_space<semaphore_mem>>)
        %dma_wait3A = tpu.memref_slice %arg3[%add3A_30] : memref<327680xi32, #tpu.memory_space<hbm>> -> memref<1024xi32, #tpu.memory_space<hbm>>
        %dma_wait3A_37 = tpu.memref_slice %arg3[%add3A_30] : memref<327680xi32, #tpu.memory_space<hbm>> -> memref<1024xi32, #tpu.memory_space<hbm>>
        tpu.wait_dma2 semaphore(%run_scoped3A : memref<!tpu.dma_semaphore, #tpu.memory_space<semaphore_mem>>) src(%dma_wait3A_37 : memref<1024xi32, #tpu.memory_space<hbm>>) dst(%arg11 : memref<1024xi32, #tpu.memory_space<vmem>>)
        tpu.yield
      }) : () -> ()
      %scan3A_31 = arith.constant 0 : i32
      %scan3A_32 = arith.constant 64 : i32
      %scan3A_33 = arith.addi %scan3A_31, %scan3A_32 : i32
      %scan3A_34 = arith.constant 1 : i32
      scf.for %scan3A_36 = %scan3A_31 to %scan3A_33 step %scan3A_34  : i32 {
        %mul3A_37 = arith.constant 16 : i32
        %mul3A_38 = arith.muli %scan3A_36, %mul3A_37 : i32
        %get3A = arith.index_cast %mul3A_38 : i32 to index
        %get3A_39 = tpu.vector_load %arg10[%get3A] {strides = array<i32>} : memref<1024xi32, #tpu.memory_space<vmem>>, vector<16xi32>,
        %mul3A_40 = arith.constant 16 : i32
        %mul3A_41 = arith.muli %scan3A_36, %mul3A_40 : i32
        %get3A_42 = arith.index_cast %mul3A_41 : i32 to index
        %get3A_43 = tpu.vector_load %arg11[%get3A_42] {strides = array<i32>} : memref<1024xi32, #tpu.memory_space<vmem>>, vector<16xi32>,
        %gather3A = tpu.vector_load_idx %arg14[%get3A_39] : memref<10240xf32, #tpu.memory_space<vmem>>[vector<16xi32>], vector<16xf32>,
        %gather3A_44 = tpu.vector_load_idx %arg14[%get3A_43] : memref<10240xf32, #tpu.memory_space<vmem>>[vector<16xi32>], vector<16xf32>,
        %gather3A_45 = tpu.vector_load_idx %arg15[%get3A_39] : memref<10240xf32, #tpu.memory_space<vmem>>[vector<16xi32>], vector<16xf32>,
        %gather3A_46 = tpu.vector_load_idx %arg15[%get3A_43] : memref<10240xf32, #tpu.memory_space<vmem>>[vector<16xi32>], vector<16xf32>,
        %eq3A = arith.constant 0.000000e+00 : f32
        %eq3A_47 = vector.broadcast %eq3A : f32 to vector<16xf32>
        %eq3A_48 = arith.cmpf oeq, %gather3A, %eq3A_47 : vector<16xf32>
        %eq3A_49 = arith.constant 0.000000e+00 : f32
        %eq3A_50 = vector.broadcast %eq3A_49 : f32 to vector<16xf32>
        %eq3A_51 = arith.cmpf oeq, %gather3A_44, %eq3A_50 : vector<16xf32>
        %and3A = arith.andi %eq3A_48, %eq3A_51 : vector<16xi1>
        %eq3A_52 = arith.constant 0.000000e+00 : f32
        %eq3A_53 = vector.broadcast %eq3A_52 : f32 to vector<16xf32>
        %eq3A_54 = arith.cmpf oeq, %gather3A_45, %eq3A_53 : vector<16xf32>
        %eq3A_55 = arith.constant 0.000000e+00 : f32
        %eq3A_56 = vector.broadcast %eq3A_55 : f32 to vector<16xf32>
        %eq3A_57 = arith.cmpf oeq, %gather3A_46, %eq3A_56 : vector<16xf32>
        %and3A_58 = arith.andi %eq3A_54, %eq3A_57 : vector<16xi1>
        tpu.vector_store_idx %arg16[%get3A_43], %broadcast_in_dim3A_3 {add = true} : memref<10240xf32, #tpu.memory_space<vmem>>[vector<16xi32>], vector<16xf32>,
        %jit3A = arith.constant 1.000000e+00 : f32
        %jit3A_59 = arith.constant 0.000000e+00 : f32
        %broadcast_in_dim3A_60 = vector.broadcast %jit3A : f32 to vector<16xf32>
        %broadcast_in_dim3A_61 = vector.broadcast %jit3A_59 : f32 to vector<16xf32>
        %select_n3A = arith.select %and3A, %broadcast_in_dim3A_60, %broadcast_in_dim3A_61 : vector<16xi1>, vector<16xf32>
        tpu.vector_store_idx %arg17[%get3A_43], %select_n3A {add = true} : memref<10240xf32, #tpu.memory_space<vmem>>[vector<16xi32>], vector<16xf32>,
        %jit3A_62 = arith.constant 1.000000e+00 : f32
        %jit3A_63 = arith.constant 0.000000e+00 : f32
        %broadcast_in_dim3A_64 = vector.broadcast %jit3A_62 : f32 to vector<16xf32>
        %broadcast_in_dim3A_65 = vector.broadcast %jit3A_63 : f32 to vector<16xf32>
        %select_n3A_66 = arith.select %and3A_58, %broadcast_in_dim3A_64, %broadcast_in_dim3A_65 : vector<16xi1>, vector<16xf32>
        tpu.vector_store_idx %arg18[%get3A_43], %select_n3A_66 {add = true} : memref<10240xf32, #tpu.memory_space<vmem>>[vector<16xi32>], vector<16xf32>,
        %mul3A_67 = arith.constant 16 : i32
        %mul3A_68 = arith.muli %scan3A_36, %mul3A_67 : i32
        %add3A_69 = arith.addi %add3A_30, %mul3A_68 : i32
        %add3A_70 = vector.broadcast %add3A_69 : i32 to vector<16xi32>
        %add3A_71 = arith.addi %add3A_70, %iota3A : vector<16xi32>
        %and3A_72 = arith.constant 127 : i32
        %and3A_73 = vector.broadcast %and3A_72 : i32 to vector<16xi32>
        %and3A_74 = arith.andi %add3A_71, %and3A_73 : vector<16xi32>
        %add3A_75 = arith.constant 10000 : i32
        %add3A_76 = vector.broadcast %add3A_75 : i32 to vector<16xi32>
        %add3A_77 = arith.addi %add3A_76, %and3A_74 : vector<16xi32>
        %select_n3A_78 = arith.select %and3A, %get3A_43, %add3A_77 : vector<16xi1>, vector<16xi32>
        %mul3A_79 = arith.constant 16 : i32
        %mul3A_80 = arith.muli %scan3A_36, %mul3A_79 : i32
        %swap3A = arith.index_cast %mul3A_80 : i32 to index
        %swap3A_81 = tpu.vector_load %arg12[%swap3A] {strides = array<i32>} : memref<1024xi32, #tpu.memory_space<vmem>>, vector<16xi32>,
        tpu.vector_store %arg12[%swap3A], %select_n3A_78 {strides = array<i32>} : memref<1024xi32, #tpu.memory_space<vmem>>, vector<16xi32>,
        %select_n3A_82 = arith.select %and3A_58, %get3A_43, %add3A_77 : vector<16xi1>, vector<16xi32>
        %mul3A_83 = arith.constant 16 : i32
        %mul3A_84 = arith.muli %scan3A_36, %mul3A_83 : i32
        %swap3A_85 = arith.index_cast %mul3A_84 : i32 to index
        %swap3A_86 = tpu.vector_load %arg13[%swap3A_85] {strides = array<i32>} : memref<1024xi32, #tpu.memory_space<vmem>>, vector<16xi32>,
        tpu.vector_store %arg13[%swap3A_85], %select_n3A_82 {strides = array<i32>} : memref<1024xi32, #tpu.memory_space<vmem>>, vector<16xi32>,
      }
      %scan3A_35 = arith.constant 64 : i32
      "tpu.region"() ({
        %run_scoped3A = tpu.sem_alloc : memref<!tpu.dma_semaphore, #tpu.memory_space<semaphore_mem>>
        %dma_start3A = tpu.memref_slice %arg8[%add3A_30] : memref<327680xi32, #tpu.memory_space<hbm>> -> memref<1024xi32, #tpu.memory_space<hbm>>
        %dma_start3A_36 = tpu.memref_slice %arg8[%add3A_30] : memref<327680xi32, #tpu.memory_space<hbm>> -> memref<1024xi32, #tpu.memory_space<hbm>>
        tpu.enqueue_dma source(%arg12 : memref<1024xi32, #tpu.memory_space<vmem>>) target(%dma_start3A_36 : memref<1024xi32, #tpu.memory_space<hbm>>) target_semaphore(%run_scoped3A : memref<!tpu.dma_semaphore, #tpu.memory_space<semaphore_mem>>)
        %dma_wait3A = tpu.memref_slice %arg8[%add3A_30] : memref<327680xi32, #tpu.memory_space<hbm>> -> memref<1024xi32, #tpu.memory_space<hbm>>
        %dma_wait3A_37 = tpu.memref_slice %arg8[%add3A_30] : memref<327680xi32, #tpu.memory_space<hbm>> -> memref<1024xi32, #tpu.memory_space<hbm>>
        tpu.wait_dma2 semaphore(%run_scoped3A : memref<!tpu.dma_semaphore, #tpu.memory_space<semaphore_mem>>) src(%arg12 : memref<1024xi32, #tpu.memory_space<vmem>>) dst(%dma_wait3A_37 : memref<1024xi32, #tpu.memory_space<hbm>>)
        tpu.yield
      }) : () -> ()
      "tpu.region"() ({
        %run_scoped3A = tpu.sem_alloc : memref<!tpu.dma_semaphore, #tpu.memory_space<semaphore_mem>>
        %dma_start3A = tpu.memref_slice %arg9[%add3A_30] : memref<327680xi32, #tpu.memory_space<hbm>> -> memref<1024xi32, #tpu.memory_space<hbm>>
        %dma_start3A_36 = tpu.memref_slice %arg9[%add3A_30] : memref<327680xi32, #tpu.memory_space<hbm>> -> memref<1024xi32, #tpu.memory_space<hbm>>
        tpu.enqueue_dma source(%arg13 : memref<1024xi32, #tpu.memory_space<vmem>>) target(%dma_start3A_36 : memref<1024xi32, #tpu.memory_space<hbm>>) target_semaphore(%run_scoped3A : memref<!tpu.dma_semaphore, #tpu.memory_space<semaphore_mem>>)
        %dma_wait3A = tpu.memref_slice %arg9[%add3A_30] : memref<327680xi32, #tpu.memory_space<hbm>> -> memref<1024xi32, #tpu.memory_space<hbm>>
        %dma_wait3A_37 = tpu.memref_slice %arg9[%add3A_30] : memref<327680xi32, #tpu.memory_space<hbm>> -> memref<1024xi32, #tpu.memory_space<hbm>>
        tpu.wait_dma2 semaphore(%run_scoped3A : memref<!tpu.dma_semaphore, #tpu.memory_space<semaphore_mem>>) src(%arg13 : memref<1024xi32, #tpu.memory_space<vmem>>) dst(%dma_wait3A_37 : memref<1024xi32, #tpu.memory_space<hbm>>)
        tpu.yield
      }) : () -> ()
    }
    %scan3A_8 = arith.constant 10 : i32
    %mul3A_9 = arith.constant 3 : i32
    %mul3A_10 = arith.muli %add3A, %mul3A_9 : i32
    %add3A_11 = arith.constant 0 : i32
    %add3A_12 = arith.addi %mul3A_10, %add3A_11 : i32
    %mul3A_13 = arith.constant 10240 : i32
    %mul3A_14 = arith.muli %add3A_12, %mul3A_13 : i32
    "tpu.region"() ({
      %run_scoped3A = tpu.sem_alloc : memref<!tpu.dma_semaphore, #tpu.memory_space<semaphore_mem>>
      %dma_start3A = tpu.memref_slice %arg7[%mul3A_14] : memref<983040xf32, #tpu.memory_space<hbm>> -> memref<10240xf32, #tpu.memory_space<hbm>>
      %dma_start3A_27 = tpu.memref_slice %arg7[%mul3A_14] : memref<983040xf32, #tpu.memory_space<hbm>> -> memref<10240xf32, #tpu.memory_space<hbm>>
      tpu.enqueue_dma source(%arg16 : memref<10240xf32, #tpu.memory_space<vmem>>) target(%dma_start3A_27 : memref<10240xf32, #tpu.memory_space<hbm>>) target_semaphore(%run_scoped3A : memref<!tpu.dma_semaphore, #tpu.memory_space<semaphore_mem>>)
      %dma_wait3A = tpu.memref_slice %arg7[%mul3A_14] : memref<983040xf32, #tpu.memory_space<hbm>> -> memref<10240xf32, #tpu.memory_space<hbm>>
      %dma_wait3A_28 = tpu.memref_slice %arg7[%mul3A_14] : memref<983040xf32, #tpu.memory_space<hbm>> -> memref<10240xf32, #tpu.memory_space<hbm>>
      tpu.wait_dma2 semaphore(%run_scoped3A : memref<!tpu.dma_semaphore, #tpu.memory_space<semaphore_mem>>) src(%arg16 : memref<10240xf32, #tpu.memory_space<vmem>>) dst(%dma_wait3A_28 : memref<10240xf32, #tpu.memory_space<hbm>>)
      tpu.yield
    }) : () -> ()
    %mul3A_15 = arith.constant 3 : i32
    %mul3A_16 = arith.muli %add3A, %mul3A_15 : i32
    %add3A_17 = arith.constant 1 : i32
    %add3A_18 = arith.addi %mul3A_16, %add3A_17 : i32
    %mul3A_19 = arith.constant 10240 : i32
    %mul3A_20 = arith.muli %add3A_18, %mul3A_19 : i32
    "tpu.region"() ({
      %run_scoped3A = tpu.sem_alloc : memref<!tpu.dma_semaphore, #tpu.memory_space<semaphore_mem>>
      %dma_start3A = tpu.memref_slice %arg7[%mul3A_20] : memref<983040xf32, #tpu.memory_space<hbm>> -> memref<10240xf32, #tpu.memory_space<hbm>>
      %dma_start3A_27 = tpu.memref_slice %arg7[%mul3A_20] : memref<983040xf32, #tpu.memory_space<hbm>> -> memref<10240xf32, #tpu.memory_space<hbm>>
      tpu.enqueue_dma source(%arg17 : memref<10240xf32, #tpu.memory_space<vmem>>) target(%dma_start3A_27 : memref<10240xf32, #tpu.memory_space<hbm>>) target_semaphore(%run_scoped3A : memref<!tpu.dma_semaphore, #tpu.memory_space<semaphore_mem>>)
      %dma_wait3A = tpu.memref_slice %arg7[%mul3A_20] : memref<983040xf32, #tpu.memory_space<hbm>> -> memref<10240xf32, #tpu.memory_space<hbm>>
      %dma_wait3A_28 = tpu.memref_slice %arg7[%mul3A_20] : memref<983040xf32, #tpu.memory_space<hbm>> -> memref<10240xf32, #tpu.memory_space<hbm>>
      tpu.wait_dma2 semaphore(%run_scoped3A : memref<!tpu.dma_semaphore, #tpu.memory_space<semaphore_mem>>) src(%arg17 : memref<10240xf32, #tpu.memory_space<vmem>>) dst(%dma_wait3A_28 : memref<10240xf32, #tpu.memory_space<hbm>>)
      tpu.yield
    }) : () -> ()
    %mul3A_21 = arith.constant 3 : i32
    %mul3A_22 = arith.muli %add3A, %mul3A_21 : i32
    %add3A_23 = arith.constant 2 : i32
    %add3A_24 = arith.addi %mul3A_22, %add3A_23 : i32
    %mul3A_25 = arith.constant 10240 : i32
    %mul3A_26 = arith.muli %add3A_24, %mul3A_25 : i32
    "tpu.region"() ({
      %run_scoped3A = tpu.sem_alloc : memref<!tpu.dma_semaphore, #tpu.memory_space<semaphore_mem>>
      %dma_start3A = tpu.memref_slice %arg7[%mul3A_26] : memref<983040xf32, #tpu.memory_space<hbm>> -> memref<10240xf32, #tpu.memory_space<hbm>>
      %dma_start3A_27 = tpu.memref_slice %arg7[%mul3A_26] : memref<983040xf32, #tpu.memory_space<hbm>> -> memref<10240xf32, #tpu.memory_space<hbm>>
      tpu.enqueue_dma source(%arg18 : memref<10240xf32, #tpu.memory_space<vmem>>) target(%dma_start3A_27 : memref<10240xf32, #tpu.memory_space<hbm>>) target_semaphore(%run_scoped3A : memref<!tpu.dma_semaphore, #tpu.memory_space<semaphore_mem>>)
      %dma_wait3A = tpu.memref_slice %arg7[%mul3A_26] : memref<983040xf32, #tpu.memory_space<hbm>> -> memref<10240xf32, #tpu.memory_space<hbm>>
      %dma_wait3A_28 = tpu.memref_slice %arg7[%mul3A_26] : memref<983040xf32, #tpu.memory_space<hbm>> -> memref<10240xf32, #tpu.memory_space<hbm>>
      tpu.wait_dma2 semaphore(%run_scoped3A : memref<!tpu.dma_semaphore, #tpu.memory_space<semaphore_mem>>) src(%arg18 : memref<10240xf32, #tpu.memory_space<vmem>>) dst(%dma_wait3A_28 : memref<10240xf32, #tpu.memory_space<hbm>>)
      tpu.yield
    }) : () -> ()
    return
  }
}

#map = affine_map<(d0, d1) -> (0, 0)>
#map1 = affine_map<(d0, d1) -> (0, 0, 0)>
module attributes {stable_mosaic.version = 14 : i64} {
  func.func @_sc_agg_body(%arg0: i32, %arg1: i32, %arg2: memref<10240x128xf32, #tpu.memory_space<hbm>>, %arg3: memref<2560x128xi32, #tpu.memory_space<hbm>>, %arg4: memref<2560x128xi32, #tpu.memory_space<hbm>>, %arg5: memref<10240x128xf32, #tpu.memory_space<hbm>>, %arg6: memref<2x10240x128xf32, #tpu.memory_space<hbm>>, %arg7: memref<40x128xi32, #tpu.memory_space<vmem>>, %arg8: memref<40x128xi32, #tpu.memory_space<vmem>>, %arg9: memref<128x128xf32, #tpu.memory_space<vmem>>, %arg10: memref<128x128xf32, #tpu.memory_space<vmem>>, %arg11: memref<!tpu.dma_semaphore, #tpu.memory_space<semaphore_mem>>, %arg12: memref<!tpu.dma_semaphore, #tpu.memory_space<semaphore_mem>>, %arg13: memref<10240x128xf32, #tpu.memory_space<vmem_shared>>) attributes {dimension_semantics = [#tpu.dimension_semantics<core_parallel>, #tpu.dimension_semantics<subcore_parallel>], iteration_bounds = array<i64: 2, 16>, scalar_prefetch = 0 : i64, scratch_operands = 7 : i64, tpu.core_type = #tpu.core_type<sc_vector_subcore>, window_params = [{transform_indices = #map}, {transform_indices = #map}, {transform_indices = #map}, {transform_indices = #map}, {transform_indices = #map1}]} {
    %mul3A = arith.constant 2 : i32
    %mul3A_0 = arith.muli %arg1, %mul3A : i32
    %add3A = arith.addi %mul3A_0, %arg0 : i32
    %mul3A_1 = arith.constant 640 : i32
    %mul3A_2 = arith.muli %arg1, %mul3A_1 : i32
    %mul3A_3 = arith.constant 640 : i32
    %mul3A_4 = arith.muli %arg1, %mul3A_3 : i32
    "tpu.region"() ({
      %run_scoped3A = tpu.sem_alloc : memref<!tpu.dma_semaphore, #tpu.memory_space<semaphore_mem>>
      %dma_start3A_50 = arith.constant 0 : i32
      %dma_start3A_51 = tpu.memref_slice %arg13[%mul3A_4, %dma_start3A_50] : memref<10240x128xf32, #tpu.memory_space<vmem_shared>> -> memref<640x128xf32, #tpu.memory_space<vmem_shared>>
      %dma_start3A_52 = arith.constant 0 : i32
      %dma_start3A_53 = tpu.memref_slice %arg5[%mul3A_2, %dma_start3A_52] : memref<10240x128xf32, #tpu.memory_space<hbm>> -> memref<640x128xf32, #tpu.memory_space<hbm>>
      tpu.enqueue_dma source(%dma_start3A_53 : memref<640x128xf32, #tpu.memory_space<hbm>>) target(%dma_start3A_51 : memref<640x128xf32, #tpu.memory_space<vmem_shared>>) target_semaphore(%run_scoped3A : memref<!tpu.dma_semaphore, #tpu.memory_space<semaphore_mem>>)
      %dma_wait3A = arith.constant 0 : i32
      %dma_wait3A_54 = tpu.memref_slice %arg13[%mul3A_4, %dma_wait3A] : memref<10240x128xf32, #tpu.memory_space<vmem_shared>> -> memref<640x128xf32, #tpu.memory_space<vmem_shared>>
      %dma_wait3A_55 = arith.constant 0 : i32
      %dma_wait3A_56 = tpu.memref_slice %arg5[%mul3A_2, %dma_wait3A_55] : memref<10240x128xf32, #tpu.memory_space<hbm>> -> memref<640x128xf32, #tpu.memory_space<hbm>>
      tpu.wait_dma2 semaphore(%run_scoped3A : memref<!tpu.dma_semaphore, #tpu.memory_space<semaphore_mem>>) src(%dma_wait3A_56 : memref<640x128xf32, #tpu.memory_space<hbm>>) dst(%dma_wait3A_54 : memref<640x128xf32, #tpu.memory_space<vmem_shared>>)
      tpu.yield
    }) : () -> ()
    %barrier3A = arith.constant 0 : index
    tpu.barrier barrier_id(%barrier3A)
    %mul3A_5 = arith.constant 80 : i32
    %mul3A_6 = arith.muli %add3A, %mul3A_5 : i32
    %add3A_7 = arith.constant 0 : i32
    %add3A_8 = arith.addi %mul3A_6, %add3A_7 : i32
    "tpu.region"() ({
      %run_scoped3A = tpu.sem_alloc : memref<!tpu.dma_semaphore, #tpu.memory_space<semaphore_mem>>
      %dma_start3A_50 = arith.constant 0 : i32
      %dma_start3A_51 = tpu.memref_slice %arg3[%add3A_8, %dma_start3A_50] : memref<2560x128xi32, #tpu.memory_space<hbm>> -> memref<40x128xi32, #tpu.memory_space<hbm>>
      %dma_start3A_52 = arith.constant 0 : i32
      %dma_start3A_53 = tpu.memref_slice %arg3[%add3A_8, %dma_start3A_52] : memref<2560x128xi32, #tpu.memory_space<hbm>> -> memref<40x128xi32, #tpu.memory_space<hbm>>
      tpu.enqueue_dma source(%dma_start3A_53 : memref<40x128xi32, #tpu.memory_space<hbm>>) target(%arg7 : memref<40x128xi32, #tpu.memory_space<vmem>>) target_semaphore(%run_scoped3A : memref<!tpu.dma_semaphore, #tpu.memory_space<semaphore_mem>>)
      %dma_wait3A = arith.constant 0 : i32
      %dma_wait3A_54 = tpu.memref_slice %arg3[%add3A_8, %dma_wait3A] : memref<2560x128xi32, #tpu.memory_space<hbm>> -> memref<40x128xi32, #tpu.memory_space<hbm>>
      %dma_wait3A_55 = arith.constant 0 : i32
      %dma_wait3A_56 = tpu.memref_slice %arg3[%add3A_8, %dma_wait3A_55] : memref<2560x128xi32, #tpu.memory_space<hbm>> -> memref<40x128xi32, #tpu.memory_space<hbm>>
      tpu.wait_dma2 semaphore(%run_scoped3A : memref<!tpu.dma_semaphore, #tpu.memory_space<semaphore_mem>>) src(%dma_wait3A_56 : memref<40x128xi32, #tpu.memory_space<hbm>>) dst(%arg7 : memref<40x128xi32, #tpu.memory_space<vmem>>)
      tpu.yield
    }) : () -> ()
    %mul3A_9 = arith.constant 80 : i32
    %mul3A_10 = arith.muli %add3A, %mul3A_9 : i32
    %add3A_11 = arith.constant 0 : i32
    %add3A_12 = arith.addi %mul3A_10, %add3A_11 : i32
    "tpu.region"() ({
      %run_scoped3A = tpu.sem_alloc : memref<!tpu.dma_semaphore, #tpu.memory_space<semaphore_mem>>
      %dma_start3A_50 = arith.constant 0 : i32
      %dma_start3A_51 = tpu.memref_slice %arg4[%add3A_12, %dma_start3A_50] : memref<2560x128xi32, #tpu.memory_space<hbm>> -> memref<40x128xi32, #tpu.memory_space<hbm>>
      %dma_start3A_52 = arith.constant 0 : i32
      %dma_start3A_53 = tpu.memref_slice %arg4[%add3A_12, %dma_start3A_52] : memref<2560x128xi32, #tpu.memory_space<hbm>> -> memref<40x128xi32, #tpu.memory_space<hbm>>
      tpu.enqueue_dma source(%dma_start3A_53 : memref<40x128xi32, #tpu.memory_space<hbm>>) target(%arg8 : memref<40x128xi32, #tpu.memory_space<vmem>>) target_semaphore(%run_scoped3A : memref<!tpu.dma_semaphore, #tpu.memory_space<semaphore_mem>>)
      %dma_wait3A = arith.constant 0 : i32
      %dma_wait3A_54 = tpu.memref_slice %arg4[%add3A_12, %dma_wait3A] : memref<2560x128xi32, #tpu.memory_space<hbm>> -> memref<40x128xi32, #tpu.memory_space<hbm>>
      %dma_wait3A_55 = arith.constant 0 : i32
      %dma_wait3A_56 = tpu.memref_slice %arg4[%add3A_12, %dma_wait3A_55] : memref<2560x128xi32, #tpu.memory_space<hbm>> -> memref<40x128xi32, #tpu.memory_space<hbm>>
      tpu.wait_dma2 semaphore(%run_scoped3A : memref<!tpu.dma_semaphore, #tpu.memory_space<semaphore_mem>>) src(%dma_wait3A_56 : memref<40x128xi32, #tpu.memory_space<hbm>>) dst(%arg8 : memref<40x128xi32, #tpu.memory_space<vmem>>)
      tpu.yield
    }) : () -> ()
    %dma_start3A = arith.constant 0 : i32
    %dma_start3A_13 = arith.constant 0 : i32
    %dma_start3A_14 = tpu.memref_slice %arg7[%dma_start3A, %dma_start3A_13] : memref<40x128xi32, #tpu.memory_space<vmem>> -> memref<1x128xi32, #tpu.memory_space<vmem>>
    %dma_start3A_15 = tpu.memref_squeeze %dma_start3A_14 : memref<1x128xi32, #tpu.memory_space<vmem>> -> memref<128xi32, #tpu.memory_space<vmem>>
    %dma_start3A_16 = arith.constant 0 : i32
    %dma_start3A_17 = arith.constant 0 : i32
    %dma_start3A_18 = tpu.memref_slice %arg2[%dma_start3A_16, %dma_start3A_17] : memref<10240x128xf32, #tpu.memory_space<hbm>> -> memref<10240x128xf32, #tpu.memory_space<hbm>>
    tpu.enqueue_indirect_dma source(%dma_start3A_18 : memref<10240x128xf32, #tpu.memory_space<hbm>>) target(%arg9 : memref<128x128xf32, #tpu.memory_space<vmem>>) offsets(%dma_start3A_15 : memref<128xi32, #tpu.memory_space<vmem>>) semaphore(%arg11 : memref<!tpu.dma_semaphore, #tpu.memory_space<semaphore_mem>>)
    %scan3A = arith.constant 0 : i32
    %scan3A_19 = arith.constant 0 : i32
    %scan3A_20 = arith.constant 20 : i32
    %scan3A_21 = arith.addi %scan3A_19, %scan3A_20 : i32
    %scan3A_22 = arith.constant 1 : i32
    scf.for %scan3A_50 = %scan3A_19 to %scan3A_21 step %scan3A_22  : i32 {
      %mul3A_51 = arith.constant 2 : i32
      %mul3A_52 = arith.muli %scan3A_50, %mul3A_51 : i32
      %add3A_53 = arith.constant 0 : i32
      %add3A_54 = arith.addi %mul3A_52, %add3A_53 : i32
      %dma_wait3A = arith.constant 0 : i32
      %dma_wait3A_55 = tpu.memref_slice %arg7[%add3A_54, %dma_wait3A] : memref<40x128xi32, #tpu.memory_space<vmem>> -> memref<1x128xi32, #tpu.memory_space<vmem>>
      %dma_wait3A_56 = tpu.memref_squeeze %dma_wait3A_55 : memref<1x128xi32, #tpu.memory_space<vmem>> -> memref<128xi32, #tpu.memory_space<vmem>>
      %dma_wait3A_57 = arith.constant 0 : i32
      %dma_wait3A_58 = arith.constant 0 : i32
      %dma_wait3A_59 = tpu.memref_slice %arg2[%dma_wait3A_57, %dma_wait3A_58] : memref<10240x128xf32, #tpu.memory_space<hbm>> -> memref<10240x128xf32, #tpu.memory_space<hbm>>
      tpu.wait_indirect_dma semaphore(%arg11 : memref<!tpu.dma_semaphore, #tpu.memory_space<semaphore_mem>>) src(%dma_wait3A_59 : memref<10240x128xf32, #tpu.memory_space<hbm>>) dst(%arg9 : memref<128x128xf32, #tpu.memory_space<vmem>>)
      %lt3A = arith.constant 39 : i32
      %lt3A_60 = arith.cmpi slt, %add3A_54, %lt3A : i32
      %convert_element_type3A = arith.extui %lt3A_60 : i1 to i32
      %cond3A = arith.constant 0 : i32
      %cond3A_61 = arith.cmpi ne, %convert_element_type3A, %cond3A : i32
      scf.if %cond3A_61 {
        %add3A_77 = arith.constant 1 : i32
        %add3A_78 = arith.addi %add3A_54, %add3A_77 : i32
        %dma_start3A_79 = arith.constant 0 : i32
        %dma_start3A_80 = tpu.memref_slice %arg7[%add3A_78, %dma_start3A_79] : memref<40x128xi32, #tpu.memory_space<vmem>> -> memref<1x128xi32, #tpu.memory_space<vmem>>
        %dma_start3A_81 = tpu.memref_squeeze %dma_start3A_80 : memref<1x128xi32, #tpu.memory_space<vmem>> -> memref<128xi32, #tpu.memory_space<vmem>>
        %dma_start3A_82 = arith.constant 0 : i32
        %dma_start3A_83 = arith.constant 0 : i32
        %dma_start3A_84 = tpu.memref_slice %arg2[%dma_start3A_82, %dma_start3A_83] : memref<10240x128xf32, #tpu.memory_space<hbm>> -> memref<10240x128xf32, #tpu.memory_space<hbm>>
        tpu.enqueue_indirect_dma source(%dma_start3A_84 : memref<10240x128xf32, #tpu.memory_space<hbm>>) target(%arg10 : memref<128x128xf32, #tpu.memory_space<vmem>>) offsets(%dma_start3A_81 : memref<128xi32, #tpu.memory_space<vmem>>) semaphore(%arg12 : memref<!tpu.dma_semaphore, #tpu.memory_space<semaphore_mem>>)
      } else {
      }
      "tpu.region"() ({
        %run_scoped3A = tpu.sem_alloc : memref<!tpu.dma_semaphore, #tpu.memory_space<semaphore_mem>>
        %dma_start3A_77 = arith.constant 0 : i32
        %dma_start3A_78 = tpu.memref_slice %arg8[%add3A_54, %dma_start3A_77] : memref<40x128xi32, #tpu.memory_space<vmem>> -> memref<1x128xi32, #tpu.memory_space<vmem>>
        %dma_start3A_79 = tpu.memref_squeeze %dma_start3A_78 : memref<1x128xi32, #tpu.memory_space<vmem>> -> memref<128xi32, #tpu.memory_space<vmem>>
        %dma_start3A_80 = arith.constant 0 : i32
        %dma_start3A_81 = arith.constant 0 : i32
        %dma_start3A_82 = tpu.memref_slice %arg13[%dma_start3A_80, %dma_start3A_81] : memref<10240x128xf32, #tpu.memory_space<vmem_shared>> -> memref<10240x128xf32, #tpu.memory_space<vmem_shared>>
        tpu.enqueue_indirect_dma source(%arg9 : memref<128x128xf32, #tpu.memory_space<vmem>>) target(%dma_start3A_82 : memref<10240x128xf32, #tpu.memory_space<vmem_shared>>) offsets(%dma_start3A_79 : memref<128xi32, #tpu.memory_space<vmem>>) semaphore(%run_scoped3A : memref<!tpu.dma_semaphore, #tpu.memory_space<semaphore_mem>>) {add = true}
        %dma_wait3A_83 = arith.constant 0 : i32
        %dma_wait3A_84 = tpu.memref_slice %arg8[%add3A_54, %dma_wait3A_83] : memref<40x128xi32, #tpu.memory_space<vmem>> -> memref<1x128xi32, #tpu.memory_space<vmem>>
        %dma_wait3A_85 = tpu.memref_squeeze %dma_wait3A_84 : memref<1x128xi32, #tpu.memory_space<vmem>> -> memref<128xi32, #tpu.memory_space<vmem>>
        %dma_wait3A_86 = arith.constant 0 : i32
        %dma_wait3A_87 = arith.constant 0 : i32
        %dma_wait3A_88 = tpu.memref_slice %arg13[%dma_wait3A_86, %dma_wait3A_87] : memref<10240x128xf32, #tpu.memory_space<vmem_shared>> -> memref<10240x128xf32, #tpu.memory_space<vmem_shared>>
        tpu.wait_indirect_dma semaphore(%run_scoped3A : memref<!tpu.dma_semaphore, #tpu.memory_space<semaphore_mem>>) src(%arg9 : memref<128x128xf32, #tpu.memory_space<vmem>>) dst(%dma_wait3A_88 : memref<10240x128xf32, #tpu.memory_space<vmem_shared>>)
        tpu.yield
      }) : () -> ()
      %mul3A_62 = arith.constant 2 : i32
      %mul3A_63 = arith.muli %scan3A_50, %mul3A_62 : i32
      %add3A_64 = arith.constant 1 : i32
      %add3A_65 = arith.addi %mul3A_63, %add3A_64 : i32
      %dma_wait3A_66 = arith.constant 0 : i32
      %dma_wait3A_67 = tpu.memref_slice %arg7[%add3A_65, %dma_wait3A_66] : memref<40x128xi32, #tpu.memory_space<vmem>> -> memref<1x128xi32, #tpu.memory_space<vmem>>
      %dma_wait3A_68 = tpu.memref_squeeze %dma_wait3A_67 : memref<1x128xi32, #tpu.memory_space<vmem>> -> memref<128xi32, #tpu.memory_space<vmem>>
      %dma_wait3A_69 = arith.constant 0 : i32
      %dma_wait3A_70 = arith.constant 0 : i32
      %dma_wait3A_71 = tpu.memref_slice %arg2[%dma_wait3A_69, %dma_wait3A_70] : memref<10240x128xf32, #tpu.memory_space<hbm>> -> memref<10240x128xf32, #tpu.memory_space<hbm>>
      tpu.wait_indirect_dma semaphore(%arg12 : memref<!tpu.dma_semaphore, #tpu.memory_space<semaphore_mem>>) src(%dma_wait3A_71 : memref<10240x128xf32, #tpu.memory_space<hbm>>) dst(%arg10 : memref<128x128xf32, #tpu.memory_space<vmem>>)
      %lt3A_72 = arith.constant 39 : i32
      %lt3A_73 = arith.cmpi slt, %add3A_65, %lt3A_72 : i32
      %convert_element_type3A_74 = arith.extui %lt3A_73 : i1 to i32
      %cond3A_75 = arith.constant 0 : i32
      %cond3A_76 = arith.cmpi ne, %convert_element_type3A_74, %cond3A_75 : i32
      scf.if %cond3A_76 {
        %add3A_77 = arith.constant 1 : i32
        %add3A_78 = arith.addi %add3A_65, %add3A_77 : i32
        %dma_start3A_79 = arith.constant 0 : i32
        %dma_start3A_80 = tpu.memref_slice %arg7[%add3A_78, %dma_start3A_79] : memref<40x128xi32, #tpu.memory_space<vmem>> -> memref<1x128xi32, #tpu.memory_space<vmem>>
        %dma_start3A_81 = tpu.memref_squeeze %dma_start3A_80 : memref<1x128xi32, #tpu.memory_space<vmem>> -> memref<128xi32, #tpu.memory_space<vmem>>
        %dma_start3A_82 = arith.constant 0 : i32
        %dma_start3A_83 = arith.constant 0 : i32
        %dma_start3A_84 = tpu.memref_slice %arg2[%dma_start3A_82, %dma_start3A_83] : memref<10240x128xf32, #tpu.memory_space<hbm>> -> memref<10240x128xf32, #tpu.memory_space<hbm>>
        tpu.enqueue_indirect_dma source(%dma_start3A_84 : memref<10240x128xf32, #tpu.memory_space<hbm>>) target(%arg9 : memref<128x128xf32, #tpu.memory_space<vmem>>) offsets(%dma_start3A_81 : memref<128xi32, #tpu.memory_space<vmem>>) semaphore(%arg11 : memref<!tpu.dma_semaphore, #tpu.memory_space<semaphore_mem>>)
      } else {
      }
      "tpu.region"() ({
        %run_scoped3A = tpu.sem_alloc : memref<!tpu.dma_semaphore, #tpu.memory_space<semaphore_mem>>
        %dma_start3A_77 = arith.constant 0 : i32
        %dma_start3A_78 = tpu.memref_slice %arg8[%add3A_65, %dma_start3A_77] : memref<40x128xi32, #tpu.memory_space<vmem>> -> memref<1x128xi32, #tpu.memory_space<vmem>>
        %dma_start3A_79 = tpu.memref_squeeze %dma_start3A_78 : memref<1x128xi32, #tpu.memory_space<vmem>> -> memref<128xi32, #tpu.memory_space<vmem>>
        %dma_start3A_80 = arith.constant 0 : i32
        %dma_start3A_81 = arith.constant 0 : i32
        %dma_start3A_82 = tpu.memref_slice %arg13[%dma_start3A_80, %dma_start3A_81] : memref<10240x128xf32, #tpu.memory_space<vmem_shared>> -> memref<10240x128xf32, #tpu.memory_space<vmem_shared>>
        tpu.enqueue_indirect_dma source(%arg10 : memref<128x128xf32, #tpu.memory_space<vmem>>) target(%dma_start3A_82 : memref<10240x128xf32, #tpu.memory_space<vmem_shared>>) offsets(%dma_start3A_79 : memref<128xi32, #tpu.memory_space<vmem>>) semaphore(%run_scoped3A : memref<!tpu.dma_semaphore, #tpu.memory_space<semaphore_mem>>) {add = true}
        %dma_wait3A_83 = arith.constant 0 : i32
        %dma_wait3A_84 = tpu.memref_slice %arg8[%add3A_65, %dma_wait3A_83] : memref<40x128xi32, #tpu.memory_space<vmem>> -> memref<1x128xi32, #tpu.memory_space<vmem>>
        %dma_wait3A_85 = tpu.memref_squeeze %dma_wait3A_84 : memref<1x128xi32, #tpu.memory_space<vmem>> -> memref<128xi32, #tpu.memory_space<vmem>>
        %dma_wait3A_86 = arith.constant 0 : i32
        %dma_wait3A_87 = arith.constant 0 : i32
        %dma_wait3A_88 = tpu.memref_slice %arg13[%dma_wait3A_86, %dma_wait3A_87] : memref<10240x128xf32, #tpu.memory_space<vmem_shared>> -> memref<10240x128xf32, #tpu.memory_space<vmem_shared>>
        tpu.wait_indirect_dma semaphore(%run_scoped3A : memref<!tpu.dma_semaphore, #tpu.memory_space<semaphore_mem>>) src(%arg10 : memref<128x128xf32, #tpu.memory_space<vmem>>) dst(%dma_wait3A_88 : memref<10240x128xf32, #tpu.memory_space<vmem_shared>>)
        tpu.yield
      }) : () -> ()
    }
    %scan3A_23 = arith.constant 20 : i32
    %mul3A_24 = arith.constant 80 : i32
    %mul3A_25 = arith.muli %add3A, %mul3A_24 : i32
    %add3A_26 = arith.constant 40 : i32
    %add3A_27 = arith.addi %mul3A_25, %add3A_26 : i32
    "tpu.region"() ({
      %run_scoped3A = tpu.sem_alloc : memref<!tpu.dma_semaphore, #tpu.memory_space<semaphore_mem>>
      %dma_start3A_50 = arith.constant 0 : i32
      %dma_start3A_51 = tpu.memref_slice %arg3[%add3A_27, %dma_start3A_50] : memref<2560x128xi32, #tpu.memory_space<hbm>> -> memref<40x128xi32, #tpu.memory_space<hbm>>
      %dma_start3A_52 = arith.constant 0 : i32
      %dma_start3A_53 = tpu.memref_slice %arg3[%add3A_27, %dma_start3A_52] : memref<2560x128xi32, #tpu.memory_space<hbm>> -> memref<40x128xi32, #tpu.memory_space<hbm>>
      tpu.enqueue_dma source(%dma_start3A_53 : memref<40x128xi32, #tpu.memory_space<hbm>>) target(%arg7 : memref<40x128xi32, #tpu.memory_space<vmem>>) target_semaphore(%run_scoped3A : memref<!tpu.dma_semaphore, #tpu.memory_space<semaphore_mem>>)
      %dma_wait3A = arith.constant 0 : i32
      %dma_wait3A_54 = tpu.memref_slice %arg3[%add3A_27, %dma_wait3A] : memref<2560x128xi32, #tpu.memory_space<hbm>> -> memref<40x128xi32, #tpu.memory_space<hbm>>
      %dma_wait3A_55 = arith.constant 0 : i32
      %dma_wait3A_56 = tpu.memref_slice %arg3[%add3A_27, %dma_wait3A_55] : memref<2560x128xi32, #tpu.memory_space<hbm>> -> memref<40x128xi32, #tpu.memory_space<hbm>>
      tpu.wait_dma2 semaphore(%run_scoped3A : memref<!tpu.dma_semaphore, #tpu.memory_space<semaphore_mem>>) src(%dma_wait3A_56 : memref<40x128xi32, #tpu.memory_space<hbm>>) dst(%arg7 : memref<40x128xi32, #tpu.memory_space<vmem>>)
      tpu.yield
    }) : () -> ()
    %mul3A_28 = arith.constant 80 : i32
    %mul3A_29 = arith.muli %add3A, %mul3A_28 : i32
    %add3A_30 = arith.constant 40 : i32
    %add3A_31 = arith.addi %mul3A_29, %add3A_30 : i32
    "tpu.region"() ({
      %run_scoped3A = tpu.sem_alloc : memref<!tpu.dma_semaphore, #tpu.memory_space<semaphore_mem>>
      %dma_start3A_50 = arith.constant 0 : i32
      %dma_start3A_51 = tpu.memref_slice %arg4[%add3A_31, %dma_start3A_50] : memref<2560x128xi32, #tpu.memory_space<hbm>> -> memref<40x128xi32, #tpu.memory_space<hbm>>
      %dma_start3A_52 = arith.constant 0 : i32
      %dma_start3A_53 = tpu.memref_slice %arg4[%add3A_31, %dma_start3A_52] : memref<2560x128xi32, #tpu.memory_space<hbm>> -> memref<40x128xi32, #tpu.memory_space<hbm>>
      tpu.enqueue_dma source(%dma_start3A_53 : memref<40x128xi32, #tpu.memory_space<hbm>>) target(%arg8 : memref<40x128xi32, #tpu.memory_space<vmem>>) target_semaphore(%run_scoped3A : memref<!tpu.dma_semaphore, #tpu.memory_space<semaphore_mem>>)
      %dma_wait3A = arith.constant 0 : i32
      %dma_wait3A_54 = tpu.memref_slice %arg4[%add3A_31, %dma_wait3A] : memref<2560x128xi32, #tpu.memory_space<hbm>> -> memref<40x128xi32, #tpu.memory_space<hbm>>
      %dma_wait3A_55 = arith.constant 0 : i32
      %dma_wait3A_56 = tpu.memref_slice %arg4[%add3A_31, %dma_wait3A_55] : memref<2560x128xi32, #tpu.memory_space<hbm>> -> memref<40x128xi32, #tpu.memory_space<hbm>>
      tpu.wait_dma2 semaphore(%run_scoped3A : memref<!tpu.dma_semaphore, #tpu.memory_space<semaphore_mem>>) src(%dma_wait3A_56 : memref<40x128xi32, #tpu.memory_space<hbm>>) dst(%arg8 : memref<40x128xi32, #tpu.memory_space<vmem>>)
      tpu.yield
    }) : () -> ()
    %dma_start3A_32 = arith.constant 0 : i32
    %dma_start3A_33 = arith.constant 0 : i32
    %dma_start3A_34 = tpu.memref_slice %arg7[%dma_start3A_32, %dma_start3A_33] : memref<40x128xi32, #tpu.memory_space<vmem>> -> memref<1x128xi32, #tpu.memory_space<vmem>>
    %dma_start3A_35 = tpu.memref_squeeze %dma_start3A_34 : memref<1x128xi32, #tpu.memory_space<vmem>> -> memref<128xi32, #tpu.memory_space<vmem>>
    %dma_start3A_36 = arith.constant 0 : i32
    %dma_start3A_37 = arith.constant 0 : i32
    %dma_start3A_38 = tpu.memref_slice %arg2[%dma_start3A_36, %dma_start3A_37] : memref<10240x128xf32, #tpu.memory_space<hbm>> -> memref<10240x128xf32, #tpu.memory_space<hbm>>
    tpu.enqueue_indirect_dma source(%dma_start3A_38 : memref<10240x128xf32, #tpu.memory_space<hbm>>) target(%arg9 : memref<128x128xf32, #tpu.memory_space<vmem>>) offsets(%dma_start3A_35 : memref<128xi32, #tpu.memory_space<vmem>>) semaphore(%arg11 : memref<!tpu.dma_semaphore, #tpu.memory_space<semaphore_mem>>)
    %scan3A_39 = arith.constant 0 : i32
    %scan3A_40 = arith.constant 0 : i32
    %scan3A_41 = arith.constant 20 : i32
    %scan3A_42 = arith.addi %scan3A_40, %scan3A_41 : i32
    %scan3A_43 = arith.constant 1 : i32
    scf.for %scan3A_50 = %scan3A_40 to %scan3A_42 step %scan3A_43  : i32 {
      %mul3A_51 = arith.constant 2 : i32
      %mul3A_52 = arith.muli %scan3A_50, %mul3A_51 : i32
      %add3A_53 = arith.constant 0 : i32
      %add3A_54 = arith.addi %mul3A_52, %add3A_53 : i32
      %dma_wait3A = arith.constant 0 : i32
      %dma_wait3A_55 = tpu.memref_slice %arg7[%add3A_54, %dma_wait3A] : memref<40x128xi32, #tpu.memory_space<vmem>> -> memref<1x128xi32, #tpu.memory_space<vmem>>
      %dma_wait3A_56 = tpu.memref_squeeze %dma_wait3A_55 : memref<1x128xi32, #tpu.memory_space<vmem>> -> memref<128xi32, #tpu.memory_space<vmem>>
      %dma_wait3A_57 = arith.constant 0 : i32
      %dma_wait3A_58 = arith.constant 0 : i32
      %dma_wait3A_59 = tpu.memref_slice %arg2[%dma_wait3A_57, %dma_wait3A_58] : memref<10240x128xf32, #tpu.memory_space<hbm>> -> memref<10240x128xf32, #tpu.memory_space<hbm>>
      tpu.wait_indirect_dma semaphore(%arg11 : memref<!tpu.dma_semaphore, #tpu.memory_space<semaphore_mem>>) src(%dma_wait3A_59 : memref<10240x128xf32, #tpu.memory_space<hbm>>) dst(%arg9 : memref<128x128xf32, #tpu.memory_space<vmem>>)
      %lt3A = arith.constant 39 : i32
      %lt3A_60 = arith.cmpi slt, %add3A_54, %lt3A : i32
      %convert_element_type3A = arith.extui %lt3A_60 : i1 to i32
      %cond3A = arith.constant 0 : i32
      %cond3A_61 = arith.cmpi ne, %convert_element_type3A, %cond3A : i32
      scf.if %cond3A_61 {
        %add3A_77 = arith.constant 1 : i32
        %add3A_78 = arith.addi %add3A_54, %add3A_77 : i32
        %dma_start3A_79 = arith.constant 0 : i32
        %dma_start3A_80 = tpu.memref_slice %arg7[%add3A_78, %dma_start3A_79] : memref<40x128xi32, #tpu.memory_space<vmem>> -> memref<1x128xi32, #tpu.memory_space<vmem>>
        %dma_start3A_81 = tpu.memref_squeeze %dma_start3A_80 : memref<1x128xi32, #tpu.memory_space<vmem>> -> memref<128xi32, #tpu.memory_space<vmem>>
        %dma_start3A_82 = arith.constant 0 : i32
        %dma_start3A_83 = arith.constant 0 : i32
        %dma_start3A_84 = tpu.memref_slice %arg2[%dma_start3A_82, %dma_start3A_83] : memref<10240x128xf32, #tpu.memory_space<hbm>> -> memref<10240x128xf32, #tpu.memory_space<hbm>>
        tpu.enqueue_indirect_dma source(%dma_start3A_84 : memref<10240x128xf32, #tpu.memory_space<hbm>>) target(%arg10 : memref<128x128xf32, #tpu.memory_space<vmem>>) offsets(%dma_start3A_81 : memref<128xi32, #tpu.memory_space<vmem>>) semaphore(%arg12 : memref<!tpu.dma_semaphore, #tpu.memory_space<semaphore_mem>>)
      } else {
      }
      "tpu.region"() ({
        %run_scoped3A = tpu.sem_alloc : memref<!tpu.dma_semaphore, #tpu.memory_space<semaphore_mem>>
        %dma_start3A_77 = arith.constant 0 : i32
        %dma_start3A_78 = tpu.memref_slice %arg8[%add3A_54, %dma_start3A_77] : memref<40x128xi32, #tpu.memory_space<vmem>> -> memref<1x128xi32, #tpu.memory_space<vmem>>
        %dma_start3A_79 = tpu.memref_squeeze %dma_start3A_78 : memref<1x128xi32, #tpu.memory_space<vmem>> -> memref<128xi32, #tpu.memory_space<vmem>>
        %dma_start3A_80 = arith.constant 0 : i32
        %dma_start3A_81 = arith.constant 0 : i32
        %dma_start3A_82 = tpu.memref_slice %arg13[%dma_start3A_80, %dma_start3A_81] : memref<10240x128xf32, #tpu.memory_space<vmem_shared>> -> memref<10240x128xf32, #tpu.memory_space<vmem_shared>>
        tpu.enqueue_indirect_dma source(%arg9 : memref<128x128xf32, #tpu.memory_space<vmem>>) target(%dma_start3A_82 : memref<10240x128xf32, #tpu.memory_space<vmem_shared>>) offsets(%dma_start3A_79 : memref<128xi32, #tpu.memory_space<vmem>>) semaphore(%run_scoped3A : memref<!tpu.dma_semaphore, #tpu.memory_space<semaphore_mem>>) {add = true}
        %dma_wait3A_83 = arith.constant 0 : i32
        %dma_wait3A_84 = tpu.memref_slice %arg8[%add3A_54, %dma_wait3A_83] : memref<40x128xi32, #tpu.memory_space<vmem>> -> memref<1x128xi32, #tpu.memory_space<vmem>>
        %dma_wait3A_85 = tpu.memref_squeeze %dma_wait3A_84 : memref<1x128xi32, #tpu.memory_space<vmem>> -> memref<128xi32, #tpu.memory_space<vmem>>
        %dma_wait3A_86 = arith.constant 0 : i32
        %dma_wait3A_87 = arith.constant 0 : i32
        %dma_wait3A_88 = tpu.memref_slice %arg13[%dma_wait3A_86, %dma_wait3A_87] : memref<10240x128xf32, #tpu.memory_space<vmem_shared>> -> memref<10240x128xf32, #tpu.memory_space<vmem_shared>>
        tpu.wait_indirect_dma semaphore(%run_scoped3A : memref<!tpu.dma_semaphore, #tpu.memory_space<semaphore_mem>>) src(%arg9 : memref<128x128xf32, #tpu.memory_space<vmem>>) dst(%dma_wait3A_88 : memref<10240x128xf32, #tpu.memory_space<vmem_shared>>)
        tpu.yield
      }) : () -> ()
      %mul3A_62 = arith.constant 2 : i32
      %mul3A_63 = arith.muli %scan3A_50, %mul3A_62 : i32
      %add3A_64 = arith.constant 1 : i32
      %add3A_65 = arith.addi %mul3A_63, %add3A_64 : i32
      %dma_wait3A_66 = arith.constant 0 : i32
      %dma_wait3A_67 = tpu.memref_slice %arg7[%add3A_65, %dma_wait3A_66] : memref<40x128xi32, #tpu.memory_space<vmem>> -> memref<1x128xi32, #tpu.memory_space<vmem>>
      %dma_wait3A_68 = tpu.memref_squeeze %dma_wait3A_67 : memref<1x128xi32, #tpu.memory_space<vmem>> -> memref<128xi32, #tpu.memory_space<vmem>>
      %dma_wait3A_69 = arith.constant 0 : i32
      %dma_wait3A_70 = arith.constant 0 : i32
      %dma_wait3A_71 = tpu.memref_slice %arg2[%dma_wait3A_69, %dma_wait3A_70] : memref<10240x128xf32, #tpu.memory_space<hbm>> -> memref<10240x128xf32, #tpu.memory_space<hbm>>
      tpu.wait_indirect_dma semaphore(%arg12 : memref<!tpu.dma_semaphore, #tpu.memory_space<semaphore_mem>>) src(%dma_wait3A_71 : memref<10240x128xf32, #tpu.memory_space<hbm>>) dst(%arg10 : memref<128x128xf32, #tpu.memory_space<vmem>>)
      %lt3A_72 = arith.constant 39 : i32
      %lt3A_73 = arith.cmpi slt, %add3A_65, %lt3A_72 : i32
      %convert_element_type3A_74 = arith.extui %lt3A_73 : i1 to i32
      %cond3A_75 = arith.constant 0 : i32
      %cond3A_76 = arith.cmpi ne, %convert_element_type3A_74, %cond3A_75 : i32
      scf.if %cond3A_76 {
        %add3A_77 = arith.constant 1 : i32
        %add3A_78 = arith.addi %add3A_65, %add3A_77 : i32
        %dma_start3A_79 = arith.constant 0 : i32
        %dma_start3A_80 = tpu.memref_slice %arg7[%add3A_78, %dma_start3A_79] : memref<40x128xi32, #tpu.memory_space<vmem>> -> memref<1x128xi32, #tpu.memory_space<vmem>>
        %dma_start3A_81 = tpu.memref_squeeze %dma_start3A_80 : memref<1x128xi32, #tpu.memory_space<vmem>> -> memref<128xi32, #tpu.memory_space<vmem>>
        %dma_start3A_82 = arith.constant 0 : i32
        %dma_start3A_83 = arith.constant 0 : i32
        %dma_start3A_84 = tpu.memref_slice %arg2[%dma_start3A_82, %dma_start3A_83] : memref<10240x128xf32, #tpu.memory_space<hbm>> -> memref<10240x128xf32, #tpu.memory_space<hbm>>
        tpu.enqueue_indirect_dma source(%dma_start3A_84 : memref<10240x128xf32, #tpu.memory_space<hbm>>) target(%arg9 : memref<128x128xf32, #tpu.memory_space<vmem>>) offsets(%dma_start3A_81 : memref<128xi32, #tpu.memory_space<vmem>>) semaphore(%arg11 : memref<!tpu.dma_semaphore, #tpu.memory_space<semaphore_mem>>)
      } else {
      }
      "tpu.region"() ({
        %run_scoped3A = tpu.sem_alloc : memref<!tpu.dma_semaphore, #tpu.memory_space<semaphore_mem>>
        %dma_start3A_77 = arith.constant 0 : i32
        %dma_start3A_78 = tpu.memref_slice %arg8[%add3A_65, %dma_start3A_77] : memref<40x128xi32, #tpu.memory_space<vmem>> -> memref<1x128xi32, #tpu.memory_space<vmem>>
        %dma_start3A_79 = tpu.memref_squeeze %dma_start3A_78 : memref<1x128xi32, #tpu.memory_space<vmem>> -> memref<128xi32, #tpu.memory_space<vmem>>
        %dma_start3A_80 = arith.constant 0 : i32
        %dma_start3A_81 = arith.constant 0 : i32
        %dma_start3A_82 = tpu.memref_slice %arg13[%dma_start3A_80, %dma_start3A_81] : memref<10240x128xf32, #tpu.memory_space<vmem_shared>> -> memref<10240x128xf32, #tpu.memory_space<vmem_shared>>
        tpu.enqueue_indirect_dma source(%arg10 : memref<128x128xf32, #tpu.memory_space<vmem>>) target(%dma_start3A_82 : memref<10240x128xf32, #tpu.memory_space<vmem_shared>>) offsets(%dma_start3A_79 : memref<128xi32, #tpu.memory_space<vmem>>) semaphore(%run_scoped3A : memref<!tpu.dma_semaphore, #tpu.memory_space<semaphore_mem>>) {add = true}
        %dma_wait3A_83 = arith.constant 0 : i32
        %dma_wait3A_84 = tpu.memref_slice %arg8[%add3A_65, %dma_wait3A_83] : memref<40x128xi32, #tpu.memory_space<vmem>> -> memref<1x128xi32, #tpu.memory_space<vmem>>
        %dma_wait3A_85 = tpu.memref_squeeze %dma_wait3A_84 : memref<1x128xi32, #tpu.memory_space<vmem>> -> memref<128xi32, #tpu.memory_space<vmem>>
        %dma_wait3A_86 = arith.constant 0 : i32
        %dma_wait3A_87 = arith.constant 0 : i32
        %dma_wait3A_88 = tpu.memref_slice %arg13[%dma_wait3A_86, %dma_wait3A_87] : memref<10240x128xf32, #tpu.memory_space<vmem_shared>> -> memref<10240x128xf32, #tpu.memory_space<vmem_shared>>
        tpu.wait_indirect_dma semaphore(%run_scoped3A : memref<!tpu.dma_semaphore, #tpu.memory_space<semaphore_mem>>) src(%arg10 : memref<128x128xf32, #tpu.memory_space<vmem>>) dst(%dma_wait3A_88 : memref<10240x128xf32, #tpu.memory_space<vmem_shared>>)
        tpu.yield
      }) : () -> ()
    }
    %scan3A_44 = arith.constant 20 : i32
    %barrier3A_45 = arith.constant 0 : index
    tpu.barrier barrier_id(%barrier3A_45)
    %mul3A_46 = arith.constant 640 : i32
    %mul3A_47 = arith.muli %arg1, %mul3A_46 : i32
    %mul3A_48 = arith.constant 640 : i32
    %mul3A_49 = arith.muli %arg1, %mul3A_48 : i32
    "tpu.region"() ({
      %run_scoped3A = tpu.sem_alloc : memref<!tpu.dma_semaphore, #tpu.memory_space<semaphore_mem>>
      %dma_start3A_50 = arith.constant 0 : i32
      %dma_start3A_51 = arith.constant 0 : i32
      %dma_start3A_52 = tpu.memref_slice %arg6[%arg0, %dma_start3A_50, %dma_start3A_51] : memref<2x10240x128xf32, #tpu.memory_space<hbm>> -> memref<1x10240x128xf32, #tpu.memory_space<hbm>>
      %dma_start3A_53 = tpu.memref_squeeze %dma_start3A_52 : memref<1x10240x128xf32, #tpu.memory_space<hbm>> -> memref<10240x128xf32, #tpu.memory_space<hbm>>
      %dma_start3A_54 = arith.constant 0 : i32
      %dma_start3A_55 = tpu.memref_slice %dma_start3A_53[%mul3A_49, %dma_start3A_54] : memref<10240x128xf32, #tpu.memory_space<hbm>> -> memref<640x128xf32, #tpu.memory_space<hbm>>
      %dma_start3A_56 = arith.constant 0 : i32
      %dma_start3A_57 = tpu.memref_slice %arg13[%mul3A_47, %dma_start3A_56] : memref<10240x128xf32, #tpu.memory_space<vmem_shared>> -> memref<640x128xf32, #tpu.memory_space<vmem_shared>>
      tpu.enqueue_dma source(%dma_start3A_57 : memref<640x128xf32, #tpu.memory_space<vmem_shared>>) target(%dma_start3A_55 : memref<640x128xf32, #tpu.memory_space<hbm>>) target_semaphore(%run_scoped3A : memref<!tpu.dma_semaphore, #tpu.memory_space<semaphore_mem>>)
      %dma_wait3A = arith.constant 0 : i32
      %dma_wait3A_58 = arith.constant 0 : i32
      %dma_wait3A_59 = tpu.memref_slice %arg6[%arg0, %dma_wait3A, %dma_wait3A_58] : memref<2x10240x128xf32, #tpu.memory_space<hbm>> -> memref<1x10240x128xf32, #tpu.memory_space<hbm>>
      %dma_wait3A_60 = tpu.memref_squeeze %dma_wait3A_59 : memref<1x10240x128xf32, #tpu.memory_space<hbm>> -> memref<10240x128xf32, #tpu.memory_space<hbm>>
      %dma_wait3A_61 = arith.constant 0 : i32
      %dma_wait3A_62 = tpu.memref_slice %dma_wait3A_60[%mul3A_49, %dma_wait3A_61] : memref<10240x128xf32, #tpu.memory_space<hbm>> -> memref<640x128xf32, #tpu.memory_space<hbm>>
      %dma_wait3A_63 = arith.constant 0 : i32
      %dma_wait3A_64 = tpu.memref_slice %arg13[%mul3A_47, %dma_wait3A_63] : memref<10240x128xf32, #tpu.memory_space<vmem_shared>> -> memref<640x128xf32, #tpu.memory_space<vmem_shared>>
      tpu.wait_dma2 semaphore(%run_scoped3A : memref<!tpu.dma_semaphore, #tpu.memory_space<semaphore_mem>>) src(%dma_wait3A_64 : memref<640x128xf32, #tpu.memory_space<vmem_shared>>) dst(%dma_wait3A_62 : memref<640x128xf32, #tpu.memory_space<hbm>>)
      tpu.yield
    }) : () -> ()
    return
  }
}

#map = affine_map<(d0, d1) -> (0, 0)>
#map1 = affine_map<(d0, d1) -> (0, 0, 0)>
module attributes {stable_mosaic.version = 14 : i64} {
  func.func @_sc_agg_body(%arg0: i32, %arg1: i32, %arg2: memref<10240x128xf32, #tpu.memory_space<hbm>>, %arg3: memref<2560x128xi32, #tpu.memory_space<hbm>>, %arg4: memref<2560x128xi32, #tpu.memory_space<hbm>>, %arg5: memref<10240x128xf32, #tpu.memory_space<hbm>>, %arg6: memref<2x10240x128xf32, #tpu.memory_space<hbm>>, %arg7: memref<40x128xi32, #tpu.memory_space<vmem>>, %arg8: memref<40x128xi32, #tpu.memory_space<vmem>>, %arg9: memref<128x128xf32, #tpu.memory_space<vmem>>, %arg10: memref<128x128xf32, #tpu.memory_space<vmem>>, %arg11: memref<!tpu.dma_semaphore, #tpu.memory_space<semaphore_mem>>, %arg12: memref<!tpu.dma_semaphore, #tpu.memory_space<semaphore_mem>>, %arg13: memref<10240x128xf32, #tpu.memory_space<vmem_shared>>) attributes {dimension_semantics = [#tpu.dimension_semantics<core_parallel>, #tpu.dimension_semantics<subcore_parallel>], iteration_bounds = array<i64: 2, 16>, scalar_prefetch = 0 : i64, scratch_operands = 7 : i64, tpu.core_type = #tpu.core_type<sc_vector_subcore>, window_params = [{transform_indices = #map}, {transform_indices = #map}, {transform_indices = #map}, {transform_indices = #map}, {transform_indices = #map1}]} {
    %mul3A = arith.constant 2 : i32
    %mul3A_0 = arith.muli %arg1, %mul3A : i32
    %add3A = arith.addi %mul3A_0, %arg0 : i32
    %mul3A_1 = arith.constant 640 : i32
    %mul3A_2 = arith.muli %arg1, %mul3A_1 : i32
    %mul3A_3 = arith.constant 640 : i32
    %mul3A_4 = arith.muli %arg1, %mul3A_3 : i32
    "tpu.region"() ({
      %run_scoped3A = tpu.sem_alloc : memref<!tpu.dma_semaphore, #tpu.memory_space<semaphore_mem>>
      %dma_start3A_50 = arith.constant 0 : i32
      %dma_start3A_51 = tpu.memref_slice %arg13[%mul3A_4, %dma_start3A_50] : memref<10240x128xf32, #tpu.memory_space<vmem_shared>> -> memref<640x128xf32, #tpu.memory_space<vmem_shared>>
      %dma_start3A_52 = arith.constant 0 : i32
      %dma_start3A_53 = tpu.memref_slice %arg5[%mul3A_2, %dma_start3A_52] : memref<10240x128xf32, #tpu.memory_space<hbm>> -> memref<640x128xf32, #tpu.memory_space<hbm>>
      tpu.enqueue_dma source(%dma_start3A_53 : memref<640x128xf32, #tpu.memory_space<hbm>>) target(%dma_start3A_51 : memref<640x128xf32, #tpu.memory_space<vmem_shared>>) target_semaphore(%run_scoped3A : memref<!tpu.dma_semaphore, #tpu.memory_space<semaphore_mem>>)
      %dma_wait3A = arith.constant 0 : i32
      %dma_wait3A_54 = tpu.memref_slice %arg13[%mul3A_4, %dma_wait3A] : memref<10240x128xf32, #tpu.memory_space<vmem_shared>> -> memref<640x128xf32, #tpu.memory_space<vmem_shared>>
      %dma_wait3A_55 = arith.constant 0 : i32
      %dma_wait3A_56 = tpu.memref_slice %arg5[%mul3A_2, %dma_wait3A_55] : memref<10240x128xf32, #tpu.memory_space<hbm>> -> memref<640x128xf32, #tpu.memory_space<hbm>>
      tpu.wait_dma2 semaphore(%run_scoped3A : memref<!tpu.dma_semaphore, #tpu.memory_space<semaphore_mem>>) src(%dma_wait3A_56 : memref<640x128xf32, #tpu.memory_space<hbm>>) dst(%dma_wait3A_54 : memref<640x128xf32, #tpu.memory_space<vmem_shared>>)
      tpu.yield
    }) : () -> ()
    %barrier3A = arith.constant 0 : index
    tpu.barrier barrier_id(%barrier3A)
    %mul3A_5 = arith.constant 80 : i32
    %mul3A_6 = arith.muli %add3A, %mul3A_5 : i32
    %add3A_7 = arith.constant 0 : i32
    %add3A_8 = arith.addi %mul3A_6, %add3A_7 : i32
    "tpu.region"() ({
      %run_scoped3A = tpu.sem_alloc : memref<!tpu.dma_semaphore, #tpu.memory_space<semaphore_mem>>
      %dma_start3A_50 = arith.constant 0 : i32
      %dma_start3A_51 = tpu.memref_slice %arg3[%add3A_8, %dma_start3A_50] : memref<2560x128xi32, #tpu.memory_space<hbm>> -> memref<40x128xi32, #tpu.memory_space<hbm>>
      %dma_start3A_52 = arith.constant 0 : i32
      %dma_start3A_53 = tpu.memref_slice %arg3[%add3A_8, %dma_start3A_52] : memref<2560x128xi32, #tpu.memory_space<hbm>> -> memref<40x128xi32, #tpu.memory_space<hbm>>
      tpu.enqueue_dma source(%dma_start3A_53 : memref<40x128xi32, #tpu.memory_space<hbm>>) target(%arg7 : memref<40x128xi32, #tpu.memory_space<vmem>>) target_semaphore(%run_scoped3A : memref<!tpu.dma_semaphore, #tpu.memory_space<semaphore_mem>>)
      %dma_wait3A = arith.constant 0 : i32
      %dma_wait3A_54 = tpu.memref_slice %arg3[%add3A_8, %dma_wait3A] : memref<2560x128xi32, #tpu.memory_space<hbm>> -> memref<40x128xi32, #tpu.memory_space<hbm>>
      %dma_wait3A_55 = arith.constant 0 : i32
      %dma_wait3A_56 = tpu.memref_slice %arg3[%add3A_8, %dma_wait3A_55] : memref<2560x128xi32, #tpu.memory_space<hbm>> -> memref<40x128xi32, #tpu.memory_space<hbm>>
      tpu.wait_dma2 semaphore(%run_scoped3A : memref<!tpu.dma_semaphore, #tpu.memory_space<semaphore_mem>>) src(%dma_wait3A_56 : memref<40x128xi32, #tpu.memory_space<hbm>>) dst(%arg7 : memref<40x128xi32, #tpu.memory_space<vmem>>)
      tpu.yield
    }) : () -> ()
    %mul3A_9 = arith.constant 80 : i32
    %mul3A_10 = arith.muli %add3A, %mul3A_9 : i32
    %add3A_11 = arith.constant 0 : i32
    %add3A_12 = arith.addi %mul3A_10, %add3A_11 : i32
    "tpu.region"() ({
      %run_scoped3A = tpu.sem_alloc : memref<!tpu.dma_semaphore, #tpu.memory_space<semaphore_mem>>
      %dma_start3A_50 = arith.constant 0 : i32
      %dma_start3A_51 = tpu.memref_slice %arg4[%add3A_12, %dma_start3A_50] : memref<2560x128xi32, #tpu.memory_space<hbm>> -> memref<40x128xi32, #tpu.memory_space<hbm>>
      %dma_start3A_52 = arith.constant 0 : i32
      %dma_start3A_53 = tpu.memref_slice %arg4[%add3A_12, %dma_start3A_52] : memref<2560x128xi32, #tpu.memory_space<hbm>> -> memref<40x128xi32, #tpu.memory_space<hbm>>
      tpu.enqueue_dma source(%dma_start3A_53 : memref<40x128xi32, #tpu.memory_space<hbm>>) target(%arg8 : memref<40x128xi32, #tpu.memory_space<vmem>>) target_semaphore(%run_scoped3A : memref<!tpu.dma_semaphore, #tpu.memory_space<semaphore_mem>>)
      %dma_wait3A = arith.constant 0 : i32
      %dma_wait3A_54 = tpu.memref_slice %arg4[%add3A_12, %dma_wait3A] : memref<2560x128xi32, #tpu.memory_space<hbm>> -> memref<40x128xi32, #tpu.memory_space<hbm>>
      %dma_wait3A_55 = arith.constant 0 : i32
      %dma_wait3A_56 = tpu.memref_slice %arg4[%add3A_12, %dma_wait3A_55] : memref<2560x128xi32, #tpu.memory_space<hbm>> -> memref<40x128xi32, #tpu.memory_space<hbm>>
      tpu.wait_dma2 semaphore(%run_scoped3A : memref<!tpu.dma_semaphore, #tpu.memory_space<semaphore_mem>>) src(%dma_wait3A_56 : memref<40x128xi32, #tpu.memory_space<hbm>>) dst(%arg8 : memref<40x128xi32, #tpu.memory_space<vmem>>)
      tpu.yield
    }) : () -> ()
    %dma_start3A = arith.constant 0 : i32
    %dma_start3A_13 = arith.constant 0 : i32
    %dma_start3A_14 = tpu.memref_slice %arg7[%dma_start3A, %dma_start3A_13] : memref<40x128xi32, #tpu.memory_space<vmem>> -> memref<1x128xi32, #tpu.memory_space<vmem>>
    %dma_start3A_15 = tpu.memref_squeeze %dma_start3A_14 : memref<1x128xi32, #tpu.memory_space<vmem>> -> memref<128xi32, #tpu.memory_space<vmem>>
    %dma_start3A_16 = arith.constant 0 : i32
    %dma_start3A_17 = arith.constant 0 : i32
    %dma_start3A_18 = tpu.memref_slice %arg2[%dma_start3A_16, %dma_start3A_17] : memref<10240x128xf32, #tpu.memory_space<hbm>> -> memref<10240x128xf32, #tpu.memory_space<hbm>>
    tpu.enqueue_indirect_dma source(%dma_start3A_18 : memref<10240x128xf32, #tpu.memory_space<hbm>>) target(%arg9 : memref<128x128xf32, #tpu.memory_space<vmem>>) offsets(%dma_start3A_15 : memref<128xi32, #tpu.memory_space<vmem>>) semaphore(%arg11 : memref<!tpu.dma_semaphore, #tpu.memory_space<semaphore_mem>>)
    %scan3A = arith.constant 0 : i32
    %scan3A_19 = arith.constant 0 : i32
    %scan3A_20 = arith.constant 20 : i32
    %scan3A_21 = arith.addi %scan3A_19, %scan3A_20 : i32
    %scan3A_22 = arith.constant 1 : i32
    scf.for %scan3A_50 = %scan3A_19 to %scan3A_21 step %scan3A_22  : i32 {
      %mul3A_51 = arith.constant 2 : i32
      %mul3A_52 = arith.muli %scan3A_50, %mul3A_51 : i32
      %add3A_53 = arith.constant 0 : i32
      %add3A_54 = arith.addi %mul3A_52, %add3A_53 : i32
      %dma_wait3A = arith.constant 0 : i32
      %dma_wait3A_55 = tpu.memref_slice %arg7[%add3A_54, %dma_wait3A] : memref<40x128xi32, #tpu.memory_space<vmem>> -> memref<1x128xi32, #tpu.memory_space<vmem>>
      %dma_wait3A_56 = tpu.memref_squeeze %dma_wait3A_55 : memref<1x128xi32, #tpu.memory_space<vmem>> -> memref<128xi32, #tpu.memory_space<vmem>>
      %dma_wait3A_57 = arith.constant 0 : i32
      %dma_wait3A_58 = arith.constant 0 : i32
      %dma_wait3A_59 = tpu.memref_slice %arg2[%dma_wait3A_57, %dma_wait3A_58] : memref<10240x128xf32, #tpu.memory_space<hbm>> -> memref<10240x128xf32, #tpu.memory_space<hbm>>
      tpu.wait_indirect_dma semaphore(%arg11 : memref<!tpu.dma_semaphore, #tpu.memory_space<semaphore_mem>>) src(%dma_wait3A_59 : memref<10240x128xf32, #tpu.memory_space<hbm>>) dst(%arg9 : memref<128x128xf32, #tpu.memory_space<vmem>>)
      %lt3A = arith.constant 39 : i32
      %lt3A_60 = arith.cmpi slt, %add3A_54, %lt3A : i32
      %convert_element_type3A = arith.extui %lt3A_60 : i1 to i32
      %cond3A = arith.constant 0 : i32
      %cond3A_61 = arith.cmpi ne, %convert_element_type3A, %cond3A : i32
      scf.if %cond3A_61 {
        %add3A_77 = arith.constant 1 : i32
        %add3A_78 = arith.addi %add3A_54, %add3A_77 : i32
        %dma_start3A_79 = arith.constant 0 : i32
        %dma_start3A_80 = tpu.memref_slice %arg7[%add3A_78, %dma_start3A_79] : memref<40x128xi32, #tpu.memory_space<vmem>> -> memref<1x128xi32, #tpu.memory_space<vmem>>
        %dma_start3A_81 = tpu.memref_squeeze %dma_start3A_80 : memref<1x128xi32, #tpu.memory_space<vmem>> -> memref<128xi32, #tpu.memory_space<vmem>>
        %dma_start3A_82 = arith.constant 0 : i32
        %dma_start3A_83 = arith.constant 0 : i32
        %dma_start3A_84 = tpu.memref_slice %arg2[%dma_start3A_82, %dma_start3A_83] : memref<10240x128xf32, #tpu.memory_space<hbm>> -> memref<10240x128xf32, #tpu.memory_space<hbm>>
        tpu.enqueue_indirect_dma source(%dma_start3A_84 : memref<10240x128xf32, #tpu.memory_space<hbm>>) target(%arg10 : memref<128x128xf32, #tpu.memory_space<vmem>>) offsets(%dma_start3A_81 : memref<128xi32, #tpu.memory_space<vmem>>) semaphore(%arg12 : memref<!tpu.dma_semaphore, #tpu.memory_space<semaphore_mem>>)
      } else {
      }
      "tpu.region"() ({
        %run_scoped3A = tpu.sem_alloc : memref<!tpu.dma_semaphore, #tpu.memory_space<semaphore_mem>>
        %dma_start3A_77 = arith.constant 0 : i32
        %dma_start3A_78 = tpu.memref_slice %arg8[%add3A_54, %dma_start3A_77] : memref<40x128xi32, #tpu.memory_space<vmem>> -> memref<1x128xi32, #tpu.memory_space<vmem>>
        %dma_start3A_79 = tpu.memref_squeeze %dma_start3A_78 : memref<1x128xi32, #tpu.memory_space<vmem>> -> memref<128xi32, #tpu.memory_space<vmem>>
        %dma_start3A_80 = arith.constant 0 : i32
        %dma_start3A_81 = arith.constant 0 : i32
        %dma_start3A_82 = tpu.memref_slice %arg13[%dma_start3A_80, %dma_start3A_81] : memref<10240x128xf32, #tpu.memory_space<vmem_shared>> -> memref<10240x128xf32, #tpu.memory_space<vmem_shared>>
        tpu.enqueue_indirect_dma source(%arg9 : memref<128x128xf32, #tpu.memory_space<vmem>>) target(%dma_start3A_82 : memref<10240x128xf32, #tpu.memory_space<vmem_shared>>) offsets(%dma_start3A_79 : memref<128xi32, #tpu.memory_space<vmem>>) semaphore(%run_scoped3A : memref<!tpu.dma_semaphore, #tpu.memory_space<semaphore_mem>>) {add = true}
        %dma_wait3A_83 = arith.constant 0 : i32
        %dma_wait3A_84 = tpu.memref_slice %arg8[%add3A_54, %dma_wait3A_83] : memref<40x128xi32, #tpu.memory_space<vmem>> -> memref<1x128xi32, #tpu.memory_space<vmem>>
        %dma_wait3A_85 = tpu.memref_squeeze %dma_wait3A_84 : memref<1x128xi32, #tpu.memory_space<vmem>> -> memref<128xi32, #tpu.memory_space<vmem>>
        %dma_wait3A_86 = arith.constant 0 : i32
        %dma_wait3A_87 = arith.constant 0 : i32
        %dma_wait3A_88 = tpu.memref_slice %arg13[%dma_wait3A_86, %dma_wait3A_87] : memref<10240x128xf32, #tpu.memory_space<vmem_shared>> -> memref<10240x128xf32, #tpu.memory_space<vmem_shared>>
        tpu.wait_indirect_dma semaphore(%run_scoped3A : memref<!tpu.dma_semaphore, #tpu.memory_space<semaphore_mem>>) src(%arg9 : memref<128x128xf32, #tpu.memory_space<vmem>>) dst(%dma_wait3A_88 : memref<10240x128xf32, #tpu.memory_space<vmem_shared>>)
        tpu.yield
      }) : () -> ()
      %mul3A_62 = arith.constant 2 : i32
      %mul3A_63 = arith.muli %scan3A_50, %mul3A_62 : i32
      %add3A_64 = arith.constant 1 : i32
      %add3A_65 = arith.addi %mul3A_63, %add3A_64 : i32
      %dma_wait3A_66 = arith.constant 0 : i32
      %dma_wait3A_67 = tpu.memref_slice %arg7[%add3A_65, %dma_wait3A_66] : memref<40x128xi32, #tpu.memory_space<vmem>> -> memref<1x128xi32, #tpu.memory_space<vmem>>
      %dma_wait3A_68 = tpu.memref_squeeze %dma_wait3A_67 : memref<1x128xi32, #tpu.memory_space<vmem>> -> memref<128xi32, #tpu.memory_space<vmem>>
      %dma_wait3A_69 = arith.constant 0 : i32
      %dma_wait3A_70 = arith.constant 0 : i32
      %dma_wait3A_71 = tpu.memref_slice %arg2[%dma_wait3A_69, %dma_wait3A_70] : memref<10240x128xf32, #tpu.memory_space<hbm>> -> memref<10240x128xf32, #tpu.memory_space<hbm>>
      tpu.wait_indirect_dma semaphore(%arg12 : memref<!tpu.dma_semaphore, #tpu.memory_space<semaphore_mem>>) src(%dma_wait3A_71 : memref<10240x128xf32, #tpu.memory_space<hbm>>) dst(%arg10 : memref<128x128xf32, #tpu.memory_space<vmem>>)
      %lt3A_72 = arith.constant 39 : i32
      %lt3A_73 = arith.cmpi slt, %add3A_65, %lt3A_72 : i32
      %convert_element_type3A_74 = arith.extui %lt3A_73 : i1 to i32
      %cond3A_75 = arith.constant 0 : i32
      %cond3A_76 = arith.cmpi ne, %convert_element_type3A_74, %cond3A_75 : i32
      scf.if %cond3A_76 {
        %add3A_77 = arith.constant 1 : i32
        %add3A_78 = arith.addi %add3A_65, %add3A_77 : i32
        %dma_start3A_79 = arith.constant 0 : i32
        %dma_start3A_80 = tpu.memref_slice %arg7[%add3A_78, %dma_start3A_79] : memref<40x128xi32, #tpu.memory_space<vmem>> -> memref<1x128xi32, #tpu.memory_space<vmem>>
        %dma_start3A_81 = tpu.memref_squeeze %dma_start3A_80 : memref<1x128xi32, #tpu.memory_space<vmem>> -> memref<128xi32, #tpu.memory_space<vmem>>
        %dma_start3A_82 = arith.constant 0 : i32
        %dma_start3A_83 = arith.constant 0 : i32
        %dma_start3A_84 = tpu.memref_slice %arg2[%dma_start3A_82, %dma_start3A_83] : memref<10240x128xf32, #tpu.memory_space<hbm>> -> memref<10240x128xf32, #tpu.memory_space<hbm>>
        tpu.enqueue_indirect_dma source(%dma_start3A_84 : memref<10240x128xf32, #tpu.memory_space<hbm>>) target(%arg9 : memref<128x128xf32, #tpu.memory_space<vmem>>) offsets(%dma_start3A_81 : memref<128xi32, #tpu.memory_space<vmem>>) semaphore(%arg11 : memref<!tpu.dma_semaphore, #tpu.memory_space<semaphore_mem>>)
      } else {
      }
      "tpu.region"() ({
        %run_scoped3A = tpu.sem_alloc : memref<!tpu.dma_semaphore, #tpu.memory_space<semaphore_mem>>
        %dma_start3A_77 = arith.constant 0 : i32
        %dma_start3A_78 = tpu.memref_slice %arg8[%add3A_65, %dma_start3A_77] : memref<40x128xi32, #tpu.memory_space<vmem>> -> memref<1x128xi32, #tpu.memory_space<vmem>>
        %dma_start3A_79 = tpu.memref_squeeze %dma_start3A_78 : memref<1x128xi32, #tpu.memory_space<vmem>> -> memref<128xi32, #tpu.memory_space<vmem>>
        %dma_start3A_80 = arith.constant 0 : i32
        %dma_start3A_81 = arith.constant 0 : i32
        %dma_start3A_82 = tpu.memref_slice %arg13[%dma_start3A_80, %dma_start3A_81] : memref<10240x128xf32, #tpu.memory_space<vmem_shared>> -> memref<10240x128xf32, #tpu.memory_space<vmem_shared>>
        tpu.enqueue_indirect_dma source(%arg10 : memref<128x128xf32, #tpu.memory_space<vmem>>) target(%dma_start3A_82 : memref<10240x128xf32, #tpu.memory_space<vmem_shared>>) offsets(%dma_start3A_79 : memref<128xi32, #tpu.memory_space<vmem>>) semaphore(%run_scoped3A : memref<!tpu.dma_semaphore, #tpu.memory_space<semaphore_mem>>) {add = true}
        %dma_wait3A_83 = arith.constant 0 : i32
        %dma_wait3A_84 = tpu.memref_slice %arg8[%add3A_65, %dma_wait3A_83] : memref<40x128xi32, #tpu.memory_space<vmem>> -> memref<1x128xi32, #tpu.memory_space<vmem>>
        %dma_wait3A_85 = tpu.memref_squeeze %dma_wait3A_84 : memref<1x128xi32, #tpu.memory_space<vmem>> -> memref<128xi32, #tpu.memory_space<vmem>>
        %dma_wait3A_86 = arith.constant 0 : i32
        %dma_wait3A_87 = arith.constant 0 : i32
        %dma_wait3A_88 = tpu.memref_slice %arg13[%dma_wait3A_86, %dma_wait3A_87] : memref<10240x128xf32, #tpu.memory_space<vmem_shared>> -> memref<10240x128xf32, #tpu.memory_space<vmem_shared>>
        tpu.wait_indirect_dma semaphore(%run_scoped3A : memref<!tpu.dma_semaphore, #tpu.memory_space<semaphore_mem>>) src(%arg10 : memref<128x128xf32, #tpu.memory_space<vmem>>) dst(%dma_wait3A_88 : memref<10240x128xf32, #tpu.memory_space<vmem_shared>>)
        tpu.yield
      }) : () -> ()
    }
    %scan3A_23 = arith.constant 20 : i32
    %mul3A_24 = arith.constant 80 : i32
    %mul3A_25 = arith.muli %add3A, %mul3A_24 : i32
    %add3A_26 = arith.constant 40 : i32
    %add3A_27 = arith.addi %mul3A_25, %add3A_26 : i32
    "tpu.region"() ({
      %run_scoped3A = tpu.sem_alloc : memref<!tpu.dma_semaphore, #tpu.memory_space<semaphore_mem>>
      %dma_start3A_50 = arith.constant 0 : i32
      %dma_start3A_51 = tpu.memref_slice %arg3[%add3A_27, %dma_start3A_50] : memref<2560x128xi32, #tpu.memory_space<hbm>> -> memref<40x128xi32, #tpu.memory_space<hbm>>
      %dma_start3A_52 = arith.constant 0 : i32
      %dma_start3A_53 = tpu.memref_slice %arg3[%add3A_27, %dma_start3A_52] : memref<2560x128xi32, #tpu.memory_space<hbm>> -> memref<40x128xi32, #tpu.memory_space<hbm>>
      tpu.enqueue_dma source(%dma_start3A_53 : memref<40x128xi32, #tpu.memory_space<hbm>>) target(%arg7 : memref<40x128xi32, #tpu.memory_space<vmem>>) target_semaphore(%run_scoped3A : memref<!tpu.dma_semaphore, #tpu.memory_space<semaphore_mem>>)
      %dma_wait3A = arith.constant 0 : i32
      %dma_wait3A_54 = tpu.memref_slice %arg3[%add3A_27, %dma_wait3A] : memref<2560x128xi32, #tpu.memory_space<hbm>> -> memref<40x128xi32, #tpu.memory_space<hbm>>
      %dma_wait3A_55 = arith.constant 0 : i32
      %dma_wait3A_56 = tpu.memref_slice %arg3[%add3A_27, %dma_wait3A_55] : memref<2560x128xi32, #tpu.memory_space<hbm>> -> memref<40x128xi32, #tpu.memory_space<hbm>>
      tpu.wait_dma2 semaphore(%run_scoped3A : memref<!tpu.dma_semaphore, #tpu.memory_space<semaphore_mem>>) src(%dma_wait3A_56 : memref<40x128xi32, #tpu.memory_space<hbm>>) dst(%arg7 : memref<40x128xi32, #tpu.memory_space<vmem>>)
      tpu.yield
    }) : () -> ()
    %mul3A_28 = arith.constant 80 : i32
    %mul3A_29 = arith.muli %add3A, %mul3A_28 : i32
    %add3A_30 = arith.constant 40 : i32
    %add3A_31 = arith.addi %mul3A_29, %add3A_30 : i32
    "tpu.region"() ({
      %run_scoped3A = tpu.sem_alloc : memref<!tpu.dma_semaphore, #tpu.memory_space<semaphore_mem>>
      %dma_start3A_50 = arith.constant 0 : i32
      %dma_start3A_51 = tpu.memref_slice %arg4[%add3A_31, %dma_start3A_50] : memref<2560x128xi32, #tpu.memory_space<hbm>> -> memref<40x128xi32, #tpu.memory_space<hbm>>
      %dma_start3A_52 = arith.constant 0 : i32
      %dma_start3A_53 = tpu.memref_slice %arg4[%add3A_31, %dma_start3A_52] : memref<2560x128xi32, #tpu.memory_space<hbm>> -> memref<40x128xi32, #tpu.memory_space<hbm>>
      tpu.enqueue_dma source(%dma_start3A_53 : memref<40x128xi32, #tpu.memory_space<hbm>>) target(%arg8 : memref<40x128xi32, #tpu.memory_space<vmem>>) target_semaphore(%run_scoped3A : memref<!tpu.dma_semaphore, #tpu.memory_space<semaphore_mem>>)
      %dma_wait3A = arith.constant 0 : i32
      %dma_wait3A_54 = tpu.memref_slice %arg4[%add3A_31, %dma_wait3A] : memref<2560x128xi32, #tpu.memory_space<hbm>> -> memref<40x128xi32, #tpu.memory_space<hbm>>
      %dma_wait3A_55 = arith.constant 0 : i32
      %dma_wait3A_56 = tpu.memref_slice %arg4[%add3A_31, %dma_wait3A_55] : memref<2560x128xi32, #tpu.memory_space<hbm>> -> memref<40x128xi32, #tpu.memory_space<hbm>>
      tpu.wait_dma2 semaphore(%run_scoped3A : memref<!tpu.dma_semaphore, #tpu.memory_space<semaphore_mem>>) src(%dma_wait3A_56 : memref<40x128xi32, #tpu.memory_space<hbm>>) dst(%arg8 : memref<40x128xi32, #tpu.memory_space<vmem>>)
      tpu.yield
    }) : () -> ()
    %dma_start3A_32 = arith.constant 0 : i32
    %dma_start3A_33 = arith.constant 0 : i32
    %dma_start3A_34 = tpu.memref_slice %arg7[%dma_start3A_32, %dma_start3A_33] : memref<40x128xi32, #tpu.memory_space<vmem>> -> memref<1x128xi32, #tpu.memory_space<vmem>>
    %dma_start3A_35 = tpu.memref_squeeze %dma_start3A_34 : memref<1x128xi32, #tpu.memory_space<vmem>> -> memref<128xi32, #tpu.memory_space<vmem>>
    %dma_start3A_36 = arith.constant 0 : i32
    %dma_start3A_37 = arith.constant 0 : i32
    %dma_start3A_38 = tpu.memref_slice %arg2[%dma_start3A_36, %dma_start3A_37] : memref<10240x128xf32, #tpu.memory_space<hbm>> -> memref<10240x128xf32, #tpu.memory_space<hbm>>
    tpu.enqueue_indirect_dma source(%dma_start3A_38 : memref<10240x128xf32, #tpu.memory_space<hbm>>) target(%arg9 : memref<128x128xf32, #tpu.memory_space<vmem>>) offsets(%dma_start3A_35 : memref<128xi32, #tpu.memory_space<vmem>>) semaphore(%arg11 : memref<!tpu.dma_semaphore, #tpu.memory_space<semaphore_mem>>)
    %scan3A_39 = arith.constant 0 : i32
    %scan3A_40 = arith.constant 0 : i32
    %scan3A_41 = arith.constant 20 : i32
    %scan3A_42 = arith.addi %scan3A_40, %scan3A_41 : i32
    %scan3A_43 = arith.constant 1 : i32
    scf.for %scan3A_50 = %scan3A_40 to %scan3A_42 step %scan3A_43  : i32 {
      %mul3A_51 = arith.constant 2 : i32
      %mul3A_52 = arith.muli %scan3A_50, %mul3A_51 : i32
      %add3A_53 = arith.constant 0 : i32
      %add3A_54 = arith.addi %mul3A_52, %add3A_53 : i32
      %dma_wait3A = arith.constant 0 : i32
      %dma_wait3A_55 = tpu.memref_slice %arg7[%add3A_54, %dma_wait3A] : memref<40x128xi32, #tpu.memory_space<vmem>> -> memref<1x128xi32, #tpu.memory_space<vmem>>
      %dma_wait3A_56 = tpu.memref_squeeze %dma_wait3A_55 : memref<1x128xi32, #tpu.memory_space<vmem>> -> memref<128xi32, #tpu.memory_space<vmem>>
      %dma_wait3A_57 = arith.constant 0 : i32
      %dma_wait3A_58 = arith.constant 0 : i32
      %dma_wait3A_59 = tpu.memref_slice %arg2[%dma_wait3A_57, %dma_wait3A_58] : memref<10240x128xf32, #tpu.memory_space<hbm>> -> memref<10240x128xf32, #tpu.memory_space<hbm>>
      tpu.wait_indirect_dma semaphore(%arg11 : memref<!tpu.dma_semaphore, #tpu.memory_space<semaphore_mem>>) src(%dma_wait3A_59 : memref<10240x128xf32, #tpu.memory_space<hbm>>) dst(%arg9 : memref<128x128xf32, #tpu.memory_space<vmem>>)
      %lt3A = arith.constant 39 : i32
      %lt3A_60 = arith.cmpi slt, %add3A_54, %lt3A : i32
      %convert_element_type3A = arith.extui %lt3A_60 : i1 to i32
      %cond3A = arith.constant 0 : i32
      %cond3A_61 = arith.cmpi ne, %convert_element_type3A, %cond3A : i32
      scf.if %cond3A_61 {
        %add3A_77 = arith.constant 1 : i32
        %add3A_78 = arith.addi %add3A_54, %add3A_77 : i32
        %dma_start3A_79 = arith.constant 0 : i32
        %dma_start3A_80 = tpu.memref_slice %arg7[%add3A_78, %dma_start3A_79] : memref<40x128xi32, #tpu.memory_space<vmem>> -> memref<1x128xi32, #tpu.memory_space<vmem>>
        %dma_start3A_81 = tpu.memref_squeeze %dma_start3A_80 : memref<1x128xi32, #tpu.memory_space<vmem>> -> memref<128xi32, #tpu.memory_space<vmem>>
        %dma_start3A_82 = arith.constant 0 : i32
        %dma_start3A_83 = arith.constant 0 : i32
        %dma_start3A_84 = tpu.memref_slice %arg2[%dma_start3A_82, %dma_start3A_83] : memref<10240x128xf32, #tpu.memory_space<hbm>> -> memref<10240x128xf32, #tpu.memory_space<hbm>>
        tpu.enqueue_indirect_dma source(%dma_start3A_84 : memref<10240x128xf32, #tpu.memory_space<hbm>>) target(%arg10 : memref<128x128xf32, #tpu.memory_space<vmem>>) offsets(%dma_start3A_81 : memref<128xi32, #tpu.memory_space<vmem>>) semaphore(%arg12 : memref<!tpu.dma_semaphore, #tpu.memory_space<semaphore_mem>>)
      } else {
      }
      "tpu.region"() ({
        %run_scoped3A = tpu.sem_alloc : memref<!tpu.dma_semaphore, #tpu.memory_space<semaphore_mem>>
        %dma_start3A_77 = arith.constant 0 : i32
        %dma_start3A_78 = tpu.memref_slice %arg8[%add3A_54, %dma_start3A_77] : memref<40x128xi32, #tpu.memory_space<vmem>> -> memref<1x128xi32, #tpu.memory_space<vmem>>
        %dma_start3A_79 = tpu.memref_squeeze %dma_start3A_78 : memref<1x128xi32, #tpu.memory_space<vmem>> -> memref<128xi32, #tpu.memory_space<vmem>>
        %dma_start3A_80 = arith.constant 0 : i32
        %dma_start3A_81 = arith.constant 0 : i32
        %dma_start3A_82 = tpu.memref_slice %arg13[%dma_start3A_80, %dma_start3A_81] : memref<10240x128xf32, #tpu.memory_space<vmem_shared>> -> memref<10240x128xf32, #tpu.memory_space<vmem_shared>>
        tpu.enqueue_indirect_dma source(%arg9 : memref<128x128xf32, #tpu.memory_space<vmem>>) target(%dma_start3A_82 : memref<10240x128xf32, #tpu.memory_space<vmem_shared>>) offsets(%dma_start3A_79 : memref<128xi32, #tpu.memory_space<vmem>>) semaphore(%run_scoped3A : memref<!tpu.dma_semaphore, #tpu.memory_space<semaphore_mem>>) {add = true}
        %dma_wait3A_83 = arith.constant 0 : i32
        %dma_wait3A_84 = tpu.memref_slice %arg8[%add3A_54, %dma_wait3A_83] : memref<40x128xi32, #tpu.memory_space<vmem>> -> memref<1x128xi32, #tpu.memory_space<vmem>>
        %dma_wait3A_85 = tpu.memref_squeeze %dma_wait3A_84 : memref<1x128xi32, #tpu.memory_space<vmem>> -> memref<128xi32, #tpu.memory_space<vmem>>
        %dma_wait3A_86 = arith.constant 0 : i32
        %dma_wait3A_87 = arith.constant 0 : i32
        %dma_wait3A_88 = tpu.memref_slice %arg13[%dma_wait3A_86, %dma_wait3A_87] : memref<10240x128xf32, #tpu.memory_space<vmem_shared>> -> memref<10240x128xf32, #tpu.memory_space<vmem_shared>>
        tpu.wait_indirect_dma semaphore(%run_scoped3A : memref<!tpu.dma_semaphore, #tpu.memory_space<semaphore_mem>>) src(%arg9 : memref<128x128xf32, #tpu.memory_space<vmem>>) dst(%dma_wait3A_88 : memref<10240x128xf32, #tpu.memory_space<vmem_shared>>)
        tpu.yield
      }) : () -> ()
      %mul3A_62 = arith.constant 2 : i32
      %mul3A_63 = arith.muli %scan3A_50, %mul3A_62 : i32
      %add3A_64 = arith.constant 1 : i32
      %add3A_65 = arith.addi %mul3A_63, %add3A_64 : i32
      %dma_wait3A_66 = arith.constant 0 : i32
      %dma_wait3A_67 = tpu.memref_slice %arg7[%add3A_65, %dma_wait3A_66] : memref<40x128xi32, #tpu.memory_space<vmem>> -> memref<1x128xi32, #tpu.memory_space<vmem>>
      %dma_wait3A_68 = tpu.memref_squeeze %dma_wait3A_67 : memref<1x128xi32, #tpu.memory_space<vmem>> -> memref<128xi32, #tpu.memory_space<vmem>>
      %dma_wait3A_69 = arith.constant 0 : i32
      %dma_wait3A_70 = arith.constant 0 : i32
      %dma_wait3A_71 = tpu.memref_slice %arg2[%dma_wait3A_69, %dma_wait3A_70] : memref<10240x128xf32, #tpu.memory_space<hbm>> -> memref<10240x128xf32, #tpu.memory_space<hbm>>
      tpu.wait_indirect_dma semaphore(%arg12 : memref<!tpu.dma_semaphore, #tpu.memory_space<semaphore_mem>>) src(%dma_wait3A_71 : memref<10240x128xf32, #tpu.memory_space<hbm>>) dst(%arg10 : memref<128x128xf32, #tpu.memory_space<vmem>>)
      %lt3A_72 = arith.constant 39 : i32
      %lt3A_73 = arith.cmpi slt, %add3A_65, %lt3A_72 : i32
      %convert_element_type3A_74 = arith.extui %lt3A_73 : i1 to i32
      %cond3A_75 = arith.constant 0 : i32
      %cond3A_76 = arith.cmpi ne, %convert_element_type3A_74, %cond3A_75 : i32
      scf.if %cond3A_76 {
        %add3A_77 = arith.constant 1 : i32
        %add3A_78 = arith.addi %add3A_65, %add3A_77 : i32
        %dma_start3A_79 = arith.constant 0 : i32
        %dma_start3A_80 = tpu.memref_slice %arg7[%add3A_78, %dma_start3A_79] : memref<40x128xi32, #tpu.memory_space<vmem>> -> memref<1x128xi32, #tpu.memory_space<vmem>>
        %dma_start3A_81 = tpu.memref_squeeze %dma_start3A_80 : memref<1x128xi32, #tpu.memory_space<vmem>> -> memref<128xi32, #tpu.memory_space<vmem>>
        %dma_start3A_82 = arith.constant 0 : i32
        %dma_start3A_83 = arith.constant 0 : i32
        %dma_start3A_84 = tpu.memref_slice %arg2[%dma_start3A_82, %dma_start3A_83] : memref<10240x128xf32, #tpu.memory_space<hbm>> -> memref<10240x128xf32, #tpu.memory_space<hbm>>
        tpu.enqueue_indirect_dma source(%dma_start3A_84 : memref<10240x128xf32, #tpu.memory_space<hbm>>) target(%arg9 : memref<128x128xf32, #tpu.memory_space<vmem>>) offsets(%dma_start3A_81 : memref<128xi32, #tpu.memory_space<vmem>>) semaphore(%arg11 : memref<!tpu.dma_semaphore, #tpu.memory_space<semaphore_mem>>)
      } else {
      }
      "tpu.region"() ({
        %run_scoped3A = tpu.sem_alloc : memref<!tpu.dma_semaphore, #tpu.memory_space<semaphore_mem>>
        %dma_start3A_77 = arith.constant 0 : i32
        %dma_start3A_78 = tpu.memref_slice %arg8[%add3A_65, %dma_start3A_77] : memref<40x128xi32, #tpu.memory_space<vmem>> -> memref<1x128xi32, #tpu.memory_space<vmem>>
        %dma_start3A_79 = tpu.memref_squeeze %dma_start3A_78 : memref<1x128xi32, #tpu.memory_space<vmem>> -> memref<128xi32, #tpu.memory_space<vmem>>
        %dma_start3A_80 = arith.constant 0 : i32
        %dma_start3A_81 = arith.constant 0 : i32
        %dma_start3A_82 = tpu.memref_slice %arg13[%dma_start3A_80, %dma_start3A_81] : memref<10240x128xf32, #tpu.memory_space<vmem_shared>> -> memref<10240x128xf32, #tpu.memory_space<vmem_shared>>
        tpu.enqueue_indirect_dma source(%arg10 : memref<128x128xf32, #tpu.memory_space<vmem>>) target(%dma_start3A_82 : memref<10240x128xf32, #tpu.memory_space<vmem_shared>>) offsets(%dma_start3A_79 : memref<128xi32, #tpu.memory_space<vmem>>) semaphore(%run_scoped3A : memref<!tpu.dma_semaphore, #tpu.memory_space<semaphore_mem>>) {add = true}
        %dma_wait3A_83 = arith.constant 0 : i32
        %dma_wait3A_84 = tpu.memref_slice %arg8[%add3A_65, %dma_wait3A_83] : memref<40x128xi32, #tpu.memory_space<vmem>> -> memref<1x128xi32, #tpu.memory_space<vmem>>
        %dma_wait3A_85 = tpu.memref_squeeze %dma_wait3A_84 : memref<1x128xi32, #tpu.memory_space<vmem>> -> memref<128xi32, #tpu.memory_space<vmem>>
        %dma_wait3A_86 = arith.constant 0 : i32
        %dma_wait3A_87 = arith.constant 0 : i32
        %dma_wait3A_88 = tpu.memref_slice %arg13[%dma_wait3A_86, %dma_wait3A_87] : memref<10240x128xf32, #tpu.memory_space<vmem_shared>> -> memref<10240x128xf32, #tpu.memory_space<vmem_shared>>
        tpu.wait_indirect_dma semaphore(%run_scoped3A : memref<!tpu.dma_semaphore, #tpu.memory_space<semaphore_mem>>) src(%arg10 : memref<128x128xf32, #tpu.memory_space<vmem>>) dst(%dma_wait3A_88 : memref<10240x128xf32, #tpu.memory_space<vmem_shared>>)
        tpu.yield
      }) : () -> ()
    }
    %scan3A_44 = arith.constant 20 : i32
    %barrier3A_45 = arith.constant 0 : index
    tpu.barrier barrier_id(%barrier3A_45)
    %mul3A_46 = arith.constant 640 : i32
    %mul3A_47 = arith.muli %arg1, %mul3A_46 : i32
    %mul3A_48 = arith.constant 640 : i32
    %mul3A_49 = arith.muli %arg1, %mul3A_48 : i32
    "tpu.region"() ({
      %run_scoped3A = tpu.sem_alloc : memref<!tpu.dma_semaphore, #tpu.memory_space<semaphore_mem>>
      %dma_start3A_50 = arith.constant 0 : i32
      %dma_start3A_51 = arith.constant 0 : i32
      %dma_start3A_52 = tpu.memref_slice %arg6[%arg0, %dma_start3A_50, %dma_start3A_51] : memref<2x10240x128xf32, #tpu.memory_space<hbm>> -> memref<1x10240x128xf32, #tpu.memory_space<hbm>>
      %dma_start3A_53 = tpu.memref_squeeze %dma_start3A_52 : memref<1x10240x128xf32, #tpu.memory_space<hbm>> -> memref<10240x128xf32, #tpu.memory_space<hbm>>
      %dma_start3A_54 = arith.constant 0 : i32
      %dma_start3A_55 = tpu.memref_slice %dma_start3A_53[%mul3A_49, %dma_start3A_54] : memref<10240x128xf32, #tpu.memory_space<hbm>> -> memref<640x128xf32, #tpu.memory_space<hbm>>
      %dma_start3A_56 = arith.constant 0 : i32
      %dma_start3A_57 = tpu.memref_slice %arg13[%mul3A_47, %dma_start3A_56] : memref<10240x128xf32, #tpu.memory_space<vmem_shared>> -> memref<640x128xf32, #tpu.memory_space<vmem_shared>>
      tpu.enqueue_dma source(%dma_start3A_57 : memref<640x128xf32, #tpu.memory_space<vmem_shared>>) target(%dma_start3A_55 : memref<640x128xf32, #tpu.memory_space<hbm>>) target_semaphore(%run_scoped3A : memref<!tpu.dma_semaphore, #tpu.memory_space<semaphore_mem>>)
      %dma_wait3A = arith.constant 0 : i32
      %dma_wait3A_58 = arith.constant 0 : i32
      %dma_wait3A_59 = tpu.memref_slice %arg6[%arg0, %dma_wait3A, %dma_wait3A_58] : memref<2x10240x128xf32, #tpu.memory_space<hbm>> -> memref<1x10240x128xf32, #tpu.memory_space<hbm>>
      %dma_wait3A_60 = tpu.memref_squeeze %dma_wait3A_59 : memref<1x10240x128xf32, #tpu.memory_space<hbm>> -> memref<10240x128xf32, #tpu.memory_space<hbm>>
      %dma_wait3A_61 = arith.constant 0 : i32
      %dma_wait3A_62 = tpu.memref_slice %dma_wait3A_60[%mul3A_49, %dma_wait3A_61] : memref<10240x128xf32, #tpu.memory_space<hbm>> -> memref<640x128xf32, #tpu.memory_space<hbm>>
      %dma_wait3A_63 = arith.constant 0 : i32
      %dma_wait3A_64 = tpu.memref_slice %arg13[%mul3A_47, %dma_wait3A_63] : memref<10240x128xf32, #tpu.memory_space<vmem_shared>> -> memref<640x128xf32, #tpu.memory_space<vmem_shared>>
      tpu.wait_dma2 semaphore(%run_scoped3A : memref<!tpu.dma_semaphore, #tpu.memory_space<semaphore_mem>>) src(%dma_wait3A_64 : memref<640x128xf32, #tpu.memory_space<vmem_shared>>) dst(%dma_wait3A_62 : memref<640x128xf32, #tpu.memory_space<hbm>>)
      tpu.yield
    }) : () -> ()
    return
  }
}

#map = affine_map<(d0, d1) -> (0, 0)>
#map1 = affine_map<(d0, d1) -> (0, 0, 0)>
module attributes {stable_mosaic.version = 14 : i64} {
  func.func @_sc_agg_body(%arg0: i32, %arg1: i32, %arg2: memref<10240x128xf32, #tpu.memory_space<hbm>>, %arg3: memref<2560x128xi32, #tpu.memory_space<hbm>>, %arg4: memref<2560x128xi32, #tpu.memory_space<hbm>>, %arg5: memref<10240x128xf32, #tpu.memory_space<hbm>>, %arg6: memref<2x10240x128xf32, #tpu.memory_space<hbm>>, %arg7: memref<40x128xi32, #tpu.memory_space<vmem>>, %arg8: memref<40x128xi32, #tpu.memory_space<vmem>>, %arg9: memref<128x128xf32, #tpu.memory_space<vmem>>, %arg10: memref<128x128xf32, #tpu.memory_space<vmem>>, %arg11: memref<!tpu.dma_semaphore, #tpu.memory_space<semaphore_mem>>, %arg12: memref<!tpu.dma_semaphore, #tpu.memory_space<semaphore_mem>>, %arg13: memref<10240x128xf32, #tpu.memory_space<vmem_shared>>) attributes {dimension_semantics = [#tpu.dimension_semantics<core_parallel>, #tpu.dimension_semantics<subcore_parallel>], iteration_bounds = array<i64: 2, 16>, scalar_prefetch = 0 : i64, scratch_operands = 7 : i64, tpu.core_type = #tpu.core_type<sc_vector_subcore>, window_params = [{transform_indices = #map}, {transform_indices = #map}, {transform_indices = #map}, {transform_indices = #map}, {transform_indices = #map1}]} {
    %mul3A = arith.constant 2 : i32
    %mul3A_0 = arith.muli %arg1, %mul3A : i32
    %add3A = arith.addi %mul3A_0, %arg0 : i32
    %mul3A_1 = arith.constant 640 : i32
    %mul3A_2 = arith.muli %arg1, %mul3A_1 : i32
    %mul3A_3 = arith.constant 640 : i32
    %mul3A_4 = arith.muli %arg1, %mul3A_3 : i32
    "tpu.region"() ({
      %run_scoped3A = tpu.sem_alloc : memref<!tpu.dma_semaphore, #tpu.memory_space<semaphore_mem>>
      %dma_start3A_50 = arith.constant 0 : i32
      %dma_start3A_51 = tpu.memref_slice %arg13[%mul3A_4, %dma_start3A_50] : memref<10240x128xf32, #tpu.memory_space<vmem_shared>> -> memref<640x128xf32, #tpu.memory_space<vmem_shared>>
      %dma_start3A_52 = arith.constant 0 : i32
      %dma_start3A_53 = tpu.memref_slice %arg5[%mul3A_2, %dma_start3A_52] : memref<10240x128xf32, #tpu.memory_space<hbm>> -> memref<640x128xf32, #tpu.memory_space<hbm>>
      tpu.enqueue_dma source(%dma_start3A_53 : memref<640x128xf32, #tpu.memory_space<hbm>>) target(%dma_start3A_51 : memref<640x128xf32, #tpu.memory_space<vmem_shared>>) target_semaphore(%run_scoped3A : memref<!tpu.dma_semaphore, #tpu.memory_space<semaphore_mem>>)
      %dma_wait3A = arith.constant 0 : i32
      %dma_wait3A_54 = tpu.memref_slice %arg13[%mul3A_4, %dma_wait3A] : memref<10240x128xf32, #tpu.memory_space<vmem_shared>> -> memref<640x128xf32, #tpu.memory_space<vmem_shared>>
      %dma_wait3A_55 = arith.constant 0 : i32
      %dma_wait3A_56 = tpu.memref_slice %arg5[%mul3A_2, %dma_wait3A_55] : memref<10240x128xf32, #tpu.memory_space<hbm>> -> memref<640x128xf32, #tpu.memory_space<hbm>>
      tpu.wait_dma2 semaphore(%run_scoped3A : memref<!tpu.dma_semaphore, #tpu.memory_space<semaphore_mem>>) src(%dma_wait3A_56 : memref<640x128xf32, #tpu.memory_space<hbm>>) dst(%dma_wait3A_54 : memref<640x128xf32, #tpu.memory_space<vmem_shared>>)
      tpu.yield
    }) : () -> ()
    %barrier3A = arith.constant 0 : index
    tpu.barrier barrier_id(%barrier3A)
    %mul3A_5 = arith.constant 80 : i32
    %mul3A_6 = arith.muli %add3A, %mul3A_5 : i32
    %add3A_7 = arith.constant 0 : i32
    %add3A_8 = arith.addi %mul3A_6, %add3A_7 : i32
    "tpu.region"() ({
      %run_scoped3A = tpu.sem_alloc : memref<!tpu.dma_semaphore, #tpu.memory_space<semaphore_mem>>
      %dma_start3A_50 = arith.constant 0 : i32
      %dma_start3A_51 = tpu.memref_slice %arg3[%add3A_8, %dma_start3A_50] : memref<2560x128xi32, #tpu.memory_space<hbm>> -> memref<40x128xi32, #tpu.memory_space<hbm>>
      %dma_start3A_52 = arith.constant 0 : i32
      %dma_start3A_53 = tpu.memref_slice %arg3[%add3A_8, %dma_start3A_52] : memref<2560x128xi32, #tpu.memory_space<hbm>> -> memref<40x128xi32, #tpu.memory_space<hbm>>
      tpu.enqueue_dma source(%dma_start3A_53 : memref<40x128xi32, #tpu.memory_space<hbm>>) target(%arg7 : memref<40x128xi32, #tpu.memory_space<vmem>>) target_semaphore(%run_scoped3A : memref<!tpu.dma_semaphore, #tpu.memory_space<semaphore_mem>>)
      %dma_wait3A = arith.constant 0 : i32
      %dma_wait3A_54 = tpu.memref_slice %arg3[%add3A_8, %dma_wait3A] : memref<2560x128xi32, #tpu.memory_space<hbm>> -> memref<40x128xi32, #tpu.memory_space<hbm>>
      %dma_wait3A_55 = arith.constant 0 : i32
      %dma_wait3A_56 = tpu.memref_slice %arg3[%add3A_8, %dma_wait3A_55] : memref<2560x128xi32, #tpu.memory_space<hbm>> -> memref<40x128xi32, #tpu.memory_space<hbm>>
      tpu.wait_dma2 semaphore(%run_scoped3A : memref<!tpu.dma_semaphore, #tpu.memory_space<semaphore_mem>>) src(%dma_wait3A_56 : memref<40x128xi32, #tpu.memory_space<hbm>>) dst(%arg7 : memref<40x128xi32, #tpu.memory_space<vmem>>)
      tpu.yield
    }) : () -> ()
    %mul3A_9 = arith.constant 80 : i32
    %mul3A_10 = arith.muli %add3A, %mul3A_9 : i32
    %add3A_11 = arith.constant 0 : i32
    %add3A_12 = arith.addi %mul3A_10, %add3A_11 : i32
    "tpu.region"() ({
      %run_scoped3A = tpu.sem_alloc : memref<!tpu.dma_semaphore, #tpu.memory_space<semaphore_mem>>
      %dma_start3A_50 = arith.constant 0 : i32
      %dma_start3A_51 = tpu.memref_slice %arg4[%add3A_12, %dma_start3A_50] : memref<2560x128xi32, #tpu.memory_space<hbm>> -> memref<40x128xi32, #tpu.memory_space<hbm>>
      %dma_start3A_52 = arith.constant 0 : i32
      %dma_start3A_53 = tpu.memref_slice %arg4[%add3A_12, %dma_start3A_52] : memref<2560x128xi32, #tpu.memory_space<hbm>> -> memref<40x128xi32, #tpu.memory_space<hbm>>
      tpu.enqueue_dma source(%dma_start3A_53 : memref<40x128xi32, #tpu.memory_space<hbm>>) target(%arg8 : memref<40x128xi32, #tpu.memory_space<vmem>>) target_semaphore(%run_scoped3A : memref<!tpu.dma_semaphore, #tpu.memory_space<semaphore_mem>>)
      %dma_wait3A = arith.constant 0 : i32
      %dma_wait3A_54 = tpu.memref_slice %arg4[%add3A_12, %dma_wait3A] : memref<2560x128xi32, #tpu.memory_space<hbm>> -> memref<40x128xi32, #tpu.memory_space<hbm>>
      %dma_wait3A_55 = arith.constant 0 : i32
      %dma_wait3A_56 = tpu.memref_slice %arg4[%add3A_12, %dma_wait3A_55] : memref<2560x128xi32, #tpu.memory_space<hbm>> -> memref<40x128xi32, #tpu.memory_space<hbm>>
      tpu.wait_dma2 semaphore(%run_scoped3A : memref<!tpu.dma_semaphore, #tpu.memory_space<semaphore_mem>>) src(%dma_wait3A_56 : memref<40x128xi32, #tpu.memory_space<hbm>>) dst(%arg8 : memref<40x128xi32, #tpu.memory_space<vmem>>)
      tpu.yield
    }) : () -> ()
    %dma_start3A = arith.constant 0 : i32
    %dma_start3A_13 = arith.constant 0 : i32
    %dma_start3A_14 = tpu.memref_slice %arg7[%dma_start3A, %dma_start3A_13] : memref<40x128xi32, #tpu.memory_space<vmem>> -> memref<1x128xi32, #tpu.memory_space<vmem>>
    %dma_start3A_15 = tpu.memref_squeeze %dma_start3A_14 : memref<1x128xi32, #tpu.memory_space<vmem>> -> memref<128xi32, #tpu.memory_space<vmem>>
    %dma_start3A_16 = arith.constant 0 : i32
    %dma_start3A_17 = arith.constant 0 : i32
    %dma_start3A_18 = tpu.memref_slice %arg2[%dma_start3A_16, %dma_start3A_17] : memref<10240x128xf32, #tpu.memory_space<hbm>> -> memref<10240x128xf32, #tpu.memory_space<hbm>>
    tpu.enqueue_indirect_dma source(%dma_start3A_18 : memref<10240x128xf32, #tpu.memory_space<hbm>>) target(%arg9 : memref<128x128xf32, #tpu.memory_space<vmem>>) offsets(%dma_start3A_15 : memref<128xi32, #tpu.memory_space<vmem>>) semaphore(%arg11 : memref<!tpu.dma_semaphore, #tpu.memory_space<semaphore_mem>>)
    %scan3A = arith.constant 0 : i32
    %scan3A_19 = arith.constant 0 : i32
    %scan3A_20 = arith.constant 20 : i32
    %scan3A_21 = arith.addi %scan3A_19, %scan3A_20 : i32
    %scan3A_22 = arith.constant 1 : i32
    scf.for %scan3A_50 = %scan3A_19 to %scan3A_21 step %scan3A_22  : i32 {
      %mul3A_51 = arith.constant 2 : i32
      %mul3A_52 = arith.muli %scan3A_50, %mul3A_51 : i32
      %add3A_53 = arith.constant 0 : i32
      %add3A_54 = arith.addi %mul3A_52, %add3A_53 : i32
      %dma_wait3A = arith.constant 0 : i32
      %dma_wait3A_55 = tpu.memref_slice %arg7[%add3A_54, %dma_wait3A] : memref<40x128xi32, #tpu.memory_space<vmem>> -> memref<1x128xi32, #tpu.memory_space<vmem>>
      %dma_wait3A_56 = tpu.memref_squeeze %dma_wait3A_55 : memref<1x128xi32, #tpu.memory_space<vmem>> -> memref<128xi32, #tpu.memory_space<vmem>>
      %dma_wait3A_57 = arith.constant 0 : i32
      %dma_wait3A_58 = arith.constant 0 : i32
      %dma_wait3A_59 = tpu.memref_slice %arg2[%dma_wait3A_57, %dma_wait3A_58] : memref<10240x128xf32, #tpu.memory_space<hbm>> -> memref<10240x128xf32, #tpu.memory_space<hbm>>
      tpu.wait_indirect_dma semaphore(%arg11 : memref<!tpu.dma_semaphore, #tpu.memory_space<semaphore_mem>>) src(%dma_wait3A_59 : memref<10240x128xf32, #tpu.memory_space<hbm>>) dst(%arg9 : memref<128x128xf32, #tpu.memory_space<vmem>>)
      %lt3A = arith.constant 39 : i32
      %lt3A_60 = arith.cmpi slt, %add3A_54, %lt3A : i32
      %convert_element_type3A = arith.extui %lt3A_60 : i1 to i32
      %cond3A = arith.constant 0 : i32
      %cond3A_61 = arith.cmpi ne, %convert_element_type3A, %cond3A : i32
      scf.if %cond3A_61 {
        %add3A_77 = arith.constant 1 : i32
        %add3A_78 = arith.addi %add3A_54, %add3A_77 : i32
        %dma_start3A_79 = arith.constant 0 : i32
        %dma_start3A_80 = tpu.memref_slice %arg7[%add3A_78, %dma_start3A_79] : memref<40x128xi32, #tpu.memory_space<vmem>> -> memref<1x128xi32, #tpu.memory_space<vmem>>
        %dma_start3A_81 = tpu.memref_squeeze %dma_start3A_80 : memref<1x128xi32, #tpu.memory_space<vmem>> -> memref<128xi32, #tpu.memory_space<vmem>>
        %dma_start3A_82 = arith.constant 0 : i32
        %dma_start3A_83 = arith.constant 0 : i32
        %dma_start3A_84 = tpu.memref_slice %arg2[%dma_start3A_82, %dma_start3A_83] : memref<10240x128xf32, #tpu.memory_space<hbm>> -> memref<10240x128xf32, #tpu.memory_space<hbm>>
        tpu.enqueue_indirect_dma source(%dma_start3A_84 : memref<10240x128xf32, #tpu.memory_space<hbm>>) target(%arg10 : memref<128x128xf32, #tpu.memory_space<vmem>>) offsets(%dma_start3A_81 : memref<128xi32, #tpu.memory_space<vmem>>) semaphore(%arg12 : memref<!tpu.dma_semaphore, #tpu.memory_space<semaphore_mem>>)
      } else {
      }
      "tpu.region"() ({
        %run_scoped3A = tpu.sem_alloc : memref<!tpu.dma_semaphore, #tpu.memory_space<semaphore_mem>>
        %dma_start3A_77 = arith.constant 0 : i32
        %dma_start3A_78 = tpu.memref_slice %arg8[%add3A_54, %dma_start3A_77] : memref<40x128xi32, #tpu.memory_space<vmem>> -> memref<1x128xi32, #tpu.memory_space<vmem>>
        %dma_start3A_79 = tpu.memref_squeeze %dma_start3A_78 : memref<1x128xi32, #tpu.memory_space<vmem>> -> memref<128xi32, #tpu.memory_space<vmem>>
        %dma_start3A_80 = arith.constant 0 : i32
        %dma_start3A_81 = arith.constant 0 : i32
        %dma_start3A_82 = tpu.memref_slice %arg13[%dma_start3A_80, %dma_start3A_81] : memref<10240x128xf32, #tpu.memory_space<vmem_shared>> -> memref<10240x128xf32, #tpu.memory_space<vmem_shared>>
        tpu.enqueue_indirect_dma source(%arg9 : memref<128x128xf32, #tpu.memory_space<vmem>>) target(%dma_start3A_82 : memref<10240x128xf32, #tpu.memory_space<vmem_shared>>) offsets(%dma_start3A_79 : memref<128xi32, #tpu.memory_space<vmem>>) semaphore(%run_scoped3A : memref<!tpu.dma_semaphore, #tpu.memory_space<semaphore_mem>>) {add = true}
        %dma_wait3A_83 = arith.constant 0 : i32
        %dma_wait3A_84 = tpu.memref_slice %arg8[%add3A_54, %dma_wait3A_83] : memref<40x128xi32, #tpu.memory_space<vmem>> -> memref<1x128xi32, #tpu.memory_space<vmem>>
        %dma_wait3A_85 = tpu.memref_squeeze %dma_wait3A_84 : memref<1x128xi32, #tpu.memory_space<vmem>> -> memref<128xi32, #tpu.memory_space<vmem>>
        %dma_wait3A_86 = arith.constant 0 : i32
        %dma_wait3A_87 = arith.constant 0 : i32
        %dma_wait3A_88 = tpu.memref_slice %arg13[%dma_wait3A_86, %dma_wait3A_87] : memref<10240x128xf32, #tpu.memory_space<vmem_shared>> -> memref<10240x128xf32, #tpu.memory_space<vmem_shared>>
        tpu.wait_indirect_dma semaphore(%run_scoped3A : memref<!tpu.dma_semaphore, #tpu.memory_space<semaphore_mem>>) src(%arg9 : memref<128x128xf32, #tpu.memory_space<vmem>>) dst(%dma_wait3A_88 : memref<10240x128xf32, #tpu.memory_space<vmem_shared>>)
        tpu.yield
      }) : () -> ()
      %mul3A_62 = arith.constant 2 : i32
      %mul3A_63 = arith.muli %scan3A_50, %mul3A_62 : i32
      %add3A_64 = arith.constant 1 : i32
      %add3A_65 = arith.addi %mul3A_63, %add3A_64 : i32
      %dma_wait3A_66 = arith.constant 0 : i32
      %dma_wait3A_67 = tpu.memref_slice %arg7[%add3A_65, %dma_wait3A_66] : memref<40x128xi32, #tpu.memory_space<vmem>> -> memref<1x128xi32, #tpu.memory_space<vmem>>
      %dma_wait3A_68 = tpu.memref_squeeze %dma_wait3A_67 : memref<1x128xi32, #tpu.memory_space<vmem>> -> memref<128xi32, #tpu.memory_space<vmem>>
      %dma_wait3A_69 = arith.constant 0 : i32
      %dma_wait3A_70 = arith.constant 0 : i32
      %dma_wait3A_71 = tpu.memref_slice %arg2[%dma_wait3A_69, %dma_wait3A_70] : memref<10240x128xf32, #tpu.memory_space<hbm>> -> memref<10240x128xf32, #tpu.memory_space<hbm>>
      tpu.wait_indirect_dma semaphore(%arg12 : memref<!tpu.dma_semaphore, #tpu.memory_space<semaphore_mem>>) src(%dma_wait3A_71 : memref<10240x128xf32, #tpu.memory_space<hbm>>) dst(%arg10 : memref<128x128xf32, #tpu.memory_space<vmem>>)
      %lt3A_72 = arith.constant 39 : i32
      %lt3A_73 = arith.cmpi slt, %add3A_65, %lt3A_72 : i32
      %convert_element_type3A_74 = arith.extui %lt3A_73 : i1 to i32
      %cond3A_75 = arith.constant 0 : i32
      %cond3A_76 = arith.cmpi ne, %convert_element_type3A_74, %cond3A_75 : i32
      scf.if %cond3A_76 {
        %add3A_77 = arith.constant 1 : i32
        %add3A_78 = arith.addi %add3A_65, %add3A_77 : i32
        %dma_start3A_79 = arith.constant 0 : i32
        %dma_start3A_80 = tpu.memref_slice %arg7[%add3A_78, %dma_start3A_79] : memref<40x128xi32, #tpu.memory_space<vmem>> -> memref<1x128xi32, #tpu.memory_space<vmem>>
        %dma_start3A_81 = tpu.memref_squeeze %dma_start3A_80 : memref<1x128xi32, #tpu.memory_space<vmem>> -> memref<128xi32, #tpu.memory_space<vmem>>
        %dma_start3A_82 = arith.constant 0 : i32
        %dma_start3A_83 = arith.constant 0 : i32
        %dma_start3A_84 = tpu.memref_slice %arg2[%dma_start3A_82, %dma_start3A_83] : memref<10240x128xf32, #tpu.memory_space<hbm>> -> memref<10240x128xf32, #tpu.memory_space<hbm>>
        tpu.enqueue_indirect_dma source(%dma_start3A_84 : memref<10240x128xf32, #tpu.memory_space<hbm>>) target(%arg9 : memref<128x128xf32, #tpu.memory_space<vmem>>) offsets(%dma_start3A_81 : memref<128xi32, #tpu.memory_space<vmem>>) semaphore(%arg11 : memref<!tpu.dma_semaphore, #tpu.memory_space<semaphore_mem>>)
      } else {
      }
      "tpu.region"() ({
        %run_scoped3A = tpu.sem_alloc : memref<!tpu.dma_semaphore, #tpu.memory_space<semaphore_mem>>
        %dma_start3A_77 = arith.constant 0 : i32
        %dma_start3A_78 = tpu.memref_slice %arg8[%add3A_65, %dma_start3A_77] : memref<40x128xi32, #tpu.memory_space<vmem>> -> memref<1x128xi32, #tpu.memory_space<vmem>>
        %dma_start3A_79 = tpu.memref_squeeze %dma_start3A_78 : memref<1x128xi32, #tpu.memory_space<vmem>> -> memref<128xi32, #tpu.memory_space<vmem>>
        %dma_start3A_80 = arith.constant 0 : i32
        %dma_start3A_81 = arith.constant 0 : i32
        %dma_start3A_82 = tpu.memref_slice %arg13[%dma_start3A_80, %dma_start3A_81] : memref<10240x128xf32, #tpu.memory_space<vmem_shared>> -> memref<10240x128xf32, #tpu.memory_space<vmem_shared>>
        tpu.enqueue_indirect_dma source(%arg10 : memref<128x128xf32, #tpu.memory_space<vmem>>) target(%dma_start3A_82 : memref<10240x128xf32, #tpu.memory_space<vmem_shared>>) offsets(%dma_start3A_79 : memref<128xi32, #tpu.memory_space<vmem>>) semaphore(%run_scoped3A : memref<!tpu.dma_semaphore, #tpu.memory_space<semaphore_mem>>) {add = true}
        %dma_wait3A_83 = arith.constant 0 : i32
        %dma_wait3A_84 = tpu.memref_slice %arg8[%add3A_65, %dma_wait3A_83] : memref<40x128xi32, #tpu.memory_space<vmem>> -> memref<1x128xi32, #tpu.memory_space<vmem>>
        %dma_wait3A_85 = tpu.memref_squeeze %dma_wait3A_84 : memref<1x128xi32, #tpu.memory_space<vmem>> -> memref<128xi32, #tpu.memory_space<vmem>>
        %dma_wait3A_86 = arith.constant 0 : i32
        %dma_wait3A_87 = arith.constant 0 : i32
        %dma_wait3A_88 = tpu.memref_slice %arg13[%dma_wait3A_86, %dma_wait3A_87] : memref<10240x128xf32, #tpu.memory_space<vmem_shared>> -> memref<10240x128xf32, #tpu.memory_space<vmem_shared>>
        tpu.wait_indirect_dma semaphore(%run_scoped3A : memref<!tpu.dma_semaphore, #tpu.memory_space<semaphore_mem>>) src(%arg10 : memref<128x128xf32, #tpu.memory_space<vmem>>) dst(%dma_wait3A_88 : memref<10240x128xf32, #tpu.memory_space<vmem_shared>>)
        tpu.yield
      }) : () -> ()
    }
    %scan3A_23 = arith.constant 20 : i32
    %mul3A_24 = arith.constant 80 : i32
    %mul3A_25 = arith.muli %add3A, %mul3A_24 : i32
    %add3A_26 = arith.constant 40 : i32
    %add3A_27 = arith.addi %mul3A_25, %add3A_26 : i32
    "tpu.region"() ({
      %run_scoped3A = tpu.sem_alloc : memref<!tpu.dma_semaphore, #tpu.memory_space<semaphore_mem>>
      %dma_start3A_50 = arith.constant 0 : i32
      %dma_start3A_51 = tpu.memref_slice %arg3[%add3A_27, %dma_start3A_50] : memref<2560x128xi32, #tpu.memory_space<hbm>> -> memref<40x128xi32, #tpu.memory_space<hbm>>
      %dma_start3A_52 = arith.constant 0 : i32
      %dma_start3A_53 = tpu.memref_slice %arg3[%add3A_27, %dma_start3A_52] : memref<2560x128xi32, #tpu.memory_space<hbm>> -> memref<40x128xi32, #tpu.memory_space<hbm>>
      tpu.enqueue_dma source(%dma_start3A_53 : memref<40x128xi32, #tpu.memory_space<hbm>>) target(%arg7 : memref<40x128xi32, #tpu.memory_space<vmem>>) target_semaphore(%run_scoped3A : memref<!tpu.dma_semaphore, #tpu.memory_space<semaphore_mem>>)
      %dma_wait3A = arith.constant 0 : i32
      %dma_wait3A_54 = tpu.memref_slice %arg3[%add3A_27, %dma_wait3A] : memref<2560x128xi32, #tpu.memory_space<hbm>> -> memref<40x128xi32, #tpu.memory_space<hbm>>
      %dma_wait3A_55 = arith.constant 0 : i32
      %dma_wait3A_56 = tpu.memref_slice %arg3[%add3A_27, %dma_wait3A_55] : memref<2560x128xi32, #tpu.memory_space<hbm>> -> memref<40x128xi32, #tpu.memory_space<hbm>>
      tpu.wait_dma2 semaphore(%run_scoped3A : memref<!tpu.dma_semaphore, #tpu.memory_space<semaphore_mem>>) src(%dma_wait3A_56 : memref<40x128xi32, #tpu.memory_space<hbm>>) dst(%arg7 : memref<40x128xi32, #tpu.memory_space<vmem>>)
      tpu.yield
    }) : () -> ()
    %mul3A_28 = arith.constant 80 : i32
    %mul3A_29 = arith.muli %add3A, %mul3A_28 : i32
    %add3A_30 = arith.constant 40 : i32
    %add3A_31 = arith.addi %mul3A_29, %add3A_30 : i32
    "tpu.region"() ({
      %run_scoped3A = tpu.sem_alloc : memref<!tpu.dma_semaphore, #tpu.memory_space<semaphore_mem>>
      %dma_start3A_50 = arith.constant 0 : i32
      %dma_start3A_51 = tpu.memref_slice %arg4[%add3A_31, %dma_start3A_50] : memref<2560x128xi32, #tpu.memory_space<hbm>> -> memref<40x128xi32, #tpu.memory_space<hbm>>
      %dma_start3A_52 = arith.constant 0 : i32
      %dma_start3A_53 = tpu.memref_slice %arg4[%add3A_31, %dma_start3A_52] : memref<2560x128xi32, #tpu.memory_space<hbm>> -> memref<40x128xi32, #tpu.memory_space<hbm>>
      tpu.enqueue_dma source(%dma_start3A_53 : memref<40x128xi32, #tpu.memory_space<hbm>>) target(%arg8 : memref<40x128xi32, #tpu.memory_space<vmem>>) target_semaphore(%run_scoped3A : memref<!tpu.dma_semaphore, #tpu.memory_space<semaphore_mem>>)
      %dma_wait3A = arith.constant 0 : i32
      %dma_wait3A_54 = tpu.memref_slice %arg4[%add3A_31, %dma_wait3A] : memref<2560x128xi32, #tpu.memory_space<hbm>> -> memref<40x128xi32, #tpu.memory_space<hbm>>
      %dma_wait3A_55 = arith.constant 0 : i32
      %dma_wait3A_56 = tpu.memref_slice %arg4[%add3A_31, %dma_wait3A_55] : memref<2560x128xi32, #tpu.memory_space<hbm>> -> memref<40x128xi32, #tpu.memory_space<hbm>>
      tpu.wait_dma2 semaphore(%run_scoped3A : memref<!tpu.dma_semaphore, #tpu.memory_space<semaphore_mem>>) src(%dma_wait3A_56 : memref<40x128xi32, #tpu.memory_space<hbm>>) dst(%arg8 : memref<40x128xi32, #tpu.memory_space<vmem>>)
      tpu.yield
    }) : () -> ()
    %dma_start3A_32 = arith.constant 0 : i32
    %dma_start3A_33 = arith.constant 0 : i32
    %dma_start3A_34 = tpu.memref_slice %arg7[%dma_start3A_32, %dma_start3A_33] : memref<40x128xi32, #tpu.memory_space<vmem>> -> memref<1x128xi32, #tpu.memory_space<vmem>>
    %dma_start3A_35 = tpu.memref_squeeze %dma_start3A_34 : memref<1x128xi32, #tpu.memory_space<vmem>> -> memref<128xi32, #tpu.memory_space<vmem>>
    %dma_start3A_36 = arith.constant 0 : i32
    %dma_start3A_37 = arith.constant 0 : i32
    %dma_start3A_38 = tpu.memref_slice %arg2[%dma_start3A_36, %dma_start3A_37] : memref<10240x128xf32, #tpu.memory_space<hbm>> -> memref<10240x128xf32, #tpu.memory_space<hbm>>
    tpu.enqueue_indirect_dma source(%dma_start3A_38 : memref<10240x128xf32, #tpu.memory_space<hbm>>) target(%arg9 : memref<128x128xf32, #tpu.memory_space<vmem>>) offsets(%dma_start3A_35 : memref<128xi32, #tpu.memory_space<vmem>>) semaphore(%arg11 : memref<!tpu.dma_semaphore, #tpu.memory_space<semaphore_mem>>)
    %scan3A_39 = arith.constant 0 : i32
    %scan3A_40 = arith.constant 0 : i32
    %scan3A_41 = arith.constant 20 : i32
    %scan3A_42 = arith.addi %scan3A_40, %scan3A_41 : i32
    %scan3A_43 = arith.constant 1 : i32
    scf.for %scan3A_50 = %scan3A_40 to %scan3A_42 step %scan3A_43  : i32 {
      %mul3A_51 = arith.constant 2 : i32
      %mul3A_52 = arith.muli %scan3A_50, %mul3A_51 : i32
      %add3A_53 = arith.constant 0 : i32
      %add3A_54 = arith.addi %mul3A_52, %add3A_53 : i32
      %dma_wait3A = arith.constant 0 : i32
      %dma_wait3A_55 = tpu.memref_slice %arg7[%add3A_54, %dma_wait3A] : memref<40x128xi32, #tpu.memory_space<vmem>> -> memref<1x128xi32, #tpu.memory_space<vmem>>
      %dma_wait3A_56 = tpu.memref_squeeze %dma_wait3A_55 : memref<1x128xi32, #tpu.memory_space<vmem>> -> memref<128xi32, #tpu.memory_space<vmem>>
      %dma_wait3A_57 = arith.constant 0 : i32
      %dma_wait3A_58 = arith.constant 0 : i32
      %dma_wait3A_59 = tpu.memref_slice %arg2[%dma_wait3A_57, %dma_wait3A_58] : memref<10240x128xf32, #tpu.memory_space<hbm>> -> memref<10240x128xf32, #tpu.memory_space<hbm>>
      tpu.wait_indirect_dma semaphore(%arg11 : memref<!tpu.dma_semaphore, #tpu.memory_space<semaphore_mem>>) src(%dma_wait3A_59 : memref<10240x128xf32, #tpu.memory_space<hbm>>) dst(%arg9 : memref<128x128xf32, #tpu.memory_space<vmem>>)
      %lt3A = arith.constant 39 : i32
      %lt3A_60 = arith.cmpi slt, %add3A_54, %lt3A : i32
      %convert_element_type3A = arith.extui %lt3A_60 : i1 to i32
      %cond3A = arith.constant 0 : i32
      %cond3A_61 = arith.cmpi ne, %convert_element_type3A, %cond3A : i32
      scf.if %cond3A_61 {
        %add3A_77 = arith.constant 1 : i32
        %add3A_78 = arith.addi %add3A_54, %add3A_77 : i32
        %dma_start3A_79 = arith.constant 0 : i32
        %dma_start3A_80 = tpu.memref_slice %arg7[%add3A_78, %dma_start3A_79] : memref<40x128xi32, #tpu.memory_space<vmem>> -> memref<1x128xi32, #tpu.memory_space<vmem>>
        %dma_start3A_81 = tpu.memref_squeeze %dma_start3A_80 : memref<1x128xi32, #tpu.memory_space<vmem>> -> memref<128xi32, #tpu.memory_space<vmem>>
        %dma_start3A_82 = arith.constant 0 : i32
        %dma_start3A_83 = arith.constant 0 : i32
        %dma_start3A_84 = tpu.memref_slice %arg2[%dma_start3A_82, %dma_start3A_83] : memref<10240x128xf32, #tpu.memory_space<hbm>> -> memref<10240x128xf32, #tpu.memory_space<hbm>>
        tpu.enqueue_indirect_dma source(%dma_start3A_84 : memref<10240x128xf32, #tpu.memory_space<hbm>>) target(%arg10 : memref<128x128xf32, #tpu.memory_space<vmem>>) offsets(%dma_start3A_81 : memref<128xi32, #tpu.memory_space<vmem>>) semaphore(%arg12 : memref<!tpu.dma_semaphore, #tpu.memory_space<semaphore_mem>>)
      } else {
      }
      "tpu.region"() ({
        %run_scoped3A = tpu.sem_alloc : memref<!tpu.dma_semaphore, #tpu.memory_space<semaphore_mem>>
        %dma_start3A_77 = arith.constant 0 : i32
        %dma_start3A_78 = tpu.memref_slice %arg8[%add3A_54, %dma_start3A_77] : memref<40x128xi32, #tpu.memory_space<vmem>> -> memref<1x128xi32, #tpu.memory_space<vmem>>
        %dma_start3A_79 = tpu.memref_squeeze %dma_start3A_78 : memref<1x128xi32, #tpu.memory_space<vmem>> -> memref<128xi32, #tpu.memory_space<vmem>>
        %dma_start3A_80 = arith.constant 0 : i32
        %dma_start3A_81 = arith.constant 0 : i32
        %dma_start3A_82 = tpu.memref_slice %arg13[%dma_start3A_80, %dma_start3A_81] : memref<10240x128xf32, #tpu.memory_space<vmem_shared>> -> memref<10240x128xf32, #tpu.memory_space<vmem_shared>>
        tpu.enqueue_indirect_dma source(%arg9 : memref<128x128xf32, #tpu.memory_space<vmem>>) target(%dma_start3A_82 : memref<10240x128xf32, #tpu.memory_space<vmem_shared>>) offsets(%dma_start3A_79 : memref<128xi32, #tpu.memory_space<vmem>>) semaphore(%run_scoped3A : memref<!tpu.dma_semaphore, #tpu.memory_space<semaphore_mem>>) {add = true}
        %dma_wait3A_83 = arith.constant 0 : i32
        %dma_wait3A_84 = tpu.memref_slice %arg8[%add3A_54, %dma_wait3A_83] : memref<40x128xi32, #tpu.memory_space<vmem>> -> memref<1x128xi32, #tpu.memory_space<vmem>>
        %dma_wait3A_85 = tpu.memref_squeeze %dma_wait3A_84 : memref<1x128xi32, #tpu.memory_space<vmem>> -> memref<128xi32, #tpu.memory_space<vmem>>
        %dma_wait3A_86 = arith.constant 0 : i32
        %dma_wait3A_87 = arith.constant 0 : i32
        %dma_wait3A_88 = tpu.memref_slice %arg13[%dma_wait3A_86, %dma_wait3A_87] : memref<10240x128xf32, #tpu.memory_space<vmem_shared>> -> memref<10240x128xf32, #tpu.memory_space<vmem_shared>>
        tpu.wait_indirect_dma semaphore(%run_scoped3A : memref<!tpu.dma_semaphore, #tpu.memory_space<semaphore_mem>>) src(%arg9 : memref<128x128xf32, #tpu.memory_space<vmem>>) dst(%dma_wait3A_88 : memref<10240x128xf32, #tpu.memory_space<vmem_shared>>)
        tpu.yield
      }) : () -> ()
      %mul3A_62 = arith.constant 2 : i32
      %mul3A_63 = arith.muli %scan3A_50, %mul3A_62 : i32
      %add3A_64 = arith.constant 1 : i32
      %add3A_65 = arith.addi %mul3A_63, %add3A_64 : i32
      %dma_wait3A_66 = arith.constant 0 : i32
      %dma_wait3A_67 = tpu.memref_slice %arg7[%add3A_65, %dma_wait3A_66] : memref<40x128xi32, #tpu.memory_space<vmem>> -> memref<1x128xi32, #tpu.memory_space<vmem>>
      %dma_wait3A_68 = tpu.memref_squeeze %dma_wait3A_67 : memref<1x128xi32, #tpu.memory_space<vmem>> -> memref<128xi32, #tpu.memory_space<vmem>>
      %dma_wait3A_69 = arith.constant 0 : i32
      %dma_wait3A_70 = arith.constant 0 : i32
      %dma_wait3A_71 = tpu.memref_slice %arg2[%dma_wait3A_69, %dma_wait3A_70] : memref<10240x128xf32, #tpu.memory_space<hbm>> -> memref<10240x128xf32, #tpu.memory_space<hbm>>
      tpu.wait_indirect_dma semaphore(%arg12 : memref<!tpu.dma_semaphore, #tpu.memory_space<semaphore_mem>>) src(%dma_wait3A_71 : memref<10240x128xf32, #tpu.memory_space<hbm>>) dst(%arg10 : memref<128x128xf32, #tpu.memory_space<vmem>>)
      %lt3A_72 = arith.constant 39 : i32
      %lt3A_73 = arith.cmpi slt, %add3A_65, %lt3A_72 : i32
      %convert_element_type3A_74 = arith.extui %lt3A_73 : i1 to i32
      %cond3A_75 = arith.constant 0 : i32
      %cond3A_76 = arith.cmpi ne, %convert_element_type3A_74, %cond3A_75 : i32
      scf.if %cond3A_76 {
        %add3A_77 = arith.constant 1 : i32
        %add3A_78 = arith.addi %add3A_65, %add3A_77 : i32
        %dma_start3A_79 = arith.constant 0 : i32
        %dma_start3A_80 = tpu.memref_slice %arg7[%add3A_78, %dma_start3A_79] : memref<40x128xi32, #tpu.memory_space<vmem>> -> memref<1x128xi32, #tpu.memory_space<vmem>>
        %dma_start3A_81 = tpu.memref_squeeze %dma_start3A_80 : memref<1x128xi32, #tpu.memory_space<vmem>> -> memref<128xi32, #tpu.memory_space<vmem>>
        %dma_start3A_82 = arith.constant 0 : i32
        %dma_start3A_83 = arith.constant 0 : i32
        %dma_start3A_84 = tpu.memref_slice %arg2[%dma_start3A_82, %dma_start3A_83] : memref<10240x128xf32, #tpu.memory_space<hbm>> -> memref<10240x128xf32, #tpu.memory_space<hbm>>
        tpu.enqueue_indirect_dma source(%dma_start3A_84 : memref<10240x128xf32, #tpu.memory_space<hbm>>) target(%arg9 : memref<128x128xf32, #tpu.memory_space<vmem>>) offsets(%dma_start3A_81 : memref<128xi32, #tpu.memory_space<vmem>>) semaphore(%arg11 : memref<!tpu.dma_semaphore, #tpu.memory_space<semaphore_mem>>)
      } else {
      }
      "tpu.region"() ({
        %run_scoped3A = tpu.sem_alloc : memref<!tpu.dma_semaphore, #tpu.memory_space<semaphore_mem>>
        %dma_start3A_77 = arith.constant 0 : i32
        %dma_start3A_78 = tpu.memref_slice %arg8[%add3A_65, %dma_start3A_77] : memref<40x128xi32, #tpu.memory_space<vmem>> -> memref<1x128xi32, #tpu.memory_space<vmem>>
        %dma_start3A_79 = tpu.memref_squeeze %dma_start3A_78 : memref<1x128xi32, #tpu.memory_space<vmem>> -> memref<128xi32, #tpu.memory_space<vmem>>
        %dma_start3A_80 = arith.constant 0 : i32
        %dma_start3A_81 = arith.constant 0 : i32
        %dma_start3A_82 = tpu.memref_slice %arg13[%dma_start3A_80, %dma_start3A_81] : memref<10240x128xf32, #tpu.memory_space<vmem_shared>> -> memref<10240x128xf32, #tpu.memory_space<vmem_shared>>
        tpu.enqueue_indirect_dma source(%arg10 : memref<128x128xf32, #tpu.memory_space<vmem>>) target(%dma_start3A_82 : memref<10240x128xf32, #tpu.memory_space<vmem_shared>>) offsets(%dma_start3A_79 : memref<128xi32, #tpu.memory_space<vmem>>) semaphore(%run_scoped3A : memref<!tpu.dma_semaphore, #tpu.memory_space<semaphore_mem>>) {add = true}
        %dma_wait3A_83 = arith.constant 0 : i32
        %dma_wait3A_84 = tpu.memref_slice %arg8[%add3A_65, %dma_wait3A_83] : memref<40x128xi32, #tpu.memory_space<vmem>> -> memref<1x128xi32, #tpu.memory_space<vmem>>
        %dma_wait3A_85 = tpu.memref_squeeze %dma_wait3A_84 : memref<1x128xi32, #tpu.memory_space<vmem>> -> memref<128xi32, #tpu.memory_space<vmem>>
        %dma_wait3A_86 = arith.constant 0 : i32
        %dma_wait3A_87 = arith.constant 0 : i32
        %dma_wait3A_88 = tpu.memref_slice %arg13[%dma_wait3A_86, %dma_wait3A_87] : memref<10240x128xf32, #tpu.memory_space<vmem_shared>> -> memref<10240x128xf32, #tpu.memory_space<vmem_shared>>
        tpu.wait_indirect_dma semaphore(%run_scoped3A : memref<!tpu.dma_semaphore, #tpu.memory_space<semaphore_mem>>) src(%arg10 : memref<128x128xf32, #tpu.memory_space<vmem>>) dst(%dma_wait3A_88 : memref<10240x128xf32, #tpu.memory_space<vmem_shared>>)
        tpu.yield
      }) : () -> ()
    }
    %scan3A_44 = arith.constant 20 : i32
    %barrier3A_45 = arith.constant 0 : index
    tpu.barrier barrier_id(%barrier3A_45)
    %mul3A_46 = arith.constant 640 : i32
    %mul3A_47 = arith.muli %arg1, %mul3A_46 : i32
    %mul3A_48 = arith.constant 640 : i32
    %mul3A_49 = arith.muli %arg1, %mul3A_48 : i32
    "tpu.region"() ({
      %run_scoped3A = tpu.sem_alloc : memref<!tpu.dma_semaphore, #tpu.memory_space<semaphore_mem>>
      %dma_start3A_50 = arith.constant 0 : i32
      %dma_start3A_51 = arith.constant 0 : i32
      %dma_start3A_52 = tpu.memref_slice %arg6[%arg0, %dma_start3A_50, %dma_start3A_51] : memref<2x10240x128xf32, #tpu.memory_space<hbm>> -> memref<1x10240x128xf32, #tpu.memory_space<hbm>>
      %dma_start3A_53 = tpu.memref_squeeze %dma_start3A_52 : memref<1x10240x128xf32, #tpu.memory_space<hbm>> -> memref<10240x128xf32, #tpu.memory_space<hbm>>
      %dma_start3A_54 = arith.constant 0 : i32
      %dma_start3A_55 = tpu.memref_slice %dma_start3A_53[%mul3A_49, %dma_start3A_54] : memref<10240x128xf32, #tpu.memory_space<hbm>> -> memref<640x128xf32, #tpu.memory_space<hbm>>
      %dma_start3A_56 = arith.constant 0 : i32
      %dma_start3A_57 = tpu.memref_slice %arg13[%mul3A_47, %dma_start3A_56] : memref<10240x128xf32, #tpu.memory_space<vmem_shared>> -> memref<640x128xf32, #tpu.memory_space<vmem_shared>>
      tpu.enqueue_dma source(%dma_start3A_57 : memref<640x128xf32, #tpu.memory_space<vmem_shared>>) target(%dma_start3A_55 : memref<640x128xf32, #tpu.memory_space<hbm>>) target_semaphore(%run_scoped3A : memref<!tpu.dma_semaphore, #tpu.memory_space<semaphore_mem>>)
      %dma_wait3A = arith.constant 0 : i32
      %dma_wait3A_58 = arith.constant 0 : i32
      %dma_wait3A_59 = tpu.memref_slice %arg6[%arg0, %dma_wait3A, %dma_wait3A_58] : memref<2x10240x128xf32, #tpu.memory_space<hbm>> -> memref<1x10240x128xf32, #tpu.memory_space<hbm>>
      %dma_wait3A_60 = tpu.memref_squeeze %dma_wait3A_59 : memref<1x10240x128xf32, #tpu.memory_space<hbm>> -> memref<10240x128xf32, #tpu.memory_space<hbm>>
      %dma_wait3A_61 = arith.constant 0 : i32
      %dma_wait3A_62 = tpu.memref_slice %dma_wait3A_60[%mul3A_49, %dma_wait3A_61] : memref<10240x128xf32, #tpu.memory_space<hbm>> -> memref<640x128xf32, #tpu.memory_space<hbm>>
      %dma_wait3A_63 = arith.constant 0 : i32
      %dma_wait3A_64 = tpu.memref_slice %arg13[%mul3A_47, %dma_wait3A_63] : memref<10240x128xf32, #tpu.memory_space<vmem_shared>> -> memref<640x128xf32, #tpu.memory_space<vmem_shared>>
      tpu.wait_dma2 semaphore(%run_scoped3A : memref<!tpu.dma_semaphore, #tpu.memory_space<semaphore_mem>>) src(%dma_wait3A_64 : memref<640x128xf32, #tpu.memory_space<vmem_shared>>) dst(%dma_wait3A_62 : memref<640x128xf32, #tpu.memory_space<hbm>>)
      tpu.yield
    }) : () -> ()
    return
  }
}

module attributes {stable_mosaic.version = 14 : i64} {
  func.func @_node_mlp_body(%arg0: i32, %arg1: memref<1024x128xf32, #tpu.memory_space<vmem>>, %arg2: memref<128x80xf32, #tpu.memory_space<vmem>>, %arg3: memref<1x80xf32, #tpu.memory_space<vmem>>, %arg4: memref<80x4xf32, #tpu.memory_space<vmem>>, %arg5: memref<1x4xf32, #tpu.memory_space<vmem>>, %arg6: memref<1024x4xf32, #tpu.memory_space<vmem>>) attributes {dimension_semantics = [#tpu.dimension_semantics<arbitrary>], iteration_bounds = array<i64: 10>, scalar_prefetch = 0 : i64, scratch_operands = 0 : i64, tpu.core_type = #tpu.core_type<tc>, window_params = [{transform_indices = @transform_0, window_bounds = array<i64: 1024, 128>}, {pipeline_mode = #tpu.pipeline_mode<synchronous>, transform_indices = @transform_1, window_bounds = array<i64: 128, 80>}, {pipeline_mode = #tpu.pipeline_mode<synchronous>, transform_indices = @transform_2, window_bounds = array<i64: 1, 80>}, {pipeline_mode = #tpu.pipeline_mode<synchronous>, transform_indices = @transform_3, window_bounds = array<i64: 80, 4>}, {pipeline_mode = #tpu.pipeline_mode<synchronous>, transform_indices = @transform_4, window_bounds = array<i64: 1, 4>}, {transform_indices = @transform_5, window_bounds = array<i64: 1024, 4>}]} {
    %get3A = arith.constant 0 : index
    %get3A_0 = arith.constant 0 : index
    %get3A_1 = vector.load %arg1[%get3A, %get3A_0] : memref<1024x128xf32, #tpu.memory_space<vmem>>, vector<1024x128xf32>
    %get3A_2 = arith.constant 0 : index
    %get3A_3 = arith.constant 0 : index
    %get3A_4 = vector.load %arg2[%get3A_2, %get3A_3] : memref<128x80xf32, #tpu.memory_space<vmem>>, vector<128x80xf32>
    %dot_general3A = arith.constant dense<0.000000e+00> : vector<1024x80xf32>
    %dot_general3A_5 = tpu.matmul %get3A_1, %get3A_4, %dot_general3A {dimension_numbers = #tpu.dot_dimension_numbers<[1], [0], [0], [1], [0, 0, 1, 1], [], []>, transpose_lhs_hint = false} : vector<1024x128xf32>, vector<128x80xf32>, vector<1024x80xf32> -> vector<1024x80xf32>
    %get3A_6 = arith.constant 0 : index
    %get3A_7 = arith.constant 0 : index
    %get3A_8 = vector.load %arg3[%get3A_6, %get3A_7] : memref<1x80xf32, #tpu.memory_space<vmem>>, vector<1x80xf32>
    %add3A = vector.broadcast %get3A_8 : vector<1x80xf32> to vector<1024x80xf32>
    %add3A_9 = arith.addf %dot_general3A_5, %add3A : vector<1024x80xf32>
    %max3A = arith.constant 0.000000e+00 : f32
    %max3A_10 = vector.broadcast %max3A : f32 to vector<1024x80xf32>
    %max3A_11 = arith.maximumf %add3A_9, %max3A_10 : vector<1024x80xf32>
    %get3A_12 = arith.constant 0 : index
    %get3A_13 = arith.constant 0 : index
    %get3A_14 = vector.load %arg4[%get3A_12, %get3A_13] : memref<80x4xf32, #tpu.memory_space<vmem>>, vector<80x4xf32>
    %dot_general3A_15 = arith.constant dense<0.000000e+00> : vector<1024x4xf32>
    %dot_general3A_16 = tpu.matmul %max3A_11, %get3A_14, %dot_general3A_15 {dimension_numbers = #tpu.dot_dimension_numbers<[1], [0], [0], [1], [0, 0, 1, 1], [], []>, transpose_lhs_hint = false} : vector<1024x80xf32>, vector<80x4xf32>, vector<1024x4xf32> -> vector<1024x4xf32>
    %get3A_17 = arith.constant 0 : index
    %get3A_18 = arith.constant 0 : index
    %get3A_19 = vector.load %arg5[%get3A_17, %get3A_18] : memref<1x4xf32, #tpu.memory_space<vmem>>, vector<1x4xf32>
    %add3A_20 = vector.broadcast %get3A_19 : vector<1x4xf32> to vector<1024x4xf32>
    %add3A_21 = arith.addf %dot_general3A_16, %add3A_20 : vector<1024x4xf32>
    %logistic3A = arith.negf %add3A_21 : vector<1024x4xf32>
    %logistic3A_22 = math.exp %logistic3A : vector<1024x4xf32>
    %logistic3A_23 = arith.constant 1.000000e+00 : f32
    %logistic3A_24 = vector.broadcast %logistic3A_23 : f32 to vector<1024x4xf32>
    %logistic3A_25 = arith.addf %logistic3A_24, %logistic3A_22 : vector<1024x4xf32>
    %logistic3A_26 = arith.divf %logistic3A_24, %logistic3A_25 : vector<1024x4xf32>
    %swap3A = arith.constant 0 : index
    %swap3A_27 = arith.constant 0 : index
    %swap3A_28 = vector.load %arg6[%swap3A, %swap3A_27] : memref<1024x4xf32, #tpu.memory_space<vmem>>, vector<1024x4xf32>
    tpu.vector_store %arg6[%swap3A, %swap3A_27], %logistic3A_26 {strides = array<i32>} : memref<1024x4xf32, #tpu.memory_space<vmem>>, vector<1024x4xf32>,
    return
  }
  func.func @transform_0(%arg0: i32) -> (i32, i32) {
    %c0_i32 = arith.constant 0 : i32
    %c0_i32_0 = arith.constant 0 : i32
    return %arg0, %c0_i32 : i32, i32
  }
  func.func @transform_1(%arg0: i32) -> (i32, i32) {
    %c0_i32 = arith.constant 0 : i32
    %c0_i32_0 = arith.constant 0 : i32
    %c0_i32_1 = arith.constant 0 : i32
    return %c0_i32, %c0_i32_0 : i32, i32
  }
  func.func @transform_2(%arg0: i32) -> (i32, i32) {
    %c0_i32 = arith.constant 0 : i32
    %c0_i32_0 = arith.constant 0 : i32
    %c0_i32_1 = arith.constant 0 : i32
    return %c0_i32, %c0_i32_0 : i32, i32
  }
  func.func @transform_3(%arg0: i32) -> (i32, i32) {
    %c0_i32 = arith.constant 0 : i32
    %c0_i32_0 = arith.constant 0 : i32
    %c0_i32_1 = arith.constant 0 : i32
    return %c0_i32, %c0_i32_0 : i32, i32
  }
  func.func @transform_4(%arg0: i32) -> (i32, i32) {
    %c0_i32 = arith.constant 0 : i32
    %c0_i32_0 = arith.constant 0 : i32
    %c0_i32_1 = arith.constant 0 : i32
    return %c0_i32, %c0_i32_0 : i32, i32
  }
  func.func @transform_5(%arg0: i32) -> (i32, i32) {
    %c0_i32 = arith.constant 0 : i32
    %c0_i32_0 = arith.constant 0 : i32
    return %arg0, %c0_i32 : i32, i32
  }
}

module attributes {stable_mosaic.version = 14 : i64} {
  func.func @_colsum_body(%arg0: i32, %arg1: memref<3200x64xf32, #tpu.memory_space<vmem>>, %arg2: memref<1x64xf32, #tpu.memory_space<vmem>>) attributes {dimension_semantics = [#tpu.dimension_semantics<arbitrary>], iteration_bounds = array<i64: 100>, scalar_prefetch = 0 : i64, scratch_operands = 0 : i64, tpu.core_type = #tpu.core_type<tc>, window_params = [{transform_indices = @transform_0, window_bounds = array<i64: 3200, 64>}, {pipeline_mode = #tpu.pipeline_mode<synchronous>, transform_indices = @transform_1, window_bounds = array<i64: 1, 64>}]} {
    %get3A = arith.constant 0 : index
    %get3A_0 = arith.constant 0 : index
    %get3A_1 = vector.load %arg1[%get3A, %get3A_0] : memref<3200x64xf32, #tpu.memory_space<vmem>>, vector<3200x64xf32>
    %reduce_sum3A = arith.constant dense<0.000000e+00> : vector<64xf32>
    %reduce_sum3A_2 = vector.multi_reduction <add>, %get3A_1, %reduce_sum3A [0] : vector<3200x64xf32> to vector<64xf32>
    %broadcast_in_dim3A = vector.shape_cast %reduce_sum3A_2 : vector<64xf32> to vector<1x64xf32>
    %eq3A = arith.constant 0 : i32
    %eq3A_3 = arith.cmpi eq, %arg0, %eq3A : i32
    %convert_element_type3A = arith.extui %eq3A_3 : i1 to i32
    %cond3A = arith.constant 0 : i32
    %cond3A_4 = arith.cmpi ne, %convert_element_type3A, %cond3A : i32
    scf.if %cond3A_4 {
      %swap3A = arith.constant 0 : index
      %swap3A_9 = arith.constant 0 : index
      %swap3A_10 = vector.load %arg2[%swap3A, %swap3A_9] : memref<1x64xf32, #tpu.memory_space<vmem>>, vector<1x64xf32>
      tpu.vector_store %arg2[%swap3A, %swap3A_9], %broadcast_in_dim3A {strides = array<i32>} : memref<1x64xf32, #tpu.memory_space<vmem>>, vector<1x64xf32>,
    } else {
    }
    %ne3A = arith.constant 0 : i32
    %ne3A_5 = arith.cmpi ne, %arg0, %ne3A : i32
    %convert_element_type3A_6 = arith.extui %ne3A_5 : i1 to i32
    %cond3A_7 = arith.constant 0 : i32
    %cond3A_8 = arith.cmpi ne, %convert_element_type3A_6, %cond3A_7 : i32
    scf.if %cond3A_8 {
      %get3A_9 = arith.constant 0 : index
      %get3A_10 = arith.constant 0 : index
      %get3A_11 = vector.load %arg2[%get3A_9, %get3A_10] : memref<1x64xf32, #tpu.memory_space<vmem>>, vector<1x64xf32>
      %add3A = arith.addf %get3A_11, %broadcast_in_dim3A : vector<1x64xf32>
      %swap3A = arith.constant 0 : index
      %swap3A_12 = arith.constant 0 : index
      %swap3A_13 = vector.load %arg2[%swap3A, %swap3A_12] : memref<1x64xf32, #tpu.memory_space<vmem>>, vector<1x64xf32>
      tpu.vector_store %arg2[%swap3A, %swap3A_12], %add3A {strides = array<i32>} : memref<1x64xf32, #tpu.memory_space<vmem>>, vector<1x64xf32>,
    } else {
    }
    return
  }
  func.func @transform_0(%arg0: i32) -> (i32, i32) {
    %c0_i32 = arith.constant 0 : i32
    %c0_i32_0 = arith.constant 0 : i32
    return %arg0, %c0_i32 : i32, i32
  }
  func.func @transform_1(%arg0: i32) -> (i32, i32) {
    %c0_i32 = arith.constant 0 : i32
    %c0_i32_0 = arith.constant 0 : i32
    %c0_i32_1 = arith.constant 0 : i32
    return %c0_i32, %c0_i32_0 : i32, i32
  }
}

module attributes {stable_mosaic.version = 14 : i64} {
  func.func @_wmlp_body(%arg0: i32, %arg1: memref<1x64xf32, #tpu.memory_space<vmem>>, %arg2: memref<1x64xf32, #tpu.memory_space<vmem>>, %arg3: memref<64x64xf32, #tpu.memory_space<vmem>>, %arg4: memref<1x64xf32, #tpu.memory_space<vmem>>, %arg5: memref<64x3200xf32, #tpu.memory_space<vmem>>, %arg6: memref<1x3200xf32, #tpu.memory_space<vmem>>, %arg7: memref<1x3200xf32, #tpu.memory_space<vmem>>, %arg8: memref<1x64xf32, #tpu.memory_space<vmem>>) attributes {dimension_semantics = [#tpu.dimension_semantics<arbitrary>], iteration_bounds = array<i64: 100>, scalar_prefetch = 0 : i64, scratch_operands = 1 : i64, tpu.core_type = #tpu.core_type<tc>, window_params = [{pipeline_mode = #tpu.pipeline_mode<synchronous>, transform_indices = @transform_0, window_bounds = array<i64: 1, 64>}, {pipeline_mode = #tpu.pipeline_mode<synchronous>, transform_indices = @transform_1, window_bounds = array<i64: 1, 64>}, {pipeline_mode = #tpu.pipeline_mode<synchronous>, transform_indices = @transform_2, window_bounds = array<i64: 64, 64>}, {pipeline_mode = #tpu.pipeline_mode<synchronous>, transform_indices = @transform_3, window_bounds = array<i64: 1, 64>}, {transform_indices = @transform_4, window_bounds = array<i64: 64, 3200>}, {transform_indices = @transform_5, window_bounds = array<i64: 1, 3200>}, {transform_indices = @transform_6, window_bounds = array<i64: 1, 3200>}]} {
    %eq3A = arith.constant 0 : i32
    %eq3A_0 = arith.cmpi eq, %arg0, %eq3A : i32
    %convert_element_type3A = arith.extui %eq3A_0 : i1 to i32
    %cond3A = arith.constant 0 : i32
    %cond3A_1 = arith.cmpi ne, %convert_element_type3A, %cond3A : i32
    scf.if %cond3A_1 {
      %get3A_18 = arith.constant 0 : index
      %get3A_19 = arith.constant 0 : index
      %get3A_20 = vector.load %arg1[%get3A_18, %get3A_19] : memref<1x64xf32, #tpu.memory_space<vmem>>, vector<1x64xf32>
      %get3A_21 = arith.constant 0 : index
      %get3A_22 = arith.constant 0 : index
      %get3A_23 = vector.load %arg2[%get3A_21, %get3A_22] : memref<1x64xf32, #tpu.memory_space<vmem>>, vector<1x64xf32>
      %add3A_24 = arith.addf %get3A_20, %get3A_23 : vector<1x64xf32>
      %max3A = arith.constant 0.000000e+00 : f32
      %max3A_25 = vector.broadcast %max3A : f32 to vector<1x64xf32>
      %max3A_26 = arith.maximumf %add3A_24, %max3A_25 : vector<1x64xf32>
      %get3A_27 = arith.constant 0 : index
      %get3A_28 = arith.constant 0 : index
      %get3A_29 = vector.load %arg3[%get3A_27, %get3A_28] : memref<64x64xf32, #tpu.memory_space<vmem>>, vector<64x64xf32>
      %dot_general3A_30 = arith.constant dense<0.000000e+00> : vector<1x64xf32>
      %dot_general3A_31 = tpu.matmul %max3A_26, %get3A_29, %dot_general3A_30 {dimension_numbers = #tpu.dot_dimension_numbers<[1], [0], [0], [1], [0, 0, 1, 1], [], []>, transpose_lhs_hint = false} : vector<1x64xf32>, vector<64x64xf32>, vector<1x64xf32> -> vector<1x64xf32>
      %get3A_32 = arith.constant 0 : index
      %get3A_33 = arith.constant 0 : index
      %get3A_34 = vector.load %arg4[%get3A_32, %get3A_33] : memref<1x64xf32, #tpu.memory_space<vmem>>, vector<1x64xf32>
      %add3A_35 = arith.addf %dot_general3A_31, %get3A_34 : vector<1x64xf32>
      %max3A_36 = arith.constant 0.000000e+00 : f32
      %max3A_37 = vector.broadcast %max3A_36 : f32 to vector<1x64xf32>
      %max3A_38 = arith.maximumf %add3A_35, %max3A_37 : vector<1x64xf32>
      %swap3A_39 = arith.constant 0 : index
      %swap3A_40 = arith.constant 0 : index
      %swap3A_41 = vector.load %arg8[%swap3A_39, %swap3A_40] : memref<1x64xf32, #tpu.memory_space<vmem>>, vector<1x64xf32>
      tpu.vector_store %arg8[%swap3A_39, %swap3A_40], %max3A_38 {strides = array<i32>} : memref<1x64xf32, #tpu.memory_space<vmem>>, vector<1x64xf32>,
    } else {
    }
    %get3A = arith.constant 0 : index
    %get3A_2 = arith.constant 0 : index
    %get3A_3 = vector.load %arg8[%get3A, %get3A_2] : memref<1x64xf32, #tpu.memory_space<vmem>>, vector<1x64xf32>
    %get3A_4 = arith.constant 0 : index
    %get3A_5 = arith.constant 0 : index
    %get3A_6 = vector.load %arg5[%get3A_4, %get3A_5] : memref<64x3200xf32, #tpu.memory_space<vmem>>, vector<64x3200xf32>
    %dot_general3A = arith.constant dense<0.000000e+00> : vector<1x3200xf32>
    %dot_general3A_7 = tpu.matmul %get3A_3, %get3A_6, %dot_general3A {dimension_numbers = #tpu.dot_dimension_numbers<[1], [0], [0], [1], [0, 0, 1, 1], [], []>, transpose_lhs_hint = false} : vector<1x64xf32>, vector<64x3200xf32>, vector<1x3200xf32> -> vector<1x3200xf32>
    %get3A_8 = arith.constant 0 : index
    %get3A_9 = arith.constant 0 : index
    %get3A_10 = vector.load %arg6[%get3A_8, %get3A_9] : memref<1x3200xf32, #tpu.memory_space<vmem>>, vector<1x3200xf32>
    %add3A = arith.addf %dot_general3A_7, %get3A_10 : vector<1x3200xf32>
    %logistic3A = arith.negf %add3A : vector<1x3200xf32>
    %logistic3A_11 = math.exp %logistic3A : vector<1x3200xf32>
    %logistic3A_12 = arith.constant 1.000000e+00 : f32
    %logistic3A_13 = vector.broadcast %logistic3A_12 : f32 to vector<1x3200xf32>
    %logistic3A_14 = arith.addf %logistic3A_13, %logistic3A_11 : vector<1x3200xf32>
    %logistic3A_15 = arith.divf %logistic3A_13, %logistic3A_14 : vector<1x3200xf32>
    %swap3A = arith.constant 0 : index
    %swap3A_16 = arith.constant 0 : index
    %swap3A_17 = vector.load %arg7[%swap3A, %swap3A_16] : memref<1x3200xf32, #tpu.memory_space<vmem>>, vector<1x3200xf32>
    tpu.vector_store %arg7[%swap3A, %swap3A_16], %logistic3A_15 {strides = array<i32>} : memref<1x3200xf32, #tpu.memory_space<vmem>>, vector<1x3200xf32>,
    return
  }
  func.func @transform_0(%arg0: i32) -> (i32, i32) {
    %c0_i32 = arith.constant 0 : i32
    %c0_i32_0 = arith.constant 0 : i32
    %c0_i32_1 = arith.constant 0 : i32
    return %c0_i32, %c0_i32_0 : i32, i32
  }
  func.func @transform_1(%arg0: i32) -> (i32, i32) {
    %c0_i32 = arith.constant 0 : i32
    %c0_i32_0 = arith.constant 0 : i32
    %c0_i32_1 = arith.constant 0 : i32
    return %c0_i32, %c0_i32_0 : i32, i32
  }
  func.func @transform_2(%arg0: i32) -> (i32, i32) {
    %c0_i32 = arith.constant 0 : i32
    %c0_i32_0 = arith.constant 0 : i32
    %c0_i32_1 = arith.constant 0 : i32
    return %c0_i32, %c0_i32_0 : i32, i32
  }
  func.func @transform_3(%arg0: i32) -> (i32, i32) {
    %c0_i32 = arith.constant 0 : i32
    %c0_i32_0 = arith.constant 0 : i32
    %c0_i32_1 = arith.constant 0 : i32
    return %c0_i32, %c0_i32_0 : i32, i32
  }
  func.func @transform_4(%arg0: i32) -> (i32, i32) {
    %c0_i32 = arith.constant 0 : i32
    %c0_i32_0 = arith.constant 0 : i32
    return %c0_i32, %arg0 : i32, i32
  }
  func.func @transform_5(%arg0: i32) -> (i32, i32) {
    %c0_i32 = arith.constant 0 : i32
    %c0_i32_0 = arith.constant 0 : i32
    return %c0_i32, %arg0 : i32, i32
  }
  func.func @transform_6(%arg0: i32) -> (i32, i32) {
    %c0_i32 = arith.constant 0 : i32
    %c0_i32_0 = arith.constant 0 : i32
    return %c0_i32, %arg0 : i32, i32
  }
}

module attributes {stable_mosaic.version = 14 : i64} {
  func.func @_sumtiles_body(%arg0: i32, %arg1: memref<32x2048xf32, #tpu.memory_space<vmem>>, %arg2: memref<1x2048xf32, #tpu.memory_space<vmem>>) attributes {dimension_semantics = [#tpu.dimension_semantics<arbitrary>], iteration_bounds = array<i64: 30>, scalar_prefetch = 0 : i64, scratch_operands = 0 : i64, tpu.core_type = #tpu.core_type<tc>, window_params = [{transform_indices = @transform_0, window_bounds = array<i64: 32, 2048>}, {transform_indices = @transform_1, window_bounds = array<i64: 1, 2048>}]} {
    %get3A = arith.constant 0 : index
    %get3A_0 = arith.constant 0 : index
    %get3A_1 = vector.load %arg1[%get3A, %get3A_0] : memref<32x2048xf32, #tpu.memory_space<vmem>>, vector<32x2048xf32>
    %reduce_sum3A = arith.constant dense<0.000000e+00> : vector<2048xf32>
    %reduce_sum3A_2 = vector.multi_reduction <add>, %get3A_1, %reduce_sum3A [0] : vector<32x2048xf32> to vector<2048xf32>
    %broadcast_in_dim3A = vector.shape_cast %reduce_sum3A_2 : vector<2048xf32> to vector<1x2048xf32>
    %swap3A = arith.constant 0 : index
    %swap3A_3 = arith.constant 0 : index
    %swap3A_4 = vector.load %arg2[%swap3A, %swap3A_3] : memref<1x2048xf32, #tpu.memory_space<vmem>>, vector<1x2048xf32>
    tpu.vector_store %arg2[%swap3A, %swap3A_3], %broadcast_in_dim3A {strides = array<i32>} : memref<1x2048xf32, #tpu.memory_space<vmem>>, vector<1x2048xf32>,
    return
  }
  func.func @transform_0(%arg0: i32) -> (i32, i32) {
    %c0_i32 = arith.constant 0 : i32
    %c0_i32_0 = arith.constant 0 : i32
    return %c0_i32, %arg0 : i32, i32
  }
  func.func @transform_1(%arg0: i32) -> (i32, i32) {
    %c0_i32 = arith.constant 0 : i32
    %c0_i32_0 = arith.constant 0 : i32
    return %c0_i32, %arg0 : i32, i32
  }
}

module attributes {stable_mosaic.version = 14 : i64} {
  func.func @_sumtiles_body(%arg0: i32, %arg1: memref<32x2048xf32, #tpu.memory_space<vmem>>, %arg2: memref<1x2048xf32, #tpu.memory_space<vmem>>) attributes {dimension_semantics = [#tpu.dimension_semantics<arbitrary>], iteration_bounds = array<i64: 10>, scalar_prefetch = 0 : i64, scratch_operands = 0 : i64, tpu.core_type = #tpu.core_type<tc>, window_params = [{transform_indices = @transform_0, window_bounds = array<i64: 32, 2048>}, {transform_indices = @transform_1, window_bounds = array<i64: 1, 2048>}]} {
    %get3A = arith.constant 0 : index
    %get3A_0 = arith.constant 0 : index
    %get3A_1 = vector.load %arg1[%get3A, %get3A_0] : memref<32x2048xf32, #tpu.memory_space<vmem>>, vector<32x2048xf32>
    %reduce_sum3A = arith.constant dense<0.000000e+00> : vector<2048xf32>
    %reduce_sum3A_2 = vector.multi_reduction <add>, %get3A_1, %reduce_sum3A [0] : vector<32x2048xf32> to vector<2048xf32>
    %broadcast_in_dim3A = vector.shape_cast %reduce_sum3A_2 : vector<2048xf32> to vector<1x2048xf32>
    %swap3A = arith.constant 0 : index
    %swap3A_3 = arith.constant 0 : index
    %swap3A_4 = vector.load %arg2[%swap3A, %swap3A_3] : memref<1x2048xf32, #tpu.memory_space<vmem>>, vector<1x2048xf32>
    tpu.vector_store %arg2[%swap3A, %swap3A_3], %broadcast_in_dim3A {strides = array<i32>} : memref<1x2048xf32, #tpu.memory_space<vmem>>, vector<1x2048xf32>,
    return
  }
  func.func @transform_0(%arg0: i32) -> (i32, i32) {
    %c0_i32 = arith.constant 0 : i32
    %c0_i32_0 = arith.constant 0 : i32
    return %c0_i32, %arg0 : i32, i32
  }
  func.func @transform_1(%arg0: i32) -> (i32, i32) {
    %c0_i32 = arith.constant 0 : i32
    %c0_i32_0 = arith.constant 0 : i32
    return %c0_i32, %arg0 : i32, i32
  }
}

module attributes {stable_mosaic.version = 14 : i64} {
  func.func @_nsq_body(%arg0: i32, %arg1: i32, %arg2: memref<256x1xf32, #tpu.memory_space<vmem>>, %arg3: memref<8x1024xf32, #tpu.memory_space<vmem>>, %arg4: memref<1x1xf32, #tpu.memory_space<vmem>>, %arg5: memref<256x1xf32, #tpu.memory_space<vmem>>) attributes {dimension_semantics = [#tpu.dimension_semantics<arbitrary>, #tpu.dimension_semantics<arbitrary>], iteration_bounds = array<i64: 40, 10>, scalar_prefetch = 0 : i64, scratch_operands = 0 : i64, tpu.core_type = #tpu.core_type<tc>, window_params = [{transform_indices = @transform_0, window_bounds = array<i64: 256, 1>}, {transform_indices = @transform_1, window_bounds = array<i64: 8, 1024>}, {pipeline_mode = #tpu.pipeline_mode<synchronous>, transform_indices = @transform_2, window_bounds = array<i64: 1, 1>}, {transform_indices = @transform_3, window_bounds = array<i64: 256, 1>}]} {
    %get3A = arith.constant 0 : index
    %get3A_0 = arith.constant 0 : index
    %get3A_1 = vector.load %arg2[%get3A, %get3A_0] : memref<256x1xf32, #tpu.memory_space<vmem>>, vector<256x1xf32>
    %get3A_2 = arith.constant 0 : index
    %get3A_3 = arith.constant 0 : index
    %get3A_4 = vector.load %arg3[%get3A_2, %get3A_3] : memref<8x1024xf32, #tpu.memory_space<vmem>>, vector<8x1024xf32>
    %slice3A = vector.extract_strided_slice %get3A_4 {offsets = [0, 0], sizes = [1, 1024], strides = [1, 1]} : vector<8x1024xf32> to vector<1x1024xf32>
    %iota3A = tpu.iota {dimensions = array<i32: 0>} : vector<256x1xi32>
    %mul3A = arith.constant 256 : i32
    %mul3A_5 = arith.muli %arg0, %mul3A : i32
    %add3A = vector.broadcast %mul3A_5 : i32 to vector<256x1xi32>
    %add3A_6 = arith.addi %iota3A, %add3A : vector<256x1xi32>
    %iota3A_7 = tpu.iota {dimensions = array<i32: 1>} : vector<1x1024xi32>
    %mul3A_8 = arith.constant 1024 : i32
    %mul3A_9 = arith.muli %arg1, %mul3A_8 : i32
    %add3A_10 = vector.broadcast %mul3A_9 : i32 to vector<1x1024xi32>
    %add3A_11 = arith.addi %iota3A_7, %add3A_10 : vector<1x1024xi32>
    %lt3A = arith.constant 10000 : i32
    %lt3A_12 = vector.broadcast %lt3A : i32 to vector<256x1xi32>
    %lt3A_13 = arith.cmpi slt, %add3A_6, %lt3A_12 : vector<256x1xi32>
    %convert_element_type3A = arith.extui %lt3A_13 : vector<256x1xi1> to vector<256x1xi32>
    %convert_element_type3A_14 = arith.sitofp %convert_element_type3A : vector<256x1xi32> to vector<256x1xf32>
    %slice3A_15 = vector.extract_strided_slice %get3A_4 {offsets = [1, 0], sizes = [1, 1024], strides = [1, 1]} : vector<8x1024xf32> to vector<1x1024xf32>
    %mul3A_16 = vector.broadcast %get3A_1 : vector<256x1xf32> to vector<256x1024xf32>
    %mul3A_17 = vector.broadcast %slice3A_15 : vector<1x1024xf32> to vector<256x1024xf32>
    %mul3A_18 = arith.mulf %mul3A_16, %mul3A_17 : vector<256x1024xf32>
    %slice3A_19 = vector.extract_strided_slice %get3A_4 {offsets = [4, 0], sizes = [1, 1024], strides = [1, 1]} : vector<8x1024xf32> to vector<1x1024xf32>
    %sub3A = vector.broadcast %slice3A_19 : vector<1x1024xf32> to vector<256x1024xf32>
    %sub3A_20 = arith.subf %mul3A_18, %sub3A : vector<256x1024xf32>
    %max3A = arith.constant 0.000000e+00 : f32
    %max3A_21 = vector.broadcast %max3A : f32 to vector<256x1024xf32>
    %max3A_22 = arith.maximumf %sub3A_20, %max3A_21 : vector<256x1024xf32>
    %slice3A_23 = vector.extract_strided_slice %get3A_4 {offsets = [2, 0], sizes = [1, 1024], strides = [1, 1]} : vector<8x1024xf32> to vector<1x1024xf32>
    %mul3A_24 = vector.broadcast %get3A_1 : vector<256x1xf32> to vector<256x1024xf32>
    %mul3A_25 = vector.broadcast %slice3A_23 : vector<1x1024xf32> to vector<256x1024xf32>
    %mul3A_26 = arith.mulf %mul3A_24, %mul3A_25 : vector<256x1024xf32>
    %slice3A_27 = vector.extract_strided_slice %get3A_4 {offsets = [5, 0], sizes = [1, 1024], strides = [1, 1]} : vector<8x1024xf32> to vector<1x1024xf32>
    %sub3A_28 = vector.broadcast %slice3A_27 : vector<1x1024xf32> to vector<256x1024xf32>
    %sub3A_29 = arith.subf %mul3A_26, %sub3A_28 : vector<256x1024xf32>
    %max3A_30 = arith.constant 0.000000e+00 : f32
    %max3A_31 = vector.broadcast %max3A_30 : f32 to vector<256x1024xf32>
    %max3A_32 = arith.maximumf %sub3A_29, %max3A_31 : vector<256x1024xf32>
    %add3A_33 = arith.addf %max3A_22, %max3A_32 : vector<256x1024xf32>
    %slice3A_34 = vector.extract_strided_slice %get3A_4 {offsets = [3, 0], sizes = [1, 1024], strides = [1, 1]} : vector<8x1024xf32> to vector<1x1024xf32>
    %mul3A_35 = vector.broadcast %get3A_1 : vector<256x1xf32> to vector<256x1024xf32>
    %mul3A_36 = vector.broadcast %slice3A_34 : vector<1x1024xf32> to vector<256x1024xf32>
    %mul3A_37 = arith.mulf %mul3A_35, %mul3A_36 : vector<256x1024xf32>
    %slice3A_38 = vector.extract_strided_slice %get3A_4 {offsets = [6, 0], sizes = [1, 1024], strides = [1, 1]} : vector<8x1024xf32> to vector<1x1024xf32>
    %sub3A_39 = vector.broadcast %slice3A_38 : vector<1x1024xf32> to vector<256x1024xf32>
    %sub3A_40 = arith.subf %mul3A_37, %sub3A_39 : vector<256x1024xf32>
    %max3A_41 = arith.constant 0.000000e+00 : f32
    %max3A_42 = vector.broadcast %max3A_41 : f32 to vector<256x1024xf32>
    %max3A_43 = arith.maximumf %sub3A_40, %max3A_42 : vector<256x1024xf32>
    %add3A_44 = arith.addf %add3A_33, %max3A_43 : vector<256x1024xf32>
    %reduce_sum3A = arith.constant dense<0.000000e+00> : vector<256xf32>
    %reduce_sum3A_45 = vector.multi_reduction <add>, %add3A_44, %reduce_sum3A [1] : vector<256x1024xf32> to vector<256xf32>
    %broadcast_in_dim3A = vector.shape_cast %reduce_sum3A_45 : vector<256xf32> to vector<256x1xf32>
    %mul3A_46 = arith.mulf %broadcast_in_dim3A, %convert_element_type3A_14 : vector<256x1xf32>
    %reduce_sum3A_47 = vector.shape_cast %mul3A_46 : vector<256x1xf32> to vector<1x256x1xf32>
    %reduce_sum3A_48 = arith.constant dense<0.000000e+00> : vector<1xf32>
    %reduce_sum3A_49 = vector.multi_reduction <add>, %reduce_sum3A_47, %reduce_sum3A_48 [1, 2] : vector<1x256x1xf32> to vector<1xf32>
    %reduce_sum3A_50 = vector.shape_cast %reduce_sum3A_49 : vector<1xf32> to vector<1x1x1xf32>
    %reduce_sum3A_51 = vector.extract %reduce_sum3A_50[0, 0, 0] : f32 from vector<1x1x1xf32>
    %gt3A = vector.broadcast %slice3A : vector<1x1024xf32> to vector<256x1024xf32>
    %gt3A_52 = vector.broadcast %get3A_1 : vector<256x1xf32> to vector<256x1024xf32>
    %gt3A_53 = arith.cmpf ogt, %gt3A, %gt3A_52 : vector<256x1024xf32>
    %convert_element_type3A_54 = arith.extui %gt3A_53 : vector<256x1024xi1> to vector<256x1024xi32>
    %convert_element_type3A_55 = arith.sitofp %convert_element_type3A_54 : vector<256x1024xi32> to vector<256x1024xf32>
    %eq3A = vector.broadcast %slice3A : vector<1x1024xf32> to vector<256x1024xf32>
    %eq3A_56 = vector.broadcast %get3A_1 : vector<256x1xf32> to vector<256x1024xf32>
    %eq3A_57 = arith.cmpf oeq, %eq3A, %eq3A_56 : vector<256x1024xf32>
    %lt3A_58 = vector.broadcast %add3A_11 : vector<1x1024xi32> to vector<256x1024xi32>
    %lt3A_59 = vector.broadcast %add3A_6 : vector<256x1xi32> to vector<256x1024xi32>
    %lt3A_60 = arith.cmpi slt, %lt3A_58, %lt3A_59 : vector<256x1024xi32>
    %and3A = arith.andi %eq3A_57, %lt3A_60 : vector<256x1024xi1>
    %jit3A = arith.constant 1.000000e+00 : f32
    %jit3A_61 = arith.constant 0.000000e+00 : f32
    %broadcast_in_dim3A_62 = vector.broadcast %jit3A : f32 to vector<256x1024xf32>
    %broadcast_in_dim3A_63 = vector.broadcast %jit3A_61 : f32 to vector<256x1024xf32>
    %select_n3A = arith.select %and3A, %broadcast_in_dim3A_62, %broadcast_in_dim3A_63 : vector<256x1024xi1>, vector<256x1024xf32>
    %add3A_64 = arith.addf %convert_element_type3A_55, %select_n3A : vector<256x1024xf32>
    %reduce_sum3A_65 = arith.constant dense<0.000000e+00> : vector<256xf32>
    %reduce_sum3A_66 = vector.multi_reduction <add>, %add3A_64, %reduce_sum3A_65 [1] : vector<256x1024xf32> to vector<256xf32>
    %broadcast_in_dim3A_67 = vector.shape_cast %reduce_sum3A_66 : vector<256xf32> to vector<256x1xf32>
    %eq3A_68 = arith.constant 0 : i32
    %eq3A_69 = arith.cmpi eq, %arg0, %eq3A_68 : i32
    %eq3A_70 = arith.constant 0 : i32
    %eq3A_71 = arith.cmpi eq, %arg1, %eq3A_70 : i32
    %and3A_72 = arith.andi %eq3A_69, %eq3A_71 : i1
    %convert_element_type3A_73 = arith.extui %and3A_72 : i1 to i32
    %cond3A = arith.constant 0 : i32
    %cond3A_74 = arith.cmpi ne, %convert_element_type3A_73, %cond3A : i32
    scf.if %cond3A_74 {
      %broadcast_in_dim3A_90 = arith.constant 0.000000e+00 : f32
      %broadcast_in_dim3A_91 = vector.broadcast %broadcast_in_dim3A_90 : f32 to vector<1x1xf32>
      %swap3A_92 = arith.constant 0 : index
      %swap3A_93 = arith.constant 0 : index
      %swap3A_94 = vector.load %arg4[%swap3A_92, %swap3A_93] : memref<1x1xf32, #tpu.memory_space<vmem>>, vector<1x1xf32>
      tpu.vector_store %arg4[%swap3A_92, %swap3A_93], %broadcast_in_dim3A_91 {strides = array<i32>} : memref<1x1xf32, #tpu.memory_space<vmem>>, vector<1x1xf32>,
    } else {
    }
    %eq3A_75 = arith.constant 0 : i32
    %eq3A_76 = arith.cmpi eq, %arg1, %eq3A_75 : i32
    %convert_element_type3A_77 = arith.extui %eq3A_76 : i1 to i32
    %cond3A_78 = arith.constant 0 : i32
    %cond3A_79 = arith.cmpi ne, %convert_element_type3A_77, %cond3A_78 : i32
    scf.if %cond3A_79 {
      %get3A_90 = arith.constant 0 : index
      %get3A_91 = arith.constant 0 : index
      %get3A_92 = vector.load %arg4[%get3A_90, %get3A_91] : memref<1x1xf32, #tpu.memory_space<vmem>>, vector<1x1xf32>
      %broadcast_in_dim3A_93 = arith.constant -3.000000e+00 : f32
      %broadcast_in_dim3A_94 = vector.broadcast %broadcast_in_dim3A_93 : f32 to vector<1x1xf32>
      %mul3A_95 = arith.mulf %get3A_1, %convert_element_type3A_14 : vector<256x1xf32>
      %reduce_sum3A_96 = vector.shape_cast %mul3A_95 : vector<256x1xf32> to vector<1x256x1xf32>
      %reduce_sum3A_97 = arith.constant dense<0.000000e+00> : vector<1xf32>
      %reduce_sum3A_98 = vector.multi_reduction <add>, %reduce_sum3A_96, %reduce_sum3A_97 [1, 2] : vector<1x256x1xf32> to vector<1xf32>
      %reduce_sum3A_99 = vector.shape_cast %reduce_sum3A_98 : vector<1xf32> to vector<1x1x1xf32>
      %reduce_sum3A_100 = vector.extract %reduce_sum3A_99[0, 0, 0] : f32 from vector<1x1x1xf32>
      %mul3A_101 = vector.broadcast %reduce_sum3A_100 : f32 to vector<1x1xf32>
      %mul3A_102 = arith.mulf %broadcast_in_dim3A_94, %mul3A_101 : vector<1x1xf32>
      %add3A_103 = arith.addf %get3A_92, %mul3A_102 : vector<1x1xf32>
      %swap3A_104 = arith.constant 0 : index
      %swap3A_105 = arith.constant 0 : index
      %swap3A_106 = vector.load %arg4[%swap3A_104, %swap3A_105] : memref<1x1xf32, #tpu.memory_space<vmem>>, vector<1x1xf32>
      tpu.vector_store %arg4[%swap3A_104, %swap3A_105], %add3A_103 {strides = array<i32>} : memref<1x1xf32, #tpu.memory_space<vmem>>, vector<1x1xf32>,
      %swap3A_107 = arith.constant 0 : index
      %swap3A_108 = arith.constant 0 : index
      %swap3A_109 = vector.load %arg5[%swap3A_107, %swap3A_108] : memref<256x1xf32, #tpu.memory_space<vmem>>, vector<256x1xf32>
      tpu.vector_store %arg5[%swap3A_107, %swap3A_108], %broadcast_in_dim3A_67 {strides = array<i32>} : memref<256x1xf32, #tpu.memory_space<vmem>>, vector<256x1xf32>,
    } else {
    }
    %ne3A = arith.constant 0 : i32
    %ne3A_80 = arith.cmpi ne, %arg1, %ne3A : i32
    %convert_element_type3A_81 = arith.extui %ne3A_80 : i1 to i32
    %cond3A_82 = arith.constant 0 : i32
    %cond3A_83 = arith.cmpi ne, %convert_element_type3A_81, %cond3A_82 : i32
    scf.if %cond3A_83 {
      %get3A_90 = arith.constant 0 : index
      %get3A_91 = arith.constant 0 : index
      %get3A_92 = vector.load %arg5[%get3A_90, %get3A_91] : memref<256x1xf32, #tpu.memory_space<vmem>>, vector<256x1xf32>
      %add3A_93 = arith.addf %get3A_92, %broadcast_in_dim3A_67 : vector<256x1xf32>
      %swap3A_94 = arith.constant 0 : index
      %swap3A_95 = arith.constant 0 : index
      %swap3A_96 = vector.load %arg5[%swap3A_94, %swap3A_95] : memref<256x1xf32, #tpu.memory_space<vmem>>, vector<256x1xf32>
      tpu.vector_store %arg5[%swap3A_94, %swap3A_95], %add3A_93 {strides = array<i32>} : memref<256x1xf32, #tpu.memory_space<vmem>>, vector<256x1xf32>,
    } else {
    }
    %get3A_84 = arith.constant 0 : index
    %get3A_85 = arith.constant 0 : index
    %get3A_86 = vector.load %arg4[%get3A_84, %get3A_85] : memref<1x1xf32, #tpu.memory_space<vmem>>, vector<1x1xf32>
    %reshape3A = vector.broadcast %reduce_sum3A_51 : f32 to vector<1x1xf32>
    %add3A_87 = arith.addf %get3A_86, %reshape3A : vector<1x1xf32>
    %swap3A = arith.constant 0 : index
    %swap3A_88 = arith.constant 0 : index
    %swap3A_89 = vector.load %arg4[%swap3A, %swap3A_88] : memref<1x1xf32, #tpu.memory_space<vmem>>, vector<1x1xf32>
    tpu.vector_store %arg4[%swap3A, %swap3A_88], %add3A_87 {strides = array<i32>} : memref<1x1xf32, #tpu.memory_space<vmem>>, vector<1x1xf32>,
    return
  }
  func.func @transform_0(%arg0: i32, %arg1: i32) -> (i32, i32) {
    %c0_i32 = arith.constant 0 : i32
    %c0_i32_0 = arith.constant 0 : i32
    return %arg0, %c0_i32 : i32, i32
  }
  func.func @transform_1(%arg0: i32, %arg1: i32) -> (i32, i32) {
    %c0_i32 = arith.constant 0 : i32
    %c0_i32_0 = arith.constant 0 : i32
    return %c0_i32, %arg1 : i32, i32
  }
  func.func @transform_2(%arg0: i32, %arg1: i32) -> (i32, i32) {
    %c0_i32 = arith.constant 0 : i32
    %c0_i32_0 = arith.constant 0 : i32
    %c0_i32_1 = arith.constant 0 : i32
    return %c0_i32, %c0_i32_0 : i32, i32
  }
  func.func @transform_3(%arg0: i32, %arg1: i32) -> (i32, i32) {
    %c0_i32 = arith.constant 0 : i32
    %c0_i32_0 = arith.constant 0 : i32
    return %arg0, %c0_i32 : i32, i32
  }
}

module attributes {stable_mosaic.version = 14 : i64} {
  func.func @_sumtiles_body(%arg0: i32, %arg1: memref<32x2048xf32, #tpu.memory_space<vmem>>, %arg2: memref<1x2048xf32, #tpu.memory_space<vmem>>) attributes {dimension_semantics = [#tpu.dimension_semantics<arbitrary>], iteration_bounds = array<i64: 15>, scalar_prefetch = 0 : i64, scratch_operands = 0 : i64, tpu.core_type = #tpu.core_type<tc>, window_params = [{transform_indices = @transform_0, window_bounds = array<i64: 32, 2048>}, {transform_indices = @transform_1, window_bounds = array<i64: 1, 2048>}]} {
    %get3A = arith.constant 0 : index
    %get3A_0 = arith.constant 0 : index
    %get3A_1 = vector.load %arg1[%get3A, %get3A_0] : memref<32x2048xf32, #tpu.memory_space<vmem>>, vector<32x2048xf32>
    %reduce_sum3A = arith.constant dense<0.000000e+00> : vector<2048xf32>
    %reduce_sum3A_2 = vector.multi_reduction <add>, %get3A_1, %reduce_sum3A [0] : vector<32x2048xf32> to vector<2048xf32>
    %broadcast_in_dim3A = vector.shape_cast %reduce_sum3A_2 : vector<2048xf32> to vector<1x2048xf32>
    %swap3A = arith.constant 0 : index
    %swap3A_3 = arith.constant 0 : index
    %swap3A_4 = vector.load %arg2[%swap3A, %swap3A_3] : memref<1x2048xf32, #tpu.memory_space<vmem>>, vector<1x2048xf32>
    tpu.vector_store %arg2[%swap3A, %swap3A_3], %broadcast_in_dim3A {strides = array<i32>} : memref<1x2048xf32, #tpu.memory_space<vmem>>, vector<1x2048xf32>,
    return
  }
  func.func @transform_0(%arg0: i32) -> (i32, i32) {
    %c0_i32 = arith.constant 0 : i32
    %c0_i32_0 = arith.constant 0 : i32
    return %c0_i32, %arg0 : i32, i32
  }
  func.func @transform_1(%arg0: i32) -> (i32, i32) {
    %c0_i32 = arith.constant 0 : i32
    %c0_i32_0 = arith.constant 0 : i32
    return %c0_i32, %arg0 : i32, i32
  }
}

module attributes {stable_mosaic.version = 14 : i64} {
  func.func @_mm_scale_body(%arg0: i32, %arg1: memref<1024x128xf32, #tpu.memory_space<vmem>>, %arg2: memref<128x128xf32, #tpu.memory_space<vmem>>, %arg3: memref<1024x1xf32, #tpu.memory_space<vmem>>, %arg4: memref<1024x128xf32, #tpu.memory_space<vmem>>) attributes {dimension_semantics = [#tpu.dimension_semantics<arbitrary>], iteration_bounds = array<i64: 10>, scalar_prefetch = 0 : i64, scratch_operands = 0 : i64, tpu.core_type = #tpu.core_type<tc>, window_params = [{transform_indices = @transform_0, window_bounds = array<i64: 1024, 128>}, {pipeline_mode = #tpu.pipeline_mode<synchronous>, transform_indices = @transform_1, window_bounds = array<i64: 128, 128>}, {transform_indices = @transform_2, window_bounds = array<i64: 1024, 1>}, {transform_indices = @transform_3, window_bounds = array<i64: 1024, 128>}]} {
    %get3A = arith.constant 0 : index
    %get3A_0 = arith.constant 0 : index
    %get3A_1 = vector.load %arg3[%get3A, %get3A_0] : memref<1024x1xf32, #tpu.memory_space<vmem>>, vector<1024x1xf32>
    %add3A = arith.constant 1.000000e+00 : f32
    %add3A_2 = vector.broadcast %add3A : f32 to vector<1024x1xf32>
    %add3A_3 = arith.addf %get3A_1, %add3A_2 : vector<1024x1xf32>
    %rsqrt3A = math.rsqrt %add3A_3 : vector<1024x1xf32>
    %get3A_4 = arith.constant 0 : index
    %get3A_5 = arith.constant 0 : index
    %get3A_6 = vector.load %arg1[%get3A_4, %get3A_5] : memref<1024x128xf32, #tpu.memory_space<vmem>>, vector<1024x128xf32>
    %get3A_7 = arith.constant 0 : index
    %get3A_8 = arith.constant 0 : index
    %get3A_9 = vector.load %arg2[%get3A_7, %get3A_8] : memref<128x128xf32, #tpu.memory_space<vmem>>, vector<128x128xf32>
    %dot_general3A = arith.constant dense<0.000000e+00> : vector<1024x128xf32>
    %dot_general3A_10 = tpu.matmul %get3A_6, %get3A_9, %dot_general3A {dimension_numbers = #tpu.dot_dimension_numbers<[1], [0], [0], [1], [0, 0, 1, 1], [], []>, transpose_lhs_hint = false} : vector<1024x128xf32>, vector<128x128xf32>, vector<1024x128xf32> -> vector<1024x128xf32>
    %mul3A = vector.broadcast %rsqrt3A : vector<1024x1xf32> to vector<1024x128xf32>
    %mul3A_11 = arith.mulf %mul3A, %dot_general3A_10 : vector<1024x128xf32>
    %swap3A = arith.constant 0 : index
    %swap3A_12 = arith.constant 0 : index
    %swap3A_13 = vector.load %arg4[%swap3A, %swap3A_12] : memref<1024x128xf32, #tpu.memory_space<vmem>>, vector<1024x128xf32>
    tpu.vector_store %arg4[%swap3A, %swap3A_12], %mul3A_11 {strides = array<i32>} : memref<1024x128xf32, #tpu.memory_space<vmem>>, vector<1024x128xf32>,
    return
  }
  func.func @transform_0(%arg0: i32) -> (i32, i32) {
    %c0_i32 = arith.constant 0 : i32
    %c0_i32_0 = arith.constant 0 : i32
    return %arg0, %c0_i32 : i32, i32
  }
  func.func @transform_1(%arg0: i32) -> (i32, i32) {
    %c0_i32 = arith.constant 0 : i32
    %c0_i32_0 = arith.constant 0 : i32
    %c0_i32_1 = arith.constant 0 : i32
    return %c0_i32, %c0_i32_0 : i32, i32
  }
  func.func @transform_2(%arg0: i32) -> (i32, i32) {
    %c0_i32 = arith.constant 0 : i32
    %c0_i32_0 = arith.constant 0 : i32
    return %arg0, %c0_i32 : i32, i32
  }
  func.func @transform_3(%arg0: i32) -> (i32, i32) {
    %c0_i32 = arith.constant 0 : i32
    %c0_i32_0 = arith.constant 0 : i32
    return %arg0, %c0_i32 : i32, i32
  }
}

module attributes {stable_mosaic.version = 14 : i64} {
  func.func @_epi_body(%arg0: i32, %arg1: memref<1x1024x128xf32, #tpu.memory_space<vmem>>, %arg2: memref<1x1024x128xf32, #tpu.memory_space<vmem>>, %arg3: memref<1024x128xf32, #tpu.memory_space<vmem>>, %arg4: memref<1024x1xf32, #tpu.memory_space<vmem>>, %arg5: memref<1x128xf32, #tpu.memory_space<vmem>>, %arg6: memref<1024x128xf32, #tpu.memory_space<vmem>>) attributes {dimension_semantics = [#tpu.dimension_semantics<arbitrary>], iteration_bounds = array<i64: 10>, scalar_prefetch = 0 : i64, scratch_operands = 0 : i64, tpu.core_type = #tpu.core_type<tc>, window_params = [{transform_indices = @transform_0, window_bounds = array<i64: 1, 1024, 128>}, {transform_indices = @transform_1, window_bounds = array<i64: 1, 1024, 128>}, {transform_indices = @transform_2, window_bounds = array<i64: 1024, 128>}, {transform_indices = @transform_3, window_bounds = array<i64: 1024, 1>}, {pipeline_mode = #tpu.pipeline_mode<synchronous>, transform_indices = @transform_4, window_bounds = array<i64: 1, 128>}, {transform_indices = @transform_5, window_bounds = array<i64: 1024, 128>}]} {
    %get3A = arith.constant 0 : index
    %get3A_0 = arith.constant 0 : index
    %get3A_1 = vector.load %arg4[%get3A, %get3A_0] : memref<1024x1xf32, #tpu.memory_space<vmem>>, vector<1024x1xf32>
    %add3A = arith.constant 1.000000e+00 : f32
    %add3A_2 = vector.broadcast %add3A : f32 to vector<1024x1xf32>
    %add3A_3 = arith.addf %get3A_1, %add3A_2 : vector<1024x1xf32>
    %rsqrt3A = math.rsqrt %add3A_3 : vector<1024x1xf32>
    %get3A_4 = arith.constant 0 : index
    %get3A_5 = arith.constant 0 : index
    %get3A_6 = arith.constant 0 : index
    %get3A_7 = vector.load %arg1[%get3A_4, %get3A_5, %get3A_6] : memref<1x1024x128xf32, #tpu.memory_space<vmem>>, vector<1x1024x128xf32>
    %get3A_8 = vector.shape_cast %get3A_7 : vector<1x1024x128xf32> to vector<1024x128xf32>
    %get3A_9 = arith.constant 0 : index
    %get3A_10 = arith.constant 0 : index
    %get3A_11 = arith.constant 0 : index
    %get3A_12 = vector.load %arg2[%get3A_9, %get3A_10, %get3A_11] : memref<1x1024x128xf32, #tpu.memory_space<vmem>>, vector<1x1024x128xf32>
    %get3A_13 = vector.shape_cast %get3A_12 : vector<1x1024x128xf32> to vector<1024x128xf32>
    %add3A_14 = arith.addf %get3A_8, %get3A_13 : vector<1024x128xf32>
    %get3A_15 = arith.constant 0 : index
    %get3A_16 = arith.constant 0 : index
    %get3A_17 = vector.load %arg3[%get3A_15, %get3A_16] : memref<1024x128xf32, #tpu.memory_space<vmem>>, vector<1024x128xf32>
    %add3A_18 = arith.addf %add3A_14, %get3A_17 : vector<1024x128xf32>
    %mul3A = vector.broadcast %rsqrt3A : vector<1024x1xf32> to vector<1024x128xf32>
    %mul3A_19 = arith.mulf %mul3A, %add3A_18 : vector<1024x128xf32>
    %get3A_20 = arith.constant 0 : index
    %get3A_21 = arith.constant 0 : index
    %get3A_22 = vector.load %arg5[%get3A_20, %get3A_21] : memref<1x128xf32, #tpu.memory_space<vmem>>, vector<1x128xf32>
    %add3A_23 = vector.broadcast %get3A_22 : vector<1x128xf32> to vector<1024x128xf32>
    %add3A_24 = arith.addf %mul3A_19, %add3A_23 : vector<1024x128xf32>
    %max3A = arith.constant 0.000000e+00 : f32
    %max3A_25 = vector.broadcast %max3A : f32 to vector<1024x128xf32>
    %max3A_26 = arith.maximumf %add3A_24, %max3A_25 : vector<1024x128xf32>
    %swap3A = arith.constant 0 : index
    %swap3A_27 = arith.constant 0 : index
    %swap3A_28 = vector.load %arg6[%swap3A, %swap3A_27] : memref<1024x128xf32, #tpu.memory_space<vmem>>, vector<1024x128xf32>
    tpu.vector_store %arg6[%swap3A, %swap3A_27], %max3A_26 {strides = array<i32>} : memref<1024x128xf32, #tpu.memory_space<vmem>>, vector<1024x128xf32>,
    return
  }
  func.func @transform_0(%arg0: i32) -> (i32, i32, i32) {
    %c0_i32 = arith.constant 0 : i32
    %c0_i32_0 = arith.constant 0 : i32
    %c0_i32_1 = arith.constant 0 : i32
    return %c0_i32, %arg0, %c0_i32_0 : i32, i32, i32
  }
  func.func @transform_1(%arg0: i32) -> (i32, i32, i32) {
    %c1_i32 = arith.constant 1 : i32
    %c0_i32 = arith.constant 0 : i32
    %c0_i32_0 = arith.constant 0 : i32
    return %c1_i32, %arg0, %c0_i32 : i32, i32, i32
  }
  func.func @transform_2(%arg0: i32) -> (i32, i32) {
    %c0_i32 = arith.constant 0 : i32
    %c0_i32_0 = arith.constant 0 : i32
    return %arg0, %c0_i32 : i32, i32
  }
  func.func @transform_3(%arg0: i32) -> (i32, i32) {
    %c0_i32 = arith.constant 0 : i32
    %c0_i32_0 = arith.constant 0 : i32
    return %arg0, %c0_i32 : i32, i32
  }
  func.func @transform_4(%arg0: i32) -> (i32, i32) {
    %c0_i32 = arith.constant 0 : i32
    %c0_i32_0 = arith.constant 0 : i32
    %c0_i32_1 = arith.constant 0 : i32
    return %c0_i32, %c0_i32_0 : i32, i32
  }
  func.func @transform_5(%arg0: i32) -> (i32, i32) {
    %c0_i32 = arith.constant 0 : i32
    %c0_i32_0 = arith.constant 0 : i32
    return %arg0, %c0_i32 : i32, i32
  }
}

module attributes {stable_mosaic.version = 14 : i64} {
  func.func @_epi_body(%arg0: i32, %arg1: memref<1x1024x128xf32, #tpu.memory_space<vmem>>, %arg2: memref<1x1024x128xf32, #tpu.memory_space<vmem>>, %arg3: memref<1024x128xf32, #tpu.memory_space<vmem>>, %arg4: memref<1024x1xf32, #tpu.memory_space<vmem>>, %arg5: memref<1x128xf32, #tpu.memory_space<vmem>>, %arg6: memref<1024x1xf32, #tpu.memory_space<vmem>>) attributes {dimension_semantics = [#tpu.dimension_semantics<arbitrary>], iteration_bounds = array<i64: 10>, scalar_prefetch = 0 : i64, scratch_operands = 0 : i64, tpu.core_type = #tpu.core_type<tc>, window_params = [{transform_indices = @transform_0, window_bounds = array<i64: 1, 1024, 128>}, {transform_indices = @transform_1, window_bounds = array<i64: 1, 1024, 128>}, {transform_indices = @transform_2, window_bounds = array<i64: 1024, 128>}, {transform_indices = @transform_3, window_bounds = array<i64: 1024, 1>}, {pipeline_mode = #tpu.pipeline_mode<synchronous>, transform_indices = @transform_4, window_bounds = array<i64: 1, 128>}, {transform_indices = @transform_5, window_bounds = array<i64: 1024, 1>}]} {
    %get3A = arith.constant 0 : index
    %get3A_0 = arith.constant 0 : index
    %get3A_1 = vector.load %arg4[%get3A, %get3A_0] : memref<1024x1xf32, #tpu.memory_space<vmem>>, vector<1024x1xf32>
    %add3A = arith.constant 1.000000e+00 : f32
    %add3A_2 = vector.broadcast %add3A : f32 to vector<1024x1xf32>
    %add3A_3 = arith.addf %get3A_1, %add3A_2 : vector<1024x1xf32>
    %rsqrt3A = math.rsqrt %add3A_3 : vector<1024x1xf32>
    %get3A_4 = arith.constant 0 : index
    %get3A_5 = arith.constant 0 : index
    %get3A_6 = arith.constant 0 : index
    %get3A_7 = vector.load %arg1[%get3A_4, %get3A_5, %get3A_6] : memref<1x1024x128xf32, #tpu.memory_space<vmem>>, vector<1x1024x128xf32>
    %get3A_8 = vector.shape_cast %get3A_7 : vector<1x1024x128xf32> to vector<1024x128xf32>
    %get3A_9 = arith.constant 0 : index
    %get3A_10 = arith.constant 0 : index
    %get3A_11 = arith.constant 0 : index
    %get3A_12 = vector.load %arg2[%get3A_9, %get3A_10, %get3A_11] : memref<1x1024x128xf32, #tpu.memory_space<vmem>>, vector<1x1024x128xf32>
    %get3A_13 = vector.shape_cast %get3A_12 : vector<1x1024x128xf32> to vector<1024x128xf32>
    %add3A_14 = arith.addf %get3A_8, %get3A_13 : vector<1024x128xf32>
    %get3A_15 = arith.constant 0 : index
    %get3A_16 = arith.constant 0 : index
    %get3A_17 = vector.load %arg3[%get3A_15, %get3A_16] : memref<1024x128xf32, #tpu.memory_space<vmem>>, vector<1024x128xf32>
    %add3A_18 = arith.addf %add3A_14, %get3A_17 : vector<1024x128xf32>
    %mul3A = vector.broadcast %rsqrt3A : vector<1024x1xf32> to vector<1024x128xf32>
    %mul3A_19 = arith.mulf %mul3A, %add3A_18 : vector<1024x128xf32>
    %get3A_20 = arith.constant 0 : index
    %get3A_21 = arith.constant 0 : index
    %get3A_22 = vector.load %arg5[%get3A_20, %get3A_21] : memref<1x128xf32, #tpu.memory_space<vmem>>, vector<1x128xf32>
    %add3A_23 = vector.broadcast %get3A_22 : vector<1x128xf32> to vector<1024x128xf32>
    %add3A_24 = arith.addf %mul3A_19, %add3A_23 : vector<1024x128xf32>
    %logistic3A = arith.negf %add3A_24 : vector<1024x128xf32>
    %logistic3A_25 = math.exp %logistic3A : vector<1024x128xf32>
    %logistic3A_26 = arith.constant 1.000000e+00 : f32
    %logistic3A_27 = vector.broadcast %logistic3A_26 : f32 to vector<1024x128xf32>
    %logistic3A_28 = arith.addf %logistic3A_27, %logistic3A_25 : vector<1024x128xf32>
    %logistic3A_29 = arith.divf %logistic3A_27, %logistic3A_28 : vector<1024x128xf32>
    %reduce_sum3A = arith.constant dense<0.000000e+00> : vector<1024xf32>
    %reduce_sum3A_30 = vector.multi_reduction <add>, %logistic3A_29, %reduce_sum3A [1] : vector<1024x128xf32> to vector<1024xf32>
    %broadcast_in_dim3A = vector.shape_cast %reduce_sum3A_30 : vector<1024xf32> to vector<1024x1xf32>
    %mul3A_31 = arith.constant 7.812500e-03 : f32
    %mul3A_32 = vector.broadcast %mul3A_31 : f32 to vector<1024x1xf32>
    %mul3A_33 = arith.mulf %broadcast_in_dim3A, %mul3A_32 : vector<1024x1xf32>
    %swap3A = arith.constant 0 : index
    %swap3A_34 = arith.constant 0 : index
    %swap3A_35 = vector.load %arg6[%swap3A, %swap3A_34] : memref<1024x1xf32, #tpu.memory_space<vmem>>, vector<1024x1xf32>
    tpu.vector_store %arg6[%swap3A, %swap3A_34], %mul3A_33 {strides = array<i32>} : memref<1024x1xf32, #tpu.memory_space<vmem>>, vector<1024x1xf32>,
    return
  }
  func.func @transform_0(%arg0: i32) -> (i32, i32, i32) {
    %c0_i32 = arith.constant 0 : i32
    %c0_i32_0 = arith.constant 0 : i32
    %c0_i32_1 = arith.constant 0 : i32
    return %c0_i32, %arg0, %c0_i32_0 : i32, i32, i32
  }
  func.func @transform_1(%arg0: i32) -> (i32, i32, i32) {
    %c1_i32 = arith.constant 1 : i32
    %c0_i32 = arith.constant 0 : i32
    %c0_i32_0 = arith.constant 0 : i32
    return %c1_i32, %arg0, %c0_i32 : i32, i32, i32
  }
  func.func @transform_2(%arg0: i32) -> (i32, i32) {
    %c0_i32 = arith.constant 0 : i32
    %c0_i32_0 = arith.constant 0 : i32
    return %arg0, %c0_i32 : i32, i32
  }
  func.func @transform_3(%arg0: i32) -> (i32, i32) {
    %c0_i32 = arith.constant 0 : i32
    %c0_i32_0 = arith.constant 0 : i32
    return %arg0, %c0_i32 : i32, i32
  }
  func.func @transform_4(%arg0: i32) -> (i32, i32) {
    %c0_i32 = arith.constant 0 : i32
    %c0_i32_0 = arith.constant 0 : i32
    %c0_i32_1 = arith.constant 0 : i32
    return %c0_i32, %c0_i32_0 : i32, i32
  }
  func.func @transform_5(%arg0: i32) -> (i32, i32) {
    %c0_i32 = arith.constant 0 : i32
    %c0_i32_0 = arith.constant 0 : i32
    return %arg0, %c0_i32 : i32, i32
  }
}

</mosaic_0001>

<sc_bundles>
// kernel: kernel.25.cloned.1.call-start
scs
__scs_entry_jumppad:
0x0: {  	(pc) =	sbr.rel $0x88, $3  }
0x1: {  	(tag) =	ssettag $0x0;
	lr =	simm.s32 $0x1  }
0x2: {  	[smem:$0x3F8A] =	sst lr;
	_ =	strace $0xD0000000  }
0x3: {  	_ = 	snop  }
0x4: {  	_ = 	snop  }
0x5: {  	_ = 	snop  }
0x6: {  	_ = 	snop  }
0x7: {  	_ = 	snop  }
__scs_overlays_trampoline_lowered:
0x8: {  	[smem:$0x3F99] =	sst s0  }
0x9: {  	[smem:$0x3F9A] =	sst s1  }
0xa: {  	[smem:$0x3F9B] =	sst s2  }
0xb: {  	[smem:$0x3F9C] =	sst s3  }
0xc: {  	[smem:$0x3F9D] =	sst s4  }
0xd: {  	[smem:$0x3F9E] =	sst s5  }
0xe: {  	[smem:$0x3F9F] =	sst s6  }
0xf: {  	[smem:$0x3FA0] =	sst s7  }
0x10: {  	[smem:$0x3FA1] =	sst s8  }
0x11: {  	[smem:$0x3FA2] =	sst s9;
	s0 =	simm.s32 @!p0 $0x0  }
0x12: {  	s1 =	sld [smem:$0x3F88];
	s0 =	simm.s32 @p0 $0x1  }
0x13: {  	[smem:$0x3FA3] =	sst s0;
	s0 =	simm.s32 @!p1 $0x0  }
0x14: {  	s2 =	sld [smem:$0x3F87];
	s0 =	simm.s32 @p1 $0x1  }
0x15: {  	[smem:$0x3FA4] =	sst s0;
	s0 =	simm.s32 @!p2 $0x0  }
0x16: {  	s3 =	sld [smem:$0x3FDB];
	s0 =	simm.s32 @p2 $0x1  }
0x17: {  	s4 =	simm.s32 $0x1BF5;
	[smem:$0x3FA6] =	sst s0  }
0x18: {  	s0 =	sld [smem:$0x3F89];
	_ =	swait.ge [sflag:s4], $0x0  }
0x19: {  	s7 =	sld [smem:$0x3F8A]  }
0x1a: {  	s8 =	sadd.s32 $0xFFFFE003, lr  }
0x1b: {  	s9 =	sadd.s32 $0xFFFFFEF7, lr;
	s5 =	simm.s32 $0xFFFFFFFF;
	p2 =	slt.u32 s8, $0xFFFFF086  }
0x1c: {  	p1 =	slt.u32 s9, $0xF7A;
	s5 =	simm.s32 @!p2 $0x0  }
0x1d: {  	s5 =	simm.s32 @p1 $0x1;
	p0 =	seq.s32 s7, s2  }
0x1e: {  	s7 =	smul.u32 @!p0 $0xF7A, s2;
	p2 =	seq.s32 @!p0 s5, $0x0  }
0x1f: {  	s9 =	smul.u32 $0xF7A, s1;
	s8 =	simm.s32 @!p0 $0x1BF5;
	p2 =	por !p2, p0  }
0x20: {  	[sflag:s8] =	ssyncset.s32 @!p0 $0xFFFFF086;
	s6 =	sadd.s32 @!p0 s3, s7;
	s7 =	simm.s32 @!p0 $0x108  }
0x21: {  	s3 =	sadd.s32 s3, s9;
	s6 =	sadd.s32 @!p0 $0x88, s6;
	s7 =	simm.s32 @p2 $0x1082  }
0x22: {  	[simem:s7], [sflag:s8] =	dma.local @!p0 [hbm:s6], $0xF7A  }
0x23: {  	s9 =	sor.u32 $0xD0000000, s2;
	s6 =	simm.s32 $0x108;
	_ =	swait.ge @!p0 [sflag:s8], $0x0  }
0x24: {  	s3 =	sadd.s32 $0x88, s3;
	s6 =	simm.s32 @!p1 $0x1082;
	[sflag:s4] =	ssyncset.s32 $0xFFFFF086  }
0x25: {  	[simem:s6], [sflag:s4] =	dma.local [hbm:s3], $0xF7A  }
0x26: {  	[smem:$0x3F8A] =	sst s1;
	(tag) =	ssettag s2;
	_ =	strace s9  }
0x27: {  	s1 =	sld [smem:$0x3F9A]  }
0x28: {  	s2 =	sld [smem:$0x3F9B]  }
0x29: {  	s4 =	sld [smem:$0x3F9D]  }
0x2a: {  	p0 =	seq.s32 s5, $0x0;
	s5 =	sld [smem:$0x3F9E]  }
0x2b: {  	s6 =	sld [smem:$0x3F9F]  }
0x2c: {  	s7 =	sld [smem:$0x3FA0]  }
0x2d: {  	s3 =	simm.s32 $0x108;
	s8 =	sld [smem:$0x3FA1]  }
0x2e: {  	s3 =	simm.s32 @!p0 $0x1082;
	s9 =	sld [smem:$0x3FA2]  }
0x2f: {  	lr =	sadd.s32 s0, s3;
	s0 =	sld [smem:$0x3F99]  }
0x30: {  	s3 =	sld [smem:$0x3F9C]  }
0x31: {  	[smem:$0x3FA5] =	sst s10  }
0x32: {  	s10 =	sld [smem:$0x3FA3];
	_ =	sdelay $0x3  }
0x33: {  	p0 =	seq.s32 s10, $0x1;
	s10 =	sld [smem:$0x3FA5];
	_ =	sdelay $0x3  }
0x34: {  	[smem:$0x3FA5] =	sst s10  }
0x35: {  	s10 =	sld [smem:$0x3FA4];
	_ =	sdelay $0x3  }
0x36: {  	p1 =	seq.s32 s10, $0x1;
	s10 =	sld [smem:$0x3FA5];
	_ =	sdelay $0x3  }
0x37: {  	[smem:$0x3FA5] =	sst s10  }
0x38: {  	s10 =	sld [smem:$0x3FA6]  }
0x39: {  	_ = 	snop;
	(pc) =	sbr.ind lr, $3  }
0x3a: {  	_ = 	snop  }
0x3b: {  	_ = 	snop  }
0x3c: {  	p2 =	seq.s32 s10, $0x1;
	s10 =	sld [smem:$0x3FA5]  }
0x3d: {  	_ =	shalt  }
0x3e: {  	_ =	shalt  }
0x3f: {  	_ =	shalt  }
0x40: {  	_ =	shalt  }
0x41: {  	_ =	shalt  }
0x42: {  	_ =	shalt  }
0x43: {  	_ =	shalt  }
0x44: {  	_ =	shalt  }
0x45: {  	_ =	shalt  }
0x46: {  	_ =	shalt  }
0x47: {  	_ =	shalt  }
0x48: {  	_ =	shalt  }
0x49: {  	_ =	shalt  }
0x4a: {  	_ =	shalt  }
0x4b: {  	_ =	shalt  }
0x4c: {  	_ =	shalt  }
0x4d: {  	_ =	shalt  }
0x4e: {  	_ =	shalt  }
0x4f: {  	_ =	shalt  }
0x50: {  	_ =	shalt  }
0x51: {  	_ =	shalt  }
0x52: {  	_ =	shalt  }
0x53: {  	_ =	shalt  }
0x54: {  	_ =	shalt  }
0x55: {  	_ =	shalt  }
0x56: {  	_ =	shalt  }
0x57: {  	_ =	shalt  }
0x58: {  	_ =	shalt  }
0x59: {  	_ =	shalt  }
0x5a: {  	_ =	shalt  }
0x5b: {  	_ =	shalt  }
0x5c: {  	_ =	shalt  }
0x5d: {  	_ =	shalt  }
0x5e: {  	_ =	shalt  }
0x5f: {  	_ =	shalt  }
0x60: {  	_ =	shalt  }
0x61: {  	_ =	shalt  }
0x62: {  	_ =	shalt  }
0x63: {  	_ =	shalt  }
0x64: {  	_ =	shalt  }
0x65: {  	_ =	shalt  }
0x66: {  	_ =	shalt  }
0x67: {  	_ =	shalt  }
0x68: {  	_ =	shalt  }
0x69: {  	_ =	shalt  }
0x6a: {  	_ =	shalt  }
0x6b: {  	_ =	shalt  }
0x6c: {  	_ =	shalt  }
0x6d: {  	_ =	shalt  }
0x6e: {  	_ =	shalt  }
0x6f: {  	_ =	shalt  }
0x70: {  	_ =	shalt  }
0x71: {  	_ =	shalt  }
0x72: {  	_ =	shalt  }
0x73: {  	_ =	shalt  }
0x74: {  	_ =	shalt  }
0x75: {  	_ =	shalt  }
0x76: {  	_ =	shalt  }
0x77: {  	_ =	shalt  }
0x78: {  	_ =	shalt  }
0x79: {  	_ =	shalt  }
0x7a: {  	_ =	shalt  }
0x7b: {  	_ =	shalt  }
0x7c: {  	_ =	shalt  }
0x7d: {  	_ =	shalt  }
0x7e: {  	_ =	shalt  }
0x7f: {  	_ =	shalt  }
0x80: {  	_ =	shalt  }
0x81: {  	_ =	shalt  }
0x82: {  	_ =	shalt  }
0x83: {  	_ =	shalt  }
0x84: {  	_ =	shalt  }
0x85: {  	_ =	shalt  }
0x86: {  	_ =	shalt  }
0x87: {  	_ =	shalt  }
.Lfunc_end0:
.L_simem_size_0:
called_computation_lowered:
.L_overlay_start_0:
0x88: {  	s2 =	sld [smem:$0x3FD9]  }
0x89: {  	s3 =	sld [smem:$0x3FFE];
	_ =	sdelay $0x1  }
0x8a: {  	s1 =	srdreg.scid  }
0x8b: {  	s0 =	sand.u32 $0x1, s1  }
0x8c: {  	s16 =	sshll.u32 s0, $0xA;
	s2 =	sadd.s32 s3, s2  }
0x8d: {  	s2 =	sadd.s32 s2, s16  }
0x8e: {  	[smem:$0x3FB1] =	sst s2  }
0x8f: {  	_ = 	snop  }
0x90: {  	(tm) =	ssettm $0x1  }
0x91: {  	s17 =	sld [smem:$0x3FFB];
	_ =	sdelay $0x3  }
0x92: {  	_ =	strace s17  }
0x93: {  	s2 =	sld [smem:$0x3FFC];
	_ =	sdelay $0x3  }
0x94: {  	_ =	strace s2  }
0x95: {  	s2 =	sld [smem:$0x3FFD];
	_ =	sdelay $0x3  }
0x96: {  	_ =	strace s2  }
0x97: {  	_ =	strace $0x8FFFFFFF  }
0x98: {  	s18 =	sld [smem:$0x3FDB];
	_ =	sdelay $0x1  }
0x99: {  	s19 =	simm.s32 $_scs_section_size  }
0x9a: {  	s4 =	simm.s32 $_size__tile_overlayer_lowered;
	s5 =	simm.s32 $_tile_overlayer_lowered  }
0x9b: {  	s22 =	simm.s32 $0x1BFF;
	s21 =	sshll.u32 s5, $0x1;
	s2 =	sadd.s32 s19, s18  }
0x9c: {  	s6 =	simm.s32 $0x0;
	s20 =	sshll.u32 s4, $0x1;
	s4 =	sadd.s32 s21, s2  }
0x9d: {  	[timem:s6], [sflag:s22] =	dma.local [hbm:s4], s20  }
0x9e: {  	_ =	swait.ge [sflag:s22], s20  }
0x9f: {  	s3 =	ssub.s32 $0x0, s20;
	[sflag:s22] =	ssyncset.done $0x0  }
0xa0: {  	[sflag:s22] =	ssyncadd.s32 s3;
	_ =	sdelay $0x1  }
0xa1: {  	s23 =	simm.s32 $0x1B8B  }
0xa2: {  	_ =	swait.ge [sflag:s23], $0x1  }
0xa3: {  	[sflag:s23] =	ssyncset.done $0x0  }
0xa4: {  	s25 =	simm.s32 $0x1B8E;
	s24 =	sld [smem:$0x3FFE];
	[sflag:s23] =	ssyncadd.s32 $0xFFFFFFFF  }
0xa5: {  	s26 =	simm.s32 $execute0_lowered;
	[smem:$0x3FD2] =	sst s25  }
0xa6: {  	s4 =	sshll.u32 s26, $0x1;
	_ =	strace $0x80000046;
	[dreg:$0x1] =	wrdreg $0xFFFFFFFF  }
0xa7: {  	s28 =	simm.s32 $_size_execute0_lowered;
	s2 =	sadd.s32 s2, s4;
	[dreg:$0x0] =	wrdreg $0x0  }
0xa8: {  	s4 =	sshll.u32 s28, $0x1;
	[dreg:$0x2] =	wrdreg s2  }
0xa9: {  	[dreg:$0x3] =	wrdreg s4  }
0xaa: {  	[dreg:$0x4] =	wrdreg $0xC0  }
0xab: {  	_ =	task [dreg:s6], $0x5FFFF  }
0xac: {  	[dreg:$0x1] =	wrdreg $0xFFFFFFFF  }
0xad: {  	[dreg:$0x0] =	wrdreg $0x60  }
0xae: {  	[dreg:$0x2] =	wrdreg s24  }
0xaf: {  	[dreg:$0x3] =	wrdreg $0x9  }
0xb0: {  	_ =	task.clear_ibuf [dreg:s6], $0x4FFFF;
	_ =	strace $0x90000046  }
0xb1: {  	s29 =	simm.s32 $0x9;
	_ =	strace $0x80000048  }
0xb2: {  	_ =	swait.ge [sflag:s29], $0x1  }
0xb3: {  	[sflag:s29] =	ssyncadd.s32 $0xFFFFFFFF  }
0xb4: {  	_ =	strace $0x90000048  }
0xb5: {  	_ =	sfence  }
0xb6: {  	s30 =	sld [smem:$0x0];
	_ =	sdelay $0x2  }
0xb7: {  	s31 =	sshll.u32 s1, $0xD;
	s1 =	sshrl.u32 s1, $0x2  }
0xb8: {  	s3 =	sand.u32 $0x4000, s31;
	s1 =	sadd.s32 s1, s30  }
0xb9: {  	s0 =	sor.u32 s3, s0;
	s1 =	sshll.u32 s1, $0x11  }
0xba: {  	s0 =	sor.u32 s1, s0  }
0xbb: {  	s0 =	sadd.s32 $0x8F2B, s0  }
0xbc: {  	[sflag:s0] =	ssyncadd.remote.s32 $0x1  }
0xbd: {  	_ =	sfence.sel $0xFFFF  }
0xbe: {  	[dreg:$0x0] =	wrdreg $0xFFFFFFFF;
	(pc) =	sbr.abs _section_cstart, $3  }
0xbf: {  	[dreg:$0x1] =	wrdreg $0xFFFFFFFF  }
0xc0: {  	_ =	task.clear_ibuf [dreg:s6], $0x2FFFF;
	_ =	strace $0x9FFFFFFF  }
0xc1: {  	(tm) =	ssettm $0x7FFFFFFF  }
tec
execute0_lowered:
.L_overlay_start_1:
0x0: {  	(tag) =	ssettag $0x1  }
0x1: {  	s0 =	rddreg [dreg:$0x0];
	s2 =	simm.s32 $0x0;
	s1 =	srdreg.scid  }
0x2: {  	s4 =	stileid.u32;
	s18 =	simm.s32 $0xC00;
	s19 =	simm.s32 $0x1  }
0x3: {  	s20 =	simm.s32 $0x8400;
	s21 =	simm.s32 $0xFC00;
	s22 =	simm.s32 $0x3400  }
0x4: {  	s23 =	simm.s32 $0xAC00;
	s28 =	simm.s32 $0x14C00;
	s29 =	simm.s32 $0x400  }
0x5: {  	s30 =	simm.s32 $0x800;
	s31 =	simm.s32 $0x0;
	[smem:$0x7FF] =	sst s2  }
0x6: {  	s3 =	sadd.s32 $0x3600, s0;
	s1 =	sand.u32 $0x1, s1;
	s6 =	sshll.u32 s4, $0x1  }
0x7: {  	s4 =	sadd.s32 $0x71A00, s0;
	s5 =	sadd.s32 $0x66A00, s0;
	s24 =	sadd.s32 $0x70A00, s0  }
0x8: {  	s7 =	sadd.s32 $0xD600, s0;
	s11 =	sadd.s32 $0x85A00, s0;
	s26 =	sadd.s32 $0x70F00, s0  }
0x9: {  	_ =	strace $0x80000047;
	s8 =	sor.u32 s1, s6;
	[dreg:$0x2] =	wrdreg s24  }
0xa: {  	s1 =	ssub.s32 $0x2, s1;
	[dreg:$0x3] =	wrdreg s26;
	s9 =	smul.u32 $0xF000, s8  }
0xb: {  	s24 =	simm.s32 $0x12400;
	s10 =	sshrl.u32 s1, $0x1;
	s12 =	smul.u32 $0x1E00, s8  }
0xc: {  	s26 =	simm.s32 $0xD400;
	s8 =	smul.u32 $0x2800, s8;
	s1 =	ssub.s32 s1, s10  }
0xd: {  	s10 =	sadd.s32 $0x71400, s0;
	s25 =	sshrl.u32 s9, $0x3;
	s17 =	smax.u32 s1, $0x1  }
0xe: {  	s9 =	simm.s32 $0x0;
	s16 =	sadd.s32 s11, s25;
	s11 =	sadd.s32 s11, s12  }
0xf: {  	s25 =	simm.s32 $0x5C00;
	s12 =	sadd.s32 $0xF00, s16;
	s13 =	sadd.s32 $0x500, s16  }
0x10: {  	s14 =	sadd.s32 $0x1400, s16;
	s15 =	sadd.s32 $0xA00, s16;
	s16 =	sadd.s32 $0x1900, s16  }
.LBB2_1:
0x11: {  	s0 =	rddreg [dreg:$0x2]  }
0x12: {  	[tilespmem:s18], [sflag:$0x1] =	stream.linear.gather [hbm4b:s0+s2], $0x2800, $0x38;
	[tilespmem:$0x17400] =	vst v63  }
0x13: {  	_ =	swait.ge [sflag:s19], $0x2800  }
0x14: {  	[sflag:s19] =	ssyncset.done $0x0  }
0x15: {  	[sflag:s19] =	ssyncadd.s32 $0xFFFFD800  }
0x16: {  	[tilespmem:s20], [sflag:$0x1] =	stream.linear.gather [hbm4b:s7+s2], $0x2800, $0x38;
	[tilespmem:$0x17400] =	vst v63  }
0x17: {  	_ =	swait.ge [sflag:s19], $0x2800  }
0x18: {  	[sflag:s19] =	ssyncset.done $0x0  }
0x19: {  	[sflag:s19] =	ssyncadd.s32 $0xFFFFD800  }
0x1a: {  	[tilespmem:s21], [sflag:$0x1] =	stream.linear.gather [hbm4b:s7+s2], $0x2800, $0x38;
	[tilespmem:$0x17400] =	vst v63  }
0x1b: {  	_ =	swait.ge [sflag:s19], $0x2800  }
0x1c: {  	[sflag:s19] =	ssyncset.done $0x0  }
0x1d: {  	s6 =	rddreg [dreg:$0x3];
	[sflag:s19] =	ssyncadd.s32 $0xFFFFD800  }
0x1e: {  	[tilespmem:s22], [sflag:$0x1] =	stream.linear.gather [hbm4b:s6+s2], $0x2800, $0x38;
	[tilespmem:$0x17400] =	vst v63  }
0x1f: {  	_ =	swait.ge [sflag:s19], $0x2800  }
0x20: {  	[sflag:s19] =	ssyncset.done $0x0  }
0x21: {  	[sflag:s19] =	ssyncadd.s32 $0xFFFFD800  }
0x22: {  	[tilespmem:s23], [sflag:$0x1] =	stream.linear.gather [hbm4b:s7+s2], $0x2800, $0x38;
	[tilespmem:$0x17400] =	vst v63  }
0x23: {  	_ =	swait.ge [sflag:s19], $0x2800  }
0x24: {  	[sflag:s19] =	ssyncset.done $0x0  }
0x25: {  	[sflag:s19] =	ssyncadd.s32 $0xFFFFD800  }
0x26: {  	[tilespmem:s24], [sflag:$0x1] =	stream.linear.gather [hbm4b:s7+s2], $0x2800, $0x38;
	[tilespmem:$0x17400] =	vst v63  }
0x27: {  	_ =	swait.ge [sflag:s19], $0x2800  }
0x28: {  	[sflag:s19] =	ssyncset.done $0x0  }
0x29: {  	[sflag:s19] =	ssyncadd.s32 $0xFFFFD800  }
0x2a: {  	[tilespmem:s25], [sflag:$0x1] =	stream.linear.gather [hbm4b:s10+s2], $0x2800, $0x38;
	[tilespmem:$0x17400] =	vst v63  }
0x2b: {  	_ =	swait.ge [sflag:s19], $0x2800  }
0x2c: {  	[sflag:s19] =	ssyncset.done $0x0  }
0x2d: {  	[sflag:s19] =	ssyncadd.s32 $0xFFFFD800  }
0x2e: {  	[tilespmem:s26], [sflag:$0x1] =	stream.linear.gather [hbm4b:s7+s2], $0x2800, $0x38;
	[tilespmem:$0x17400] =	vst v63  }
0x2f: {  	_ =	swait.ge [sflag:s19], $0x2800  }
0x30: {  	[sflag:s19] =	ssyncset.done $0x0  }
0x31: {  	[sflag:s19] =	ssyncadd.s32 $0xFFFFD800  }
0x32: {  	[tilespmem:s28], [sflag:$0x1] =	stream.linear.gather [hbm4b:s7+s2], $0x2800, $0x38;
	[tilespmem:$0x17400] =	vst v63  }
0x33: {  	_ =	swait.ge [sflag:s19], $0x2800  }
0x34: {  	[sflag:s19] =	ssyncset.done $0x0  }
0x35: {  	s0 =	simm.s32 $0x0;
	[sflag:s19] =	ssyncadd.s32 $0xFFFFD800  }
.LBB2_2:
0x36: {  	s1 =	sshll.u32 s0, $0xA  }
0x37: {  	s1 =	sadd.s32 s8, s1  }
0x38: {  	s1 =	sshrl.u32 s1, $0x3  }
0x39: {  	s6 =	sadd.s32 s3, s1  }
0x3a: {  	[tilespmem:s9], [sflag:$0x1] =	stream.linear.gather [hbm4b:s6+s9], $0x400, $0x38;
	[tilespmem:$0x17400] =	vst v63  }
0x3b: {  	_ =	swait.ge [sflag:s19], $0x400  }
0x3c: {  	[sflag:s19] =	ssyncset.done $0x0  }
0x3d: {  	s6 =	sadd.s32 s4, s1;
	[sflag:s19] =	ssyncadd.s32 $0xFFFFFC00  }
0x3e: {  	[tilespmem:s29], [sflag:$0x1] =	stream.linear.gather [hbm4b:s6+s9], $0x400, $0x38;
	[tilespmem:$0x17400] =	vst v63  }
0x3f: {  	_ =	swait.ge [sflag:s19], $0x400  }
0x40: {  	[sflag:s19] =	ssyncset.done $0x0  }
0x41: {  	s1 =	sadd.s32 s5, s1;
	[sflag:s19] =	ssyncadd.s32 $0xFFFFFC00  }
0x42: {  	[tilespmem:s30], [sflag:$0x1] =	stream.linear.gather [hbm4b:s1+s9], $0x400, $0x38;
	[tilespmem:$0x17400] =	vst v63  }
0x43: {  	_ =	swait.ge [sflag:s19], $0x400  }
0x44: {  	[sflag:s19] =	ssyncset.done $0x0  }
0x45: {  	s6 =	simm.s32 $0x0;
	[sflag:s19] =	ssyncadd.s32 $0xFFFFFC00  }
0x46: {  	v0 =	vld [tilespmem:s6+$0x0]  }
0x47: {  	v1 =	vld [tilespmem:s6+$0x400];
	_ =	sdelay $0x6  }
0x48: {  	v2 =	vld.idx.msk [tilespmem:v0+s18+$0x0], $0xffff  }
0x49: {  	v3 =	vld.idx.msk [tilespmem:v1+s18+$0x0], $0xffff;
	_ =	sdelay $0x1  }
0x4a: {  	v4 =	vld [tilespmem:s6+$0x800];
	_ =	sdelay $0x2  }
0x4b: {  	v2 =	vsub.f32 v3, v2;
	_ =	sdelay $0x1  }
0x4c: {  	v3 =	vmul.f32 v2, v4;
	_ =	sdelay $0x1  }
0x4d: {  	v2 =	vmul.f32 v3, v2  }
0x4e: {  	[tilespmem:v0+s20+$0x0] =	vst.idx.add.f32.msk $0xffff, v3  }
0x4f: {  	[tilespmem:v0+s21+$0x0] =	vst.idx.add.f32.msk $0xffff, v2  }
0x50: {  	v2 =	vld.idx.msk [tilespmem:v0+s22+$0x0], $0xffff  }
0x51: {  	v3 =	vld.idx.msk [tilespmem:v1+s22+$0x0], $0xffff;
	_ =	sdelay $0x4  }
0x52: {  	v2 =	vsub.f32 v3, v2;
	_ =	sdelay $0x1  }
0x53: {  	v3 =	vmul.f32 v2, v4;
	_ =	sdelay $0x1  }
0x54: {  	v2 =	vmul.f32 v3, v2  }
0x55: {  	[tilespmem:v0+s23+$0x0] =	vst.idx.add.f32.msk $0xffff, v3  }
0x56: {  	[tilespmem:v0+s24+$0x0] =	vst.idx.add.f32.msk $0xffff, v2  }
0x57: {  	v2 =	vld.idx.msk [tilespmem:v0+s25+$0x0], $0xffff  }
0x58: {  	v1 =	vld.idx.msk [tilespmem:v1+s25+$0x0], $0xffff;
	_ =	sdelay $0x4  }
0x59: {  	v1 =	vsub.f32 v1, v2;
	_ =	sdelay $0x1  }
0x5a: {  	s1 =	simm.s32 $0x40;
	v2 =	vmul.f32 v1, v4  }
.LBB2_3:
0x5b: {  	p0 =	sne.s32 s1, $0xFC0;
	s6 =	smov.u32 s1;
	s1 =	sadd.s32 $0x40, s1  }
0x5c: {  	[tilespmem:v0+s26+$0x0] =	vst.idx.add.f32.msk $0xffff, v2;
	v1 =	vmul.f32 v2, v1;
	_ =	sdelay $0x1  }
0x5d: {  	s6 =	sshra.s32 s6, $0x2;
	[tilespmem:v0+s28+$0x0] =	vst.idx.add.f32.msk $0xffff, v1  }
0x5e: {  	v0 =	vld [tilespmem:s6+$0x0]  }
0x5f: {  	v1 =	vld [tilespmem:s6+$0x400];
	_ =	sdelay $0x6  }
0x60: {  	v2 =	vld.idx.msk [tilespmem:v0+s18+$0x0], $0xffff  }
0x61: {  	v3 =	vld.idx.msk [tilespmem:v1+s18+$0x0], $0xffff;
	_ =	sdelay $0x1  }
0x62: {  	v4 =	vld [tilespmem:s6+$0x800];
	_ =	sdelay $0x3  }
0x63: {  	v2 =	vsub.f32 v3, v2;
	_ =	sdelay $0x1  }
0x64: {  	v3 =	vmul.f32 v2, v4;
	_ =	sdelay $0x1  }
0x65: {  	v2 =	vmul.f32 v3, v2;
	[tilespmem:v0+s20+$0x0] =	vst.idx.add.f32.msk $0xffff, v3;
	_ =	sdelay $0x1  }
0x66: {  	[tilespmem:v0+s21+$0x0] =	vst.idx.add.f32.msk $0xffff, v2  }
0x67: {  	v2 =	vld.idx.msk [tilespmem:v0+s22+$0x0], $0xffff  }
0x68: {  	v3 =	vld.idx.msk [tilespmem:v1+s22+$0x0], $0xffff;
	_ =	sdelay $0x5  }
0x69: {  	v2 =	vsub.f32 v3, v2;
	_ =	sdelay $0x1  }
0x6a: {  	v3 =	vmul.f32 v2, v4;
	_ =	sdelay $0x1  }
0x6b: {  	v2 =	vmul.f32 v3, v2;
	[tilespmem:v0+s23+$0x0] =	vst.idx.add.f32.msk $0xffff, v3;
	_ =	sdelay $0x1  }
0x6c: {  	[tilespmem:v0+s24+$0x0] =	vst.idx.add.f32.msk $0xffff, v2  }
0x6d: {  	v2 =	vld.idx.msk [tilespmem:v0+s25+$0x0], $0xffff  }
0x6e: {  	v1 =	vld.idx.msk [tilespmem:v1+s25+$0x0], $0xffff;
	_ =	sdelay $0x3  }
.Ltmp0:
0x6f: {  	(pc) =	sbr.rel @p0 .LBB2_3-.Ltmp0, $3  }
0x70: {  	_ = 	snop  }
0x71: {  	v1 =	vsub.f32 v1, v2;
	_ =	sdelay $0x1  }
0x72: {  	v2 =	vmul.f32 v1, v4  }
0x73: {  	s0 =	sadd.s32 $0x1, s0  }
0x74: {  	p0 =	sne.s32 s0, $0xA  }
.Ltmp1:
0x75: {  	_ = 	snop;
	(pc) =	sbr.rel @p0 .LBB2_2-.Ltmp1, $4  }
0x76: {  	_ = 	snop  }
0x77: {  	v1 =	vmul.f32 v2, v1  }
0x78: {  	[tilespmem:v0+s26+$0x0] =	vst.idx.add.f32.msk $0xffff, v2  }
0x79: {  	[tilespmem:v0+s28+$0x0] =	vst.idx.add.f32.msk $0xffff, v1  }
0x7a: {  	[hbm4b:s11+s2] =	stream.linear.scatter [tilespmem:s20], [sflag:$0x1], $0x2800, $0x38;
	[tilespmem:$0x17400] =	vst v63  }
0x7b: {  	_ =	swait.ge [sflag:s19], $0x2800  }
0x7c: {  	[sflag:s19] =	ssyncset.done $0x0  }
0x7d: {  	[sflag:s19] =	ssyncadd.s32 $0xFFFFD800  }
0x7e: {  	[hbm4b:s12+s2] =	stream.linear.scatter [tilespmem:s21], [sflag:$0x1], $0x2800, $0x38;
	[tilespmem:$0x17400] =	vst v63  }
0x7f: {  	_ =	swait.ge [sflag:s19], $0x2800  }
0x80: {  	[sflag:s19] =	ssyncset.done $0x0  }
0x81: {  	[sflag:s19] =	ssyncadd.s32 $0xFFFFD800  }
0x82: {  	[hbm4b:s13+s2] =	stream.linear.scatter [tilespmem:s23], [sflag:$0x1], $0x2800, $0x38;
	[tilespmem:$0x17400] =	vst v63  }
0x83: {  	_ =	swait.ge [sflag:s19], $0x2800  }
0x84: {  	[sflag:s19] =	ssyncset.done $0x0  }
0x85: {  	[sflag:s19] =	ssyncadd.s32 $0xFFFFD800  }
0x86: {  	[hbm4b:s14+s2] =	stream.linear.scatter [tilespmem:s24], [sflag:$0x1], $0x2800, $0x38;
	[tilespmem:$0x17400] =	vst v63  }
0x87: {  	_ =	swait.ge [sflag:s19], $0x2800  }
0x88: {  	[sflag:s19] =	ssyncset.done $0x0  }
0x89: {  	[sflag:s19] =	ssyncadd.s32 $0xFFFFD800  }
0x8a: {  	[hbm4b:s15+s2] =	stream.linear.scatter [tilespmem:s26], [sflag:$0x1], $0x2800, $0x38;
	[tilespmem:$0x17400] =	vst v63  }
0x8b: {  	s31 =	sadd.s32 $0x1, s31;
	_ =	swait.ge [sflag:s19], $0x2800  }
0x8c: {  	p0 =	sne.s32 s31, s17;
	[sflag:s19] =	ssyncset.done $0x0  }
.Ltmp2:
0x8d: {  	[sflag:s19] =	ssyncadd.s32 $0xFFFFD800;
	(pc) =	sbr.rel @p0 .LBB2_1-.Ltmp2, $4  }
0x8e: {  	[hbm4b:s16+s2] =	stream.linear.scatter [tilespmem:s28], [sflag:$0x1], $0x2800, $0x38;
	[tilespmem:$0x17400] =	vst v63  }
0x8f: {  	_ =	swait.ge [sflag:s19], $0x2800  }
0x90: {  	[sflag:s19] =	ssyncset.done $0x0  }
0x91: {  	[sflag:s19] =	ssyncadd.s32 $0xFFFFD800  }
0x92: {  	_ =	sfence.sel $0x180000  }
0x93: {  	[bflag:$0x0] =	sbarrier.arrive $0xFFFF  }
0x94: {  	_ =	strace $0x90000047  }
0x95: {  	s0 =	stileid.u32;
	[bflag:$0x2] =	sbarrier.arrive $0xFFFF  }
0x96: {  	p0 =	sne.s32 s0, $0x0;
	s0 =	rddreg [dreg:$0x1]  }
0x97: {  	s0 =	sadd.s32 @!p0 $0x100000, s0  }
0x98: {  	[sflag:s0] =	ssyncadd.tile.s32 @!p0 $0x1;
	_ =	shalt  }
.Lfunc_end2:
_tile_overlayer_lowered:
.L_overlay_start_2:
0x99: {  	(tag) =	ssettag $0x2  }
0x9a: {  	s0 =	rddreg [dreg:$0x0];
	s2 =	stileid.u32  }
0x9b: {  	s1 =	rddreg [dreg:$0x1];
	p0 =	sne.s32 s2, $0x0  }
0x9c: {  	s3 =	rddreg [dreg:$0x2];
	[bflag:$0x3] =	sbarrier.arrive $0xFFFF;
	s2 =	simm.s32 @!p0 $0x1C01  }
0x9d: {  	[timem:s3], [sflag:s2] =	dma.local @!p0 [hbm:s0], s1  }
0x9e: {  	s0 =	simm.s32 @!p0 $0x1  }
0x9f: {  	_ =	swait.ge @!p0 [sflag:s0], s1  }
0xa0: {  	s1 =	ssub.s32 @!p0 $0x0, s1;
	[sflag:s0] =	ssyncset.done @!p0 $0x0  }
0xa1: {  	[sflag:s0] =	ssyncadd.s32 @!p0 s1  }
0xa2: {  	[bflag:$0x3] =	sbarrier.arrive $0xFFFF  }
0xa3: {  	_ =	shalt  }

// kernel: kernel.28.cloned.1.call-start
scs
__scs_entry_jumppad:
0x0: {  	(pc) =	sbr.rel $0x88, $3  }
0x1: {  	(tag) =	ssettag $0x0;
	lr =	simm.s32 $0x1  }
0x2: {  	[smem:$0x3F8A] =	sst lr;
	_ =	strace $0xD0000000  }
0x3: {  	_ = 	snop  }
0x4: {  	_ = 	snop  }
0x5: {  	_ = 	snop  }
0x6: {  	_ = 	snop  }
0x7: {  	_ = 	snop  }
__scs_overlays_trampoline_lowered:
0x8: {  	[smem:$0x3F99] =	sst s0  }
0x9: {  	[smem:$0x3F9A] =	sst s1  }
0xa: {  	[smem:$0x3F9B] =	sst s2  }
0xb: {  	[smem:$0x3F9C] =	sst s3  }
0xc: {  	[smem:$0x3F9D] =	sst s4  }
0xd: {  	[smem:$0x3F9E] =	sst s5  }
0xe: {  	[smem:$0x3F9F] =	sst s6  }
0xf: {  	[smem:$0x3FA0] =	sst s7  }
0x10: {  	[smem:$0x3FA1] =	sst s8  }
0x11: {  	[smem:$0x3FA2] =	sst s9;
	s0 =	simm.s32 @!p0 $0x0  }
0x12: {  	s1 =	sld [smem:$0x3F88];
	s0 =	simm.s32 @p0 $0x1  }
0x13: {  	[smem:$0x3FA3] =	sst s0;
	s0 =	simm.s32 @!p1 $0x0  }
0x14: {  	s2 =	sld [smem:$0x3F87];
	s0 =	simm.s32 @p1 $0x1  }
0x15: {  	[smem:$0x3FA4] =	sst s0;
	s0 =	simm.s32 @!p2 $0x0  }
0x16: {  	s3 =	sld [smem:$0x3FDB];
	s0 =	simm.s32 @p2 $0x1  }
0x17: {  	s4 =	simm.s32 $0x1BF5;
	[smem:$0x3FA6] =	sst s0  }
0x18: {  	s0 =	sld [smem:$0x3F89];
	_ =	swait.ge [sflag:s4], $0x0  }
0x19: {  	s7 =	sld [smem:$0x3F8A]  }
0x1a: {  	s8 =	sadd.s32 $0xFFFFE003, lr  }
0x1b: {  	s9 =	sadd.s32 $0xFFFFFEF7, lr;
	s5 =	simm.s32 $0xFFFFFFFF;
	p2 =	slt.u32 s8, $0xFFFFF086  }
0x1c: {  	p1 =	slt.u32 s9, $0xF7A;
	s5 =	simm.s32 @!p2 $0x0  }
0x1d: {  	s5 =	simm.s32 @p1 $0x1;
	p0 =	seq.s32 s7, s2  }
0x1e: {  	s7 =	smul.u32 @!p0 $0xF7A, s2;
	p2 =	seq.s32 @!p0 s5, $0x0  }
0x1f: {  	s9 =	smul.u32 $0xF7A, s1;
	s8 =	simm.s32 @!p0 $0x1BF5;
	p2 =	por !p2, p0  }
0x20: {  	[sflag:s8] =	ssyncset.s32 @!p0 $0xFFFFF086;
	s6 =	sadd.s32 @!p0 s3, s7;
	s7 =	simm.s32 @!p0 $0x108  }
0x21: {  	s3 =	sadd.s32 s3, s9;
	s6 =	sadd.s32 @!p0 $0x88, s6;
	s7 =	simm.s32 @p2 $0x1082  }
0x22: {  	[simem:s7], [sflag:s8] =	dma.local @!p0 [hbm:s6], $0xF7A  }
0x23: {  	s9 =	sor.u32 $0xD0000000, s2;
	s6 =	simm.s32 $0x108;
	_ =	swait.ge @!p0 [sflag:s8], $0x0  }
0x24: {  	s3 =	sadd.s32 $0x88, s3;
	s6 =	simm.s32 @!p1 $0x1082;
	[sflag:s4] =	ssyncset.s32 $0xFFFFF086  }
0x25: {  	[simem:s6], [sflag:s4] =	dma.local [hbm:s3], $0xF7A  }
0x26: {  	[smem:$0x3F8A] =	sst s1;
	(tag) =	ssettag s2;
	_ =	strace s9  }
0x27: {  	s1 =	sld [smem:$0x3F9A]  }
0x28: {  	s2 =	sld [smem:$0x3F9B]  }
0x29: {  	s4 =	sld [smem:$0x3F9D]  }
0x2a: {  	p0 =	seq.s32 s5, $0x0;
	s5 =	sld [smem:$0x3F9E]  }
0x2b: {  	s6 =	sld [smem:$0x3F9F]  }
0x2c: {  	s7 =	sld [smem:$0x3FA0]  }
0x2d: {  	s3 =	simm.s32 $0x108;
	s8 =	sld [smem:$0x3FA1]  }
0x2e: {  	s3 =	simm.s32 @!p0 $0x1082;
	s9 =	sld [smem:$0x3FA2]  }
0x2f: {  	lr =	sadd.s32 s0, s3;
	s0 =	sld [smem:$0x3F99]  }
0x30: {  	s3 =	sld [smem:$0x3F9C]  }
0x31: {  	[smem:$0x3FA5] =	sst s10  }
0x32: {  	s10 =	sld [smem:$0x3FA3];
	_ =	sdelay $0x3  }
0x33: {  	p0 =	seq.s32 s10, $0x1;
	s10 =	sld [smem:$0x3FA5];
	_ =	sdelay $0x3  }
0x34: {  	[smem:$0x3FA5] =	sst s10  }
0x35: {  	s10 =	sld [smem:$0x3FA4];
	_ =	sdelay $0x3  }
0x36: {  	p1 =	seq.s32 s10, $0x1;
	s10 =	sld [smem:$0x3FA5];
	_ =	sdelay $0x3  }
0x37: {  	[smem:$0x3FA5] =	sst s10  }
0x38: {  	s10 =	sld [smem:$0x3FA6]  }
0x39: {  	_ = 	snop;
	(pc) =	sbr.ind lr, $3  }
0x3a: {  	_ = 	snop  }
0x3b: {  	_ = 	snop  }
0x3c: {  	p2 =	seq.s32 s10, $0x1;
	s10 =	sld [smem:$0x3FA5]  }
0x3d: {  	_ =	shalt  }
0x3e: {  	_ =	shalt  }
0x3f: {  	_ =	shalt  }
0x40: {  	_ =	shalt  }
0x41: {  	_ =	shalt  }
0x42: {  	_ =	shalt  }
0x43: {  	_ =	shalt  }
0x44: {  	_ =	shalt  }
0x45: {  	_ =	shalt  }
0x46: {  	_ =	shalt  }
0x47: {  	_ =	shalt  }
0x48: {  	_ =	shalt  }
0x49: {  	_ =	shalt  }
0x4a: {  	_ =	shalt  }
0x4b: {  	_ =	shalt  }
0x4c: {  	_ =	shalt  }
0x4d: {  	_ =	shalt  }
0x4e: {  	_ =	shalt  }
0x4f: {  	_ =	shalt  }
0x50: {  	_ =	shalt  }
0x51: {  	_ =	shalt  }
0x52: {  	_ =	shalt  }
0x53: {  	_ =	shalt  }
0x54: {  	_ =	shalt  }
0x55: {  	_ =	shalt  }
0x56: {  	_ =	shalt  }
0x57: {  	_ =	shalt  }
0x58: {  	_ =	shalt  }
0x59: {  	_ =	shalt  }
0x5a: {  	_ =	shalt  }
0x5b: {  	_ =	shalt  }
0x5c: {  	_ =	shalt  }
0x5d: {  	_ =	shalt  }
0x5e: {  	_ =	shalt  }
0x5f: {  	_ =	shalt  }
0x60: {  	_ =	shalt  }
0x61: {  	_ =	shalt  }
0x62: {  	_ =	shalt  }
0x63: {  	_ =	shalt  }
0x64: {  	_ =	shalt  }
0x65: {  	_ =	shalt  }
0x66: {  	_ =	shalt  }
0x67: {  	_ =	shalt  }
0x68: {  	_ =	shalt  }
0x69: {  	_ =	shalt  }
0x6a: {  	_ =	shalt  }
0x6b: {  	_ =	shalt  }
0x6c: {  	_ =	shalt  }
0x6d: {  	_ =	shalt  }
0x6e: {  	_ =	shalt  }
0x6f: {  	_ =	shalt  }
0x70: {  	_ =	shalt  }
0x71: {  	_ =	shalt  }
0x72: {  	_ =	shalt  }
0x73: {  	_ =	shalt  }
0x74: {  	_ =	shalt  }
0x75: {  	_ =	shalt  }
0x76: {  	_ =	shalt  }
0x77: {  	_ =	shalt  }
0x78: {  	_ =	shalt  }
0x79: {  	_ =	shalt  }
0x7a: {  	_ =	shalt  }
0x7b: {  	_ =	shalt  }
0x7c: {  	_ =	shalt  }
0x7d: {  	_ =	shalt  }
0x7e: {  	_ =	shalt  }
0x7f: {  	_ =	shalt  }
0x80: {  	_ =	shalt  }
0x81: {  	_ =	shalt  }
0x82: {  	_ =	shalt  }
0x83: {  	_ =	shalt  }
0x84: {  	_ =	shalt  }
0x85: {  	_ =	shalt  }
0x86: {  	_ =	shalt  }
0x87: {  	_ =	shalt  }
.Lfunc_end0:
.L_simem_size_0:
called_computation.1_lowered:
.L_overlay_start_0:
0x88: {  	s2 =	sld [smem:$0x3FD9]  }
0x89: {  	s3 =	sld [smem:$0x3FFE];
	_ =	sdelay $0x1  }
0x8a: {  	s1 =	srdreg.scid  }
0x8b: {  	s0 =	sand.u32 $0x1, s1  }
0x8c: {  	s16 =	sshll.u32 s0, $0xA;
	s2 =	sadd.s32 s3, s2  }
0x8d: {  	s2 =	sadd.s32 s2, s16  }
0x8e: {  	[smem:$0x3FB1] =	sst s2  }
0x8f: {  	_ = 	snop  }
0x90: {  	(tm) =	ssettm $0x1  }
0x91: {  	s17 =	sld [smem:$0x3FFB];
	_ =	sdelay $0x3  }
0x92: {  	_ =	strace s17  }
0x93: {  	s2 =	sld [smem:$0x3FFC];
	_ =	sdelay $0x3  }
0x94: {  	_ =	strace s2  }
0x95: {  	s2 =	sld [smem:$0x3FFD];
	_ =	sdelay $0x3  }
0x96: {  	_ =	strace s2  }
0x97: {  	_ =	strace $0x8FFFFFFF  }
0x98: {  	s18 =	sld [smem:$0x3FDB];
	_ =	sdelay $0x1  }
0x99: {  	s19 =	simm.s32 $_scs_section_size  }
0x9a: {  	s4 =	simm.s32 $_size__tile_overlayer_lowered;
	s5 =	simm.s32 $_tile_overlayer_lowered  }
0x9b: {  	s22 =	simm.s32 $0x1BFF;
	s21 =	sshll.u32 s5, $0x1;
	s2 =	sadd.s32 s19, s18  }
0x9c: {  	s6 =	simm.s32 $0x0;
	s20 =	sshll.u32 s4, $0x1;
	s4 =	sadd.s32 s21, s2  }
0x9d: {  	[timem:s6], [sflag:s22] =	dma.local [hbm:s4], s20  }
0x9e: {  	_ =	swait.ge [sflag:s22], s20  }
0x9f: {  	s3 =	ssub.s32 $0x0, s20;
	[sflag:s22] =	ssyncset.done $0x0  }
0xa0: {  	[sflag:s22] =	ssyncadd.s32 s3;
	_ =	sdelay $0x1  }
0xa1: {  	s23 =	simm.s32 $0x1B8B  }
0xa2: {  	_ =	swait.ge [sflag:s23], $0x1  }
0xa3: {  	[sflag:s23] =	ssyncset.done $0x0  }
0xa4: {  	s25 =	simm.s32 $0x1B8E;
	s24 =	sld [smem:$0x3FFE];
	[sflag:s23] =	ssyncadd.s32 $0xFFFFFFFF  }
0xa5: {  	s26 =	simm.s32 $execute0_lowered;
	[smem:$0x3FD2] =	sst s25  }
0xa6: {  	s4 =	sshll.u32 s26, $0x1;
	_ =	strace $0x80000049;
	[dreg:$0x1] =	wrdreg $0xFFFFFFFF  }
0xa7: {  	s28 =	simm.s32 $_size_execute0_lowered;
	s2 =	sadd.s32 s2, s4;
	[dreg:$0x0] =	wrdreg $0x0  }
0xa8: {  	s4 =	sshll.u32 s28, $0x1;
	[dreg:$0x2] =	wrdreg s2  }
0xa9: {  	[dreg:$0x3] =	wrdreg s4  }
0xaa: {  	[dreg:$0x4] =	wrdreg $0xC0  }
0xab: {  	_ =	task [dreg:s6], $0x5FFFF  }
0xac: {  	[dreg:$0x1] =	wrdreg $0xFFFFFFFF  }
0xad: {  	[dreg:$0x0] =	wrdreg $0x60  }
0xae: {  	[dreg:$0x2] =	wrdreg s24  }
0xaf: {  	[dreg:$0x3] =	wrdreg $0x9  }
0xb0: {  	_ =	task.clear_ibuf [dreg:s6], $0x4FFFF;
	_ =	strace $0x90000049  }
0xb1: {  	s29 =	simm.s32 $0x9;
	_ =	strace $0x8000004B  }
0xb2: {  	_ =	swait.ge [sflag:s29], $0x1  }
0xb3: {  	[sflag:s29] =	ssyncadd.s32 $0xFFFFFFFF  }
0xb4: {  	_ =	strace $0x9000004B  }
0xb5: {  	_ =	sfence  }
0xb6: {  	s30 =	sld [smem:$0x0];
	_ =	sdelay $0x2  }
0xb7: {  	s31 =	sshll.u32 s1, $0xD;
	s1 =	sshrl.u32 s1, $0x2  }
0xb8: {  	s3 =	sand.u32 $0x4000, s31;
	s1 =	sadd.s32 s1, s30  }
0xb9: {  	s0 =	sor.u32 s3, s0;
	s1 =	sshll.u32 s1, $0x11  }
0xba: {  	s0 =	sor.u32 s1, s0  }
0xbb: {  	s0 =	sadd.s32 $0x8F2B, s0  }
0xbc: {  	[sflag:s0] =	ssyncadd.remote.s32 $0x1  }
0xbd: {  	_ =	sfence.sel $0xFFFF  }
0xbe: {  	[dreg:$0x0] =	wrdreg $0xFFFFFFFF;
	(pc) =	sbr.abs _section_cstart, $3  }
0xbf: {  	[dreg:$0x1] =	wrdreg $0xFFFFFFFF  }
0xc0: {  	_ =	task.clear_ibuf [dreg:s6], $0x2FFFF;
	_ =	strace $0x9FFFFFFF  }
0xc1: {  	(tm) =	ssettm $0x7FFFFFFF  }
tec
execute0_lowered:
.L_overlay_start_1:
0x0: {  	(tag) =	ssettag $0x1  }
0x1: {  	s10 =	rddreg [dreg:$0x0]  }
0x2: {  	s0 =	rddreg [dreg:$0x1];
	s1 =	simm.s32 $0x0  }
0x3: {  	s5 =	srdreg.scid;
	s2 =	stileid.u32;
	s17 =	simm.s32 $0x5C00  }
0x4: {  	s18 =	simm.s32 $0x8400;
	s19 =	simm.s32 $0xAC00;
	s20 =	simm.s32 $0x400  }
0x5: {  	s21 =	simm.s32 $0x800;
	s22 =	simm.s32 $0x0;
	s26 =	simm.s32 $0x0  }
0x6: {  	[smem:$0x7FF] =	sst s1;
	s3 =	sadd.s32 $0x3600, s10;
	s4 =	sadd.s32 $0x71A00, s10  }
0x7: {  	s11 =	sand.u32 $0x1, s5;
	s7 =	sshll.u32 s2, $0x1;
	s5 =	sadd.s32 $0x66A00, s10  }
0x8: {  	s6 =	sadd.s32 $0xDC00, s10;
	s8 =	sadd.s32 $0x71000, s10;
	s12 =	sor.u32 s11, s7  }
0x9: {  	s9 =	sadd.s32 $0xD600, s10;
	s14 =	sadd.s32 $0x85A00, s10;
	s13 =	smul.u32 $0x5000, s12  }
0xa: {  	_ =	strace $0x8000004A;
	s30 =	ssub.s32 $0x2, s11;
	s15 =	smul.u32 $0xA00, s12  }
0xb: {  	s7 =	sadd.s32 $0x70A00, s10;
	s11 =	sshrl.u32 s30, $0x1;
	s10 =	smul.u32 $0x2800, s12  }
0xc: {  	s16 =	ssub.s32 s30, s11;
	s13 =	sshrl.u32 s13, $0x3;
	s11 =	sadd.s32 s14, s15  }
0xd: {  	s15 =	simm.s32 $0x1;
	s31 =	sadd.s32 s14, s13;
	s13 =	smax.u32 s16, $0x1  }
0xe: {  	s14 =	simm.s32 $0xC00;
	s16 =	simm.s32 $0x3400;
	s12 =	sadd.s32 $0x500, s31  }
.LBB2_1:
0xf: {  	[tilespmem:s14], [sflag:$0x1] =	stream.linear.gather [hbm4b:s6+s1], $0x2800, $0x38;
	[tilespmem:$0xD400] =	vst v63  }
0x10: {  	_ =	swait.ge [sflag:s15], $0x2800  }
0x11: {  	[sflag:s15] =	ssyncset.done $0x0  }
0x12: {  	[sflag:s15] =	ssyncadd.s32 $0xFFFFD800  }
0x13: {  	[tilespmem:s16], [sflag:$0x1] =	stream.linear.gather [hbm4b:s7+s1], $0x2800, $0x38;
	[tilespmem:$0xD400] =	vst v63  }
0x14: {  	_ =	swait.ge [sflag:s15], $0x2800  }
0x15: {  	[sflag:s15] =	ssyncset.done $0x0  }
0x16: {  	[sflag:s15] =	ssyncadd.s32 $0xFFFFD800  }
0x17: {  	[tilespmem:s17], [sflag:$0x1] =	stream.linear.gather [hbm4b:s8+s1], $0x2800, $0x38;
	[tilespmem:$0xD400] =	vst v63  }
0x18: {  	_ =	swait.ge [sflag:s15], $0x2800  }
0x19: {  	[sflag:s15] =	ssyncset.done $0x0  }
0x1a: {  	[sflag:s15] =	ssyncadd.s32 $0xFFFFD800  }
0x1b: {  	[tilespmem:s18], [sflag:$0x1] =	stream.linear.gather [hbm4b:s9+s1], $0x2800, $0x38;
	[tilespmem:$0xD400] =	vst v63  }
0x1c: {  	_ =	swait.ge [sflag:s15], $0x2800  }
0x1d: {  	[sflag:s15] =	ssyncset.done $0x0  }
0x1e: {  	[sflag:s15] =	ssyncadd.s32 $0xFFFFD800  }
0x1f: {  	[tilespmem:s19], [sflag:$0x1] =	stream.linear.gather [hbm4b:s9+s1], $0x2800, $0x38;
	[tilespmem:$0xD400] =	vst v63  }
0x20: {  	_ =	swait.ge [sflag:s15], $0x2800  }
0x21: {  	[sflag:s15] =	ssyncset.done $0x0  }
0x22: {  	s23 =	simm.s32 $0x0;
	[sflag:s15] =	ssyncadd.s32 $0xFFFFD800  }
.LBB2_2:
0x23: {  	s24 =	sshll.u32 s23, $0xA  }
0x24: {  	s24 =	sadd.s32 s10, s24  }
0x25: {  	s24 =	sshrl.u32 s24, $0x3  }
0x26: {  	s25 =	sadd.s32 s3, s24  }
0x27: {  	[tilespmem:s26], [sflag:$0x1] =	stream.linear.gather [hbm4b:s25+s26], $0x400, $0x38;
	[tilespmem:$0xD400] =	vst v63  }
0x28: {  	_ =	swait.ge [sflag:s15], $0x400  }
0x29: {  	[sflag:s15] =	ssyncset.done $0x0  }
0x2a: {  	s30 =	sadd.s32 s4, s24;
	[sflag:s15] =	ssyncadd.s32 $0xFFFFFC00  }
0x2b: {  	[tilespmem:s20], [sflag:$0x1] =	stream.linear.gather [hbm4b:s30+s26], $0x400, $0x38;
	[tilespmem:$0xD400] =	vst v63  }
0x2c: {  	_ =	swait.ge [sflag:s15], $0x400  }
0x2d: {  	[sflag:s15] =	ssyncset.done $0x0  }
0x2e: {  	s24 =	sadd.s32 s5, s24;
	[sflag:s15] =	ssyncadd.s32 $0xFFFFFC00  }
0x2f: {  	[tilespmem:s21], [sflag:$0x1] =	stream.linear.gather [hbm4b:s24+s26], $0x400, $0x38;
	[tilespmem:$0xD400] =	vst v63  }
0x30: {  	_ =	swait.ge [sflag:s15], $0x400  }
0x31: {  	[sflag:s15] =	ssyncset.done $0x0  }
0x32: {  	s31 =	simm.s32 $0x0;
	[sflag:s15] =	ssyncadd.s32 $0xFFFFFC00  }
0x33: {  	v0 =	vld [tilespmem:s31+$0x0];
	_ =	sdelay $0x2  }
0x34: {  	v1 =	vld [tilespmem:s31+$0x400];
	_ =	sdelay $0x4  }
0x35: {  	v2 =	vld.idx.msk [tilespmem:v0+s16+$0x0], $0xffff  }
0x36: {  	v3 =	vld.idx.msk [tilespmem:v0+s14+$0x0], $0xffff  }
0x37: {  	v4 =	vld.idx.msk [tilespmem:v0+s17+$0x0], $0xffff  }
0x38: {  	v5 =	vld.idx.msk [tilespmem:v1+s14+$0x0], $0xffff  }
0x39: {  	v6 =	vld.idx.msk [tilespmem:v1+s17+$0x0], $0xffff  }
0x3a: {  	v7 =	vld.idx.msk [tilespmem:v1+s16+$0x0], $0xffff  }
0x3b: {  	v1 =	vld [tilespmem:s31+$0x800];
	_ =	sdelay $0x2  }
0x3c: {  	v5 =	vsub.f32 v5, v3  }
0x3d: {  	v3 =	vsub.f32 v6, v4  }
0x3e: {  	s24 =	simm.s32 $0x40;
	v2 =	vsub.f32 v7, v2;
	v4 =	vmul.f32 v5, v1  }
.LBB2_3:
0x3f: {  	p0 =	sne.s32 s24, $0xFC0;
	v1 =	vmul.f32 v3, v1;
	s25 =	smov.u32 s24;
	s24 =	sadd.s32 $0x40, s24  }
0x40: {  	v2 =	vmul.f32 v2, v4  }
0x41: {  	[tilespmem:v0+s18+$0x0] =	vst.idx.add.f32.msk $0xffff, v1  }
0x42: {  	s25 =	sshra.s32 s25, $0x2;
	[tilespmem:v0+s19+$0x0] =	vst.idx.add.f32.msk $0xffff, v2  }
0x43: {  	v0 =	vld [tilespmem:s25+$0x0]  }
0x44: {  	v1 =	vld [tilespmem:s25+$0x400];
	_ =	sdelay $0x6  }
0x45: {  	v2 =	vld.idx.msk [tilespmem:v0+s16+$0x0], $0xffff  }
0x46: {  	v3 =	vld.idx.msk [tilespmem:v0+s14+$0x0], $0xffff  }
0x47: {  	v4 =	vld.idx.msk [tilespmem:v0+s17+$0x0], $0xffff  }
0x48: {  	v5 =	vld.idx.msk [tilespmem:v1+s14+$0x0], $0xffff  }
0x49: {  	v6 =	vld.idx.msk [tilespmem:v1+s17+$0x0], $0xffff  }
0x4a: {  	v7 =	vld.idx.msk [tilespmem:v1+s16+$0x0], $0xffff  }
0x4b: {  	v1 =	vld [tilespmem:s25+$0x800]  }
.Ltmp0:
0x4c: {  	(pc) =	sbr.rel @p0 .LBB2_3-.Ltmp0, $4  }
0x4d: {  	_ = 	snop  }
0x4e: {  	v5 =	vsub.f32 v5, v3  }
0x4f: {  	v3 =	vsub.f32 v6, v4  }
0x50: {  	v2 =	vsub.f32 v7, v2;
	v4 =	vmul.f32 v5, v1  }
0x51: {  	s23 =	sadd.s32 $0x1, s23  }
0x52: {  	p0 =	sne.s32 s23, $0xA  }
.Ltmp1:
0x53: {  	_ = 	snop;
	(pc) =	sbr.rel @p0 .LBB2_2-.Ltmp1, $4  }
0x54: {  	v1 =	vmul.f32 v3, v1  }
0x55: {  	v2 =	vmul.f32 v2, v4  }
0x56: {  	[tilespmem:v0+s18+$0x0] =	vst.idx.add.f32.msk $0xffff, v1  }
0x57: {  	[tilespmem:v0+s19+$0x0] =	vst.idx.add.f32.msk $0xffff, v2  }
0x58: {  	[hbm4b:s11+s1] =	stream.linear.scatter [tilespmem:s18], [sflag:$0x1], $0x2800, $0x38;
	[tilespmem:$0xD400] =	vst v63  }
0x59: {  	s22 =	sadd.s32 $0x1, s22;
	_ =	swait.ge [sflag:s15], $0x2800  }
0x5a: {  	p0 =	sne.s32 s22, s13;
	[sflag:s15] =	ssyncset.done $0x0  }
.Ltmp2:
0x5b: {  	[sflag:s15] =	ssyncadd.s32 $0xFFFFD800;
	(pc) =	sbr.rel @p0 .LBB2_1-.Ltmp2, $4  }
0x5c: {  	[hbm4b:s12+s1] =	stream.linear.scatter [tilespmem:s19], [sflag:$0x1], $0x2800, $0x38;
	[tilespmem:$0xD400] =	vst v63  }
0x5d: {  	_ =	swait.ge [sflag:s15], $0x2800  }
0x5e: {  	[sflag:s15] =	ssyncset.done $0x0  }
0x5f: {  	[sflag:s15] =	ssyncadd.s32 $0xFFFFD800  }
0x60: {  	_ =	sfence.sel $0x180000  }
0x61: {  	[bflag:$0x0] =	sbarrier.arrive $0xFFFF  }
0x62: {  	p0 =	sne.s32 s2, $0x0;
	_ =	strace $0x9000004A  }
0x63: {  	s0 =	sadd.s32 @!p0 $0x100000, s0;
	[bflag:$0x2] =	sbarrier.arrive $0xFFFF  }
0x64: {  	[sflag:s0] =	ssyncadd.tile.s32 @!p0 $0x1;
	_ =	shalt  }
.Lfunc_end2:
_tile_overlayer_lowered:
.L_overlay_start_2:
0x65: {  	(tag) =	ssettag $0x2  }
0x66: {  	s0 =	rddreg [dreg:$0x0];
	s2 =	stileid.u32  }
0x67: {  	s1 =	rddreg [dreg:$0x1];
	p0 =	sne.s32 s2, $0x0  }
0x68: {  	s3 =	rddreg [dreg:$0x2];
	[bflag:$0x3] =	sbarrier.arrive $0xFFFF;
	s2 =	simm.s32 @!p0 $0x1C01  }
0x69: {  	[timem:s3], [sflag:s2] =	dma.local @!p0 [hbm:s0], s1  }
0x6a: {  	s0 =	simm.s32 @!p0 $0x1  }
0x6b: {  	_ =	swait.ge @!p0 [sflag:s0], s1  }
0x6c: {  	s1 =	ssub.s32 @!p0 $0x0, s1;
	[sflag:s0] =	ssyncset.done @!p0 $0x0  }
0x6d: {  	[sflag:s0] =	ssyncadd.s32 @!p0 s1  }
0x6e: {  	[bflag:$0x3] =	sbarrier.arrive $0xFFFF  }
0x6f: {  	_ =	shalt  }

// kernel: kernel.31.cloned.1.call-start
scs
__scs_entry_jumppad:
0x0: {  	(pc) =	sbr.rel $0x88, $3  }
0x1: {  	(tag) =	ssettag $0x0;
	lr =	simm.s32 $0x1  }
0x2: {  	[smem:$0x3F8A] =	sst lr;
	_ =	strace $0xD0000000  }
0x3: {  	_ = 	snop  }
0x4: {  	_ = 	snop  }
0x5: {  	_ = 	snop  }
0x6: {  	_ = 	snop  }
0x7: {  	_ = 	snop  }
__scs_overlays_trampoline_lowered:
0x8: {  	[smem:$0x3F99] =	sst s0  }
0x9: {  	[smem:$0x3F9A] =	sst s1  }
0xa: {  	[smem:$0x3F9B] =	sst s2  }
0xb: {  	[smem:$0x3F9C] =	sst s3  }
0xc: {  	[smem:$0x3F9D] =	sst s4  }
0xd: {  	[smem:$0x3F9E] =	sst s5  }
0xe: {  	[smem:$0x3F9F] =	sst s6  }
0xf: {  	[smem:$0x3FA0] =	sst s7  }
0x10: {  	[smem:$0x3FA1] =	sst s8  }
0x11: {  	[smem:$0x3FA2] =	sst s9;
	s0 =	simm.s32 @!p0 $0x0  }
0x12: {  	s1 =	sld [smem:$0x3F88];
	s0 =	simm.s32 @p0 $0x1  }
0x13: {  	[smem:$0x3FA3] =	sst s0;
	s0 =	simm.s32 @!p1 $0x0  }
0x14: {  	s2 =	sld [smem:$0x3F87];
	s0 =	simm.s32 @p1 $0x1  }
0x15: {  	[smem:$0x3FA4] =	sst s0;
	s0 =	simm.s32 @!p2 $0x0  }
0x16: {  	s3 =	sld [smem:$0x3FDB];
	s0 =	simm.s32 @p2 $0x1  }
0x17: {  	s4 =	simm.s32 $0x1BF5;
	[smem:$0x3FA6] =	sst s0  }
0x18: {  	s0 =	sld [smem:$0x3F89];
	_ =	swait.ge [sflag:s4], $0x0  }
0x19: {  	s7 =	sld [smem:$0x3F8A]  }
0x1a: {  	s8 =	sadd.s32 $0xFFFFE003, lr  }
0x1b: {  	s9 =	sadd.s32 $0xFFFFFEF7, lr;
	s5 =	simm.s32 $0xFFFFFFFF;
	p2 =	slt.u32 s8, $0xFFFFF086  }
0x1c: {  	p1 =	slt.u32 s9, $0xF7A;
	s5 =	simm.s32 @!p2 $0x0  }
0x1d: {  	s5 =	simm.s32 @p1 $0x1;
	p0 =	seq.s32 s7, s2  }
0x1e: {  	s7 =	smul.u32 @!p0 $0xF7A, s2;
	p2 =	seq.s32 @!p0 s5, $0x0  }
0x1f: {  	s9 =	smul.u32 $0xF7A, s1;
	s8 =	simm.s32 @!p0 $0x1BF5;
	p2 =	por !p2, p0  }
0x20: {  	[sflag:s8] =	ssyncset.s32 @!p0 $0xFFFFF086;
	s6 =	sadd.s32 @!p0 s3, s7;
	s7 =	simm.s32 @!p0 $0x108  }
0x21: {  	s3 =	sadd.s32 s3, s9;
	s6 =	sadd.s32 @!p0 $0x88, s6;
	s7 =	simm.s32 @p2 $0x1082  }
0x22: {  	[simem:s7], [sflag:s8] =	dma.local @!p0 [hbm:s6], $0xF7A  }
0x23: {  	s9 =	sor.u32 $0xD0000000, s2;
	s6 =	simm.s32 $0x108;
	_ =	swait.ge @!p0 [sflag:s8], $0x0  }
0x24: {  	s3 =	sadd.s32 $0x88, s3;
	s6 =	simm.s32 @!p1 $0x1082;
	[sflag:s4] =	ssyncset.s32 $0xFFFFF086  }
0x25: {  	[simem:s6], [sflag:s4] =	dma.local [hbm:s3], $0xF7A  }
0x26: {  	[smem:$0x3F8A] =	sst s1;
	(tag) =	ssettag s2;
	_ =	strace s9  }
0x27: {  	s1 =	sld [smem:$0x3F9A]  }
0x28: {  	s2 =	sld [smem:$0x3F9B]  }
0x29: {  	s4 =	sld [smem:$0x3F9D]  }
0x2a: {  	p0 =	seq.s32 s5, $0x0;
	s5 =	sld [smem:$0x3F9E]  }
0x2b: {  	s6 =	sld [smem:$0x3F9F]  }
0x2c: {  	s7 =	sld [smem:$0x3FA0]  }
0x2d: {  	s3 =	simm.s32 $0x108;
	s8 =	sld [smem:$0x3FA1]  }
0x2e: {  	s3 =	simm.s32 @!p0 $0x1082;
	s9 =	sld [smem:$0x3FA2]  }
0x2f: {  	lr =	sadd.s32 s0, s3;
	s0 =	sld [smem:$0x3F99]  }
0x30: {  	s3 =	sld [smem:$0x3F9C]  }
0x31: {  	[smem:$0x3FA5] =	sst s10  }
0x32: {  	s10 =	sld [smem:$0x3FA3];
	_ =	sdelay $0x3  }
0x33: {  	p0 =	seq.s32 s10, $0x1;
	s10 =	sld [smem:$0x3FA5];
	_ =	sdelay $0x3  }
0x34: {  	[smem:$0x3FA5] =	sst s10  }
0x35: {  	s10 =	sld [smem:$0x3FA4];
	_ =	sdelay $0x3  }
0x36: {  	p1 =	seq.s32 s10, $0x1;
	s10 =	sld [smem:$0x3FA5];
	_ =	sdelay $0x3  }
0x37: {  	[smem:$0x3FA5] =	sst s10  }
0x38: {  	s10 =	sld [smem:$0x3FA6]  }
0x39: {  	_ = 	snop;
	(pc) =	sbr.ind lr, $3  }
0x3a: {  	_ = 	snop  }
0x3b: {  	_ = 	snop  }
0x3c: {  	p2 =	seq.s32 s10, $0x1;
	s10 =	sld [smem:$0x3FA5]  }
0x3d: {  	_ =	shalt  }
0x3e: {  	_ =	shalt  }
0x3f: {  	_ =	shalt  }
0x40: {  	_ =	shalt  }
0x41: {  	_ =	shalt  }
0x42: {  	_ =	shalt  }
0x43: {  	_ =	shalt  }
0x44: {  	_ =	shalt  }
0x45: {  	_ =	shalt  }
0x46: {  	_ =	shalt  }
0x47: {  	_ =	shalt  }
0x48: {  	_ =	shalt  }
0x49: {  	_ =	shalt  }
0x4a: {  	_ =	shalt  }
0x4b: {  	_ =	shalt  }
0x4c: {  	_ =	shalt  }
0x4d: {  	_ =	shalt  }
0x4e: {  	_ =	shalt  }
0x4f: {  	_ =	shalt  }
0x50: {  	_ =	shalt  }
0x51: {  	_ =	shalt  }
0x52: {  	_ =	shalt  }
0x53: {  	_ =	shalt  }
0x54: {  	_ =	shalt  }
0x55: {  	_ =	shalt  }
0x56: {  	_ =	shalt  }
0x57: {  	_ =	shalt  }
0x58: {  	_ =	shalt  }
0x59: {  	_ =	shalt  }
0x5a: {  	_ =	shalt  }
0x5b: {  	_ =	shalt  }
0x5c: {  	_ =	shalt  }
0x5d: {  	_ =	shalt  }
0x5e: {  	_ =	shalt  }
0x5f: {  	_ =	shalt  }
0x60: {  	_ =	shalt  }
0x61: {  	_ =	shalt  }
0x62: {  	_ =	shalt  }
0x63: {  	_ =	shalt  }
0x64: {  	_ =	shalt  }
0x65: {  	_ =	shalt  }
0x66: {  	_ =	shalt  }
0x67: {  	_ =	shalt  }
0x68: {  	_ =	shalt  }
0x69: {  	_ =	shalt  }
0x6a: {  	_ =	shalt  }
0x6b: {  	_ =	shalt  }
0x6c: {  	_ =	shalt  }
0x6d: {  	_ =	shalt  }
0x6e: {  	_ =	shalt  }
0x6f: {  	_ =	shalt  }
0x70: {  	_ =	shalt  }
0x71: {  	_ =	shalt  }
0x72: {  	_ =	shalt  }
0x73: {  	_ =	shalt  }
0x74: {  	_ =	shalt  }
0x75: {  	_ =	shalt  }
0x76: {  	_ =	shalt  }
0x77: {  	_ =	shalt  }
0x78: {  	_ =	shalt  }
0x79: {  	_ =	shalt  }
0x7a: {  	_ =	shalt  }
0x7b: {  	_ =	shalt  }
0x7c: {  	_ =	shalt  }
0x7d: {  	_ =	shalt  }
0x7e: {  	_ =	shalt  }
0x7f: {  	_ =	shalt  }
0x80: {  	_ =	shalt  }
0x81: {  	_ =	shalt  }
0x82: {  	_ =	shalt  }
0x83: {  	_ =	shalt  }
0x84: {  	_ =	shalt  }
0x85: {  	_ =	shalt  }
0x86: {  	_ =	shalt  }
0x87: {  	_ =	shalt  }
.Lfunc_end0:
.L_simem_size_0:
called_computation.2_lowered:
.L_overlay_start_0:
0x88: {  	s2 =	sld [smem:$0x3FD9]  }
0x89: {  	s3 =	sld [smem:$0x3FFE];
	_ =	sdelay $0x1  }
0x8a: {  	s1 =	srdreg.scid  }
0x8b: {  	s0 =	sand.u32 $0x1, s1  }
0x8c: {  	s17 =	sshll.u32 s0, $0xA;
	s2 =	sadd.s32 s3, s2  }
0x8d: {  	s2 =	sadd.s32 s2, s17  }
0x8e: {  	[smem:$0x3FB1] =	sst s2  }
0x8f: {  	_ = 	snop  }
0x90: {  	(tm) =	ssettm $0x1  }
0x91: {  	s18 =	sld [smem:$0x3FFB];
	_ =	sdelay $0x3  }
0x92: {  	_ =	strace s18  }
0x93: {  	s2 =	sld [smem:$0x3FFC];
	_ =	sdelay $0x3  }
0x94: {  	_ =	strace s2  }
0x95: {  	s2 =	sld [smem:$0x3FFD];
	_ =	sdelay $0x3  }
0x96: {  	_ =	strace s2  }
0x97: {  	_ =	strace $0x8FFFFFFF  }
0x98: {  	s19 =	sld [smem:$0x3FDB];
	_ =	sdelay $0x1  }
0x99: {  	s20 =	simm.s32 $_scs_section_size  }
0x9a: {  	s4 =	simm.s32 $_size__tile_overlayer_lowered;
	s5 =	simm.s32 $_tile_overlayer_lowered  }
0x9b: {  	s6 =	simm.s32 $0x1BFF;
	s21 =	sshll.u32 s5, $0x1;
	s3 =	sadd.s32 s20, s19  }
0x9c: {  	s22 =	simm.s32 $0x0;
	s4 =	sshll.u32 s4, $0x1;
	s5 =	sadd.s32 s21, s3  }
0x9d: {  	[timem:s22], [sflag:s6] =	dma.local [hbm:s5], s4  }
0x9e: {  	_ =	swait.ge [sflag:s6], s4  }
0x9f: {  	s4 =	ssub.s32 $0x0, s4;
	[sflag:s6] =	ssyncset.done $0x0  }
0xa0: {  	[sflag:s6] =	ssyncadd.s32 s4;
	_ =	sdelay $0x1  }
0xa1: {  	s23 =	simm.s32 $0x1B8B  }
0xa2: {  	_ =	swait.ge [sflag:s23], $0x1  }
0xa3: {  	[sflag:s23] =	ssyncset.done $0x0  }
0xa4: {  	[sflag:s23] =	ssyncadd.s32 $0xFFFFFFFF  }
0xa5: {  	s4 =	sld [smem:$0x0]  }
0xa6: {  	s5 =	sand.u32 $0xFFFFFFFE, s1  }
0xa7: {  	p0 =	sne.s32 s1, s5  }
0xa8: {  	s5 =	sshll.u32 @p0 s5, $0xE  }
0xa9: {  	s5 =	sadd.s32 @p0 $0x11B8D, s5;
	s6 =	sshll.u32 @p0 s4, $0x11  }
0xaa: {  	s5 =	sor.u32 @p0 s6, s5  }
0xab: {  	[sflag:s5] =	ssyncadd.remote.s32 @p0 $0x1;
	_ =	sdelay $0x1  }
0xac: {  	s5 =	simm.s32 @p0 $0x1B8D  }
0xad: {  	_ =	swait.eq @p0 [sflag:s5], $0x1  }
0xae: {  	[sflag:s5] =	ssyncadd.s32 @p0 $0xFFFFFFFF  }
0xaf: {  	s6 =	sshll.u32 @!p0 s1, $0xE  }
0xb0: {  	s6 =	sor.u32 @!p0 $0x4000, s6;
	s5 =	simm.s32 @!p0 $0x1B8D  }
0xb1: {  	s4 =	sshll.u32 @!p0 s4, $0x11;
	s6 =	sadd.s32 @!p0 $0x11B8D, s6;
	_ =	swait.eq @!p0 [sflag:s5], $0x1  }
0xb2: {  	s4 =	sor.u32 @!p0 s4, s6;
	[sflag:s5] =	ssyncadd.s32 @!p0 $0xFFFFFFFF  }
0xb3: {  	s25 =	simm.s32 $0x1B8E;
	s24 =	sld [smem:$0x3FFE];
	[sflag:s4] =	ssyncadd.remote.s32 @!p0 $0x1  }
0xb4: {  	s26 =	simm.s32 $execute0_lowered;
	[smem:$0x3FD2] =	sst s25  }
0xb5: {  	s5 =	sshll.u32 s26, $0x1;
	_ =	strace $0x8000004C;
	[dreg:$0x1] =	wrdreg $0xFFFFFFFF  }
0xb6: {  	s28 =	simm.s32 $_size_execute0_lowered;
	s3 =	sadd.s32 s3, s5;
	[dreg:$0x0] =	wrdreg $0x0  }
0xb7: {  	s5 =	sshll.u32 s28, $0x1;
	[dreg:$0x2] =	wrdreg s3  }
0xb8: {  	[dreg:$0x3] =	wrdreg s5  }
0xb9: {  	[dreg:$0x4] =	wrdreg $0xC0  }
0xba: {  	_ =	task [dreg:s22], $0x5FFFF  }
0xbb: {  	[dreg:$0x1] =	wrdreg $0xFFFFFFFF  }
0xbc: {  	[dreg:$0x0] =	wrdreg $0x60  }
0xbd: {  	[dreg:$0x2] =	wrdreg s24  }
0xbe: {  	[dreg:$0x3] =	wrdreg $0xA  }
0xbf: {  	_ =	task.clear_ibuf [dreg:s22], $0x4FFFF;
	_ =	strace $0x9000004C  }
0xc0: {  	s29 =	simm.s32 $0xA;
	_ =	strace $0x8000004E  }
0xc1: {  	_ =	swait.ge [sflag:s29], $0x1  }
0xc2: {  	[sflag:s29] =	ssyncadd.s32 $0xFFFFFFFF  }
0xc3: {  	_ =	strace $0x9000004E  }
0xc4: {  	_ =	sfence  }
0xc5: {  	s30 =	sld [smem:$0x0];
	_ =	sdelay $0x2  }
0xc6: {  	s31 =	sshll.u32 s1, $0xD;
	s1 =	sshrl.u32 s1, $0x2  }
0xc7: {  	s4 =	sand.u32 $0x4000, s31;
	s1 =	sadd.s32 s1, s30  }
0xc8: {  	s0 =	sor.u32 s4, s0;
	s1 =	sshll.u32 s1, $0x11  }
0xc9: {  	s0 =	sor.u32 s1, s0  }
0xca: {  	s0 =	sadd.s32 $0x8F2B, s0  }
0xcb: {  	[sflag:s0] =	ssyncadd.remote.s32 $0x1  }
0xcc: {  	_ =	sfence.sel $0xFFFF  }
0xcd: {  	[dreg:$0x0] =	wrdreg $0xFFFFFFFF;
	(pc) =	sbr.abs _section_cstart, $3  }
0xce: {  	[dreg:$0x1] =	wrdreg $0xFFFFFFFF  }
0xcf: {  	_ =	task.clear_ibuf [dreg:s22], $0x2FFFF;
	_ =	strace $0x9FFFFFFF  }
0xd0: {  	(tm) =	ssettm $0x7FFFFFFF  }
0xd1: {  	_ =	shalt  }
tec
execute0_lowered:
.L_overlay_start_1:
0x0: {  	(tag) =	ssettag $0x1  }
0x1: {  	s10 =	rddreg [dreg:$0x0]  }
0x2: {  	s0 =	rddreg [dreg:$0x1];
	s1 =	simm.s32 $0x0  }
0x3: {  	s5 =	srdreg.scid;
	s2 =	stileid.u32;
	s17 =	simm.s32 $0x5C00  }
0x4: {  	s18 =	simm.s32 $0x8400;
	s19 =	simm.s32 $0xAC00;
	s20 =	simm.s32 $0x400  }
0x5: {  	s21 =	simm.s32 $0x800;
	s22 =	simm.s32 $0x0;
	s26 =	simm.s32 $0x0  }
0x6: {  	[smem:$0x7FF] =	sst s1;
	s3 =	sadd.s32 $0x3600, s10;
	s4 =	sadd.s32 $0x71A00, s10  }
0x7: {  	s11 =	sand.u32 $0x1, s5;
	s7 =	sshll.u32 s2, $0x1;
	s5 =	sadd.s32 $0x66A00, s10  }
0x8: {  	s6 =	sadd.s32 $0xE200, s10;
	s8 =	sadd.s32 $0xEE00, s10;
	s12 =	sor.u32 s11, s7  }
0x9: {  	s9 =	sadd.s32 $0xD600, s10;
	s14 =	sadd.s32 $0x99A00, s10;
	s13 =	smul.u32 $0x5000, s12  }
0xa: {  	_ =	strace $0x8000004D;
	s30 =	ssub.s32 $0x2, s11;
	s15 =	smul.u32 $0xA00, s12  }
0xb: {  	s7 =	sadd.s32 $0xFA00, s10;
	s11 =	sshrl.u32 s30, $0x1;
	s10 =	smul.u32 $0x2800, s12  }
0xc: {  	s16 =	ssub.s32 s30, s11;
	s13 =	sshrl.u32 s13, $0x3;
	s11 =	sadd.s32 s14, s15  }
0xd: {  	s15 =	simm.s32 $0x1;
	s31 =	sadd.s32 s14, s13;
	s13 =	smax.u32 s16, $0x1  }
0xe: {  	s14 =	simm.s32 $0xC00;
	s16 =	simm.s32 $0x3400;
	s12 =	sadd.s32 $0x500, s31  }
.LBB2_1:
0xf: {  	[tilespmem:s14], [sflag:$0x1] =	stream.linear.gather [hbm4b:s6+s1], $0x2800, $0x38;
	[tilespmem:$0xD400] =	vst v63  }
0x10: {  	_ =	swait.ge [sflag:s15], $0x2800  }
0x11: {  	[sflag:s15] =	ssyncset.done $0x0  }
0x12: {  	[sflag:s15] =	ssyncadd.s32 $0xFFFFD800  }
0x13: {  	[tilespmem:s16], [sflag:$0x1] =	stream.linear.gather [hbm4b:s7+s1], $0x2800, $0x38;
	[tilespmem:$0xD400] =	vst v63  }
0x14: {  	_ =	swait.ge [sflag:s15], $0x2800  }
0x15: {  	[sflag:s15] =	ssyncset.done $0x0  }
0x16: {  	[sflag:s15] =	ssyncadd.s32 $0xFFFFD800  }
0x17: {  	[tilespmem:s17], [sflag:$0x1] =	stream.linear.gather [hbm4b:s8+s1], $0x2800, $0x38;
	[tilespmem:$0xD400] =	vst v63  }
0x18: {  	_ =	swait.ge [sflag:s15], $0x2800  }
0x19: {  	[sflag:s15] =	ssyncset.done $0x0  }
0x1a: {  	[sflag:s15] =	ssyncadd.s32 $0xFFFFD800  }
0x1b: {  	[tilespmem:s18], [sflag:$0x1] =	stream.linear.gather [hbm4b:s9+s1], $0x2800, $0x38;
	[tilespmem:$0xD400] =	vst v63  }
0x1c: {  	_ =	swait.ge [sflag:s15], $0x2800  }
0x1d: {  	[sflag:s15] =	ssyncset.done $0x0  }
0x1e: {  	[sflag:s15] =	ssyncadd.s32 $0xFFFFD800  }
0x1f: {  	[tilespmem:s19], [sflag:$0x1] =	stream.linear.gather [hbm4b:s9+s1], $0x2800, $0x38;
	[tilespmem:$0xD400] =	vst v63  }
0x20: {  	_ =	swait.ge [sflag:s15], $0x2800  }
0x21: {  	[sflag:s15] =	ssyncset.done $0x0  }
0x22: {  	s23 =	simm.s32 $0x0;
	[sflag:s15] =	ssyncadd.s32 $0xFFFFD800  }
.LBB2_2:
0x23: {  	s24 =	sshll.u32 s23, $0xA  }
0x24: {  	s24 =	sadd.s32 s10, s24  }
0x25: {  	s24 =	sshrl.u32 s24, $0x3  }
0x26: {  	s25 =	sadd.s32 s3, s24  }
0x27: {  	[tilespmem:s26], [sflag:$0x1] =	stream.linear.gather [hbm4b:s25+s26], $0x400, $0x38;
	[tilespmem:$0xD400] =	vst v63  }
0x28: {  	_ =	swait.ge [sflag:s15], $0x400  }
0x29: {  	[sflag:s15] =	ssyncset.done $0x0  }
0x2a: {  	s30 =	sadd.s32 s4, s24;
	[sflag:s15] =	ssyncadd.s32 $0xFFFFFC00  }
0x2b: {  	[tilespmem:s20], [sflag:$0x1] =	stream.linear.gather [hbm4b:s30+s26], $0x400, $0x38;
	[tilespmem:$0xD400] =	vst v63  }
0x2c: {  	_ =	swait.ge [sflag:s15], $0x400  }
0x2d: {  	[sflag:s15] =	ssyncset.done $0x0  }
0x2e: {  	s24 =	sadd.s32 s5, s24;
	[sflag:s15] =	ssyncadd.s32 $0xFFFFFC00  }
0x2f: {  	[tilespmem:s21], [sflag:$0x1] =	stream.linear.gather [hbm4b:s24+s26], $0x400, $0x38;
	[tilespmem:$0xD400] =	vst v63  }
0x30: {  	_ =	swait.ge [sflag:s15], $0x400  }
0x31: {  	[sflag:s15] =	ssyncset.done $0x0  }
0x32: {  	s31 =	simm.s32 $0x0;
	[sflag:s15] =	ssyncadd.s32 $0xFFFFFC00  }
0x33: {  	v0 =	vld [tilespmem:s31+$0x0];
	_ =	sdelay $0x2  }
0x34: {  	v1 =	vld [tilespmem:s31+$0x400];
	_ =	sdelay $0x4  }
0x35: {  	v2 =	vld.idx.msk [tilespmem:v0+s16+$0x0], $0xffff  }
0x36: {  	v3 =	vld.idx.msk [tilespmem:v0+s14+$0x0], $0xffff  }
0x37: {  	v4 =	vld.idx.msk [tilespmem:v0+s17+$0x0], $0xffff  }
0x38: {  	v5 =	vld.idx.msk [tilespmem:v1+s14+$0x0], $0xffff  }
0x39: {  	v6 =	vld.idx.msk [tilespmem:v1+s17+$0x0], $0xffff  }
0x3a: {  	v7 =	vld.idx.msk [tilespmem:v1+s16+$0x0], $0xffff  }
0x3b: {  	v1 =	vld [tilespmem:s31+$0x800];
	_ =	sdelay $0x2  }
0x3c: {  	v5 =	vsub.f32 v5, v3  }
0x3d: {  	v3 =	vsub.f32 v6, v4  }
0x3e: {  	s24 =	simm.s32 $0x40;
	v2 =	vsub.f32 v7, v2;
	v4 =	vmul.f32 v5, v1  }
.LBB2_3:
0x3f: {  	p0 =	sne.s32 s24, $0xFC0;
	v1 =	vmul.f32 v3, v1;
	s25 =	smov.u32 s24;
	s24 =	sadd.s32 $0x40, s24  }
0x40: {  	v2 =	vmul.f32 v2, v4  }
0x41: {  	[tilespmem:v0+s18+$0x0] =	vst.idx.add.f32.msk $0xffff, v1  }
0x42: {  	s25 =	sshra.s32 s25, $0x2;
	[tilespmem:v0+s19+$0x0] =	vst.idx.add.f32.msk $0xffff, v2  }
0x43: {  	v0 =	vld [tilespmem:s25+$0x0]  }
0x44: {  	v1 =	vld [tilespmem:s25+$0x400];
	_ =	sdelay $0x6  }
0x45: {  	v2 =	vld.idx.msk [tilespmem:v0+s16+$0x0], $0xffff  }
0x46: {  	v3 =	vld.idx.msk [tilespmem:v0+s14+$0x0], $0xffff  }
0x47: {  	v4 =	vld.idx.msk [tilespmem:v0+s17+$0x0], $0xffff  }
0x48: {  	v5 =	vld.idx.msk [tilespmem:v1+s14+$0x0], $0xffff  }
0x49: {  	v6 =	vld.idx.msk [tilespmem:v1+s17+$0x0], $0xffff  }
0x4a: {  	v7 =	vld.idx.msk [tilespmem:v1+s16+$0x0], $0xffff  }
0x4b: {  	v1 =	vld [tilespmem:s25+$0x800]  }
.Ltmp0:
0x4c: {  	(pc) =	sbr.rel @p0 .LBB2_3-.Ltmp0, $4  }
0x4d: {  	_ = 	snop  }
0x4e: {  	v5 =	vsub.f32 v5, v3  }
0x4f: {  	v3 =	vsub.f32 v6, v4  }
0x50: {  	v2 =	vsub.f32 v7, v2;
	v4 =	vmul.f32 v5, v1  }
0x51: {  	s23 =	sadd.s32 $0x1, s23  }
0x52: {  	p0 =	sne.s32 s23, $0xA  }
.Ltmp1:
0x53: {  	_ = 	snop;
	(pc) =	sbr.rel @p0 .LBB2_2-.Ltmp1, $4  }
0x54: {  	v1 =	vmul.f32 v3, v1  }
0x55: {  	v2 =	vmul.f32 v2, v4  }
0x56: {  	[tilespmem:v0+s18+$0x0] =	vst.idx.add.f32.msk $0xffff, v1  }
0x57: {  	[tilespmem:v0+s19+$0x0] =	vst.idx.add.f32.msk $0xffff, v2  }
0x58: {  	[hbm4b:s11+s1] =	stream.linear.scatter [tilespmem:s18], [sflag:$0x1], $0x2800, $0x38;
	[tilespmem:$0xD400] =	vst v63  }
0x59: {  	s22 =	sadd.s32 $0x1, s22;
	_ =	swait.ge [sflag:s15], $0x2800  }
0x5a: {  	p0 =	sne.s32 s22, s13;
	[sflag:s15] =	ssyncset.done $0x0  }
.Ltmp2:
0x5b: {  	[sflag:s15] =	ssyncadd.s32 $0xFFFFD800;
	(pc) =	sbr.rel @p0 .LBB2_1-.Ltmp2, $4  }
0x5c: {  	[hbm4b:s12+s1] =	stream.linear.scatter [tilespmem:s19], [sflag:$0x1], $0x2800, $0x38;
	[tilespmem:$0xD400] =	vst v63  }
0x5d: {  	_ =	swait.ge [sflag:s15], $0x2800  }
0x5e: {  	[sflag:s15] =	ssyncset.done $0x0  }
0x5f: {  	[sflag:s15] =	ssyncadd.s32 $0xFFFFD800  }
0x60: {  	_ =	sfence.sel $0x180000  }
0x61: {  	[bflag:$0x0] =	sbarrier.arrive $0xFFFF  }
0x62: {  	p0 =	sne.s32 s2, $0x0;
	_ =	strace $0x9000004D  }
0x63: {  	s0 =	sadd.s32 @!p0 $0x100000, s0;
	[bflag:$0x2] =	sbarrier.arrive $0xFFFF  }
0x64: {  	[sflag:s0] =	ssyncadd.tile.s32 @!p0 $0x1;
	_ =	shalt  }
.Lfunc_end2:
_tile_overlayer_lowered:
.L_overlay_start_2:
0x65: {  	(tag) =	ssettag $0x2  }
0x66: {  	s0 =	rddreg [dreg:$0x0];
	s2 =	stileid.u32  }
0x67: {  	s1 =	rddreg [dreg:$0x1];
	p0 =	sne.s32 s2, $0x0  }
0x68: {  	s3 =	rddreg [dreg:$0x2];
	[bflag:$0x3] =	sbarrier.arrive $0xFFFF;
	s2 =	simm.s32 @!p0 $0x1C01  }
0x69: {  	[timem:s3], [sflag:s2] =	dma.local @!p0 [hbm:s0], s1  }
0x6a: {  	s0 =	simm.s32 @!p0 $0x1  }
0x6b: {  	_ =	swait.ge @!p0 [sflag:s0], s1  }
0x6c: {  	s1 =	ssub.s32 @!p0 $0x0, s1;
	[sflag:s0] =	ssyncset.done @!p0 $0x0  }
0x6d: {  	[sflag:s0] =	ssyncadd.s32 @!p0 s1  }
0x6e: {  	[bflag:$0x3] =	sbarrier.arrive $0xFFFF  }
0x6f: {  	_ =	shalt  }

// kernel: kernel.34.cloned.1.call-start
scs
__scs_entry_jumppad:
0x0: {  	(pc) =	sbr.rel $0x88, $3  }
0x1: {  	(tag) =	ssettag $0x0;
	lr =	simm.s32 $0x1  }
0x2: {  	[smem:$0x3F8A] =	sst lr;
	_ =	strace $0xD0000000  }
0x3: {  	_ = 	snop  }
0x4: {  	_ = 	snop  }
0x5: {  	_ = 	snop  }
0x6: {  	_ = 	snop  }
0x7: {  	_ = 	snop  }
__scs_overlays_trampoline_lowered:
0x8: {  	[smem:$0x3F99] =	sst s0  }
0x9: {  	[smem:$0x3F9A] =	sst s1  }
0xa: {  	[smem:$0x3F9B] =	sst s2  }
0xb: {  	[smem:$0x3F9C] =	sst s3  }
0xc: {  	[smem:$0x3F9D] =	sst s4  }
0xd: {  	[smem:$0x3F9E] =	sst s5  }
0xe: {  	[smem:$0x3F9F] =	sst s6  }
0xf: {  	[smem:$0x3FA0] =	sst s7  }
0x10: {  	[smem:$0x3FA1] =	sst s8  }
0x11: {  	[smem:$0x3FA2] =	sst s9;
	s0 =	simm.s32 @!p0 $0x0  }
0x12: {  	s1 =	sld [smem:$0x3F88];
	s0 =	simm.s32 @p0 $0x1  }
0x13: {  	[smem:$0x3FA3] =	sst s0;
	s0 =	simm.s32 @!p1 $0x0  }
0x14: {  	s2 =	sld [smem:$0x3F87];
	s0 =	simm.s32 @p1 $0x1  }
0x15: {  	[smem:$0x3FA4] =	sst s0;
	s0 =	simm.s32 @!p2 $0x0  }
0x16: {  	s3 =	sld [smem:$0x3FDB];
	s0 =	simm.s32 @p2 $0x1  }
0x17: {  	s4 =	simm.s32 $0x1BF5;
	[smem:$0x3FA6] =	sst s0  }
0x18: {  	s0 =	sld [smem:$0x3F89];
	_ =	swait.ge [sflag:s4], $0x0  }
0x19: {  	s7 =	sld [smem:$0x3F8A]  }
0x1a: {  	s8 =	sadd.s32 $0xFFFFE003, lr  }
0x1b: {  	s9 =	sadd.s32 $0xFFFFFEF7, lr;
	s5 =	simm.s32 $0xFFFFFFFF;
	p2 =	slt.u32 s8, $0xFFFFF086  }
0x1c: {  	p1 =	slt.u32 s9, $0xF7A;
	s5 =	simm.s32 @!p2 $0x0  }
0x1d: {  	s5 =	simm.s32 @p1 $0x1;
	p0 =	seq.s32 s7, s2  }
0x1e: {  	s7 =	smul.u32 @!p0 $0xF7A, s2;
	p2 =	seq.s32 @!p0 s5, $0x0  }
0x1f: {  	s9 =	smul.u32 $0xF7A, s1;
	s8 =	simm.s32 @!p0 $0x1BF5;
	p2 =	por !p2, p0  }
0x20: {  	[sflag:s8] =	ssyncset.s32 @!p0 $0xFFFFF086;
	s6 =	sadd.s32 @!p0 s3, s7;
	s7 =	simm.s32 @!p0 $0x108  }
0x21: {  	s3 =	sadd.s32 s3, s9;
	s6 =	sadd.s32 @!p0 $0x88, s6;
	s7 =	simm.s32 @p2 $0x1082  }
0x22: {  	[simem:s7], [sflag:s8] =	dma.local @!p0 [hbm:s6], $0xF7A  }
0x23: {  	s9 =	sor.u32 $0xD0000000, s2;
	s6 =	simm.s32 $0x108;
	_ =	swait.ge @!p0 [sflag:s8], $0x0  }
0x24: {  	s3 =	sadd.s32 $0x88, s3;
	s6 =	simm.s32 @!p1 $0x1082;
	[sflag:s4] =	ssyncset.s32 $0xFFFFF086  }
0x25: {  	[simem:s6], [sflag:s4] =	dma.local [hbm:s3], $0xF7A  }
0x26: {  	[smem:$0x3F8A] =	sst s1;
	(tag) =	ssettag s2;
	_ =	strace s9  }
0x27: {  	s1 =	sld [smem:$0x3F9A]  }
0x28: {  	s2 =	sld [smem:$0x3F9B]  }
0x29: {  	s4 =	sld [smem:$0x3F9D]  }
0x2a: {  	p0 =	seq.s32 s5, $0x0;
	s5 =	sld [smem:$0x3F9E]  }
0x2b: {  	s6 =	sld [smem:$0x3F9F]  }
0x2c: {  	s7 =	sld [smem:$0x3FA0]  }
0x2d: {  	s3 =	simm.s32 $0x108;
	s8 =	sld [smem:$0x3FA1]  }
0x2e: {  	s3 =	simm.s32 @!p0 $0x1082;
	s9 =	sld [smem:$0x3FA2]  }
0x2f: {  	lr =	sadd.s32 s0, s3;
	s0 =	sld [smem:$0x3F99]  }
0x30: {  	s3 =	sld [smem:$0x3F9C]  }
0x31: {  	[smem:$0x3FA5] =	sst s10  }
0x32: {  	s10 =	sld [smem:$0x3FA3];
	_ =	sdelay $0x3  }
0x33: {  	p0 =	seq.s32 s10, $0x1;
	s10 =	sld [smem:$0x3FA5];
	_ =	sdelay $0x3  }
0x34: {  	[smem:$0x3FA5] =	sst s10  }
0x35: {  	s10 =	sld [smem:$0x3FA4];
	_ =	sdelay $0x3  }
0x36: {  	p1 =	seq.s32 s10, $0x1;
	s10 =	sld [smem:$0x3FA5];
	_ =	sdelay $0x3  }
0x37: {  	[smem:$0x3FA5] =	sst s10  }
0x38: {  	s10 =	sld [smem:$0x3FA6]  }
0x39: {  	_ = 	snop;
	(pc) =	sbr.ind lr, $3  }
0x3a: {  	_ = 	snop  }
0x3b: {  	_ = 	snop  }
0x3c: {  	p2 =	seq.s32 s10, $0x1;
	s10 =	sld [smem:$0x3FA5]  }
0x3d: {  	_ =	shalt  }
0x3e: {  	_ =	shalt  }
0x3f: {  	_ =	shalt  }
0x40: {  	_ =	shalt  }
0x41: {  	_ =	shalt  }
0x42: {  	_ =	shalt  }
0x43: {  	_ =	shalt  }
0x44: {  	_ =	shalt  }
0x45: {  	_ =	shalt  }
0x46: {  	_ =	shalt  }
0x47: {  	_ =	shalt  }
0x48: {  	_ =	shalt  }
0x49: {  	_ =	shalt  }
0x4a: {  	_ =	shalt  }
0x4b: {  	_ =	shalt  }
0x4c: {  	_ =	shalt  }
0x4d: {  	_ =	shalt  }
0x4e: {  	_ =	shalt  }
0x4f: {  	_ =	shalt  }
0x50: {  	_ =	shalt  }
0x51: {  	_ =	shalt  }
0x52: {  	_ =	shalt  }
0x53: {  	_ =	shalt  }
0x54: {  	_ =	shalt  }
0x55: {  	_ =	shalt  }
0x56: {  	_ =	shalt  }
0x57: {  	_ =	shalt  }
0x58: {  	_ =	shalt  }
0x59: {  	_ =	shalt  }
0x5a: {  	_ =	shalt  }
0x5b: {  	_ =	shalt  }
0x5c: {  	_ =	shalt  }
0x5d: {  	_ =	shalt  }
0x5e: {  	_ =	shalt  }
0x5f: {  	_ =	shalt  }
0x60: {  	_ =	shalt  }
0x61: {  	_ =	shalt  }
0x62: {  	_ =	shalt  }
0x63: {  	_ =	shalt  }
0x64: {  	_ =	shalt  }
0x65: {  	_ =	shalt  }
0x66: {  	_ =	shalt  }
0x67: {  	_ =	shalt  }
0x68: {  	_ =	shalt  }
0x69: {  	_ =	shalt  }
0x6a: {  	_ =	shalt  }
0x6b: {  	_ =	shalt  }
0x6c: {  	_ =	shalt  }
0x6d: {  	_ =	shalt  }
0x6e: {  	_ =	shalt  }
0x6f: {  	_ =	shalt  }
0x70: {  	_ =	shalt  }
0x71: {  	_ =	shalt  }
0x72: {  	_ =	shalt  }
0x73: {  	_ =	shalt  }
0x74: {  	_ =	shalt  }
0x75: {  	_ =	shalt  }
0x76: {  	_ =	shalt  }
0x77: {  	_ =	shalt  }
0x78: {  	_ =	shalt  }
0x79: {  	_ =	shalt  }
0x7a: {  	_ =	shalt  }
0x7b: {  	_ =	shalt  }
0x7c: {  	_ =	shalt  }
0x7d: {  	_ =	shalt  }
0x7e: {  	_ =	shalt  }
0x7f: {  	_ =	shalt  }
0x80: {  	_ =	shalt  }
0x81: {  	_ =	shalt  }
0x82: {  	_ =	shalt  }
0x83: {  	_ =	shalt  }
0x84: {  	_ =	shalt  }
0x85: {  	_ =	shalt  }
0x86: {  	_ =	shalt  }
0x87: {  	_ =	shalt  }
.Lfunc_end0:
.L_simem_size_0:
called_computation.3_lowered:
.L_overlay_start_0:
0x88: {  	s2 =	sld [smem:$0x3FD9]  }
0x89: {  	s3 =	sld [smem:$0x3FFE];
	_ =	sdelay $0x1  }
0x8a: {  	s1 =	srdreg.scid  }
0x8b: {  	s0 =	sand.u32 $0x1, s1  }
0x8c: {  	s17 =	sshll.u32 s0, $0xA;
	s2 =	sadd.s32 s3, s2  }
0x8d: {  	s2 =	sadd.s32 s2, s17  }
0x8e: {  	[smem:$0x3FB1] =	sst s2  }
0x8f: {  	_ = 	snop  }
0x90: {  	(tm) =	ssettm $0x1  }
0x91: {  	s18 =	sld [smem:$0x3FFB];
	_ =	sdelay $0x3  }
0x92: {  	_ =	strace s18  }
0x93: {  	s2 =	sld [smem:$0x3FFC];
	_ =	sdelay $0x3  }
0x94: {  	_ =	strace s2  }
0x95: {  	s2 =	sld [smem:$0x3FFD];
	_ =	sdelay $0x3  }
0x96: {  	_ =	strace s2  }
0x97: {  	_ =	strace $0x8FFFFFFF  }
0x98: {  	s19 =	sld [smem:$0x3FDB];
	_ =	sdelay $0x1  }
0x99: {  	s20 =	simm.s32 $_scs_section_size  }
0x9a: {  	s4 =	simm.s32 $_size__tile_overlayer_lowered;
	s5 =	simm.s32 $_tile_overlayer_lowered  }
0x9b: {  	s6 =	simm.s32 $0x1BFF;
	s21 =	sshll.u32 s5, $0x1;
	s3 =	sadd.s32 s20, s19  }
0x9c: {  	s22 =	simm.s32 $0x0;
	s4 =	sshll.u32 s4, $0x1;
	s5 =	sadd.s32 s21, s3  }
0x9d: {  	[timem:s22], [sflag:s6] =	dma.local [hbm:s5], s4  }
0x9e: {  	_ =	swait.ge [sflag:s6], s4  }
0x9f: {  	s4 =	ssub.s32 $0x0, s4;
	[sflag:s6] =	ssyncset.done $0x0  }
0xa0: {  	[sflag:s6] =	ssyncadd.s32 s4;
	_ =	sdelay $0x1  }
0xa1: {  	s23 =	simm.s32 $0x1B8B  }
0xa2: {  	_ =	swait.ge [sflag:s23], $0x1  }
0xa3: {  	[sflag:s23] =	ssyncset.done $0x0  }
0xa4: {  	[sflag:s23] =	ssyncadd.s32 $0xFFFFFFFF  }
0xa5: {  	s4 =	sld [smem:$0x0]  }
0xa6: {  	s5 =	sand.u32 $0xFFFFFFFE, s1  }
0xa7: {  	p0 =	sne.s32 s1, s5  }
0xa8: {  	s5 =	sshll.u32 @p0 s5, $0xE  }
0xa9: {  	s5 =	sadd.s32 @p0 $0x11B8D, s5;
	s6 =	sshll.u32 @p0 s4, $0x11  }
0xaa: {  	s5 =	sor.u32 @p0 s6, s5  }
0xab: {  	[sflag:s5] =	ssyncadd.remote.s32 @p0 $0x1;
	_ =	sdelay $0x1  }
0xac: {  	s5 =	simm.s32 @p0 $0x1B8D  }
0xad: {  	_ =	swait.eq @p0 [sflag:s5], $0x1  }
0xae: {  	[sflag:s5] =	ssyncadd.s32 @p0 $0xFFFFFFFF  }
0xaf: {  	s6 =	sshll.u32 @!p0 s1, $0xE  }
0xb0: {  	s6 =	sor.u32 @!p0 $0x4000, s6;
	s5 =	simm.s32 @!p0 $0x1B8D  }
0xb1: {  	s4 =	sshll.u32 @!p0 s4, $0x11;
	s6 =	sadd.s32 @!p0 $0x11B8D, s6;
	_ =	swait.eq @!p0 [sflag:s5], $0x1  }
0xb2: {  	s4 =	sor.u32 @!p0 s4, s6;
	[sflag:s5] =	ssyncadd.s32 @!p0 $0xFFFFFFFF  }
0xb3: {  	s25 =	simm.s32 $0x1B8E;
	s24 =	sld [smem:$0x3FFE];
	[sflag:s4] =	ssyncadd.remote.s32 @!p0 $0x1  }
0xb4: {  	s26 =	simm.s32 $execute0_lowered;
	[smem:$0x3FD2] =	sst s25  }
0xb5: {  	s5 =	sshll.u32 s26, $0x1;
	_ =	strace $0x8000004F;
	[dreg:$0x1] =	wrdreg $0xFFFFFFFF  }
0xb6: {  	s28 =	simm.s32 $_size_execute0_lowered;
	s3 =	sadd.s32 s3, s5;
	[dreg:$0x0] =	wrdreg $0x0  }
0xb7: {  	s5 =	sshll.u32 s28, $0x1;
	[dreg:$0x2] =	wrdreg s3  }
0xb8: {  	[dreg:$0x3] =	wrdreg s5  }
0xb9: {  	[dreg:$0x4] =	wrdreg $0xC0  }
0xba: {  	_ =	task [dreg:s22], $0x5FFFF  }
0xbb: {  	[dreg:$0x1] =	wrdreg $0xFFFFFFFF  }
0xbc: {  	[dreg:$0x0] =	wrdreg $0x60  }
0xbd: {  	[dreg:$0x2] =	wrdreg s24  }
0xbe: {  	[dreg:$0x3] =	wrdreg $0xB  }
0xbf: {  	_ =	task.clear_ibuf [dreg:s22], $0x4FFFF;
	_ =	strace $0x9000004F  }
0xc0: {  	s29 =	simm.s32 $0xB;
	_ =	strace $0x80000051  }
0xc1: {  	_ =	swait.ge [sflag:s29], $0x1  }
0xc2: {  	[sflag:s29] =	ssyncadd.s32 $0xFFFFFFFF  }
0xc3: {  	_ =	strace $0x90000051  }
0xc4: {  	_ =	sfence  }
0xc5: {  	s30 =	sld [smem:$0x0];
	_ =	sdelay $0x2  }
0xc6: {  	s31 =	sshll.u32 s1, $0xD;
	s1 =	sshrl.u32 s1, $0x2  }
0xc7: {  	s4 =	sand.u32 $0x4000, s31;
	s1 =	sadd.s32 s1, s30  }
0xc8: {  	s0 =	sor.u32 s4, s0;
	s1 =	sshll.u32 s1, $0x11  }
0xc9: {  	s0 =	sor.u32 s1, s0  }
0xca: {  	s0 =	sadd.s32 $0x8F2B, s0  }
0xcb: {  	[sflag:s0] =	ssyncadd.remote.s32 $0x1  }
0xcc: {  	_ =	sfence.sel $0xFFFF  }
0xcd: {  	[dreg:$0x0] =	wrdreg $0xFFFFFFFF;
	(pc) =	sbr.abs _section_cstart, $3  }
0xce: {  	[dreg:$0x1] =	wrdreg $0xFFFFFFFF  }
0xcf: {  	_ =	task.clear_ibuf [dreg:s22], $0x2FFFF;
	_ =	strace $0x9FFFFFFF  }
0xd0: {  	(tm) =	ssettm $0x7FFFFFFF  }
0xd1: {  	_ =	shalt  }
tec
execute0_lowered:
.L_overlay_start_1:
0x0: {  	(tag) =	ssettag $0x1  }
0x1: {  	s10 =	rddreg [dreg:$0x0]  }
0x2: {  	s0 =	rddreg [dreg:$0x1];
	s1 =	simm.s32 $0x0  }
0x3: {  	s5 =	srdreg.scid;
	s2 =	stileid.u32;
	s17 =	simm.s32 $0x5C00  }
0x4: {  	s18 =	simm.s32 $0x8400;
	s19 =	simm.s32 $0xAC00;
	s20 =	simm.s32 $0x400  }
0x5: {  	s21 =	simm.s32 $0x800;
	s22 =	simm.s32 $0x0;
	s26 =	simm.s32 $0x0  }
0x6: {  	[smem:$0x7FF] =	sst s1;
	s3 =	sadd.s32 $0x3600, s10;
	s4 =	sadd.s32 $0x71A00, s10  }
0x7: {  	s11 =	sand.u32 $0x1, s5;
	s7 =	sshll.u32 s2, $0x1;
	s5 =	sadd.s32 $0x66A00, s10  }
0x8: {  	s6 =	sadd.s32 $0xE800, s10;
	s8 =	sadd.s32 $0xF400, s10;
	s12 =	sor.u32 s11, s7  }
0x9: {  	s9 =	sadd.s32 $0xD600, s10;
	s14 =	sadd.s32 $0xADA00, s10;
	s13 =	smul.u32 $0x5000, s12  }
0xa: {  	_ =	strace $0x80000050;
	s30 =	ssub.s32 $0x2, s11;
	s15 =	smul.u32 $0xA00, s12  }
0xb: {  	s7 =	sadd.s32 $0x10000, s10;
	s11 =	sshrl.u32 s30, $0x1;
	s10 =	smul.u32 $0x2800, s12  }
0xc: {  	s16 =	ssub.s32 s30, s11;
	s13 =	sshrl.u32 s13, $0x3;
	s11 =	sadd.s32 s14, s15  }
0xd: {  	s15 =	simm.s32 $0x1;
	s31 =	sadd.s32 s14, s13;
	s13 =	smax.u32 s16, $0x1  }
0xe: {  	s14 =	simm.s32 $0xC00;
	s16 =	simm.s32 $0x3400;
	s12 =	sadd.s32 $0x500, s31  }
.LBB2_1:
0xf: {  	[tilespmem:s14], [sflag:$0x1] =	stream.linear.gather [hbm4b:s6+s1], $0x2800, $0x38;
	[tilespmem:$0xD400] =	vst v63  }
0x10: {  	_ =	swait.ge [sflag:s15], $0x2800  }
0x11: {  	[sflag:s15] =	ssyncset.done $0x0  }
0x12: {  	[sflag:s15] =	ssyncadd.s32 $0xFFFFD800  }
0x13: {  	[tilespmem:s16], [sflag:$0x1] =	stream.linear.gather [hbm4b:s7+s1], $0x2800, $0x38;
	[tilespmem:$0xD400] =	vst v63  }
0x14: {  	_ =	swait.ge [sflag:s15], $0x2800  }
0x15: {  	[sflag:s15] =	ssyncset.done $0x0  }
0x16: {  	[sflag:s15] =	ssyncadd.s32 $0xFFFFD800  }
0x17: {  	[tilespmem:s17], [sflag:$0x1] =	stream.linear.gather [hbm4b:s8+s1], $0x2800, $0x38;
	[tilespmem:$0xD400] =	vst v63  }
0x18: {  	_ =	swait.ge [sflag:s15], $0x2800  }
0x19: {  	[sflag:s15] =	ssyncset.done $0x0  }
0x1a: {  	[sflag:s15] =	ssyncadd.s32 $0xFFFFD800  }
0x1b: {  	[tilespmem:s18], [sflag:$0x1] =	stream.linear.gather [hbm4b:s9+s1], $0x2800, $0x38;
	[tilespmem:$0xD400] =	vst v63  }
0x1c: {  	_ =	swait.ge [sflag:s15], $0x2800  }
0x1d: {  	[sflag:s15] =	ssyncset.done $0x0  }
0x1e: {  	[sflag:s15] =	ssyncadd.s32 $0xFFFFD800  }
0x1f: {  	[tilespmem:s19], [sflag:$0x1] =	stream.linear.gather [hbm4b:s9+s1], $0x2800, $0x38;
	[tilespmem:$0xD400] =	vst v63  }
0x20: {  	_ =	swait.ge [sflag:s15], $0x2800  }
0x21: {  	[sflag:s15] =	ssyncset.done $0x0  }
0x22: {  	s23 =	simm.s32 $0x0;
	[sflag:s15] =	ssyncadd.s32 $0xFFFFD800  }
.LBB2_2:
0x23: {  	s24 =	sshll.u32 s23, $0xA  }
0x24: {  	s24 =	sadd.s32 s10, s24  }
0x25: {  	s24 =	sshrl.u32 s24, $0x3  }
0x26: {  	s25 =	sadd.s32 s3, s24  }
0x27: {  	[tilespmem:s26], [sflag:$0x1] =	stream.linear.gather [hbm4b:s25+s26], $0x400, $0x38;
	[tilespmem:$0xD400] =	vst v63  }
0x28: {  	_ =	swait.ge [sflag:s15], $0x400  }
0x29: {  	[sflag:s15] =	ssyncset.done $0x0  }
0x2a: {  	s30 =	sadd.s32 s4, s24;
	[sflag:s15] =	ssyncadd.s32 $0xFFFFFC00  }
0x2b: {  	[tilespmem:s20], [sflag:$0x1] =	stream.linear.gather [hbm4b:s30+s26], $0x400, $0x38;
	[tilespmem:$0xD400] =	vst v63  }
0x2c: {  	_ =	swait.ge [sflag:s15], $0x400  }
0x2d: {  	[sflag:s15] =	ssyncset.done $0x0  }
0x2e: {  	s24 =	sadd.s32 s5, s24;
	[sflag:s15] =	ssyncadd.s32 $0xFFFFFC00  }
0x2f: {  	[tilespmem:s21], [sflag:$0x1] =	stream.linear.gather [hbm4b:s24+s26], $0x400, $0x38;
	[tilespmem:$0xD400] =	vst v63  }
0x30: {  	_ =	swait.ge [sflag:s15], $0x400  }
0x31: {  	[sflag:s15] =	ssyncset.done $0x0  }
0x32: {  	s31 =	simm.s32 $0x0;
	[sflag:s15] =	ssyncadd.s32 $0xFFFFFC00  }
0x33: {  	v0 =	vld [tilespmem:s31+$0x0];
	_ =	sdelay $0x2  }
0x34: {  	v1 =	vld [tilespmem:s31+$0x400];
	_ =	sdelay $0x4  }
0x35: {  	v2 =	vld.idx.msk [tilespmem:v0+s16+$0x0], $0xffff  }
0x36: {  	v3 =	vld.idx.msk [tilespmem:v0+s14+$0x0], $0xffff  }
0x37: {  	v4 =	vld.idx.msk [tilespmem:v0+s17+$0x0], $0xffff  }
0x38: {  	v5 =	vld.idx.msk [tilespmem:v1+s14+$0x0], $0xffff  }
0x39: {  	v6 =	vld.idx.msk [tilespmem:v1+s17+$0x0], $0xffff  }
0x3a: {  	v7 =	vld.idx.msk [tilespmem:v1+s16+$0x0], $0xffff  }
0x3b: {  	v1 =	vld [tilespmem:s31+$0x800];
	_ =	sdelay $0x2  }
0x3c: {  	v5 =	vsub.f32 v5, v3  }
0x3d: {  	v3 =	vsub.f32 v6, v4  }
0x3e: {  	s24 =	simm.s32 $0x40;
	v2 =	vsub.f32 v7, v2;
	v4 =	vmul.f32 v5, v1  }
.LBB2_3:
0x3f: {  	p0 =	sne.s32 s24, $0xFC0;
	v1 =	vmul.f32 v3, v1;
	s25 =	smov.u32 s24;
	s24 =	sadd.s32 $0x40, s24  }
0x40: {  	v2 =	vmul.f32 v2, v4  }
0x41: {  	[tilespmem:v0+s18+$0x0] =	vst.idx.add.f32.msk $0xffff, v1  }
0x42: {  	s25 =	sshra.s32 s25, $0x2;
	[tilespmem:v0+s19+$0x0] =	vst.idx.add.f32.msk $0xffff, v2  }
0x43: {  	v0 =	vld [tilespmem:s25+$0x0]  }
0x44: {  	v1 =	vld [tilespmem:s25+$0x400];
	_ =	sdelay $0x6  }
0x45: {  	v2 =	vld.idx.msk [tilespmem:v0+s16+$0x0], $0xffff  }
0x46: {  	v3 =	vld.idx.msk [tilespmem:v0+s14+$0x0], $0xffff  }
0x47: {  	v4 =	vld.idx.msk [tilespmem:v0+s17+$0x0], $0xffff  }
0x48: {  	v5 =	vld.idx.msk [tilespmem:v1+s14+$0x0], $0xffff  }
0x49: {  	v6 =	vld.idx.msk [tilespmem:v1+s17+$0x0], $0xffff  }
0x4a: {  	v7 =	vld.idx.msk [tilespmem:v1+s16+$0x0], $0xffff  }
0x4b: {  	v1 =	vld [tilespmem:s25+$0x800]  }
.Ltmp0:
0x4c: {  	(pc) =	sbr.rel @p0 .LBB2_3-.Ltmp0, $4  }
0x4d: {  	_ = 	snop  }
0x4e: {  	v5 =	vsub.f32 v5, v3  }
0x4f: {  	v3 =	vsub.f32 v6, v4  }
0x50: {  	v2 =	vsub.f32 v7, v2;
	v4 =	vmul.f32 v5, v1  }
0x51: {  	s23 =	sadd.s32 $0x1, s23  }
0x52: {  	p0 =	sne.s32 s23, $0xA  }
.Ltmp1:
0x53: {  	_ = 	snop;
	(pc) =	sbr.rel @p0 .LBB2_2-.Ltmp1, $4  }
0x54: {  	v1 =	vmul.f32 v3, v1  }
0x55: {  	v2 =	vmul.f32 v2, v4  }
0x56: {  	[tilespmem:v0+s18+$0x0] =	vst.idx.add.f32.msk $0xffff, v1  }
0x57: {  	[tilespmem:v0+s19+$0x0] =	vst.idx.add.f32.msk $0xffff, v2  }
0x58: {  	[hbm4b:s11+s1] =	stream.linear.scatter [tilespmem:s18], [sflag:$0x1], $0x2800, $0x38;
	[tilespmem:$0xD400] =	vst v63  }
0x59: {  	s22 =	sadd.s32 $0x1, s22;
	_ =	swait.ge [sflag:s15], $0x2800  }
0x5a: {  	p0 =	sne.s32 s22, s13;
	[sflag:s15] =	ssyncset.done $0x0  }
.Ltmp2:
0x5b: {  	[sflag:s15] =	ssyncadd.s32 $0xFFFFD800;
	(pc) =	sbr.rel @p0 .LBB2_1-.Ltmp2, $4  }
0x5c: {  	[hbm4b:s12+s1] =	stream.linear.scatter [tilespmem:s19], [sflag:$0x1], $0x2800, $0x38;
	[tilespmem:$0xD400] =	vst v63  }
0x5d: {  	_ =	swait.ge [sflag:s15], $0x2800  }
0x5e: {  	[sflag:s15] =	ssyncset.done $0x0  }
0x5f: {  	[sflag:s15] =	ssyncadd.s32 $0xFFFFD800  }
0x60: {  	_ =	sfence.sel $0x180000  }
0x61: {  	[bflag:$0x0] =	sbarrier.arrive $0xFFFF  }
0x62: {  	p0 =	sne.s32 s2, $0x0;
	_ =	strace $0x90000050  }
0x63: {  	s0 =	sadd.s32 @!p0 $0x100000, s0;
	[bflag:$0x2] =	sbarrier.arrive $0xFFFF  }
0x64: {  	[sflag:s0] =	ssyncadd.tile.s32 @!p0 $0x1;
	_ =	shalt  }
.Lfunc_end2:
_tile_overlayer_lowered:
.L_overlay_start_2:
0x65: {  	(tag) =	ssettag $0x2  }
0x66: {  	s0 =	rddreg [dreg:$0x0];
	s2 =	stileid.u32  }
0x67: {  	s1 =	rddreg [dreg:$0x1];
	p0 =	sne.s32 s2, $0x0  }
0x68: {  	s3 =	rddreg [dreg:$0x2];
	[bflag:$0x3] =	sbarrier.arrive $0xFFFF;
	s2 =	simm.s32 @!p0 $0x1C01  }
0x69: {  	[timem:s3], [sflag:s2] =	dma.local @!p0 [hbm:s0], s1  }
0x6a: {  	s0 =	simm.s32 @!p0 $0x1  }
0x6b: {  	_ =	swait.ge @!p0 [sflag:s0], s1  }
0x6c: {  	s1 =	ssub.s32 @!p0 $0x0, s1;
	[sflag:s0] =	ssyncset.done @!p0 $0x0  }
0x6d: {  	[sflag:s0] =	ssyncadd.s32 @!p0 s1  }
0x6e: {  	[bflag:$0x3] =	sbarrier.arrive $0xFFFF  }
0x6f: {  	_ =	shalt  }

// kernel: kernel.37.cloned.1.call-start
scs
__scs_entry_jumppad:
0x0: {  	(pc) =	sbr.rel $0x88, $3  }
0x1: {  	(tag) =	ssettag $0x0;
	lr =	simm.s32 $0x1  }
0x2: {  	[smem:$0x3F8A] =	sst lr;
	_ =	strace $0xD0000000  }
0x3: {  	_ = 	snop  }
0x4: {  	_ = 	snop  }
0x5: {  	_ = 	snop  }
0x6: {  	_ = 	snop  }
0x7: {  	_ = 	snop  }
__scs_overlays_trampoline_lowered:
0x8: {  	[smem:$0x3F99] =	sst s0  }
0x9: {  	[smem:$0x3F9A] =	sst s1  }
0xa: {  	[smem:$0x3F9B] =	sst s2  }
0xb: {  	[smem:$0x3F9C] =	sst s3  }
0xc: {  	[smem:$0x3F9D] =	sst s4  }
0xd: {  	[smem:$0x3F9E] =	sst s5  }
0xe: {  	[smem:$0x3F9F] =	sst s6  }
0xf: {  	[smem:$0x3FA0] =	sst s7  }
0x10: {  	[smem:$0x3FA1] =	sst s8  }
0x11: {  	[smem:$0x3FA2] =	sst s9;
	s0 =	simm.s32 @!p0 $0x0  }
0x12: {  	s1 =	sld [smem:$0x3F88];
	s0 =	simm.s32 @p0 $0x1  }
0x13: {  	[smem:$0x3FA3] =	sst s0;
	s0 =	simm.s32 @!p1 $0x0  }
0x14: {  	s2 =	sld [smem:$0x3F87];
	s0 =	simm.s32 @p1 $0x1  }
0x15: {  	[smem:$0x3FA4] =	sst s0;
	s0 =	simm.s32 @!p2 $0x0  }
0x16: {  	s3 =	sld [smem:$0x3FDB];
	s0 =	simm.s32 @p2 $0x1  }
0x17: {  	s4 =	simm.s32 $0x1BF5;
	[smem:$0x3FA6] =	sst s0  }
0x18: {  	s0 =	sld [smem:$0x3F89];
	_ =	swait.ge [sflag:s4], $0x0  }
0x19: {  	s7 =	sld [smem:$0x3F8A]  }
0x1a: {  	s8 =	sadd.s32 $0xFFFFE003, lr  }
0x1b: {  	s9 =	sadd.s32 $0xFFFFFEF7, lr;
	s5 =	simm.s32 $0xFFFFFFFF;
	p2 =	slt.u32 s8, $0xFFFFF086  }
0x1c: {  	p1 =	slt.u32 s9, $0xF7A;
	s5 =	simm.s32 @!p2 $0x0  }
0x1d: {  	s5 =	simm.s32 @p1 $0x1;
	p0 =	seq.s32 s7, s2  }
0x1e: {  	s7 =	smul.u32 @!p0 $0xF7A, s2;
	p2 =	seq.s32 @!p0 s5, $0x0  }
0x1f: {  	s9 =	smul.u32 $0xF7A, s1;
	s8 =	simm.s32 @!p0 $0x1BF5;
	p2 =	por !p2, p0  }
0x20: {  	[sflag:s8] =	ssyncset.s32 @!p0 $0xFFFFF086;
	s6 =	sadd.s32 @!p0 s3, s7;
	s7 =	simm.s32 @!p0 $0x108  }
0x21: {  	s3 =	sadd.s32 s3, s9;
	s6 =	sadd.s32 @!p0 $0x88, s6;
	s7 =	simm.s32 @p2 $0x1082  }
0x22: {  	[simem:s7], [sflag:s8] =	dma.local @!p0 [hbm:s6], $0xF7A  }
0x23: {  	s9 =	sor.u32 $0xD0000000, s2;
	s6 =	simm.s32 $0x108;
	_ =	swait.ge @!p0 [sflag:s8], $0x0  }
0x24: {  	s3 =	sadd.s32 $0x88, s3;
	s6 =	simm.s32 @!p1 $0x1082;
	[sflag:s4] =	ssyncset.s32 $0xFFFFF086  }
0x25: {  	[simem:s6], [sflag:s4] =	dma.local [hbm:s3], $0xF7A  }
0x26: {  	[smem:$0x3F8A] =	sst s1;
	(tag) =	ssettag s2;
	_ =	strace s9  }
0x27: {  	s1 =	sld [smem:$0x3F9A]  }
0x28: {  	s2 =	sld [smem:$0x3F9B]  }
0x29: {  	s4 =	sld [smem:$0x3F9D]  }
0x2a: {  	p0 =	seq.s32 s5, $0x0;
	s5 =	sld [smem:$0x3F9E]  }
0x2b: {  	s6 =	sld [smem:$0x3F9F]  }
0x2c: {  	s7 =	sld [smem:$0x3FA0]  }
0x2d: {  	s3 =	simm.s32 $0x108;
	s8 =	sld [smem:$0x3FA1]  }
0x2e: {  	s3 =	simm.s32 @!p0 $0x1082;
	s9 =	sld [smem:$0x3FA2]  }
0x2f: {  	lr =	sadd.s32 s0, s3;
	s0 =	sld [smem:$0x3F99]  }
0x30: {  	s3 =	sld [smem:$0x3F9C]  }
0x31: {  	[smem:$0x3FA5] =	sst s10  }
0x32: {  	s10 =	sld [smem:$0x3FA3];
	_ =	sdelay $0x3  }
0x33: {  	p0 =	seq.s32 s10, $0x1;
	s10 =	sld [smem:$0x3FA5];
	_ =	sdelay $0x3  }
0x34: {  	[smem:$0x3FA5] =	sst s10  }
0x35: {  	s10 =	sld [smem:$0x3FA4];
	_ =	sdelay $0x3  }
0x36: {  	p1 =	seq.s32 s10, $0x1;
	s10 =	sld [smem:$0x3FA5];
	_ =	sdelay $0x3  }
0x37: {  	[smem:$0x3FA5] =	sst s10  }
0x38: {  	s10 =	sld [smem:$0x3FA6]  }
0x39: {  	_ = 	snop;
	(pc) =	sbr.ind lr, $3  }
0x3a: {  	_ = 	snop  }
0x3b: {  	_ = 	snop  }
0x3c: {  	p2 =	seq.s32 s10, $0x1;
	s10 =	sld [smem:$0x3FA5]  }
0x3d: {  	_ =	shalt  }
0x3e: {  	_ =	shalt  }
0x3f: {  	_ =	shalt  }
0x40: {  	_ =	shalt  }
0x41: {  	_ =	shalt  }
0x42: {  	_ =	shalt  }
0x43: {  	_ =	shalt  }
0x44: {  	_ =	shalt  }
0x45: {  	_ =	shalt  }
0x46: {  	_ =	shalt  }
0x47: {  	_ =	shalt  }
0x48: {  	_ =	shalt  }
0x49: {  	_ =	shalt  }
0x4a: {  	_ =	shalt  }
0x4b: {  	_ =	shalt  }
0x4c: {  	_ =	shalt  }
0x4d: {  	_ =	shalt  }
0x4e: {  	_ =	shalt  }
0x4f: {  	_ =	shalt  }
0x50: {  	_ =	shalt  }
0x51: {  	_ =	shalt  }
0x52: {  	_ =	shalt  }
0x53: {  	_ =	shalt  }
0x54: {  	_ =	shalt  }
0x55: {  	_ =	shalt  }
0x56: {  	_ =	shalt  }
0x57: {  	_ =	shalt  }
0x58: {  	_ =	shalt  }
0x59: {  	_ =	shalt  }
0x5a: {  	_ =	shalt  }
0x5b: {  	_ =	shalt  }
0x5c: {  	_ =	shalt  }
0x5d: {  	_ =	shalt  }
0x5e: {  	_ =	shalt  }
0x5f: {  	_ =	shalt  }
0x60: {  	_ =	shalt  }
0x61: {  	_ =	shalt  }
0x62: {  	_ =	shalt  }
0x63: {  	_ =	shalt  }
0x64: {  	_ =	shalt  }
0x65: {  	_ =	shalt  }
0x66: {  	_ =	shalt  }
0x67: {  	_ =	shalt  }
0x68: {  	_ =	shalt  }
0x69: {  	_ =	shalt  }
0x6a: {  	_ =	shalt  }
0x6b: {  	_ =	shalt  }
0x6c: {  	_ =	shalt  }
0x6d: {  	_ =	shalt  }
0x6e: {  	_ =	shalt  }
0x6f: {  	_ =	shalt  }
0x70: {  	_ =	shalt  }
0x71: {  	_ =	shalt  }
0x72: {  	_ =	shalt  }
0x73: {  	_ =	shalt  }
0x74: {  	_ =	shalt  }
0x75: {  	_ =	shalt  }
0x76: {  	_ =	shalt  }
0x77: {  	_ =	shalt  }
0x78: {  	_ =	shalt  }
0x79: {  	_ =	shalt  }
0x7a: {  	_ =	shalt  }
0x7b: {  	_ =	shalt  }
0x7c: {  	_ =	shalt  }
0x7d: {  	_ =	shalt  }
0x7e: {  	_ =	shalt  }
0x7f: {  	_ =	shalt  }
0x80: {  	_ =	shalt  }
0x81: {  	_ =	shalt  }
0x82: {  	_ =	shalt  }
0x83: {  	_ =	shalt  }
0x84: {  	_ =	shalt  }
0x85: {  	_ =	shalt  }
0x86: {  	_ =	shalt  }
0x87: {  	_ =	shalt  }
.Lfunc_end0:
.L_simem_size_0:
called_computation.4_lowered:
.L_overlay_start_0:
0x88: {  	s2 =	sld [smem:$0x3FD9]  }
0x89: {  	s3 =	sld [smem:$0x3FFE];
	_ =	sdelay $0x1  }
0x8a: {  	s1 =	srdreg.scid  }
0x8b: {  	s0 =	sand.u32 $0x1, s1  }
0x8c: {  	s16 =	sshll.u32 s0, $0xA;
	s2 =	sadd.s32 s3, s2  }
0x8d: {  	s2 =	sadd.s32 s2, s16  }
0x8e: {  	[smem:$0x3FB1] =	sst s2  }
0x8f: {  	_ = 	snop  }
0x90: {  	(tm) =	ssettm $0x1  }
0x91: {  	s17 =	sld [smem:$0x3FFB];
	_ =	sdelay $0x3  }
0x92: {  	_ =	strace s17  }
0x93: {  	s2 =	sld [smem:$0x3FFC];
	_ =	sdelay $0x3  }
0x94: {  	_ =	strace s2  }
0x95: {  	s2 =	sld [smem:$0x3FFD];
	_ =	sdelay $0x3  }
0x96: {  	_ =	strace s2  }
0x97: {  	_ =	strace $0x8FFFFFFF  }
0x98: {  	s18 =	sld [smem:$0x3FDB];
	_ =	sdelay $0x1  }
0x99: {  	s19 =	simm.s32 $_scs_section_size  }
0x9a: {  	s4 =	simm.s32 $_size__tile_overlayer_lowered;
	s5 =	simm.s32 $_tile_overlayer_lowered  }
0x9b: {  	s22 =	simm.s32 $0x1BFF;
	s21 =	sshll.u32 s5, $0x1;
	s2 =	sadd.s32 s19, s18  }
0x9c: {  	s6 =	simm.s32 $0x0;
	s20 =	sshll.u32 s4, $0x1;
	s4 =	sadd.s32 s21, s2  }
0x9d: {  	[timem:s6], [sflag:s22] =	dma.local [hbm:s4], s20  }
0x9e: {  	_ =	swait.ge [sflag:s22], s20  }
0x9f: {  	s3 =	ssub.s32 $0x0, s20;
	[sflag:s22] =	ssyncset.done $0x0  }
0xa0: {  	[sflag:s22] =	ssyncadd.s32 s3;
	_ =	sdelay $0x1  }
0xa1: {  	s23 =	simm.s32 $0x1B8B  }
0xa2: {  	_ =	swait.ge [sflag:s23], $0x1  }
0xa3: {  	[sflag:s23] =	ssyncset.done $0x0  }
0xa4: {  	s25 =	simm.s32 $0x1B8E;
	s24 =	sld [smem:$0x3FFE];
	[sflag:s23] =	ssyncadd.s32 $0xFFFFFFFF  }
0xa5: {  	s26 =	simm.s32 $execute0_lowered;
	[smem:$0x3FD2] =	sst s25  }
0xa6: {  	s4 =	sshll.u32 s26, $0x1;
	_ =	strace $0x80000052;
	[dreg:$0x1] =	wrdreg $0xFFFFFFFF  }
0xa7: {  	s28 =	simm.s32 $_size_execute0_lowered;
	s2 =	sadd.s32 s2, s4;
	[dreg:$0x0] =	wrdreg $0x0  }
0xa8: {  	s4 =	sshll.u32 s28, $0x1;
	[dreg:$0x2] =	wrdreg s2  }
0xa9: {  	[dreg:$0x3] =	wrdreg s4  }
0xaa: {  	[dreg:$0x4] =	wrdreg $0xC0  }
0xab: {  	_ =	task [dreg:s6], $0x5FFFF  }
0xac: {  	[dreg:$0x1] =	wrdreg $0xFFFFFFFF  }
0xad: {  	[dreg:$0x0] =	wrdreg $0x60  }
0xae: {  	[dreg:$0x2] =	wrdreg s24  }
0xaf: {  	[dreg:$0x3] =	wrdreg $0x9  }
0xb0: {  	_ =	task.clear_ibuf [dreg:s6], $0x4FFFF;
	_ =	strace $0x90000052  }
0xb1: {  	s29 =	simm.s32 $0x9;
	_ =	strace $0x80000054  }
0xb2: {  	_ =	swait.ge [sflag:s29], $0x1  }
0xb3: {  	[sflag:s29] =	ssyncadd.s32 $0xFFFFFFFF  }
0xb4: {  	_ =	strace $0x90000054  }
0xb5: {  	_ =	sfence  }
0xb6: {  	s30 =	sld [smem:$0x0];
	_ =	sdelay $0x2  }
0xb7: {  	s31 =	sshll.u32 s1, $0xD;
	s1 =	sshrl.u32 s1, $0x2  }
0xb8: {  	s3 =	sand.u32 $0x4000, s31;
	s1 =	sadd.s32 s1, s30  }
0xb9: {  	s0 =	sor.u32 s3, s0;
	s1 =	sshll.u32 s1, $0x11  }
0xba: {  	s0 =	sor.u32 s1, s0  }
0xbb: {  	s0 =	sadd.s32 $0x8F2B, s0  }
0xbc: {  	[sflag:s0] =	ssyncadd.remote.s32 $0x1  }
0xbd: {  	_ =	sfence.sel $0xFFFF  }
0xbe: {  	[dreg:$0x0] =	wrdreg $0xFFFFFFFF;
	(pc) =	sbr.abs _section_cstart, $3  }
0xbf: {  	[dreg:$0x1] =	wrdreg $0xFFFFFFFF  }
0xc0: {  	_ =	task.clear_ibuf [dreg:s6], $0x2FFFF;
	_ =	strace $0x9FFFFFFF  }
0xc1: {  	(tm) =	ssettm $0x7FFFFFFF  }
tec
execute0_lowered:
.L_overlay_start_1:
0x0: {  	(tag) =	ssettag $0x1  }
0x1: {  	s0 =	rddreg [dreg:$0x0];
	s2 =	simm.s32 $0x0;
	s4 =	srdreg.scid  }
0x2: {  	s1 =	stileid.u32;
	s17 =	simm.s32 $0x1;
	s18 =	simm.s32 $0x3800  }
0x3: {  	s19 =	simm.s32 $0x6000;
	s20 =	simm.s32 $0x8800;
	s21 =	simm.s32 $0xB000  }
0x4: {  	s22 =	simm.s32 $0x400;
	s23 =	simm.s32 $0x800;
	s24 =	simm.s32 $0xC00  }
0x5: {  	s25 =	simm.s32 $0x0;
	[smem:$0x7FF] =	sst s2;
	s3 =	sadd.s32 $0x3600, s0  }
0x6: {  	s11 =	sand.u32 $0x1, s4;
	s6 =	sshll.u32 s1, $0x1;
	s4 =	sadd.s32 $0x71A00, s0  }
0x7: {  	s5 =	sadd.s32 $0xE200, s0;
	s7 =	sadd.s32 $0xD600, s0;
	s13 =	sadd.s32 $0x3F200, s0  }
0x8: {  	s9 =	sadd.s32 $0x5D200, s0;
	s16 =	smul.u32 $0x5000, s1;
	s12 =	sor.u32 s11, s6  }
0x9: {  	s10 =	sadd.s32 $0x67200, s0;
	_ =	strace $0x80000053;
	s14 =	smul.u32 $0x7800, s12  }
0xa: {  	s6 =	sadd.s32 $0xDC00, s0;
	s30 =	ssub.s32 $0x2, s11;
	s8 =	smul.u32 $0x2800, s12  }
0xb: {  	s12 =	smul.u32 $0xF00, s12;
	s15 =	sshrl.u32 s30, $0x1;
	s14 =	sshrl.u32 s14, $0x3  }
0xc: {  	s31 =	smul.u32 $0x2800, s11;
	s0 =	ssub.s32 s30, s15;
	s14 =	sadd.s32 s13, s14  }
0xd: {  	s11 =	sadd.s32 s13, s12;
	s12 =	sadd.s32 $0x500, s14;
	s13 =	sadd.s32 $0xA00, s14  }
0xe: {  	v0 =	vimm.f32 $0.0e+00;
	v1 =	vimm.f32 $1.000000000e+00;
	v2 =	vlaneseq.u32;
	s14 =	smax.u32 s0, $0x1;
	s0 =	sadd.s32 s31, s16;
	s16 =	simm.s32 $0x1000  }
.LBB2_1:
0xf: {  	[tilespmem:s16], [sflag:$0x1] =	stream.linear.gather [hbm4b:s5+s2], $0x2800, $0x38;
	[tilespmem:$0xD800] =	vst v63  }
0x10: {  	_ =	swait.ge [sflag:s17], $0x2800  }
0x11: {  	[sflag:s17] =	ssyncset.done $0x0  }
0x12: {  	[sflag:s17] =	ssyncadd.s32 $0xFFFFD800  }
0x13: {  	[tilespmem:s18], [sflag:$0x1] =	stream.linear.gather [hbm4b:s6+s2], $0x2800, $0x38;
	[tilespmem:$0xD800] =	vst v63  }
0x14: {  	_ =	swait.ge [sflag:s17], $0x2800  }
0x15: {  	[sflag:s17] =	ssyncset.done $0x0  }
0x16: {  	[sflag:s17] =	ssyncadd.s32 $0xFFFFD800  }
0x17: {  	[tilespmem:s19], [sflag:$0x1] =	stream.linear.gather [hbm4b:s7+s2], $0x2800, $0x38;
	[tilespmem:$0xD800] =	vst v63  }
0x18: {  	_ =	swait.ge [sflag:s17], $0x2800  }
0x19: {  	[sflag:s17] =	ssyncset.done $0x0  }
0x1a: {  	[sflag:s17] =	ssyncadd.s32 $0xFFFFD800  }
0x1b: {  	[tilespmem:s20], [sflag:$0x1] =	stream.linear.gather [hbm4b:s7+s2], $0x2800, $0x38;
	[tilespmem:$0xD800] =	vst v63  }
0x1c: {  	_ =	swait.ge [sflag:s17], $0x2800  }
0x1d: {  	[sflag:s17] =	ssyncset.done $0x0  }
0x1e: {  	[sflag:s17] =	ssyncadd.s32 $0xFFFFD800  }
0x1f: {  	[tilespmem:s21], [sflag:$0x1] =	stream.linear.gather [hbm4b:s7+s2], $0x2800, $0x38;
	[tilespmem:$0xD800] =	vst v63  }
0x20: {  	_ =	swait.ge [sflag:s17], $0x2800  }
0x21: {  	[sflag:s17] =	ssyncset.done $0x0  }
0x22: {  	s15 =	smov.u32 s0;
	s28 =	simm.s32 $0x0;
	[sflag:s17] =	ssyncadd.s32 $0xFFFFD800  }
.LBB2_2:
0x23: {  	s26 =	sshll.u32 s28, $0xA  }
0x24: {  	s26 =	sadd.s32 s8, s26  }
0x25: {  	s29 =	sshrl.u32 s26, $0x3  }
0x26: {  	s30 =	simm.s32 $0x0;
	s26 =	sadd.s32 s3, s29  }
0x27: {  	[tilespmem:s30], [sflag:$0x1] =	stream.linear.gather [hbm4b:s26+s30], $0x400, $0x38;
	[tilespmem:$0xD800] =	vst v63  }
0x28: {  	_ =	swait.ge [sflag:s17], $0x400  }
0x29: {  	[sflag:s17] =	ssyncset.done $0x0  }
0x2a: {  	s1 =	sadd.s32 s4, s29;
	[sflag:s17] =	ssyncadd.s32 $0xFFFFFC00  }
0x2b: {  	[tilespmem:s22], [sflag:$0x1] =	stream.linear.gather [hbm4b:s1+s30], $0x400, $0x38;
	[tilespmem:$0xD800] =	vst v63  }
0x2c: {  	_ =	swait.ge [sflag:s17], $0x400  }
0x2d: {  	[sflag:s17] =	ssyncset.done $0x0  }
0x2e: {  	s30 =	simm.s32 $0x0;
	[sflag:s17] =	ssyncadd.s32 $0xFFFFFC00  }
0x2f: {  	v4 =	vld [tilespmem:s30+$0x0];
	_ =	sdelay $0x1  }
0x30: {  	v3 =	vld [tilespmem:s30+$0x400];
	_ =	sdelay $0x5  }
0x31: {  	v5 =	vld.idx.msk [tilespmem:v4+s16+$0x0], $0xffff  }
0x32: {  	v4 =	vld.idx.msk [tilespmem:v4+s18+$0x0], $0xffff  }
0x33: {  	v6 =	vld.idx.msk [tilespmem:v3+s16+$0x0], $0xffff  }
0x34: {  	v7 =	vld.idx.msk [tilespmem:v3+s18+$0x0], $0xffff;
	_ =	sdelay $0x2  }
0x35: {  	vm0 =	veq.f32 v4, $0.0e+00;
	v4 =	vor.u32 s15, v2  }
0x36: {  	vm1 =	veq.f32 v5, $0.0e+00;
	vm2 =	veq.f32 v6, $0.0e+00;
	v4 =	vand.u32 $0x7F, v4  }
0x37: {  	vm1 =	vmand vm1, vm2;
	vm2 =	veq.f32 v7, $0.0e+00;
	v4 =	vadd.s32 $0x2710, v4  }
0x38: {  	s31 =	simm.s32 $0x40;
	s26 =	smov.u32 s15;
	[tilespmem:v3+s19+$0x0] =	vst.idx.add.f32.msk $0xffff, v1;
	vm0 =	vmand vm0, vm2;
	v6 =	vsel vm1, $0x3F800000, v0;
	v5 =	vsel vm1, v3, v4  }
.LBB2_3:
0x39: {  	p0 =	sne.s32 s31, $0xFC0  }
0x3a: {  	[tilespmem:v3+s20+$0x0] =	vst.idx.add.f32.msk $0xffff, v6;
	v6 =	vsel vm0, $0x3F800000, v0;
	s26 =	sadd.s32 $0x10, s26;
	s1 =	smov.u32 s31;
	s31 =	sadd.s32 $0x40, s31  }
0x3b: {  	v4 =	vsel vm0, v3, v4;
	s1 =	sshra.s32 s1, $0x2;
	[tilespmem:v3+s21+$0x0] =	vst.idx.add.f32.msk $0xffff, v6  }
0x3c: {  	v6 =	vld [tilespmem:s1+$0x0];
	[tilespmem:s30+$0x800] =	vst v5  }
0x3d: {  	v3 =	vld [tilespmem:s1+$0x400];
	[tilespmem:s30+$0xC00] =	vst v4;
	s30 =	smov.u32 s1;
	_ =	sdelay $0x6  }
0x3e: {  	v4 =	vld.idx.msk [tilespmem:v6+s16+$0x0], $0xffff  }
0x3f: {  	v5 =	vld.idx.msk [tilespmem:v6+s18+$0x0], $0xffff  }
0x40: {  	v6 =	vld.idx.msk [tilespmem:v3+s16+$0x0], $0xffff  }
0x41: {  	v7 =	vld.idx.msk [tilespmem:v3+s18+$0x0], $0xffff  }
0x42: {  	[tilespmem:v3+s19+$0x0] =	vst.idx.add.f32.msk $0xffff, v1;
	_ =	sdelay $0x1  }
.Ltmp0:
0x43: {  	(pc) =	sbr.rel @p0 .LBB2_3-.Ltmp0, $4  }
0x44: {  	vm0 =	veq.f32 v5, $0.0e+00;
	v5 =	vor.u32 s26, v2  }
0x45: {  	vm1 =	veq.f32 v4, $0.0e+00;
	vm2 =	veq.f32 v6, $0.0e+00;
	v4 =	vand.u32 $0x7F, v5  }
0x46: {  	vm1 =	vmand vm1, vm2;
	vm2 =	veq.f32 v7, $0.0e+00;
	v4 =	vadd.s32 $0x2710, v4  }
0x47: {  	vm0 =	vmand vm0, vm2;
	v6 =	vsel vm1, $0x3F800000, v0;
	v5 =	vsel vm1, v3, v4  }
0x48: {  	_ =	sdelay $0x3  }
0x49: {  	[tilespmem:v3+s20+$0x0] =	vst.idx.add.f32.msk $0xffff, v6;
	v63 =	vsel vm0, $0x3F800000, v0  }
0x4a: {  	[tilespmem:v3+s21+$0x0] =	vst.idx.add.f32.msk $0xffff, v63  }
0x4b: {  	v3 =	vsel vm0, v3, v4;
	[tilespmem:s30+$0x800] =	vst v5  }
0x4c: {  	s1 =	sadd.s32 s9, s29;
	[tilespmem:s30+$0xC00] =	vst v3  }
0x4d: {  	[hbm4b:s1+s2] =	stream.linear.scatter [tilespmem:s23], [sflag:$0x1], $0x400, $0x38;
	[tilespmem:$0xD800] =	vst v63  }
0x4e: {  	s28 =	sadd.s32 $0x1, s28;
	_ =	swait.ge [sflag:s17], $0x400  }
0x4f: {  	p0 =	sne.s32 s28, $0xA;
	[sflag:s17] =	ssyncset.done $0x0  }
.Ltmp1:
0x50: {  	s31 =	sadd.s32 s10, s29;
	[sflag:s17] =	ssyncadd.s32 $0xFFFFFC00;
	(pc) =	sbr.rel @p0 .LBB2_2-.Ltmp1, $4  }
0x51: {  	[hbm4b:s31+s2] =	stream.linear.scatter [tilespmem:s24], [sflag:$0x1], $0x400, $0x38;
	[tilespmem:$0xD800] =	vst v63  }
0x52: {  	_ =	swait.ge [sflag:s17], $0x400  }
0x53: {  	[sflag:s17] =	ssyncset.done $0x0  }
0x54: {  	s15 =	sadd.s32 $0x400, s15;
	[sflag:s17] =	ssyncadd.s32 $0xFFFFFC00  }
0x55: {  	[hbm4b:s11+s2] =	stream.linear.scatter [tilespmem:s19], [sflag:$0x1], $0x2800, $0x38;
	[tilespmem:$0xD800] =	vst v63  }
0x56: {  	_ =	swait.ge [sflag:s17], $0x2800  }
0x57: {  	[sflag:s17] =	ssyncset.done $0x0  }
0x58: {  	[sflag:s17] =	ssyncadd.s32 $0xFFFFD800  }
0x59: {  	[hbm4b:s12+s2] =	stream.linear.scatter [tilespmem:s20], [sflag:$0x1], $0x2800, $0x38;
	[tilespmem:$0xD800] =	vst v63  }
0x5a: {  	s25 =	sadd.s32 $0x1, s25;
	_ =	swait.ge [sflag:s17], $0x2800  }
0x5b: {  	p0 =	sne.s32 s25, s14;
	[sflag:s17] =	ssyncset.done $0x0  }
.Ltmp2:
0x5c: {  	[sflag:s17] =	ssyncadd.s32 $0xFFFFD800;
	(pc) =	sbr.rel @p0 .LBB2_1-.Ltmp2, $4  }
0x5d: {  	[hbm4b:s13+s2] =	stream.linear.scatter [tilespmem:s21], [sflag:$0x1], $0x2800, $0x38;
	[tilespmem:$0xD800] =	vst v63  }
0x5e: {  	_ =	swait.ge [sflag:s17], $0x2800  }
0x5f: {  	[sflag:s17] =	ssyncset.done $0x0  }
0x60: {  	[sflag:s17] =	ssyncadd.s32 $0xFFFFD800  }
0x61: {  	_ =	sfence.sel $0x180000  }
0x62: {  	[bflag:$0x0] =	sbarrier.arrive $0xFFFF  }
0x63: {  	_ =	strace $0x90000053  }
0x64: {  	s0 =	stileid.u32;
	[bflag:$0x2] =	sbarrier.arrive $0xFFFF  }
0x65: {  	p0 =	sne.s32 s0, $0x0;
	s0 =	rddreg [dreg:$0x1]  }
0x66: {  	s0 =	sadd.s32 @!p0 $0x100000, s0  }
0x67: {  	[sflag:s0] =	ssyncadd.tile.s32 @!p0 $0x1;
	_ =	shalt  }
.Lfunc_end2:
_tile_overlayer_lowered:
.L_overlay_start_2:
0x68: {  	(tag) =	ssettag $0x2  }
0x69: {  	s0 =	rddreg [dreg:$0x0];
	s2 =	stileid.u32  }
0x6a: {  	s1 =	rddreg [dreg:$0x1];
	p0 =	sne.s32 s2, $0x0  }
0x6b: {  	s3 =	rddreg [dreg:$0x2];
	[bflag:$0x3] =	sbarrier.arrive $0xFFFF;
	s2 =	simm.s32 @!p0 $0x1C01  }
0x6c: {  	[timem:s3], [sflag:s2] =	dma.local @!p0 [hbm:s0], s1  }
0x6d: {  	s0 =	simm.s32 @!p0 $0x1  }
0x6e: {  	_ =	swait.ge @!p0 [sflag:s0], s1  }
0x6f: {  	s1 =	ssub.s32 @!p0 $0x0, s1;
	[sflag:s0] =	ssyncset.done @!p0 $0x0  }
0x70: {  	[sflag:s0] =	ssyncadd.s32 @!p0 s1  }
0x71: {  	[bflag:$0x3] =	sbarrier.arrive $0xFFFF  }
0x72: {  	_ =	shalt  }

// kernel: kernel.40.cloned.1.call-start
scs
__scs_entry_jumppad:
0x0: {  	(pc) =	sbr.rel $0x88, $3  }
0x1: {  	(tag) =	ssettag $0x0;
	lr =	simm.s32 $0x1  }
0x2: {  	[smem:$0x3F8A] =	sst lr;
	_ =	strace $0xD0000000  }
0x3: {  	_ = 	snop  }
0x4: {  	_ = 	snop  }
0x5: {  	_ = 	snop  }
0x6: {  	_ = 	snop  }
0x7: {  	_ = 	snop  }
__scs_overlays_trampoline_lowered:
0x8: {  	[smem:$0x3F99] =	sst s0  }
0x9: {  	[smem:$0x3F9A] =	sst s1  }
0xa: {  	[smem:$0x3F9B] =	sst s2  }
0xb: {  	[smem:$0x3F9C] =	sst s3  }
0xc: {  	[smem:$0x3F9D] =	sst s4  }
0xd: {  	[smem:$0x3F9E] =	sst s5  }
0xe: {  	[smem:$0x3F9F] =	sst s6  }
0xf: {  	[smem:$0x3FA0] =	sst s7  }
0x10: {  	[smem:$0x3FA1] =	sst s8  }
0x11: {  	[smem:$0x3FA2] =	sst s9;
	s0 =	simm.s32 @!p0 $0x0  }
0x12: {  	s1 =	sld [smem:$0x3F88];
	s0 =	simm.s32 @p0 $0x1  }
0x13: {  	[smem:$0x3FA3] =	sst s0;
	s0 =	simm.s32 @!p1 $0x0  }
0x14: {  	s2 =	sld [smem:$0x3F87];
	s0 =	simm.s32 @p1 $0x1  }
0x15: {  	[smem:$0x3FA4] =	sst s0;
	s0 =	simm.s32 @!p2 $0x0  }
0x16: {  	s3 =	sld [smem:$0x3FDB];
	s0 =	simm.s32 @p2 $0x1  }
0x17: {  	s4 =	simm.s32 $0x1BF5;
	[smem:$0x3FA6] =	sst s0  }
0x18: {  	s0 =	sld [smem:$0x3F89];
	_ =	swait.ge [sflag:s4], $0x0  }
0x19: {  	s7 =	sld [smem:$0x3F8A]  }
0x1a: {  	s8 =	sadd.s32 $0xFFFFE003, lr  }
0x1b: {  	s9 =	sadd.s32 $0xFFFFFEF7, lr;
	s5 =	simm.s32 $0xFFFFFFFF;
	p2 =	slt.u32 s8, $0xFFFFF086  }
0x1c: {  	p1 =	slt.u32 s9, $0xF7A;
	s5 =	simm.s32 @!p2 $0x0  }
0x1d: {  	s5 =	simm.s32 @p1 $0x1;
	p0 =	seq.s32 s7, s2  }
0x1e: {  	s7 =	smul.u32 @!p0 $0xF7A, s2;
	p2 =	seq.s32 @!p0 s5, $0x0  }
0x1f: {  	s9 =	smul.u32 $0xF7A, s1;
	s8 =	simm.s32 @!p0 $0x1BF5;
	p2 =	por !p2, p0  }
0x20: {  	[sflag:s8] =	ssyncset.s32 @!p0 $0xFFFFF086;
	s6 =	sadd.s32 @!p0 s3, s7;
	s7 =	simm.s32 @!p0 $0x108  }
0x21: {  	s3 =	sadd.s32 s3, s9;
	s6 =	sadd.s32 @!p0 $0x88, s6;
	s7 =	simm.s32 @p2 $0x1082  }
0x22: {  	[simem:s7], [sflag:s8] =	dma.local @!p0 [hbm:s6], $0xF7A  }
0x23: {  	s9 =	sor.u32 $0xD0000000, s2;
	s6 =	simm.s32 $0x108;
	_ =	swait.ge @!p0 [sflag:s8], $0x0  }
0x24: {  	s3 =	sadd.s32 $0x88, s3;
	s6 =	simm.s32 @!p1 $0x1082;
	[sflag:s4] =	ssyncset.s32 $0xFFFFF086  }
0x25: {  	[simem:s6], [sflag:s4] =	dma.local [hbm:s3], $0xF7A  }
0x26: {  	[smem:$0x3F8A] =	sst s1;
	(tag) =	ssettag s2;
	_ =	strace s9  }
0x27: {  	s1 =	sld [smem:$0x3F9A]  }
0x28: {  	s2 =	sld [smem:$0x3F9B]  }
0x29: {  	s4 =	sld [smem:$0x3F9D]  }
0x2a: {  	p0 =	seq.s32 s5, $0x0;
	s5 =	sld [smem:$0x3F9E]  }
0x2b: {  	s6 =	sld [smem:$0x3F9F]  }
0x2c: {  	s7 =	sld [smem:$0x3FA0]  }
0x2d: {  	s3 =	simm.s32 $0x108;
	s8 =	sld [smem:$0x3FA1]  }
0x2e: {  	s3 =	simm.s32 @!p0 $0x1082;
	s9 =	sld [smem:$0x3FA2]  }
0x2f: {  	lr =	sadd.s32 s0, s3;
	s0 =	sld [smem:$0x3F99]  }
0x30: {  	s3 =	sld [smem:$0x3F9C]  }
0x31: {  	[smem:$0x3FA5] =	sst s10  }
0x32: {  	s10 =	sld [smem:$0x3FA3];
	_ =	sdelay $0x3  }
0x33: {  	p0 =	seq.s32 s10, $0x1;
	s10 =	sld [smem:$0x3FA5];
	_ =	sdelay $0x3  }
0x34: {  	[smem:$0x3FA5] =	sst s10  }
0x35: {  	s10 =	sld [smem:$0x3FA4];
	_ =	sdelay $0x3  }
0x36: {  	p1 =	seq.s32 s10, $0x1;
	s10 =	sld [smem:$0x3FA5];
	_ =	sdelay $0x3  }
0x37: {  	[smem:$0x3FA5] =	sst s10  }
0x38: {  	s10 =	sld [smem:$0x3FA6]  }
0x39: {  	_ = 	snop;
	(pc) =	sbr.ind lr, $3  }
0x3a: {  	_ = 	snop  }
0x3b: {  	_ = 	snop  }
0x3c: {  	p2 =	seq.s32 s10, $0x1;
	s10 =	sld [smem:$0x3FA5]  }
0x3d: {  	_ =	shalt  }
0x3e: {  	_ =	shalt  }
0x3f: {  	_ =	shalt  }
0x40: {  	_ =	shalt  }
0x41: {  	_ =	shalt  }
0x42: {  	_ =	shalt  }
0x43: {  	_ =	shalt  }
0x44: {  	_ =	shalt  }
0x45: {  	_ =	shalt  }
0x46: {  	_ =	shalt  }
0x47: {  	_ =	shalt  }
0x48: {  	_ =	shalt  }
0x49: {  	_ =	shalt  }
0x4a: {  	_ =	shalt  }
0x4b: {  	_ =	shalt  }
0x4c: {  	_ =	shalt  }
0x4d: {  	_ =	shalt  }
0x4e: {  	_ =	shalt  }
0x4f: {  	_ =	shalt  }
0x50: {  	_ =	shalt  }
0x51: {  	_ =	shalt  }
0x52: {  	_ =	shalt  }
0x53: {  	_ =	shalt  }
0x54: {  	_ =	shalt  }
0x55: {  	_ =	shalt  }
0x56: {  	_ =	shalt  }
0x57: {  	_ =	shalt  }
0x58: {  	_ =	shalt  }
0x59: {  	_ =	shalt  }
0x5a: {  	_ =	shalt  }
0x5b: {  	_ =	shalt  }
0x5c: {  	_ =	shalt  }
0x5d: {  	_ =	shalt  }
0x5e: {  	_ =	shalt  }
0x5f: {  	_ =	shalt  }
0x60: {  	_ =	shalt  }
0x61: {  	_ =	shalt  }
0x62: {  	_ =	shalt  }
0x63: {  	_ =	shalt  }
0x64: {  	_ =	shalt  }
0x65: {  	_ =	shalt  }
0x66: {  	_ =	shalt  }
0x67: {  	_ =	shalt  }
0x68: {  	_ =	shalt  }
0x69: {  	_ =	shalt  }
0x6a: {  	_ =	shalt  }
0x6b: {  	_ =	shalt  }
0x6c: {  	_ =	shalt  }
0x6d: {  	_ =	shalt  }
0x6e: {  	_ =	shalt  }
0x6f: {  	_ =	shalt  }
0x70: {  	_ =	shalt  }
0x71: {  	_ =	shalt  }
0x72: {  	_ =	shalt  }
0x73: {  	_ =	shalt  }
0x74: {  	_ =	shalt  }
0x75: {  	_ =	shalt  }
0x76: {  	_ =	shalt  }
0x77: {  	_ =	shalt  }
0x78: {  	_ =	shalt  }
0x79: {  	_ =	shalt  }
0x7a: {  	_ =	shalt  }
0x7b: {  	_ =	shalt  }
0x7c: {  	_ =	shalt  }
0x7d: {  	_ =	shalt  }
0x7e: {  	_ =	shalt  }
0x7f: {  	_ =	shalt  }
0x80: {  	_ =	shalt  }
0x81: {  	_ =	shalt  }
0x82: {  	_ =	shalt  }
0x83: {  	_ =	shalt  }
0x84: {  	_ =	shalt  }
0x85: {  	_ =	shalt  }
0x86: {  	_ =	shalt  }
0x87: {  	_ =	shalt  }
.Lfunc_end0:
.L_simem_size_0:
called_computation.5_lowered:
.L_overlay_start_0:
0x88: {  	s2 =	sld [smem:$0x3FD9]  }
0x89: {  	s3 =	sld [smem:$0x3FFE];
	_ =	sdelay $0x1  }
0x8a: {  	s1 =	srdreg.scid  }
0x8b: {  	s0 =	sand.u32 $0x1, s1  }
0x8c: {  	s16 =	sshll.u32 s0, $0xA;
	s2 =	sadd.s32 s3, s2  }
0x8d: {  	s2 =	sadd.s32 s2, s16  }
0x8e: {  	[smem:$0x3FB1] =	sst s2  }
0x8f: {  	_ = 	snop  }
0x90: {  	(tm) =	ssettm $0x1  }
0x91: {  	s17 =	sld [smem:$0x3FFB];
	_ =	sdelay $0x3  }
0x92: {  	_ =	strace s17  }
0x93: {  	s2 =	sld [smem:$0x3FFC];
	_ =	sdelay $0x3  }
0x94: {  	_ =	strace s2  }
0x95: {  	s2 =	sld [smem:$0x3FFD];
	_ =	sdelay $0x3  }
0x96: {  	_ =	strace s2  }
0x97: {  	_ =	strace $0x8FFFFFFF  }
0x98: {  	s18 =	sld [smem:$0x3FDB];
	_ =	sdelay $0x1  }
0x99: {  	s19 =	simm.s32 $_scs_section_size  }
0x9a: {  	s4 =	simm.s32 $_size__tile_overlayer_lowered;
	s5 =	simm.s32 $_tile_overlayer_lowered  }
0x9b: {  	s22 =	simm.s32 $0x1BFF;
	s21 =	sshll.u32 s5, $0x1;
	s2 =	sadd.s32 s19, s18  }
0x9c: {  	s6 =	simm.s32 $0x0;
	s20 =	sshll.u32 s4, $0x1;
	s4 =	sadd.s32 s21, s2  }
0x9d: {  	[timem:s6], [sflag:s22] =	dma.local [hbm:s4], s20  }
0x9e: {  	_ =	swait.ge [sflag:s22], s20  }
0x9f: {  	s3 =	ssub.s32 $0x0, s20;
	[sflag:s22] =	ssyncset.done $0x0  }
0xa0: {  	[sflag:s22] =	ssyncadd.s32 s3;
	_ =	sdelay $0x1  }
0xa1: {  	s23 =	simm.s32 $0x1B8B  }
0xa2: {  	_ =	swait.ge [sflag:s23], $0x1  }
0xa3: {  	[sflag:s23] =	ssyncset.done $0x0  }
0xa4: {  	s25 =	simm.s32 $0x1B8E;
	s24 =	sld [smem:$0x3FFE];
	[sflag:s23] =	ssyncadd.s32 $0xFFFFFFFF  }
0xa5: {  	s26 =	simm.s32 $execute0_lowered;
	[smem:$0x3FD2] =	sst s25  }
0xa6: {  	s4 =	sshll.u32 s26, $0x1;
	_ =	strace $0x80000055;
	[dreg:$0x1] =	wrdreg $0xFFFFFFFF  }
0xa7: {  	s28 =	simm.s32 $_size_execute0_lowered;
	s2 =	sadd.s32 s2, s4;
	[dreg:$0x0] =	wrdreg $0x0  }
0xa8: {  	s4 =	sshll.u32 s28, $0x1;
	[dreg:$0x2] =	wrdreg s2  }
0xa9: {  	[dreg:$0x3] =	wrdreg s4  }
0xaa: {  	[dreg:$0x4] =	wrdreg $0xC0  }
0xab: {  	_ =	task [dreg:s6], $0x5FFFF  }
0xac: {  	[dreg:$0x1] =	wrdreg $0xFFFFFFFF  }
0xad: {  	[dreg:$0x0] =	wrdreg $0x60  }
0xae: {  	[dreg:$0x2] =	wrdreg s24  }
0xaf: {  	[dreg:$0x3] =	wrdreg $0xA8000  }
0xb0: {  	[dreg:$0x4] =	wrdreg $0x9  }
0xb1: {  	_ =	task.clear_ibuf [dreg:s6], $0x5FFFF;
	_ =	strace $0x90000055  }
0xb2: {  	s29 =	simm.s32 $0x9;
	_ =	strace $0x80000057  }
0xb3: {  	_ =	swait.ge [sflag:s29], $0x1  }
0xb4: {  	[sflag:s29] =	ssyncadd.s32 $0xFFFFFFFF  }
0xb5: {  	_ =	strace $0x90000057  }
0xb6: {  	_ =	sfence  }
0xb7: {  	s30 =	sld [smem:$0x0];
	_ =	sdelay $0x2  }
0xb8: {  	s31 =	sshll.u32 s1, $0xD;
	s1 =	sshrl.u32 s1, $0x2  }
0xb9: {  	s3 =	sand.u32 $0x4000, s31;
	s1 =	sadd.s32 s1, s30  }
0xba: {  	s0 =	sor.u32 s3, s0;
	s1 =	sshll.u32 s1, $0x11  }
0xbb: {  	s0 =	sor.u32 s1, s0  }
0xbc: {  	s0 =	sadd.s32 $0x8F2B, s0  }
0xbd: {  	[sflag:s0] =	ssyncadd.remote.s32 $0x1  }
0xbe: {  	_ =	sfence.sel $0xFFFF  }
0xbf: {  	[dreg:$0x0] =	wrdreg $0xFFFFFFFF;
	(pc) =	sbr.abs _section_cstart, $3  }
0xc0: {  	[dreg:$0x1] =	wrdreg $0xFFFFFFFF  }
0xc1: {  	_ =	task.clear_ibuf [dreg:s6], $0x2FFFF;
	_ =	strace $0x9FFFFFFF  }
0xc2: {  	(tm) =	ssettm $0x7FFFFFFF  }
0xc3: {  	_ =	shalt  }
tec
execute0_lowered:
.L_overlay_start_1:
0x0: {  	(tag) =	ssettag $0x1  }
0x1: {  	s5 =	rddreg [dreg:$0x0]  }
0x2: {  	s1 =	rddreg [dreg:$0x1]  }
0x3: {  	s0 =	rddreg [dreg:$0x2];
	s3 =	simm.s32 $0x0;
	s2 =	stileid.u32  }
0x4: {  	s6 =	srdreg.scid;
	s16 =	simm.s32 $0x2800;
	s17 =	simm.s32 $0x1  }
0x5: {  	s18 =	simm.s32 $0x6800;
	s19 =	simm.s32 $0x2;
	s20 =	simm.s32 $0x1380  }
0x6: {  	s21 =	simm.s32 $0x2700;
	s22 =	simm.s32 $0x2780;
	[smem:$0x7FF] =	sst s3  }
0x7: {  	s4 =	sadd.s32 $0x3600, s5;
	s23 =	smul.u32 $0x2800, s2;
	s6 =	sand.u32 $0x1, s6  }
0x8: {  	s9 =	sadd.s32 $0x7BA00, s5;
	s10 =	sadd.s32 $0x71A00, s5;
	s11 =	sshll.u32 s2, $0x1  }
0x9: {  	s12 =	smul.u32 $0x50000, s2;
	s30 =	sshll.u32 s2, $0x6;
	_ =	strace $0x80000056  }
0xa: {  	s7 =	smul.u32 $0x28000, s6;
	s24 =	ssub.s32 $0x2, s6;
	s6 =	sor.u32 s6, s11  }
0xb: {  	s8 =	sadd.s32 s23, s5;
	s25 =	sshrl.u32 s24, $0x1;
	s28 =	smul.u32 $0x2800, s6  }
0xc: {  	s26 =	sshrl.u32 s12, $0x2;
	s29 =	smul.u32 $0x500, s6;
	s6 =	sor.u32 $0x1C03, s30  }
0xd: {  	s13 =	sadd.s32 s7, s5;
	s14 =	ssub.s32 s24, s25;
	s15 =	sadd.s32 s26, s1  }
0xe: {  	s5 =	sadd.s32 $0x2B600, s8;
	s31 =	sshrl.u32 s28, $0x3;
	s7 =	sadd.s32 s9, s29  }
0xf: {  	s8 =	sadd.s32 s10, s29;
	s24 =	sadd.s32 $0x85A00, s13;
	s11 =	smax.u32 s14, $0x1  }
0x10: {  	s13 =	simm.s32 $0x3;
	s14 =	simm.s32 $0x1400;
	s12 =	sadd.s32 $0x280, s31  }
0x11: {  	s23 =	sadd.s32 s23, s24;
	s24 =	simm.s32 $0x0;
	s9 =	sadd.s32 s9, s12  }
0x12: {  	s10 =	sadd.s32 s10, s12;
	s12 =	sshrl.u32 s15, $0x3;
	s15 =	simm.s32 $0x80  }
.LBB2_1:
0x13: {  	[spmem:s12], [sflag:s6] =	dma.local [hbm:s5], $0x2800  }
0x14: {  	_ =	swait.ge [sflag:s13], $0x2800  }
0x15: {  	[sflag:s13] =	ssyncset.done $0x0  }
0x16: {  	[sflag:s13] =	ssyncadd.s32 $0xFFFFD800  }
0x17: {  	[bflag:$0x0] =	sbarrier.arrive $0xFFFF  }
0x18: {  	[tilespmem:s3], [sflag:$0x3] =	stream.linear.gather [hbm4b:s7+s3], $0x1400, $0x38;
	[tilespmem:$0x1E800] =	vst v63  }
0x19: {  	_ =	swait.ge [sflag:s13], $0x1400  }
0x1a: {  	[sflag:s13] =	ssyncset.done $0x0  }
0x1b: {  	[sflag:s13] =	ssyncadd.s32 $0xFFFFEC00  }
0x1c: {  	[tilespmem:s14], [sflag:$0x3] =	stream.linear.gather [hbm4b:s8+s3], $0x1400, $0x38;
	[tilespmem:$0x1E800] =	vst v63  }
0x1d: {  	_ =	swait.ge [sflag:s13], $0x1400  }
0x1e: {  	[sflag:s13] =	ssyncset.done $0x0  }
0x1f: {  	[sflag:s13] =	ssyncadd.s32 $0xFFFFEC00  }
0x20: {  	[tilespmem:s16], [sflag:$0x1] =	stream.indirect.gather [hbm4b:s4+s15], $0x80, s3, s15, $0xb8;
	[tilespmem:$0x1E800] =	vst v63  }
0x21: {  	_ =	swait.ge [sflag:s17], $0x4000  }
0x22: {  	[sflag:s17] =	ssyncset.done $0x0  }
0x23: {  	s25 =	simm.s32 $0x80;
	[sflag:s17] =	ssyncadd.s32 $0xFFFFC000  }
0x24: {  	[tilespmem:s18], [sflag:$0x2] =	stream.indirect.gather [hbm4b:s4+s15], $0x80, s25, s15, $0xb8;
	[tilespmem:$0x1E800] =	vst v63  }
0x25: {  	s29 =	simm.s32 $0x1400  }
0x26: {  	[spmem:s1] =	stream.indirect.scatter.add.f32 [tilespmem:s16], [sflag:$0x3], $0x80, s29, s15, $0xb8;
	[tilespmem:$0x1E800] =	vst v63  }
0x27: {  	_ =	swait.ge [sflag:s13], $0x4000  }
0x28: {  	[sflag:s13] =	ssyncset.done $0x0  }
0x29: {  	[sflag:s13] =	ssyncadd.s32 $0xFFFFC000  }
0x2a: {  	_ =	swait.ge [sflag:s19], $0x4000  }
0x2b: {  	[sflag:s19] =	ssyncset.done $0x0  }
0x2c: {  	s30 =	simm.s32 $0x100;
	[sflag:s19] =	ssyncadd.s32 $0xFFFFC000  }
0x2d: {  	[tilespmem:s16], [sflag:$0x1] =	stream.indirect.gather [hbm4b:s4+s15], $0x80, s30, s15, $0xb8;
	[tilespmem:$0x1E800] =	vst v63  }
0x2e: {  	s31 =	simm.s32 $0x1480  }
0x2f: {  	[spmem:s1] =	stream.indirect.scatter.add.f32 [tilespmem:s18], [sflag:$0x3], $0x80, s31, s15, $0xb8;
	[tilespmem:$0x1E800] =	vst v63  }
0x30: {  	_ =	swait.ge [sflag:s13], $0x4000  }
0x31: {  	s25 =	simm.s32 $0x400;
	[sflag:s13] =	ssyncset.done $0x0  }
.LBB2_2:
0x32: {  	p0 =	sne.s32 s25, $0x4800  }
0x33: {  	[sflag:s13] =	ssyncadd.s32 $0xFFFFC000;
	s26 =	smov.u32 s25;
	s25 =	sadd.s32 $0x400, s25  }
0x34: {  	_ = 	snop  }
0x35: {  	_ =	swait.ge [sflag:s17], $0x4000  }
0x36: {  	s26 =	sshra.s32 s26, $0x2;
	[sflag:s17] =	ssyncset.done $0x0  }
0x37: {  	s28 =	sadd.s32 $0x80, s26;
	[sflag:s17] =	ssyncadd.s32 $0xFFFFC000  }
0x38: {  	[tilespmem:s18], [sflag:$0x2] =	stream.indirect.gather [hbm4b:s4+s15], $0x80, s28, s15, $0xb8;
	[tilespmem:$0x1E800] =	vst v63  }
0x39: {  	s28 =	sadd.s32 $0x1400, s26  }
0x3a: {  	[spmem:s1] =	stream.indirect.scatter.add.f32 [tilespmem:s16], [sflag:$0x3], $0x80, s28, s15, $0xb8;
	[tilespmem:$0x1E800] =	vst v63  }
0x3b: {  	_ =	swait.ge [sflag:s13], $0x4000  }
0x3c: {  	[sflag:s13] =	ssyncset.done $0x0  }
0x3d: {  	[sflag:s13] =	ssyncadd.s32 $0xFFFFC000  }
0x3e: {  	_ =	swait.ge [sflag:s19], $0x4000  }
0x3f: {  	[sflag:s19] =	ssyncset.done $0x0  }
0x40: {  	s28 =	sadd.s32 $0x100, s26;
	[sflag:s19] =	ssyncadd.s32 $0xFFFFC000  }
0x41: {  	[tilespmem:s16], [sflag:$0x1] =	stream.indirect.gather [hbm4b:s4+s15], $0x80, s28, s15, $0xb8;
	[tilespmem:$0x1E800] =	vst v63  }
.Ltmp0:
0x42: {  	_ = 	snop;
	(pc) =	sbr.rel @p0 .LBB2_2-.Ltmp0, $4  }
0x43: {  	s26 =	sadd.s32 $0x1480, s26  }
0x44: {  	[spmem:s1] =	stream.indirect.scatter.add.f32 [tilespmem:s18], [sflag:$0x3], $0x80, s26, s15, $0xb8;
	[tilespmem:$0x1E800] =	vst v63  }
0x45: {  	_ =	swait.ge [sflag:s13], $0x4000  }
0x46: {  	[sflag:s13] =	ssyncset.done $0x0  }
0x47: {  	[sflag:s13] =	ssyncadd.s32 $0xFFFFC000  }
0x48: {  	_ =	swait.ge [sflag:s17], $0x4000  }
0x49: {  	[sflag:s17] =	ssyncset.done $0x0  }
0x4a: {  	[sflag:s17] =	ssyncadd.s32 $0xFFFFC000  }
0x4b: {  	[tilespmem:s18], [sflag:$0x2] =	stream.indirect.gather [hbm4b:s4+s15], $0x80, s20, s15, $0xb8;
	[tilespmem:$0x1E800] =	vst v63  }
0x4c: {  	_ = 	snop  }
0x4d: {  	[spmem:s1] =	stream.indirect.scatter.add.f32 [tilespmem:s16], [sflag:$0x3], $0x80, s21, s15, $0xb8;
	[tilespmem:$0x1E800] =	vst v63  }
0x4e: {  	_ =	swait.ge [sflag:s13], $0x4000  }
0x4f: {  	[sflag:s13] =	ssyncset.done $0x0  }
0x50: {  	[sflag:s13] =	ssyncadd.s32 $0xFFFFC000  }
0x51: {  	_ =	swait.ge [sflag:s19], $0x4000  }
0x52: {  	[sflag:s19] =	ssyncset.done $0x0  }
0x53: {  	[sflag:s19] =	ssyncadd.s32 $0xFFFFC000  }
0x54: {  	[spmem:s1] =	stream.indirect.scatter.add.f32 [tilespmem:s18], [sflag:$0x3], $0x80, s22, s15, $0xb8;
	[tilespmem:$0x1E800] =	vst v63  }
0x55: {  	_ =	swait.ge [sflag:s13], $0x4000  }
0x56: {  	[sflag:s13] =	ssyncset.done $0x0  }
0x57: {  	s25 =	simm.s32 $0x0;
	[sflag:s13] =	ssyncadd.s32 $0xFFFFC000  }
0x58: {  	[tilespmem:s25], [sflag:$0x3] =	stream.linear.gather [hbm4b:s9+s25], $0x1400, $0x38;
	[tilespmem:$0x1E800] =	vst v63  }
0x59: {  	_ =	swait.ge [sflag:s13], $0x1400  }
0x5a: {  	[sflag:s13] =	ssyncset.done $0x0  }
0x5b: {  	[sflag:s13] =	ssyncadd.s32 $0xFFFFEC00  }
0x5c: {  	[tilespmem:s14], [sflag:$0x3] =	stream.linear.gather [hbm4b:s10+s25], $0x1400, $0x38;
	[tilespmem:$0x1E800] =	vst v63  }
0x5d: {  	_ =	swait.ge [sflag:s13], $0x1400  }
0x5e: {  	[sflag:s13] =	ssyncset.done $0x0  }
0x5f: {  	[sflag:s13] =	ssyncadd.s32 $0xFFFFEC00  }
0x60: {  	[tilespmem:s16], [sflag:$0x1] =	stream.indirect.gather [hbm4b:s4+s15], $0x80, s25, s15, $0xb8;
	[tilespmem:$0x1E800] =	vst v63  }
0x61: {  	_ =	swait.ge [sflag:s17], $0x4000  }
0x62: {  	[sflag:s17] =	ssyncset.done $0x0  }
0x63: {  	s28 =	simm.s32 $0x80;
	[sflag:s17] =	ssyncadd.s32 $0xFFFFC000  }
0x64: {  	[tilespmem:s18], [sflag:$0x2] =	stream.indirect.gather [hbm4b:s4+s15], $0x80, s28, s15, $0xb8;
	[tilespmem:$0x1E800] =	vst v63  }
0x65: {  	s29 =	simm.s32 $0x1400  }
0x66: {  	[spmem:s1] =	stream.indirect.scatter.add.f32 [tilespmem:s16], [sflag:$0x3], $0x80, s29, s15, $0xb8;
	[tilespmem:$0x1E800] =	vst v63  }
0x67: {  	_ =	swait.ge [sflag:s13], $0x4000  }
0x68: {  	[sflag:s13] =	ssyncset.done $0x0  }
0x69: {  	[sflag:s13] =	ssyncadd.s32 $0xFFFFC000  }
0x6a: {  	_ =	swait.ge [sflag:s19], $0x4000  }
0x6b: {  	[sflag:s19] =	ssyncset.done $0x0  }
0x6c: {  	s30 =	simm.s32 $0x100;
	[sflag:s19] =	ssyncadd.s32 $0xFFFFC000  }
0x6d: {  	[tilespmem:s16], [sflag:$0x1] =	stream.indirect.gather [hbm4b:s4+s15], $0x80, s30, s15, $0xb8;
	[tilespmem:$0x1E800] =	vst v63  }
0x6e: {  	s31 =	simm.s32 $0x1480  }
0x6f: {  	[spmem:s1] =	stream.indirect.scatter.add.f32 [tilespmem:s18], [sflag:$0x3], $0x80, s31, s15, $0xb8;
	[tilespmem:$0x1E800] =	vst v63  }
0x70: {  	_ =	swait.ge [sflag:s13], $0x4000  }
0x71: {  	s25 =	simm.s32 $0x400;
	[sflag:s13] =	ssyncset.done $0x0  }
.LBB2_4:
0x72: {  	p0 =	sne.s32 s25, $0x4800  }
0x73: {  	[sflag:s13] =	ssyncadd.s32 $0xFFFFC000;
	s26 =	smov.u32 s25;
	s25 =	sadd.s32 $0x400, s25  }
0x74: {  	_ = 	snop  }
0x75: {  	_ =	swait.ge [sflag:s17], $0x4000  }
0x76: {  	s26 =	sshra.s32 s26, $0x2;
	[sflag:s17] =	ssyncset.done $0x0  }
0x77: {  	s28 =	sadd.s32 $0x80, s26;
	[sflag:s17] =	ssyncadd.s32 $0xFFFFC000  }
0x78: {  	[tilespmem:s18], [sflag:$0x2] =	stream.indirect.gather [hbm4b:s4+s15], $0x80, s28, s15, $0xb8;
	[tilespmem:$0x1E800] =	vst v63  }
0x79: {  	s28 =	sadd.s32 $0x1400, s26  }
0x7a: {  	[spmem:s1] =	stream.indirect.scatter.add.f32 [tilespmem:s16], [sflag:$0x3], $0x80, s28, s15, $0xb8;
	[tilespmem:$0x1E800] =	vst v63  }
0x7b: {  	_ =	swait.ge [sflag:s13], $0x4000  }
0x7c: {  	[sflag:s13] =	ssyncset.done $0x0  }
0x7d: {  	[sflag:s13] =	ssyncadd.s32 $0xFFFFC000  }
0x7e: {  	_ =	swait.ge [sflag:s19], $0x4000  }
0x7f: {  	[sflag:s19] =	ssyncset.done $0x0  }
0x80: {  	s28 =	sadd.s32 $0x100, s26;
	[sflag:s19] =	ssyncadd.s32 $0xFFFFC000  }
0x81: {  	[tilespmem:s16], [sflag:$0x1] =	stream.indirect.gather [hbm4b:s4+s15], $0x80, s28, s15, $0xb8;
	[tilespmem:$0x1E800] =	vst v63  }
.Ltmp1:
0x82: {  	_ = 	snop;
	(pc) =	sbr.rel @p0 .LBB2_4-.Ltmp1, $4  }
0x83: {  	s26 =	sadd.s32 $0x1480, s26  }
0x84: {  	[spmem:s1] =	stream.indirect.scatter.add.f32 [tilespmem:s18], [sflag:$0x3], $0x80, s26, s15, $0xb8;
	[tilespmem:$0x1E800] =	vst v63  }
0x85: {  	_ =	swait.ge [sflag:s13], $0x4000  }
0x86: {  	[sflag:s13] =	ssyncset.done $0x0  }
0x87: {  	[sflag:s13] =	ssyncadd.s32 $0xFFFFC000  }
0x88: {  	_ =	swait.ge [sflag:s17], $0x4000  }
0x89: {  	[sflag:s17] =	ssyncset.done $0x0  }
0x8a: {  	[sflag:s17] =	ssyncadd.s32 $0xFFFFC000  }
0x8b: {  	[tilespmem:s18], [sflag:$0x2] =	stream.indirect.gather [hbm4b:s4+s15], $0x80, s20, s15, $0xb8;
	[tilespmem:$0x1E800] =	vst v63  }
0x8c: {  	_ = 	snop  }
0x8d: {  	[spmem:s1] =	stream.indirect.scatter.add.f32 [tilespmem:s16], [sflag:$0x3], $0x80, s21, s15, $0xb8;
	[tilespmem:$0x1E800] =	vst v63  }
0x8e: {  	_ =	swait.ge [sflag:s13], $0x4000  }
0x8f: {  	[sflag:s13] =	ssyncset.done $0x0  }
0x90: {  	[sflag:s13] =	ssyncadd.s32 $0xFFFFC000  }
0x91: {  	_ =	swait.ge [sflag:s19], $0x4000  }
0x92: {  	[sflag:s19] =	ssyncset.done $0x0  }
0x93: {  	[sflag:s19] =	ssyncadd.s32 $0xFFFFC000  }
0x94: {  	[spmem:s1] =	stream.indirect.scatter.add.f32 [tilespmem:s18], [sflag:$0x3], $0x80, s22, s15, $0xb8;
	[tilespmem:$0x1E800] =	vst v63  }
0x95: {  	_ =	swait.ge [sflag:s13], $0x4000  }
0x96: {  	s24 =	sadd.s32 $0x1, s24;
	[sflag:s13] =	ssyncset.done $0x0  }
0x97: {  	p0 =	sne.s32 s24, s11;
	[sflag:s13] =	ssyncadd.s32 $0xFFFFC000  }
.Ltmp2:
0x98: {  	[bflag:$0x0] =	sbarrier.arrive $0xFFFF;
	(pc) =	sbr.rel @p0 .LBB2_1-.Ltmp2, $4  }
0x99: {  	[hbm:s23], [sflag:s6] =	dma.local [spmem:s12], $0x2800  }
0x9a: {  	_ =	swait.ge [sflag:s13], $0x2800  }
0x9b: {  	[sflag:s13] =	ssyncset.done $0x0  }
0x9c: {  	[sflag:s13] =	ssyncadd.s32 $0xFFFFD800  }
0x9d: {  	_ =	sfence.sel $0x180000  }
0x9e: {  	[bflag:$0x0] =	sbarrier.arrive $0xFFFF  }
0x9f: {  	p0 =	sne.s32 s2, $0x0;
	_ =	strace $0x90000056  }
0xa0: {  	s0 =	sadd.s32 @!p0 $0x100000, s0;
	[bflag:$0x2] =	sbarrier.arrive $0xFFFF  }
0xa1: {  	[sflag:s0] =	ssyncadd.tile.s32 @!p0 $0x1;
	_ =	shalt  }
.Lfunc_end2:
_tile_overlayer_lowered:
.L_overlay_start_2:
0xa2: {  	(tag) =	ssettag $0x2  }
0xa3: {  	s0 =	rddreg [dreg:$0x0];
	s2 =	stileid.u32  }
0xa4: {  	s1 =	rddreg [dreg:$0x1];
	p0 =	sne.s32 s2, $0x0  }
0xa5: {  	s3 =	rddreg [dreg:$0x2];
	[bflag:$0x3] =	sbarrier.arrive $0xFFFF;
	s2 =	simm.s32 @!p0 $0x1C03  }
0xa6: {  	[timem:s3], [sflag:s2] =	dma.local @!p0 [hbm:s0], s1  }
0xa7: {  	s0 =	simm.s32 @!p0 $0x3  }
0xa8: {  	_ =	swait.ge @!p0 [sflag:s0], s1  }
0xa9: {  	s1 =	ssub.s32 @!p0 $0x0, s1;
	[sflag:s0] =	ssyncset.done @!p0 $0x0  }
0xaa: {  	[sflag:s0] =	ssyncadd.s32 @!p0 s1  }
0xab: {  	[bflag:$0x3] =	sbarrier.arrive $0xFFFF  }
0xac: {  	_ =	shalt  }

// kernel: kernel.43.cloned.1.call-start
scs
__scs_entry_jumppad:
0x0: {  	(pc) =	sbr.rel $0x88, $3  }
0x1: {  	(tag) =	ssettag $0x0;
	lr =	simm.s32 $0x1  }
0x2: {  	[smem:$0x3F8A] =	sst lr;
	_ =	strace $0xD0000000  }
0x3: {  	_ = 	snop  }
0x4: {  	_ = 	snop  }
0x5: {  	_ = 	snop  }
0x6: {  	_ = 	snop  }
0x7: {  	_ = 	snop  }
__scs_overlays_trampoline_lowered:
0x8: {  	[smem:$0x3F99] =	sst s0  }
0x9: {  	[smem:$0x3F9A] =	sst s1  }
0xa: {  	[smem:$0x3F9B] =	sst s2  }
0xb: {  	[smem:$0x3F9C] =	sst s3  }
0xc: {  	[smem:$0x3F9D] =	sst s4  }
0xd: {  	[smem:$0x3F9E] =	sst s5  }
0xe: {  	[smem:$0x3F9F] =	sst s6  }
0xf: {  	[smem:$0x3FA0] =	sst s7  }
0x10: {  	[smem:$0x3FA1] =	sst s8  }
0x11: {  	[smem:$0x3FA2] =	sst s9;
	s0 =	simm.s32 @!p0 $0x0  }
0x12: {  	s1 =	sld [smem:$0x3F88];
	s0 =	simm.s32 @p0 $0x1  }
0x13: {  	[smem:$0x3FA3] =	sst s0;
	s0 =	simm.s32 @!p1 $0x0  }
0x14: {  	s2 =	sld [smem:$0x3F87];
	s0 =	simm.s32 @p1 $0x1  }
0x15: {  	[smem:$0x3FA4] =	sst s0;
	s0 =	simm.s32 @!p2 $0x0  }
0x16: {  	s3 =	sld [smem:$0x3FDB];
	s0 =	simm.s32 @p2 $0x1  }
0x17: {  	s4 =	simm.s32 $0x1BF5;
	[smem:$0x3FA6] =	sst s0  }
0x18: {  	s0 =	sld [smem:$0x3F89];
	_ =	swait.ge [sflag:s4], $0x0  }
0x19: {  	s7 =	sld [smem:$0x3F8A]  }
0x1a: {  	s8 =	sadd.s32 $0xFFFFE003, lr  }
0x1b: {  	s9 =	sadd.s32 $0xFFFFFEF7, lr;
	s5 =	simm.s32 $0xFFFFFFFF;
	p2 =	slt.u32 s8, $0xFFFFF086  }
0x1c: {  	p1 =	slt.u32 s9, $0xF7A;
	s5 =	simm.s32 @!p2 $0x0  }
0x1d: {  	s5 =	simm.s32 @p1 $0x1;
	p0 =	seq.s32 s7, s2  }
0x1e: {  	s7 =	smul.u32 @!p0 $0xF7A, s2;
	p2 =	seq.s32 @!p0 s5, $0x0  }
0x1f: {  	s9 =	smul.u32 $0xF7A, s1;
	s8 =	simm.s32 @!p0 $0x1BF5;
	p2 =	por !p2, p0  }
0x20: {  	[sflag:s8] =	ssyncset.s32 @!p0 $0xFFFFF086;
	s6 =	sadd.s32 @!p0 s3, s7;
	s7 =	simm.s32 @!p0 $0x108  }
0x21: {  	s3 =	sadd.s32 s3, s9;
	s6 =	sadd.s32 @!p0 $0x88, s6;
	s7 =	simm.s32 @p2 $0x1082  }
0x22: {  	[simem:s7], [sflag:s8] =	dma.local @!p0 [hbm:s6], $0xF7A  }
0x23: {  	s9 =	sor.u32 $0xD0000000, s2;
	s6 =	simm.s32 $0x108;
	_ =	swait.ge @!p0 [sflag:s8], $0x0  }
0x24: {  	s3 =	sadd.s32 $0x88, s3;
	s6 =	simm.s32 @!p1 $0x1082;
	[sflag:s4] =	ssyncset.s32 $0xFFFFF086  }
0x25: {  	[simem:s6], [sflag:s4] =	dma.local [hbm:s3], $0xF7A  }
0x26: {  	[smem:$0x3F8A] =	sst s1;
	(tag) =	ssettag s2;
	_ =	strace s9  }
0x27: {  	s1 =	sld [smem:$0x3F9A]  }
0x28: {  	s2 =	sld [smem:$0x3F9B]  }
0x29: {  	s4 =	sld [smem:$0x3F9D]  }
0x2a: {  	p0 =	seq.s32 s5, $0x0;
	s5 =	sld [smem:$0x3F9E]  }
0x2b: {  	s6 =	sld [smem:$0x3F9F]  }
0x2c: {  	s7 =	sld [smem:$0x3FA0]  }
0x2d: {  	s3 =	simm.s32 $0x108;
	s8 =	sld [smem:$0x3FA1]  }
0x2e: {  	s3 =	simm.s32 @!p0 $0x1082;
	s9 =	sld [smem:$0x3FA2]  }
0x2f: {  	lr =	sadd.s32 s0, s3;
	s0 =	sld [smem:$0x3F99]  }
0x30: {  	s3 =	sld [smem:$0x3F9C]  }
0x31: {  	[smem:$0x3FA5] =	sst s10  }
0x32: {  	s10 =	sld [smem:$0x3FA3];
	_ =	sdelay $0x3  }
0x33: {  	p0 =	seq.s32 s10, $0x1;
	s10 =	sld [smem:$0x3FA5];
	_ =	sdelay $0x3  }
0x34: {  	[smem:$0x3FA5] =	sst s10  }
0x35: {  	s10 =	sld [smem:$0x3FA4];
	_ =	sdelay $0x3  }
0x36: {  	p1 =	seq.s32 s10, $0x1;
	s10 =	sld [smem:$0x3FA5];
	_ =	sdelay $0x3  }
0x37: {  	[smem:$0x3FA5] =	sst s10  }
0x38: {  	s10 =	sld [smem:$0x3FA6]  }
0x39: {  	_ = 	snop;
	(pc) =	sbr.ind lr, $3  }
0x3a: {  	_ = 	snop  }
0x3b: {  	_ = 	snop  }
0x3c: {  	p2 =	seq.s32 s10, $0x1;
	s10 =	sld [smem:$0x3FA5]  }
0x3d: {  	_ =	shalt  }
0x3e: {  	_ =	shalt  }
0x3f: {  	_ =	shalt  }
0x40: {  	_ =	shalt  }
0x41: {  	_ =	shalt  }
0x42: {  	_ =	shalt  }
0x43: {  	_ =	shalt  }
0x44: {  	_ =	shalt  }
0x45: {  	_ =	shalt  }
0x46: {  	_ =	shalt  }
0x47: {  	_ =	shalt  }
0x48: {  	_ =	shalt  }
0x49: {  	_ =	shalt  }
0x4a: {  	_ =	shalt  }
0x4b: {  	_ =	shalt  }
0x4c: {  	_ =	shalt  }
0x4d: {  	_ =	shalt  }
0x4e: {  	_ =	shalt  }
0x4f: {  	_ =	shalt  }
0x50: {  	_ =	shalt  }
0x51: {  	_ =	shalt  }
0x52: {  	_ =	shalt  }
0x53: {  	_ =	shalt  }
0x54: {  	_ =	shalt  }
0x55: {  	_ =	shalt  }
0x56: {  	_ =	shalt  }
0x57: {  	_ =	shalt  }
0x58: {  	_ =	shalt  }
0x59: {  	_ =	shalt  }
0x5a: {  	_ =	shalt  }
0x5b: {  	_ =	shalt  }
0x5c: {  	_ =	shalt  }
0x5d: {  	_ =	shalt  }
0x5e: {  	_ =	shalt  }
0x5f: {  	_ =	shalt  }
0x60: {  	_ =	shalt  }
0x61: {  	_ =	shalt  }
0x62: {  	_ =	shalt  }
0x63: {  	_ =	shalt  }
0x64: {  	_ =	shalt  }
0x65: {  	_ =	shalt  }
0x66: {  	_ =	shalt  }
0x67: {  	_ =	shalt  }
0x68: {  	_ =	shalt  }
0x69: {  	_ =	shalt  }
0x6a: {  	_ =	shalt  }
0x6b: {  	_ =	shalt  }
0x6c: {  	_ =	shalt  }
0x6d: {  	_ =	shalt  }
0x6e: {  	_ =	shalt  }
0x6f: {  	_ =	shalt  }
0x70: {  	_ =	shalt  }
0x71: {  	_ =	shalt  }
0x72: {  	_ =	shalt  }
0x73: {  	_ =	shalt  }
0x74: {  	_ =	shalt  }
0x75: {  	_ =	shalt  }
0x76: {  	_ =	shalt  }
0x77: {  	_ =	shalt  }
0x78: {  	_ =	shalt  }
0x79: {  	_ =	shalt  }
0x7a: {  	_ =	shalt  }
0x7b: {  	_ =	shalt  }
0x7c: {  	_ =	shalt  }
0x7d: {  	_ =	shalt  }
0x7e: {  	_ =	shalt  }
0x7f: {  	_ =	shalt  }
0x80: {  	_ =	shalt  }
0x81: {  	_ =	shalt  }
0x82: {  	_ =	shalt  }
0x83: {  	_ =	shalt  }
0x84: {  	_ =	shalt  }
0x85: {  	_ =	shalt  }
0x86: {  	_ =	shalt  }
0x87: {  	_ =	shalt  }
.Lfunc_end0:
.L_simem_size_0:
called_computation.6_lowered:
.L_overlay_start_0:
0x88: {  	s2 =	sld [smem:$0x3FD9]  }
0x89: {  	s3 =	sld [smem:$0x3FFE];
	_ =	sdelay $0x1  }
0x8a: {  	s1 =	srdreg.scid  }
0x8b: {  	s0 =	sand.u32 $0x1, s1  }
0x8c: {  	s16 =	sshll.u32 s0, $0xA;
	s2 =	sadd.s32 s3, s2  }
0x8d: {  	s2 =	sadd.s32 s2, s16  }
0x8e: {  	[smem:$0x3FB1] =	sst s2  }
0x8f: {  	_ = 	snop  }
0x90: {  	(tm) =	ssettm $0x1  }
0x91: {  	s17 =	sld [smem:$0x3FFB];
	_ =	sdelay $0x3  }
0x92: {  	_ =	strace s17  }
0x93: {  	s2 =	sld [smem:$0x3FFC];
	_ =	sdelay $0x3  }
0x94: {  	_ =	strace s2  }
0x95: {  	s2 =	sld [smem:$0x3FFD];
	_ =	sdelay $0x3  }
0x96: {  	_ =	strace s2  }
0x97: {  	_ =	strace $0x8FFFFFFF  }
0x98: {  	s18 =	sld [smem:$0x3FDB];
	_ =	sdelay $0x1  }
0x99: {  	s19 =	simm.s32 $_scs_section_size  }
0x9a: {  	s4 =	simm.s32 $_size__tile_overlayer_lowered;
	s5 =	simm.s32 $_tile_overlayer_lowered  }
0x9b: {  	s22 =	simm.s32 $0x1BFF;
	s21 =	sshll.u32 s5, $0x1;
	s2 =	sadd.s32 s19, s18  }
0x9c: {  	s6 =	simm.s32 $0x0;
	s20 =	sshll.u32 s4, $0x1;
	s4 =	sadd.s32 s21, s2  }
0x9d: {  	[timem:s6], [sflag:s22] =	dma.local [hbm:s4], s20  }
0x9e: {  	_ =	swait.ge [sflag:s22], s20  }
0x9f: {  	s3 =	ssub.s32 $0x0, s20;
	[sflag:s22] =	ssyncset.done $0x0  }
0xa0: {  	[sflag:s22] =	ssyncadd.s32 s3;
	_ =	sdelay $0x1  }
0xa1: {  	s23 =	simm.s32 $0x1B8B  }
0xa2: {  	_ =	swait.ge [sflag:s23], $0x1  }
0xa3: {  	[sflag:s23] =	ssyncset.done $0x0  }
0xa4: {  	s25 =	simm.s32 $0x1B8E;
	s24 =	sld [smem:$0x3FFE];
	[sflag:s23] =	ssyncadd.s32 $0xFFFFFFFF  }
0xa5: {  	s26 =	simm.s32 $execute0_lowered;
	[smem:$0x3FD2] =	sst s25  }
0xa6: {  	s4 =	sshll.u32 s26, $0x1;
	_ =	strace $0x80000058;
	[dreg:$0x1] =	wrdreg $0xFFFFFFFF  }
0xa7: {  	s28 =	simm.s32 $_size_execute0_lowered;
	s2 =	sadd.s32 s2, s4;
	[dreg:$0x0] =	wrdreg $0x0  }
0xa8: {  	s4 =	sshll.u32 s28, $0x1;
	[dreg:$0x2] =	wrdreg s2  }
0xa9: {  	[dreg:$0x3] =	wrdreg s4  }
0xaa: {  	[dreg:$0x4] =	wrdreg $0xC0  }
0xab: {  	_ =	task [dreg:s6], $0x5FFFF  }
0xac: {  	[dreg:$0x1] =	wrdreg $0xFFFFFFFF  }
0xad: {  	[dreg:$0x0] =	wrdreg $0x60  }
0xae: {  	[dreg:$0x2] =	wrdreg s24  }
0xaf: {  	[dreg:$0x3] =	wrdreg $0xA8000  }
0xb0: {  	[dreg:$0x4] =	wrdreg $0x9  }
0xb1: {  	_ =	task.clear_ibuf [dreg:s6], $0x5FFFF;
	_ =	strace $0x90000058  }
0xb2: {  	s29 =	simm.s32 $0x9;
	_ =	strace $0x8000005A  }
0xb3: {  	_ =	swait.ge [sflag:s29], $0x1  }
0xb4: {  	[sflag:s29] =	ssyncadd.s32 $0xFFFFFFFF  }
0xb5: {  	_ =	strace $0x9000005A  }
0xb6: {  	_ =	sfence  }
0xb7: {  	s30 =	sld [smem:$0x0];
	_ =	sdelay $0x2  }
0xb8: {  	s31 =	sshll.u32 s1, $0xD;
	s1 =	sshrl.u32 s1, $0x2  }
0xb9: {  	s3 =	sand.u32 $0x4000, s31;
	s1 =	sadd.s32 s1, s30  }
0xba: {  	s0 =	sor.u32 s3, s0;
	s1 =	sshll.u32 s1, $0x11  }
0xbb: {  	s0 =	sor.u32 s1, s0  }
0xbc: {  	s0 =	sadd.s32 $0x8F2B, s0  }
0xbd: {  	[sflag:s0] =	ssyncadd.remote.s32 $0x1  }
0xbe: {  	_ =	sfence.sel $0xFFFF  }
0xbf: {  	[dreg:$0x0] =	wrdreg $0xFFFFFFFF;
	(pc) =	sbr.abs _section_cstart, $3  }
0xc0: {  	[dreg:$0x1] =	wrdreg $0xFFFFFFFF  }
0xc1: {  	_ =	task.clear_ibuf [dreg:s6], $0x2FFFF;
	_ =	strace $0x9FFFFFFF  }
0xc2: {  	(tm) =	ssettm $0x7FFFFFFF  }
0xc3: {  	_ =	shalt  }
tec
execute0_lowered:
.L_overlay_start_1:
0x0: {  	(tag) =	ssettag $0x1  }
0x1: {  	s5 =	rddreg [dreg:$0x0]  }
0x2: {  	s1 =	rddreg [dreg:$0x1]  }
0x3: {  	s0 =	rddreg [dreg:$0x2];
	s3 =	simm.s32 $0x0;
	s2 =	stileid.u32  }
0x4: {  	s6 =	srdreg.scid;
	s16 =	simm.s32 $0x2800;
	s17 =	simm.s32 $0x1  }
0x5: {  	s18 =	simm.s32 $0x6800;
	s19 =	simm.s32 $0x2;
	s20 =	simm.s32 $0x1380  }
0x6: {  	s21 =	simm.s32 $0x2700;
	s22 =	simm.s32 $0x2780;
	[smem:$0x7FF] =	sst s3  }
0x7: {  	s4 =	sadd.s32 $0x3600, s5;
	s23 =	smul.u32 $0x2800, s2;
	s6 =	sand.u32 $0x1, s6  }
0x8: {  	s9 =	sadd.s32 $0x7BA00, s5;
	s10 =	sadd.s32 $0x5D200, s5;
	s11 =	sshll.u32 s2, $0x1  }
0x9: {  	s12 =	smul.u32 $0x50000, s2;
	s30 =	sshll.u32 s2, $0x6;
	_ =	strace $0x80000059  }
0xa: {  	s7 =	smul.u32 $0x28000, s6;
	s24 =	ssub.s32 $0x2, s6;
	s6 =	sor.u32 s6, s11  }
0xb: {  	s8 =	sadd.s32 s23, s5;
	s25 =	sshrl.u32 s24, $0x1;
	s28 =	smul.u32 $0x2800, s6  }
0xc: {  	s26 =	sshrl.u32 s12, $0x2;
	s29 =	smul.u32 $0x500, s6;
	s6 =	sor.u32 $0x1C03, s30  }
0xd: {  	s13 =	sadd.s32 s7, s5;
	s14 =	ssub.s32 s24, s25;
	s15 =	sadd.s32 s26, s1  }
0xe: {  	s5 =	sadd.s32 $0x2B600, s8;
	s31 =	sshrl.u32 s28, $0x3;
	s7 =	sadd.s32 s9, s29  }
0xf: {  	s8 =	sadd.s32 s10, s29;
	s24 =	sadd.s32 $0x85A00, s13;
	s11 =	smax.u32 s14, $0x1  }
0x10: {  	s13 =	simm.s32 $0x3;
	s14 =	simm.s32 $0x1400;
	s12 =	sadd.s32 $0x280, s31  }
0x11: {  	s23 =	sadd.s32 s23, s24;
	s24 =	simm.s32 $0x0;
	s9 =	sadd.s32 s9, s12  }
0x12: {  	s10 =	sadd.s32 s10, s12;
	s12 =	sshrl.u32 s15, $0x3;
	s15 =	simm.s32 $0x80  }
.LBB2_1:
0x13: {  	[spmem:s12], [sflag:s6] =	dma.local [hbm:s5], $0x2800  }
0x14: {  	_ =	swait.ge [sflag:s13], $0x2800  }
0x15: {  	[sflag:s13] =	ssyncset.done $0x0  }
0x16: {  	[sflag:s13] =	ssyncadd.s32 $0xFFFFD800  }
0x17: {  	[bflag:$0x0] =	sbarrier.arrive $0xFFFF  }
0x18: {  	[tilespmem:s3], [sflag:$0x3] =	stream.linear.gather [hbm4b:s7+s3], $0x1400, $0x38;
	[tilespmem:$0x1E800] =	vst v63  }
0x19: {  	_ =	swait.ge [sflag:s13], $0x1400  }
0x1a: {  	[sflag:s13] =	ssyncset.done $0x0  }
0x1b: {  	[sflag:s13] =	ssyncadd.s32 $0xFFFFEC00  }
0x1c: {  	[tilespmem:s14], [sflag:$0x3] =	stream.linear.gather [hbm4b:s8+s3], $0x1400, $0x38;
	[tilespmem:$0x1E800] =	vst v63  }
0x1d: {  	_ =	swait.ge [sflag:s13], $0x1400  }
0x1e: {  	[sflag:s13] =	ssyncset.done $0x0  }
0x1f: {  	[sflag:s13] =	ssyncadd.s32 $0xFFFFEC00  }
0x20: {  	[tilespmem:s16], [sflag:$0x1] =	stream.indirect.gather [hbm4b:s4+s15], $0x80, s3, s15, $0xb8;
	[tilespmem:$0x1E800] =	vst v63  }
0x21: {  	_ =	swait.ge [sflag:s17], $0x4000  }
0x22: {  	[sflag:s17] =	ssyncset.done $0x0  }
0x23: {  	s25 =	simm.s32 $0x80;
	[sflag:s17] =	ssyncadd.s32 $0xFFFFC000  }
0x24: {  	[tilespmem:s18], [sflag:$0x2] =	stream.indirect.gather [hbm4b:s4+s15], $0x80, s25, s15, $0xb8;
	[tilespmem:$0x1E800] =	vst v63  }
0x25: {  	s29 =	simm.s32 $0x1400  }
0x26: {  	[spmem:s1] =	stream.indirect.scatter.add.f32 [tilespmem:s16], [sflag:$0x3], $0x80, s29, s15, $0xb8;
	[tilespmem:$0x1E800] =	vst v63  }
0x27: {  	_ =	swait.ge [sflag:s13], $0x4000  }
0x28: {  	[sflag:s13] =	ssyncset.done $0x0  }
0x29: {  	[sflag:s13] =	ssyncadd.s32 $0xFFFFC000  }
0x2a: {  	_ =	swait.ge [sflag:s19], $0x4000  }
0x2b: {  	[sflag:s19] =	ssyncset.done $0x0  }
0x2c: {  	s30 =	simm.s32 $0x100;
	[sflag:s19] =	ssyncadd.s32 $0xFFFFC000  }
0x2d: {  	[tilespmem:s16], [sflag:$0x1] =	stream.indirect.gather [hbm4b:s4+s15], $0x80, s30, s15, $0xb8;
	[tilespmem:$0x1E800] =	vst v63  }
0x2e: {  	s31 =	simm.s32 $0x1480  }
0x2f: {  	[spmem:s1] =	stream.indirect.scatter.add.f32 [tilespmem:s18], [sflag:$0x3], $0x80, s31, s15, $0xb8;
	[tilespmem:$0x1E800] =	vst v63  }
0x30: {  	_ =	swait.ge [sflag:s13], $0x4000  }
0x31: {  	s25 =	simm.s32 $0x400;
	[sflag:s13] =	ssyncset.done $0x0  }
.LBB2_2:
0x32: {  	p0 =	sne.s32 s25, $0x4800  }
0x33: {  	[sflag:s13] =	ssyncadd.s32 $0xFFFFC000;
	s26 =	smov.u32 s25;
	s25 =	sadd.s32 $0x400, s25  }
0x34: {  	_ = 	snop  }
0x35: {  	_ =	swait.ge [sflag:s17], $0x4000  }
0x36: {  	s26 =	sshra.s32 s26, $0x2;
	[sflag:s17] =	ssyncset.done $0x0  }
0x37: {  	s28 =	sadd.s32 $0x80, s26;
	[sflag:s17] =	ssyncadd.s32 $0xFFFFC000  }
0x38: {  	[tilespmem:s18], [sflag:$0x2] =	stream.indirect.gather [hbm4b:s4+s15], $0x80, s28, s15, $0xb8;
	[tilespmem:$0x1E800] =	vst v63  }
0x39: {  	s28 =	sadd.s32 $0x1400, s26  }
0x3a: {  	[spmem:s1] =	stream.indirect.scatter.add.f32 [tilespmem:s16], [sflag:$0x3], $0x80, s28, s15, $0xb8;
	[tilespmem:$0x1E800] =	vst v63  }
0x3b: {  	_ =	swait.ge [sflag:s13], $0x4000  }
0x3c: {  	[sflag:s13] =	ssyncset.done $0x0  }
0x3d: {  	[sflag:s13] =	ssyncadd.s32 $0xFFFFC000  }
0x3e: {  	_ =	swait.ge [sflag:s19], $0x4000  }
0x3f: {  	[sflag:s19] =	ssyncset.done $0x0  }
0x40: {  	s28 =	sadd.s32 $0x100, s26;
	[sflag:s19] =	ssyncadd.s32 $0xFFFFC000  }
0x41: {  	[tilespmem:s16], [sflag:$0x1] =	stream.indirect.gather [hbm4b:s4+s15], $0x80, s28, s15, $0xb8;
	[tilespmem:$0x1E800] =	vst v63  }
.Ltmp0:
0x42: {  	_ = 	snop;
	(pc) =	sbr.rel @p0 .LBB2_2-.Ltmp0, $4  }
0x43: {  	s26 =	sadd.s32 $0x1480, s26  }
0x44: {  	[spmem:s1] =	stream.indirect.scatter.add.f32 [tilespmem:s18], [sflag:$0x3], $0x80, s26, s15, $0xb8;
	[tilespmem:$0x1E800] =	vst v63  }
0x45: {  	_ =	swait.ge [sflag:s13], $0x4000  }
0x46: {  	[sflag:s13] =	ssyncset.done $0x0  }
0x47: {  	[sflag:s13] =	ssyncadd.s32 $0xFFFFC000  }
0x48: {  	_ =	swait.ge [sflag:s17], $0x4000  }
0x49: {  	[sflag:s17] =	ssyncset.done $0x0  }
0x4a: {  	[sflag:s17] =	ssyncadd.s32 $0xFFFFC000  }
0x4b: {  	[tilespmem:s18], [sflag:$0x2] =	stream.indirect.gather [hbm4b:s4+s15], $0x80, s20, s15, $0xb8;
	[tilespmem:$0x1E800] =	vst v63  }
0x4c: {  	_ = 	snop  }
0x4d: {  	[spmem:s1] =	stream.indirect.scatter.add.f32 [tilespmem:s16], [sflag:$0x3], $0x80, s21, s15, $0xb8;
	[tilespmem:$0x1E800] =	vst v63  }
0x4e: {  	_ =	swait.ge [sflag:s13], $0x4000  }
0x4f: {  	[sflag:s13] =	ssyncset.done $0x0  }
0x50: {  	[sflag:s13] =	ssyncadd.s32 $0xFFFFC000  }
0x51: {  	_ =	swait.ge [sflag:s19], $0x4000  }
0x52: {  	[sflag:s19] =	ssyncset.done $0x0  }
0x53: {  	[sflag:s19] =	ssyncadd.s32 $0xFFFFC000  }
0x54: {  	[spmem:s1] =	stream.indirect.scatter.add.f32 [tilespmem:s18], [sflag:$0x3], $0x80, s22, s15, $0xb8;
	[tilespmem:$0x1E800] =	vst v63  }
0x55: {  	_ =	swait.ge [sflag:s13], $0x4000  }
0x56: {  	[sflag:s13] =	ssyncset.done $0x0  }
0x57: {  	s25 =	simm.s32 $0x0;
	[sflag:s13] =	ssyncadd.s32 $0xFFFFC000  }
0x58: {  	[tilespmem:s25], [sflag:$0x3] =	stream.linear.gather [hbm4b:s9+s25], $0x1400, $0x38;
	[tilespmem:$0x1E800] =	vst v63  }
0x59: {  	_ =	swait.ge [sflag:s13], $0x1400  }
0x5a: {  	[sflag:s13] =	ssyncset.done $0x0  }
0x5b: {  	[sflag:s13] =	ssyncadd.s32 $0xFFFFEC00  }
0x5c: {  	[tilespmem:s14], [sflag:$0x3] =	stream.linear.gather [hbm4b:s10+s25], $0x1400, $0x38;
	[tilespmem:$0x1E800] =	vst v63  }
0x5d: {  	_ =	swait.ge [sflag:s13], $0x1400  }
0x5e: {  	[sflag:s13] =	ssyncset.done $0x0  }
0x5f: {  	[sflag:s13] =	ssyncadd.s32 $0xFFFFEC00  }
0x60: {  	[tilespmem:s16], [sflag:$0x1] =	stream.indirect.gather [hbm4b:s4+s15], $0x80, s25, s15, $0xb8;
	[tilespmem:$0x1E800] =	vst v63  }
0x61: {  	_ =	swait.ge [sflag:s17], $0x4000  }
0x62: {  	[sflag:s17] =	ssyncset.done $0x0  }
0x63: {  	s28 =	simm.s32 $0x80;
	[sflag:s17] =	ssyncadd.s32 $0xFFFFC000  }
0x64: {  	[tilespmem:s18], [sflag:$0x2] =	stream.indirect.gather [hbm4b:s4+s15], $0x80, s28, s15, $0xb8;
	[tilespmem:$0x1E800] =	vst v63  }
0x65: {  	s29 =	simm.s32 $0x1400  }
0x66: {  	[spmem:s1] =	stream.indirect.scatter.add.f32 [tilespmem:s16], [sflag:$0x3], $0x80, s29, s15, $0xb8;
	[tilespmem:$0x1E800] =	vst v63  }
0x67: {  	_ =	swait.ge [sflag:s13], $0x4000  }
0x68: {  	[sflag:s13] =	ssyncset.done $0x0  }
0x69: {  	[sflag:s13] =	ssyncadd.s32 $0xFFFFC000  }
0x6a: {  	_ =	swait.ge [sflag:s19], $0x4000  }
0x6b: {  	[sflag:s19] =	ssyncset.done $0x0  }
0x6c: {  	s30 =	simm.s32 $0x100;
	[sflag:s19] =	ssyncadd.s32 $0xFFFFC000  }
0x6d: {  	[tilespmem:s16], [sflag:$0x1] =	stream.indirect.gather [hbm4b:s4+s15], $0x80, s30, s15, $0xb8;
	[tilespmem:$0x1E800] =	vst v63  }
0x6e: {  	s31 =	simm.s32 $0x1480  }
0x6f: {  	[spmem:s1] =	stream.indirect.scatter.add.f32 [tilespmem:s18], [sflag:$0x3], $0x80, s31, s15, $0xb8;
	[tilespmem:$0x1E800] =	vst v63  }
0x70: {  	_ =	swait.ge [sflag:s13], $0x4000  }
0x71: {  	s25 =	simm.s32 $0x400;
	[sflag:s13] =	ssyncset.done $0x0  }
.LBB2_4:
0x72: {  	p0 =	sne.s32 s25, $0x4800  }
0x73: {  	[sflag:s13] =	ssyncadd.s32 $0xFFFFC000;
	s26 =	smov.u32 s25;
	s25 =	sadd.s32 $0x400, s25  }
0x74: {  	_ = 	snop  }
0x75: {  	_ =	swait.ge [sflag:s17], $0x4000  }
0x76: {  	s26 =	sshra.s32 s26, $0x2;
	[sflag:s17] =	ssyncset.done $0x0  }
0x77: {  	s28 =	sadd.s32 $0x80, s26;
	[sflag:s17] =	ssyncadd.s32 $0xFFFFC000  }
0x78: {  	[tilespmem:s18], [sflag:$0x2] =	stream.indirect.gather [hbm4b:s4+s15], $0x80, s28, s15, $0xb8;
	[tilespmem:$0x1E800] =	vst v63  }
0x79: {  	s28 =	sadd.s32 $0x1400, s26  }
0x7a: {  	[spmem:s1] =	stream.indirect.scatter.add.f32 [tilespmem:s16], [sflag:$0x3], $0x80, s28, s15, $0xb8;
	[tilespmem:$0x1E800] =	vst v63  }
0x7b: {  	_ =	swait.ge [sflag:s13], $0x4000  }
0x7c: {  	[sflag:s13] =	ssyncset.done $0x0  }
0x7d: {  	[sflag:s13] =	ssyncadd.s32 $0xFFFFC000  }
0x7e: {  	_ =	swait.ge [sflag:s19], $0x4000  }
0x7f: {  	[sflag:s19] =	ssyncset.done $0x0  }
0x80: {  	s28 =	sadd.s32 $0x100, s26;
	[sflag:s19] =	ssyncadd.s32 $0xFFFFC000  }
0x81: {  	[tilespmem:s16], [sflag:$0x1] =	stream.indirect.gather [hbm4b:s4+s15], $0x80, s28, s15, $0xb8;
	[tilespmem:$0x1E800] =	vst v63  }
.Ltmp1:
0x82: {  	_ = 	snop;
	(pc) =	sbr.rel @p0 .LBB2_4-.Ltmp1, $4  }
0x83: {  	s26 =	sadd.s32 $0x1480, s26  }
0x84: {  	[spmem:s1] =	stream.indirect.scatter.add.f32 [tilespmem:s18], [sflag:$0x3], $0x80, s26, s15, $0xb8;
	[tilespmem:$0x1E800] =	vst v63  }
0x85: {  	_ =	swait.ge [sflag:s13], $0x4000  }
0x86: {  	[sflag:s13] =	ssyncset.done $0x0  }
0x87: {  	[sflag:s13] =	ssyncadd.s32 $0xFFFFC000  }
0x88: {  	_ =	swait.ge [sflag:s17], $0x4000  }
0x89: {  	[sflag:s17] =	ssyncset.done $0x0  }
0x8a: {  	[sflag:s17] =	ssyncadd.s32 $0xFFFFC000  }
0x8b: {  	[tilespmem:s18], [sflag:$0x2] =	stream.indirect.gather [hbm4b:s4+s15], $0x80, s20, s15, $0xb8;
	[tilespmem:$0x1E800] =	vst v63  }
0x8c: {  	_ = 	snop  }
0x8d: {  	[spmem:s1] =	stream.indirect.scatter.add.f32 [tilespmem:s16], [sflag:$0x3], $0x80, s21, s15, $0xb8;
	[tilespmem:$0x1E800] =	vst v63  }
0x8e: {  	_ =	swait.ge [sflag:s13], $0x4000  }
0x8f: {  	[sflag:s13] =	ssyncset.done $0x0  }
0x90: {  	[sflag:s13] =	ssyncadd.s32 $0xFFFFC000  }
0x91: {  	_ =	swait.ge [sflag:s19], $0x4000  }
0x92: {  	[sflag:s19] =	ssyncset.done $0x0  }
0x93: {  	[sflag:s19] =	ssyncadd.s32 $0xFFFFC000  }
0x94: {  	[spmem:s1] =	stream.indirect.scatter.add.f32 [tilespmem:s18], [sflag:$0x3], $0x80, s22, s15, $0xb8;
	[tilespmem:$0x1E800] =	vst v63  }
0x95: {  	_ =	swait.ge [sflag:s13], $0x4000  }
0x96: {  	s24 =	sadd.s32 $0x1, s24;
	[sflag:s13] =	ssyncset.done $0x0  }
0x97: {  	p0 =	sne.s32 s24, s11;
	[sflag:s13] =	ssyncadd.s32 $0xFFFFC000  }
.Ltmp2:
0x98: {  	[bflag:$0x0] =	sbarrier.arrive $0xFFFF;
	(pc) =	sbr.rel @p0 .LBB2_1-.Ltmp2, $4  }
0x99: {  	[hbm:s23], [sflag:s6] =	dma.local [spmem:s12], $0x2800  }
0x9a: {  	_ =	swait.ge [sflag:s13], $0x2800  }
0x9b: {  	[sflag:s13] =	ssyncset.done $0x0  }
0x9c: {  	[sflag:s13] =	ssyncadd.s32 $0xFFFFD800  }
0x9d: {  	_ =	sfence.sel $0x180000  }
0x9e: {  	[bflag:$0x0] =	sbarrier.arrive $0xFFFF  }
0x9f: {  	p0 =	sne.s32 s2, $0x0;
	_ =	strace $0x90000059  }
0xa0: {  	s0 =	sadd.s32 @!p0 $0x100000, s0;
	[bflag:$0x2] =	sbarrier.arrive $0xFFFF  }
0xa1: {  	[sflag:s0] =	ssyncadd.tile.s32 @!p0 $0x1;
	_ =	shalt  }
.Lfunc_end2:
_tile_overlayer_lowered:
.L_overlay_start_2:
0xa2: {  	(tag) =	ssettag $0x2  }
0xa3: {  	s0 =	rddreg [dreg:$0x0];
	s2 =	stileid.u32  }
0xa4: {  	s1 =	rddreg [dreg:$0x1];
	p0 =	sne.s32 s2, $0x0  }
0xa5: {  	s3 =	rddreg [dreg:$0x2];
	[bflag:$0x3] =	sbarrier.arrive $0xFFFF;
	s2 =	simm.s32 @!p0 $0x1C03  }
0xa6: {  	[timem:s3], [sflag:s2] =	dma.local @!p0 [hbm:s0], s1  }
0xa7: {  	s0 =	simm.s32 @!p0 $0x3  }
0xa8: {  	_ =	swait.ge @!p0 [sflag:s0], s1  }
0xa9: {  	s1 =	ssub.s32 @!p0 $0x0, s1;
	[sflag:s0] =	ssyncset.done @!p0 $0x0  }
0xaa: {  	[sflag:s0] =	ssyncadd.s32 @!p0 s1  }
0xab: {  	[bflag:$0x3] =	sbarrier.arrive $0xFFFF  }
0xac: {  	_ =	shalt  }

// kernel: kernel.46.cloned.1.call-start
scs
__scs_entry_jumppad:
0x0: {  	(pc) =	sbr.rel $0x88, $3  }
0x1: {  	(tag) =	ssettag $0x0;
	lr =	simm.s32 $0x1  }
0x2: {  	[smem:$0x3F8A] =	sst lr;
	_ =	strace $0xD0000000  }
0x3: {  	_ = 	snop  }
0x4: {  	_ = 	snop  }
0x5: {  	_ = 	snop  }
0x6: {  	_ = 	snop  }
0x7: {  	_ = 	snop  }
__scs_overlays_trampoline_lowered:
0x8: {  	[smem:$0x3F99] =	sst s0  }
0x9: {  	[smem:$0x3F9A] =	sst s1  }
0xa: {  	[smem:$0x3F9B] =	sst s2  }
0xb: {  	[smem:$0x3F9C] =	sst s3  }
0xc: {  	[smem:$0x3F9D] =	sst s4  }
0xd: {  	[smem:$0x3F9E] =	sst s5  }
0xe: {  	[smem:$0x3F9F] =	sst s6  }
0xf: {  	[smem:$0x3FA0] =	sst s7  }
0x10: {  	[smem:$0x3FA1] =	sst s8  }
0x11: {  	[smem:$0x3FA2] =	sst s9;
	s0 =	simm.s32 @!p0 $0x0  }
0x12: {  	s1 =	sld [smem:$0x3F88];
	s0 =	simm.s32 @p0 $0x1  }
0x13: {  	[smem:$0x3FA3] =	sst s0;
	s0 =	simm.s32 @!p1 $0x0  }
0x14: {  	s2 =	sld [smem:$0x3F87];
	s0 =	simm.s32 @p1 $0x1  }
0x15: {  	[smem:$0x3FA4] =	sst s0;
	s0 =	simm.s32 @!p2 $0x0  }
0x16: {  	s3 =	sld [smem:$0x3FDB];
	s0 =	simm.s32 @p2 $0x1  }
0x17: {  	s4 =	simm.s32 $0x1BF5;
	[smem:$0x3FA6] =	sst s0  }
0x18: {  	s0 =	sld [smem:$0x3F89];
	_ =	swait.ge [sflag:s4], $0x0  }
0x19: {  	s7 =	sld [smem:$0x3F8A]  }
0x1a: {  	s8 =	sadd.s32 $0xFFFFE003, lr  }
0x1b: {  	s9 =	sadd.s32 $0xFFFFFEF7, lr;
	s5 =	simm.s32 $0xFFFFFFFF;
	p2 =	slt.u32 s8, $0xFFFFF086  }
0x1c: {  	p1 =	slt.u32 s9, $0xF7A;
	s5 =	simm.s32 @!p2 $0x0  }
0x1d: {  	s5 =	simm.s32 @p1 $0x1;
	p0 =	seq.s32 s7, s2  }
0x1e: {  	s7 =	smul.u32 @!p0 $0xF7A, s2;
	p2 =	seq.s32 @!p0 s5, $0x0  }
0x1f: {  	s9 =	smul.u32 $0xF7A, s1;
	s8 =	simm.s32 @!p0 $0x1BF5;
	p2 =	por !p2, p0  }
0x20: {  	[sflag:s8] =	ssyncset.s32 @!p0 $0xFFFFF086;
	s6 =	sadd.s32 @!p0 s3, s7;
	s7 =	simm.s32 @!p0 $0x108  }
0x21: {  	s3 =	sadd.s32 s3, s9;
	s6 =	sadd.s32 @!p0 $0x88, s6;
	s7 =	simm.s32 @p2 $0x1082  }
0x22: {  	[simem:s7], [sflag:s8] =	dma.local @!p0 [hbm:s6], $0xF7A  }
0x23: {  	s9 =	sor.u32 $0xD0000000, s2;
	s6 =	simm.s32 $0x108;
	_ =	swait.ge @!p0 [sflag:s8], $0x0  }
0x24: {  	s3 =	sadd.s32 $0x88, s3;
	s6 =	simm.s32 @!p1 $0x1082;
	[sflag:s4] =	ssyncset.s32 $0xFFFFF086  }
0x25: {  	[simem:s6], [sflag:s4] =	dma.local [hbm:s3], $0xF7A  }
0x26: {  	[smem:$0x3F8A] =	sst s1;
	(tag) =	ssettag s2;
	_ =	strace s9  }
0x27: {  	s1 =	sld [smem:$0x3F9A]  }
0x28: {  	s2 =	sld [smem:$0x3F9B]  }
0x29: {  	s4 =	sld [smem:$0x3F9D]  }
0x2a: {  	p0 =	seq.s32 s5, $0x0;
	s5 =	sld [smem:$0x3F9E]  }
0x2b: {  	s6 =	sld [smem:$0x3F9F]  }
0x2c: {  	s7 =	sld [smem:$0x3FA0]  }
0x2d: {  	s3 =	simm.s32 $0x108;
	s8 =	sld [smem:$0x3FA1]  }
0x2e: {  	s3 =	simm.s32 @!p0 $0x1082;
	s9 =	sld [smem:$0x3FA2]  }
0x2f: {  	lr =	sadd.s32 s0, s3;
	s0 =	sld [smem:$0x3F99]  }
0x30: {  	s3 =	sld [smem:$0x3F9C]  }
0x31: {  	[smem:$0x3FA5] =	sst s10  }
0x32: {  	s10 =	sld [smem:$0x3FA3];
	_ =	sdelay $0x3  }
0x33: {  	p0 =	seq.s32 s10, $0x1;
	s10 =	sld [smem:$0x3FA5];
	_ =	sdelay $0x3  }
0x34: {  	[smem:$0x3FA5] =	sst s10  }
0x35: {  	s10 =	sld [smem:$0x3FA4];
	_ =	sdelay $0x3  }
0x36: {  	p1 =	seq.s32 s10, $0x1;
	s10 =	sld [smem:$0x3FA5];
	_ =	sdelay $0x3  }
0x37: {  	[smem:$0x3FA5] =	sst s10  }
0x38: {  	s10 =	sld [smem:$0x3FA6]  }
0x39: {  	_ = 	snop;
	(pc) =	sbr.ind lr, $3  }
0x3a: {  	_ = 	snop  }
0x3b: {  	_ = 	snop  }
0x3c: {  	p2 =	seq.s32 s10, $0x1;
	s10 =	sld [smem:$0x3FA5]  }
0x3d: {  	_ =	shalt  }
0x3e: {  	_ =	shalt  }
0x3f: {  	_ =	shalt  }
0x40: {  	_ =	shalt  }
0x41: {  	_ =	shalt  }
0x42: {  	_ =	shalt  }
0x43: {  	_ =	shalt  }
0x44: {  	_ =	shalt  }
0x45: {  	_ =	shalt  }
0x46: {  	_ =	shalt  }
0x47: {  	_ =	shalt  }
0x48: {  	_ =	shalt  }
0x49: {  	_ =	shalt  }
0x4a: {  	_ =	shalt  }
0x4b: {  	_ =	shalt  }
0x4c: {  	_ =	shalt  }
0x4d: {  	_ =	shalt  }
0x4e: {  	_ =	shalt  }
0x4f: {  	_ =	shalt  }
0x50: {  	_ =	shalt  }
0x51: {  	_ =	shalt  }
0x52: {  	_ =	shalt  }
0x53: {  	_ =	shalt  }
0x54: {  	_ =	shalt  }
0x55: {  	_ =	shalt  }
0x56: {  	_ =	shalt  }
0x57: {  	_ =	shalt  }
0x58: {  	_ =	shalt  }
0x59: {  	_ =	shalt  }
0x5a: {  	_ =	shalt  }
0x5b: {  	_ =	shalt  }
0x5c: {  	_ =	shalt  }
0x5d: {  	_ =	shalt  }
0x5e: {  	_ =	shalt  }
0x5f: {  	_ =	shalt  }
0x60: {  	_ =	shalt  }
0x61: {  	_ =	shalt  }
0x62: {  	_ =	shalt  }
0x63: {  	_ =	shalt  }
0x64: {  	_ =	shalt  }
0x65: {  	_ =	shalt  }
0x66: {  	_ =	shalt  }
0x67: {  	_ =	shalt  }
0x68: {  	_ =	shalt  }
0x69: {  	_ =	shalt  }
0x6a: {  	_ =	shalt  }
0x6b: {  	_ =	shalt  }
0x6c: {  	_ =	shalt  }
0x6d: {  	_ =	shalt  }
0x6e: {  	_ =	shalt  }
0x6f: {  	_ =	shalt  }
0x70: {  	_ =	shalt  }
0x71: {  	_ =	shalt  }
0x72: {  	_ =	shalt  }
0x73: {  	_ =	shalt  }
0x74: {  	_ =	shalt  }
0x75: {  	_ =	shalt  }
0x76: {  	_ =	shalt  }
0x77: {  	_ =	shalt  }
0x78: {  	_ =	shalt  }
0x79: {  	_ =	shalt  }
0x7a: {  	_ =	shalt  }
0x7b: {  	_ =	shalt  }
0x7c: {  	_ =	shalt  }
0x7d: {  	_ =	shalt  }
0x7e: {  	_ =	shalt  }
0x7f: {  	_ =	shalt  }
0x80: {  	_ =	shalt  }
0x81: {  	_ =	shalt  }
0x82: {  	_ =	shalt  }
0x83: {  	_ =	shalt  }
0x84: {  	_ =	shalt  }
0x85: {  	_ =	shalt  }
0x86: {  	_ =	shalt  }
0x87: {  	_ =	shalt  }
.Lfunc_end0:
.L_simem_size_0:
called_computation.7_lowered:
.L_overlay_start_0:
0x88: {  	s2 =	sld [smem:$0x3FD9]  }
0x89: {  	s3 =	sld [smem:$0x3FFE];
	_ =	sdelay $0x1  }
0x8a: {  	s1 =	srdreg.scid  }
0x8b: {  	s0 =	sand.u32 $0x1, s1  }
0x8c: {  	s16 =	sshll.u32 s0, $0xA;
	s2 =	sadd.s32 s3, s2  }
0x8d: {  	s2 =	sadd.s32 s2, s16  }
0x8e: {  	[smem:$0x3FB1] =	sst s2  }
0x8f: {  	_ = 	snop  }
0x90: {  	(tm) =	ssettm $0x1  }
0x91: {  	s17 =	sld [smem:$0x3FFB];
	_ =	sdelay $0x3  }
0x92: {  	_ =	strace s17  }
0x93: {  	s2 =	sld [smem:$0x3FFC];
	_ =	sdelay $0x3  }
0x94: {  	_ =	strace s2  }
0x95: {  	s2 =	sld [smem:$0x3FFD];
	_ =	sdelay $0x3  }
0x96: {  	_ =	strace s2  }
0x97: {  	_ =	strace $0x8FFFFFFF  }
0x98: {  	s18 =	sld [smem:$0x3FDB];
	_ =	sdelay $0x1  }
0x99: {  	s19 =	simm.s32 $_scs_section_size  }
0x9a: {  	s4 =	simm.s32 $_size__tile_overlayer_lowered;
	s5 =	simm.s32 $_tile_overlayer_lowered  }
0x9b: {  	s22 =	simm.s32 $0x1BFF;
	s21 =	sshll.u32 s5, $0x1;
	s2 =	sadd.s32 s19, s18  }
0x9c: {  	s6 =	simm.s32 $0x0;
	s20 =	sshll.u32 s4, $0x1;
	s4 =	sadd.s32 s21, s2  }
0x9d: {  	[timem:s6], [sflag:s22] =	dma.local [hbm:s4], s20  }
0x9e: {  	_ =	swait.ge [sflag:s22], s20  }
0x9f: {  	s3 =	ssub.s32 $0x0, s20;
	[sflag:s22] =	ssyncset.done $0x0  }
0xa0: {  	[sflag:s22] =	ssyncadd.s32 s3;
	_ =	sdelay $0x1  }
0xa1: {  	s23 =	simm.s32 $0x1B8B  }
0xa2: {  	_ =	swait.ge [sflag:s23], $0x1  }
0xa3: {  	[sflag:s23] =	ssyncset.done $0x0  }
0xa4: {  	s25 =	simm.s32 $0x1B8E;
	s24 =	sld [smem:$0x3FFE];
	[sflag:s23] =	ssyncadd.s32 $0xFFFFFFFF  }
0xa5: {  	s26 =	simm.s32 $execute0_lowered;
	[smem:$0x3FD2] =	sst s25  }
0xa6: {  	s4 =	sshll.u32 s26, $0x1;
	_ =	strace $0x8000005B;
	[dreg:$0x1] =	wrdreg $0xFFFFFFFF  }
0xa7: {  	s28 =	simm.s32 $_size_execute0_lowered;
	s2 =	sadd.s32 s2, s4;
	[dreg:$0x0] =	wrdreg $0x0  }
0xa8: {  	s4 =	sshll.u32 s28, $0x1;
	[dreg:$0x2] =	wrdreg s2  }
0xa9: {  	[dreg:$0x3] =	wrdreg s4  }
0xaa: {  	[dreg:$0x4] =	wrdreg $0xC0  }
0xab: {  	_ =	task [dreg:s6], $0x5FFFF  }
0xac: {  	[dreg:$0x1] =	wrdreg $0xFFFFFFFF  }
0xad: {  	[dreg:$0x0] =	wrdreg $0x60  }
0xae: {  	[dreg:$0x2] =	wrdreg s24  }
0xaf: {  	[dreg:$0x3] =	wrdreg $0xA8000  }
0xb0: {  	[dreg:$0x4] =	wrdreg $0x9  }
0xb1: {  	_ =	task.clear_ibuf [dreg:s6], $0x5FFFF;
	_ =	strace $0x9000005B  }
0xb2: {  	s29 =	simm.s32 $0x9;
	_ =	strace $0x8000005D  }
0xb3: {  	_ =	swait.ge [sflag:s29], $0x1  }
0xb4: {  	[sflag:s29] =	ssyncadd.s32 $0xFFFFFFFF  }
0xb5: {  	_ =	strace $0x9000005D  }
0xb6: {  	_ =	sfence  }
0xb7: {  	s30 =	sld [smem:$0x0];
	_ =	sdelay $0x2  }
0xb8: {  	s31 =	sshll.u32 s1, $0xD;
	s1 =	sshrl.u32 s1, $0x2  }
0xb9: {  	s3 =	sand.u32 $0x4000, s31;
	s1 =	sadd.s32 s1, s30  }
0xba: {  	s0 =	sor.u32 s3, s0;
	s1 =	sshll.u32 s1, $0x11  }
0xbb: {  	s0 =	sor.u32 s1, s0  }
0xbc: {  	s0 =	sadd.s32 $0x8F2B, s0  }
0xbd: {  	[sflag:s0] =	ssyncadd.remote.s32 $0x1  }
0xbe: {  	_ =	sfence.sel $0xFFFF  }
0xbf: {  	[dreg:$0x0] =	wrdreg $0xFFFFFFFF;
	(pc) =	sbr.abs _section_cstart, $3  }
0xc0: {  	[dreg:$0x1] =	wrdreg $0xFFFFFFFF  }
0xc1: {  	_ =	task.clear_ibuf [dreg:s6], $0x2FFFF;
	_ =	strace $0x9FFFFFFF  }
0xc2: {  	(tm) =	ssettm $0x7FFFFFFF  }
0xc3: {  	_ =	shalt  }
tec
execute0_lowered:
.L_overlay_start_1:
0x0: {  	(tag) =	ssettag $0x1  }
0x1: {  	s5 =	rddreg [dreg:$0x0]  }
0x2: {  	s1 =	rddreg [dreg:$0x1]  }
0x3: {  	s0 =	rddreg [dreg:$0x2];
	s3 =	simm.s32 $0x0;
	s2 =	stileid.u32  }
0x4: {  	s6 =	srdreg.scid;
	s16 =	simm.s32 $0x2800;
	s17 =	simm.s32 $0x1  }
0x5: {  	s18 =	simm.s32 $0x6800;
	s19 =	simm.s32 $0x2;
	s20 =	simm.s32 $0x1380  }
0x6: {  	s21 =	simm.s32 $0x2700;
	s22 =	simm.s32 $0x2780;
	[smem:$0x7FF] =	sst s3  }
0x7: {  	s4 =	sadd.s32 $0x3600, s5;
	s23 =	smul.u32 $0x2800, s2;
	s6 =	sand.u32 $0x1, s6  }
0x8: {  	s9 =	sadd.s32 $0x7BA00, s5;
	s10 =	sadd.s32 $0x67200, s5;
	s11 =	sshll.u32 s2, $0x1  }
0x9: {  	s12 =	smul.u32 $0x50000, s2;
	s30 =	sshll.u32 s2, $0x6;
	_ =	strace $0x8000005C  }
0xa: {  	s7 =	smul.u32 $0x28000, s6;
	s24 =	ssub.s32 $0x2, s6;
	s6 =	sor.u32 s6, s11  }
0xb: {  	s8 =	sadd.s32 s23, s5;
	s25 =	sshrl.u32 s24, $0x1;
	s28 =	smul.u32 $0x2800, s6  }
0xc: {  	s26 =	sshrl.u32 s12, $0x2;
	s29 =	smul.u32 $0x500, s6;
	s6 =	sor.u32 $0x1C03, s30  }
0xd: {  	s13 =	sadd.s32 s7, s5;
	s14 =	ssub.s32 s24, s25;
	s15 =	sadd.s32 s26, s1  }
0xe: {  	s5 =	sadd.s32 $0x2B600, s8;
	s31 =	sshrl.u32 s28, $0x3;
	s7 =	sadd.s32 s9, s29  }
0xf: {  	s8 =	sadd.s32 s10, s29;
	s24 =	sadd.s32 $0x85A00, s13;
	s11 =	smax.u32 s14, $0x1  }
0x10: {  	s13 =	simm.s32 $0x3;
	s14 =	simm.s32 $0x1400;
	s12 =	sadd.s32 $0x280, s31  }
0x11: {  	s23 =	sadd.s32 s23, s24;
	s24 =	simm.s32 $0x0;
	s9 =	sadd.s32 s9, s12  }
0x12: {  	s10 =	sadd.s32 s10, s12;
	s12 =	sshrl.u32 s15, $0x3;
	s15 =	simm.s32 $0x80  }
.LBB2_1:
0x13: {  	[spmem:s12], [sflag:s6] =	dma.local [hbm:s5], $0x2800  }
0x14: {  	_ =	swait.ge [sflag:s13], $0x2800  }
0x15: {  	[sflag:s13] =	ssyncset.done $0x0  }
0x16: {  	[sflag:s13] =	ssyncadd.s32 $0xFFFFD800  }
0x17: {  	[bflag:$0x0] =	sbarrier.arrive $0xFFFF  }
0x18: {  	[tilespmem:s3], [sflag:$0x3] =	stream.linear.gather [hbm4b:s7+s3], $0x1400, $0x38;
	[tilespmem:$0x1E800] =	vst v63  }
0x19: {  	_ =	swait.ge [sflag:s13], $0x1400  }
0x1a: {  	[sflag:s13] =	ssyncset.done $0x0  }
0x1b: {  	[sflag:s13] =	ssyncadd.s32 $0xFFFFEC00  }
0x1c: {  	[tilespmem:s14], [sflag:$0x3] =	stream.linear.gather [hbm4b:s8+s3], $0x1400, $0x38;
	[tilespmem:$0x1E800] =	vst v63  }
0x1d: {  	_ =	swait.ge [sflag:s13], $0x1400  }
0x1e: {  	[sflag:s13] =	ssyncset.done $0x0  }
0x1f: {  	[sflag:s13] =	ssyncadd.s32 $0xFFFFEC00  }
0x20: {  	[tilespmem:s16], [sflag:$0x1] =	stream.indirect.gather [hbm4b:s4+s15], $0x80, s3, s15, $0xb8;
	[tilespmem:$0x1E800] =	vst v63  }
0x21: {  	_ =	swait.ge [sflag:s17], $0x4000  }
0x22: {  	[sflag:s17] =	ssyncset.done $0x0  }
0x23: {  	s25 =	simm.s32 $0x80;
	[sflag:s17] =	ssyncadd.s32 $0xFFFFC000  }
0x24: {  	[tilespmem:s18], [sflag:$0x2] =	stream.indirect.gather [hbm4b:s4+s15], $0x80, s25, s15, $0xb8;
	[tilespmem:$0x1E800] =	vst v63  }
0x25: {  	s29 =	simm.s32 $0x1400  }
0x26: {  	[spmem:s1] =	stream.indirect.scatter.add.f32 [tilespmem:s16], [sflag:$0x3], $0x80, s29, s15, $0xb8;
	[tilespmem:$0x1E800] =	vst v63  }
0x27: {  	_ =	swait.ge [sflag:s13], $0x4000  }
0x28: {  	[sflag:s13] =	ssyncset.done $0x0  }
0x29: {  	[sflag:s13] =	ssyncadd.s32 $0xFFFFC000  }
0x2a: {  	_ =	swait.ge [sflag:s19], $0x4000  }
0x2b: {  	[sflag:s19] =	ssyncset.done $0x0  }
0x2c: {  	s30 =	simm.s32 $0x100;
	[sflag:s19] =	ssyncadd.s32 $0xFFFFC000  }
0x2d: {  	[tilespmem:s16], [sflag:$0x1] =	stream.indirect.gather [hbm4b:s4+s15], $0x80, s30, s15, $0xb8;
	[tilespmem:$0x1E800] =	vst v63  }
0x2e: {  	s31 =	simm.s32 $0x1480  }
0x2f: {  	[spmem:s1] =	stream.indirect.scatter.add.f32 [tilespmem:s18], [sflag:$0x3], $0x80, s31, s15, $0xb8;
	[tilespmem:$0x1E800] =	vst v63  }
0x30: {  	_ =	swait.ge [sflag:s13], $0x4000  }
0x31: {  	s25 =	simm.s32 $0x400;
	[sflag:s13] =	ssyncset.done $0x0  }
.LBB2_2:
0x32: {  	p0 =	sne.s32 s25, $0x4800  }
0x33: {  	[sflag:s13] =	ssyncadd.s32 $0xFFFFC000;
	s26 =	smov.u32 s25;
	s25 =	sadd.s32 $0x400, s25  }
0x34: {  	_ = 	snop  }
0x35: {  	_ =	swait.ge [sflag:s17], $0x4000  }
0x36: {  	s26 =	sshra.s32 s26, $0x2;
	[sflag:s17] =	ssyncset.done $0x0  }
0x37: {  	s28 =	sadd.s32 $0x80, s26;
	[sflag:s17] =	ssyncadd.s32 $0xFFFFC000  }
0x38: {  	[tilespmem:s18], [sflag:$0x2] =	stream.indirect.gather [hbm4b:s4+s15], $0x80, s28, s15, $0xb8;
	[tilespmem:$0x1E800] =	vst v63  }
0x39: {  	s28 =	sadd.s32 $0x1400, s26  }
0x3a: {  	[spmem:s1] =	stream.indirect.scatter.add.f32 [tilespmem:s16], [sflag:$0x3], $0x80, s28, s15, $0xb8;
	[tilespmem:$0x1E800] =	vst v63  }
0x3b: {  	_ =	swait.ge [sflag:s13], $0x4000  }
0x3c: {  	[sflag:s13] =	ssyncset.done $0x0  }
0x3d: {  	[sflag:s13] =	ssyncadd.s32 $0xFFFFC000  }
0x3e: {  	_ =	swait.ge [sflag:s19], $0x4000  }
0x3f: {  	[sflag:s19] =	ssyncset.done $0x0  }
0x40: {  	s28 =	sadd.s32 $0x100, s26;
	[sflag:s19] =	ssyncadd.s32 $0xFFFFC000  }
0x41: {  	[tilespmem:s16], [sflag:$0x1] =	stream.indirect.gather [hbm4b:s4+s15], $0x80, s28, s15, $0xb8;
	[tilespmem:$0x1E800] =	vst v63  }
.Ltmp0:
0x42: {  	_ = 	snop;
	(pc) =	sbr.rel @p0 .LBB2_2-.Ltmp0, $4  }
0x43: {  	s26 =	sadd.s32 $0x1480, s26  }
0x44: {  	[spmem:s1] =	stream.indirect.scatter.add.f32 [tilespmem:s18], [sflag:$0x3], $0x80, s26, s15, $0xb8;
	[tilespmem:$0x1E800] =	vst v63  }
0x45: {  	_ =	swait.ge [sflag:s13], $0x4000  }
0x46: {  	[sflag:s13] =	ssyncset.done $0x0  }
0x47: {  	[sflag:s13] =	ssyncadd.s32 $0xFFFFC000  }
0x48: {  	_ =	swait.ge [sflag:s17], $0x4000  }
0x49: {  	[sflag:s17] =	ssyncset.done $0x0  }
0x4a: {  	[sflag:s17] =	ssyncadd.s32 $0xFFFFC000  }
0x4b: {  	[tilespmem:s18], [sflag:$0x2] =	stream.indirect.gather [hbm4b:s4+s15], $0x80, s20, s15, $0xb8;
	[tilespmem:$0x1E800] =	vst v63  }
0x4c: {  	_ = 	snop  }
0x4d: {  	[spmem:s1] =	stream.indirect.scatter.add.f32 [tilespmem:s16], [sflag:$0x3], $0x80, s21, s15, $0xb8;
	[tilespmem:$0x1E800] =	vst v63  }
0x4e: {  	_ =	swait.ge [sflag:s13], $0x4000  }
0x4f: {  	[sflag:s13] =	ssyncset.done $0x0  }
0x50: {  	[sflag:s13] =	ssyncadd.s32 $0xFFFFC000  }
0x51: {  	_ =	swait.ge [sflag:s19], $0x4000  }
0x52: {  	[sflag:s19] =	ssyncset.done $0x0  }
0x53: {  	[sflag:s19] =	ssyncadd.s32 $0xFFFFC000  }
0x54: {  	[spmem:s1] =	stream.indirect.scatter.add.f32 [tilespmem:s18], [sflag:$0x3], $0x80, s22, s15, $0xb8;
	[tilespmem:$0x1E800] =	vst v63  }
0x55: {  	_ =	swait.ge [sflag:s13], $0x4000  }
0x56: {  	[sflag:s13] =	ssyncset.done $0x0  }
0x57: {  	s25 =	simm.s32 $0x0;
	[sflag:s13] =	ssyncadd.s32 $0xFFFFC000  }
0x58: {  	[tilespmem:s25], [sflag:$0x3] =	stream.linear.gather [hbm4b:s9+s25], $0x1400, $0x38;
	[tilespmem:$0x1E800] =	vst v63  }
0x59: {  	_ =	swait.ge [sflag:s13], $0x1400  }
0x5a: {  	[sflag:s13] =	ssyncset.done $0x0  }
0x5b: {  	[sflag:s13] =	ssyncadd.s32 $0xFFFFEC00  }
0x5c: {  	[tilespmem:s14], [sflag:$0x3] =	stream.linear.gather [hbm4b:s10+s25], $0x1400, $0x38;
	[tilespmem:$0x1E800] =	vst v63  }
0x5d: {  	_ =	swait.ge [sflag:s13], $0x1400  }
0x5e: {  	[sflag:s13] =	ssyncset.done $0x0  }
0x5f: {  	[sflag:s13] =	ssyncadd.s32 $0xFFFFEC00  }
0x60: {  	[tilespmem:s16], [sflag:$0x1] =	stream.indirect.gather [hbm4b:s4+s15], $0x80, s25, s15, $0xb8;
	[tilespmem:$0x1E800] =	vst v63  }
0x61: {  	_ =	swait.ge [sflag:s17], $0x4000  }
0x62: {  	[sflag:s17] =	ssyncset.done $0x0  }
0x63: {  	s28 =	simm.s32 $0x80;
	[sflag:s17] =	ssyncadd.s32 $0xFFFFC000  }
0x64: {  	[tilespmem:s18], [sflag:$0x2] =	stream.indirect.gather [hbm4b:s4+s15], $0x80, s28, s15, $0xb8;
	[tilespmem:$0x1E800] =	vst v63  }
0x65: {  	s29 =	simm.s32 $0x1400  }
0x66: {  	[spmem:s1] =	stream.indirect.scatter.add.f32 [tilespmem:s16], [sflag:$0x3], $0x80, s29, s15, $0xb8;
	[tilespmem:$0x1E800] =	vst v63  }
0x67: {  	_ =	swait.ge [sflag:s13], $0x4000  }
0x68: {  	[sflag:s13] =	ssyncset.done $0x0  }
0x69: {  	[sflag:s13] =	ssyncadd.s32 $0xFFFFC000  }
0x6a: {  	_ =	swait.ge [sflag:s19], $0x4000  }
0x6b: {  	[sflag:s19] =	ssyncset.done $0x0  }
0x6c: {  	s30 =	simm.s32 $0x100;
	[sflag:s19] =	ssyncadd.s32 $0xFFFFC000  }
0x6d: {  	[tilespmem:s16], [sflag:$0x1] =	stream.indirect.gather [hbm4b:s4+s15], $0x80, s30, s15, $0xb8;
	[tilespmem:$0x1E800] =	vst v63  }
0x6e: {  	s31 =	simm.s32 $0x1480  }
0x6f: {  	[spmem:s1] =	stream.indirect.scatter.add.f32 [tilespmem:s18], [sflag:$0x3], $0x80, s31, s15, $0xb8;
	[tilespmem:$0x1E800] =	vst v63  }
0x70: {  	_ =	swait.ge [sflag:s13], $0x4000  }
0x71: {  	s25 =	simm.s32 $0x400;
	[sflag:s13] =	ssyncset.done $0x0  }
.LBB2_4:
0x72: {  	p0 =	sne.s32 s25, $0x4800  }
0x73: {  	[sflag:s13] =	ssyncadd.s32 $0xFFFFC000;
	s26 =	smov.u32 s25;
	s25 =	sadd.s32 $0x400, s25  }
0x74: {  	_ = 	snop  }
0x75: {  	_ =	swait.ge [sflag:s17], $0x4000  }
0x76: {  	s26 =	sshra.s32 s26, $0x2;
	[sflag:s17] =	ssyncset.done $0x0  }
0x77: {  	s28 =	sadd.s32 $0x80, s26;
	[sflag:s17] =	ssyncadd.s32 $0xFFFFC000  }
0x78: {  	[tilespmem:s18], [sflag:$0x2] =	stream.indirect.gather [hbm4b:s4+s15], $0x80, s28, s15, $0xb8;
	[tilespmem:$0x1E800] =	vst v63  }
0x79: {  	s28 =	sadd.s32 $0x1400, s26  }
0x7a: {  	[spmem:s1] =	stream.indirect.scatter.add.f32 [tilespmem:s16], [sflag:$0x3], $0x80, s28, s15, $0xb8;
	[tilespmem:$0x1E800] =	vst v63  }
0x7b: {  	_ =	swait.ge [sflag:s13], $0x4000  }
0x7c: {  	[sflag:s13] =	ssyncset.done $0x0  }
0x7d: {  	[sflag:s13] =	ssyncadd.s32 $0xFFFFC000  }
0x7e: {  	_ =	swait.ge [sflag:s19], $0x4000  }
0x7f: {  	[sflag:s19] =	ssyncset.done $0x0  }
0x80: {  	s28 =	sadd.s32 $0x100, s26;
	[sflag:s19] =	ssyncadd.s32 $0xFFFFC000  }
0x81: {  	[tilespmem:s16], [sflag:$0x1] =	stream.indirect.gather [hbm4b:s4+s15], $0x80, s28, s15, $0xb8;
	[tilespmem:$0x1E800] =	vst v63  }
.Ltmp1:
0x82: {  	_ = 	snop;
	(pc) =	sbr.rel @p0 .LBB2_4-.Ltmp1, $4  }
0x83: {  	s26 =	sadd.s32 $0x1480, s26  }
0x84: {  	[spmem:s1] =	stream.indirect.scatter.add.f32 [tilespmem:s18], [sflag:$0x3], $0x80, s26, s15, $0xb8;
	[tilespmem:$0x1E800] =	vst v63  }
0x85: {  	_ =	swait.ge [sflag:s13], $0x4000  }
0x86: {  	[sflag:s13] =	ssyncset.done $0x0  }
0x87: {  	[sflag:s13] =	ssyncadd.s32 $0xFFFFC000  }
0x88: {  	_ =	swait.ge [sflag:s17], $0x4000  }
0x89: {  	[sflag:s17] =	ssyncset.done $0x0  }
0x8a: {  	[sflag:s17] =	ssyncadd.s32 $0xFFFFC000  }
0x8b: {  	[tilespmem:s18], [sflag:$0x2] =	stream.indirect.gather [hbm4b:s4+s15], $0x80, s20, s15, $0xb8;
	[tilespmem:$0x1E800] =	vst v63  }
0x8c: {  	_ = 	snop  }
0x8d: {  	[spmem:s1] =	stream.indirect.scatter.add.f32 [tilespmem:s16], [sflag:$0x3], $0x80, s21, s15, $0xb8;
	[tilespmem:$0x1E800] =	vst v63  }
0x8e: {  	_ =	swait.ge [sflag:s13], $0x4000  }
0x8f: {  	[sflag:s13] =	ssyncset.done $0x0  }
0x90: {  	[sflag:s13] =	ssyncadd.s32 $0xFFFFC000  }
0x91: {  	_ =	swait.ge [sflag:s19], $0x4000  }
0x92: {  	[sflag:s19] =	ssyncset.done $0x0  }
0x93: {  	[sflag:s19] =	ssyncadd.s32 $0xFFFFC000  }
0x94: {  	[spmem:s1] =	stream.indirect.scatter.add.f32 [tilespmem:s18], [sflag:$0x3], $0x80, s22, s15, $0xb8;
	[tilespmem:$0x1E800] =	vst v63  }
0x95: {  	_ =	swait.ge [sflag:s13], $0x4000  }
0x96: {  	s24 =	sadd.s32 $0x1, s24;
	[sflag:s13] =	ssyncset.done $0x0  }
0x97: {  	p0 =	sne.s32 s24, s11;
	[sflag:s13] =	ssyncadd.s32 $0xFFFFC000  }
.Ltmp2:
0x98: {  	[bflag:$0x0] =	sbarrier.arrive $0xFFFF;
	(pc) =	sbr.rel @p0 .LBB2_1-.Ltmp2, $4  }
0x99: {  	[hbm:s23], [sflag:s6] =	dma.local [spmem:s12], $0x2800  }
0x9a: {  	_ =	swait.ge [sflag:s13], $0x2800  }
0x9b: {  	[sflag:s13] =	ssyncset.done $0x0  }
0x9c: {  	[sflag:s13] =	ssyncadd.s32 $0xFFFFD800  }
0x9d: {  	_ =	sfence.sel $0x180000  }
0x9e: {  	[bflag:$0x0] =	sbarrier.arrive $0xFFFF  }
0x9f: {  	p0 =	sne.s32 s2, $0x0;
	_ =	strace $0x9000005C  }
0xa0: {  	s0 =	sadd.s32 @!p0 $0x100000, s0;
	[bflag:$0x2] =	sbarrier.arrive $0xFFFF  }
0xa1: {  	[sflag:s0] =	ssyncadd.tile.s32 @!p0 $0x1;
	_ =	shalt  }
.Lfunc_end2:
_tile_overlayer_lowered:
.L_overlay_start_2:
0xa2: {  	(tag) =	ssettag $0x2  }
0xa3: {  	s0 =	rddreg [dreg:$0x0];
	s2 =	stileid.u32  }
0xa4: {  	s1 =	rddreg [dreg:$0x1];
	p0 =	sne.s32 s2, $0x0  }
0xa5: {  	s3 =	rddreg [dreg:$0x2];
	[bflag:$0x3] =	sbarrier.arrive $0xFFFF;
	s2 =	simm.s32 @!p0 $0x1C03  }
0xa6: {  	[timem:s3], [sflag:s2] =	dma.local @!p0 [hbm:s0], s1  }
0xa7: {  	s0 =	simm.s32 @!p0 $0x3  }
0xa8: {  	_ =	swait.ge @!p0 [sflag:s0], s1  }
0xa9: {  	s1 =	ssub.s32 @!p0 $0x0, s1;
	[sflag:s0] =	ssyncset.done @!p0 $0x0  }
0xaa: {  	[sflag:s0] =	ssyncadd.s32 @!p0 s1  }
0xab: {  	[bflag:$0x3] =	sbarrier.arrive $0xFFFF  }
0xac: {  	_ =	shalt  }

</sc_bundles>
